<compile_context>
chip_gen: v7x
topology: tpu7x:2x2x1
jax: 0.10.2.dev20260603
libtpu: 0.0.44.dev20260713+nightly
codegen_flags: <defaults>
</compile_context>

<pallas_src>
import functools

import jax
import jax.numpy as jnp
from jax import lax
from jax.experimental import pallas as pl
from jax.experimental.pallas import tpu as pltpu
from jax.experimental.pallas import tpu_sc as plsc

H = 128
NC = 2
NS = 16
NW = NC * NS
CH = 128
SK = 16

_MESH = dict(core_axis_name="c", subcore_axis_name="s",
             num_cores=NC, num_subcores=NS)
_CPARAMS = pltpu.CompilerParams(needs_layout_passes=False)


def _zero_fill(buf, nwords):
    z = jnp.zeros((16,), jnp.float32)

    def body(i, _):
        buf[pl.ds(i * 16, 16)] = z
        return 0

    lax.fori_loop(0, nwords // 16, body, 0)


def _edge_geometry(E):
    maxch = (E + NW * CH - 1) // (NW * CH)
    maxch = ((maxch + 7) // 8) * 8
    per_w = maxch * CH
    nsup = (maxch + SK - 1) // SK
    rows_pad = (NW - 1) * maxch + nsup * SK
    return per_w, maxch, nsup, rows_pad


def _suprow(i):
    return (i // SK) % 2 * SK + i % SK


def _bf16_round(v):
    u = plsc.bitcast(v, jnp.uint32)
    r = (u + jnp.uint32(0x7FFF) + ((u >> jnp.uint32(16)) & jnp.uint32(1)))
    r = r & jnp.uint32(0xFFFF0000)
    return plsc.bitcast(r, jnp.float32)


def _conv1_sc(x_pad, src2, dst2, ea2, scal, *, N_pad, E):
    SL = N_pad // NS
    PER_W, MAXCH, NSUP, _ = _edge_geometry(E)

    @functools.partial(
        pl.kernel,
        out_type=jax.ShapeDtypeStruct((NC, N_pad), jnp.float32),
        mesh=plsc.VectorSubcoreMesh(**_MESH),
        compiler_params=_CPARAMS,
        scratch_types=[
            pltpu.VMEM((N_pad,), jnp.float32),
            pltpu.VMEM((2 * SK, CH), jnp.int32),
            pltpu.VMEM((2 * SK, CH), jnp.int32),
            pltpu.VMEM((2 * SK, CH), jnp.float32),
            pltpu.VMEM((2 * CH,), jnp.float32),
            pltpu.VMEM((SL,), jnp.float32),
            pltpu.VMEM((16,), jnp.float32),
            pltpu.VMEM_SHARED((N_pad,), jnp.float32),
            pltpu.SemaphoreType.DMA,
        ],
    )
    def k(x_hbm, src_hbm, dst_hbm, ea_hbm, sc_hbm, out_hbm,
          xv, srcs, dsts, eas, mv, zv, scv, acc, sem):
        c = lax.axis_index("c")
        s = lax.axis_index("s")
        w = c * NS + s
        _zero_fill(zv, SL)
        pltpu.sync_copy(zv, acc.at[pl.ds(s * SL, SL)])
        pltpu.sync_copy(x_hbm, xv)
        pltpu.sync_copy(sc_hbm, scv)
        plsc.subcore_barrier()
        scvec = scv[...]
        sK = scvec[0]
        tK = scvec[1]
        base_row = w * MAXCH
        n_ch = jnp.minimum(MAXCH, jnp.maximum(0, (E - base_row * CH) // CH))

        def loadsup(j):
            roff = (j % 2) * SK
            pltpu.sync_copy(src_hbm.at[pl.ds(base_row + j * SK, SK)],
                            srcs.at[pl.ds(roff, SK)])
            pltpu.sync_copy(dst_hbm.at[pl.ds(base_row + j * SK, SK)],
                            dsts.at[pl.ds(roff, SK)])
            pltpu.sync_copy(ea_hbm.at[pl.ds(base_row + j * SK, SK)],
                            eas.at[pl.ds(roff, SK)])

        def drain():
            pltpu.make_async_copy(mv.at[pl.ds(0, CH)],
                                  acc.at[dsts.at[0]], sem).wait()

        @pl.when(n_ch > 0)
        def _():
            loadsup(0)

        def chunk(i, _):
            nxt = i + 1

            @pl.when(jnp.logical_and(nxt < n_ch, nxt % SK == 0))
            def _():
                loadsup(nxt // SK)

            @pl.when(i >= 2)
            def _():
                drain()

            row = _suprow(i)
            boff = (i % 2) * CH

            def grp(g, _):
                idx = srcs[row, pl.ds(g * 16, 16)]
                xg = plsc.load_gather(xv, [idx])
                eag = _bf16_round(eas[row, pl.ds(g * 16, 16)])
                mv[pl.ds(boff + g * 16, 16)] = (
                    jnp.maximum(xg + eag * sK + tK, 0.0))
                return 0

            lax.fori_loop(0, CH // 16, grp, 0)
            pltpu.async_copy(mv.at[pl.ds(boff, CH)],
                             acc.at[dsts.at[row]], sem, add=True)
            return 0

        lax.fori_loop(0, n_ch, chunk, 0)

        @pl.when(n_ch >= 1)
        def _():
            drain()

        @pl.when(n_ch >= 2)
        def _():
            drain()

        plsc.subcore_barrier()

        @pl.when(s == 0)
        def _():
            pltpu.sync_copy(acc, out_hbm.at[c])

    return k(x_pad, src2, dst2, ea2, scal)


def _lstm_tc(x2, a0, a1, wc, wiqo, *, N_pad, N):
    BR = 512
    grid = (N_pad // BR,)

    def body(x_ref, a0_ref, a1_ref, w_ref, wiqo_ref,
             h_ref, c_ref, hb_ref, hp_ref, hq_ref):
        a = x_ref[...] + a0_ref[...] + a1_ref[...]
        w1 = w_ref[0:1, :]
        bnn1 = w_ref[1:2, :]
        vi = w_ref[3:4, :]
        vg = w_ref[4:5, :]
        vo = w_ref[5:6, :]
        wp = w_ref[6:7, :]
        wq = w_ref[7:8, :]
        bem = w_ref[8:9, :]

        def sig(z):
            return 1.0 / (1.0 + jnp.exp(-z))

        def tanh_acc(z):
            az = jnp.abs(z)
            return jnp.sign(z) * (1.0 - 2.0 / (jnp.exp(2.0 * az) + 1.0))

        h128 = a * w1 + bnn1
        g = jnp.dot(h128.astype(jnp.bfloat16), wiqo_ref[...],
                    preferred_element_type=jnp.float32)
        gi = sig(g[:, 0:H] + vi)
        gg = tanh_acc(g[:, H:2 * H] + vg)
        go = sig(g[:, 2 * H:3 * H] + vo)
        c_n = gi * gg
        h_n = go * tanh_acc(c_n)
        h_ref[...] = h_n
        c_ref[...] = c_n
        hb_ref[...] = h_n + bem
        hp_ref[...] = jnp.sum(h_n * wp, axis=1, keepdims=True)
        hq_ref[...] = jnp.sum(h_n * wq, axis=1, keepdims=True)

    return pl.pallas_call(
        body,
        grid=grid,
        in_specs=[
            pl.BlockSpec((BR, 1), lambda i: (i, 0)),
            pl.BlockSpec((BR, 1), lambda i: (i, 0)),
            pl.BlockSpec((BR, 1), lambda i: (i, 0)),
            pl.BlockSpec((16, H), lambda i: (0, 0)),
            pl.BlockSpec((H, 3 * H), lambda i: (0, 0)),
        ],
        out_specs=[
            pl.BlockSpec((BR, H), lambda i: (i, 0)),
            pl.BlockSpec((BR, H), lambda i: (i, 0)),
            pl.BlockSpec((BR, H), lambda i: (i, 0)),
            pl.BlockSpec((BR, 1), lambda i: (i, 0)),
            pl.BlockSpec((BR, 1), lambda i: (i, 0)),
        ],
        out_shape=[
            jax.ShapeDtypeStruct((N, H), jnp.float32),
            jax.ShapeDtypeStruct((N, H), jnp.float32),
            jax.ShapeDtypeStruct((N, H), jnp.float32),
            jax.ShapeDtypeStruct((N_pad, 1), jnp.float32),
            jax.ShapeDtypeStruct((N_pad, 1), jnp.float32),
        ],
    )(x2, a0, a1, wc, wiqo)


def _conv3_sc(hb, src2, dst2, ea2, wem, wp, wq, *, N_pad, E):
    SL = N_pad // NS
    PER_W, MAXCH, NSUP, _ = _edge_geometry(E)
    NG = CH // 16

    @functools.partial(
        pl.kernel,
        out_type=[jax.ShapeDtypeStruct((NC, N_pad), jnp.float32),
                  jax.ShapeDtypeStruct((NC, N_pad), jnp.float32)],
        mesh=plsc.VectorSubcoreMesh(**_MESH),
        compiler_params=_CPARAMS,
        scratch_types=[
            pltpu.VMEM((3 * CH, H), jnp.float32),
            pltpu.VMEM((2 * SK, CH), jnp.int32),
            pltpu.VMEM((2 * SK, CH), jnp.int32),
            pltpu.VMEM((2 * SK, CH), jnp.float32),
            pltpu.VMEM((2 * CH,), jnp.float32),
            pltpu.VMEM((2 * CH,), jnp.float32),
            pltpu.VMEM((H, 16), jnp.float32),
            pltpu.VMEM((H, 16), jnp.float32),
            pltpu.VMEM((H, 16), jnp.float32),
            pltpu.VMEM((SL,), jnp.float32),
            pltpu.VMEM_SHARED((N_pad,), jnp.float32),
            pltpu.VMEM_SHARED((N_pad,), jnp.float32),
            pltpu.SemaphoreType.DMA,
            pltpu.SemaphoreType.DMA,
        ],
    )
    def k(h_hbm, src_hbm, dst_hbm, ea_hbm, wem_hbm, wp_hbm, wq_hbm,
          p_out, q_out,
          rows, srcs, dsts, eas, pcv, qcv, wemv, wpv, wqv, zv,
          accp, accq, semg, sems):
        c = lax.axis_index("c")
        s = lax.axis_index("s")
        w = c * NS + s
        _zero_fill(zv, SL)
        pltpu.sync_copy(zv, accp.at[pl.ds(s * SL, SL)])
        pltpu.sync_copy(zv, accq.at[pl.ds(s * SL, SL)])
        pltpu.sync_copy(wem_hbm, wemv)
        pltpu.sync_copy(wp_hbm, wpv)
        pltpu.sync_copy(wq_hbm, wqv)
        plsc.subcore_barrier()
        base_row = w * MAXCH
        n_ch = jnp.minimum(MAXCH, jnp.maximum(0, (E - base_row * CH) // CH))
        lanes = lax.iota(jnp.int32, 16)
        rowidx = tuple(lanes + g * 16 for g in range(NG))

        def loadsup(j):
            roff = (j % 2) * SK
            pltpu.sync_copy(src_hbm.at[pl.ds(base_row + j * SK, SK)],
                            srcs.at[pl.ds(roff, SK)])
            pltpu.sync_copy(dst_hbm.at[pl.ds(base_row + j * SK, SK)],
                            dsts.at[pl.ds(roff, SK)])
            pltpu.sync_copy(ea_hbm.at[pl.ds(base_row + j * SK, SK)],
                            eas.at[pl.ds(roff, SK)])

        def issue_gather(i):
            pltpu.async_copy(h_hbm.at[srcs.at[_suprow(i)]],
                             rows.at[pl.ds((i % 3) * CH, CH)], semg)

        def wait_gather(i):
            pltpu.make_async_copy(h_hbm.at[srcs.at[_suprow(i)]],
                                  rows.at[pl.ds((i % 3) * CH, CH)],
                                  semg).wait()

        def drain_scatter():
            pltpu.make_async_copy(pcv.at[pl.ds(0, CH)],
                                  accp.at[dsts.at[0]], sems).wait()

        @pl.when(n_ch > 0)
        def _():
            loadsup(0)
            for j in range(2):
                @pl.when(j < n_ch)
                def _():
                    issue_gather(j)

        def chunk(i, _):
            nxt = i + 2

            @pl.when(jnp.logical_and(nxt < n_ch, nxt % SK == 0))
            def _():
                loadsup(nxt // SK)

            @pl.when(nxt < n_ch)
            def _():
                issue_gather(nxt)

            @pl.when(i >= 2)
            def _():
                drain_scatter()
                drain_scatter()

            wait_gather(i)
            row = _suprow(i)
            boff = (i % 2) * CH
            roff16 = jnp.full((16,), (i % 3) * CH, jnp.int32)
            rowidx_b = tuple(rowidx[g] + roff16 for g in range(NG))
            eag = tuple(_bf16_round(eas[row, pl.ds(g * 16, 16)])
                        for g in range(NG))
            z16 = jnp.zeros((16,), jnp.float32)

            def feat(kk, carry):
                pcs, qcs = carry
                wemk = wemv[kk]
                wpk = wpv[kk]
                wqk = wqv[kk]
                colidx = jnp.bitwise_and(lanes + kk, H - 1)
                npcs = []
                nqcs = []
                for g in range(NG):
                    r = plsc.load_gather(rows, [rowidx_b[g], colidx])
                    t = jnp.maximum(r + eag[g] * wemk, 0.0)
                    npcs.append(pcs[g] + t * wpk)
                    nqcs.append(qcs[g] + t * wqk)
                return tuple(npcs), tuple(nqcs)

            pcs, qcs = lax.fori_loop(0, H, feat,
                                     ((z16,) * NG, (z16,) * NG), unroll=4)
            for g in range(NG):
                pcv[pl.ds(boff + g * 16, 16)] = pcs[g]
                qcv[pl.ds(boff + g * 16, 16)] = qcs[g]
            pltpu.async_copy(pcv.at[pl.ds(boff, CH)],
                             accp.at[dsts.at[row]], sems, add=True)
            pltpu.async_copy(qcv.at[pl.ds(boff, CH)],
                             accq.at[dsts.at[row]], sems, add=True)
            return 0

        lax.fori_loop(0, n_ch, chunk, 0)

        @pl.when(n_ch >= 1)
        def _():
            drain_scatter()
            drain_scatter()

        @pl.when(n_ch >= 2)
        def _():
            drain_scatter()
            drain_scatter()

        plsc.subcore_barrier()

        @pl.when(s == 0)
        def _():
            pltpu.sync_copy(accp, p_out.at[c])
            pltpu.sync_copy(accq, q_out.at[c])

    return k(hb, src2, dst2, ea2, wem, wp, wq)


def _decode_sc(src2, dst2, hp, hq, p0, p1, q0, q1, scal, *, N_pad, E):
    SL = N_pad // NS
    PER_W, MAXCH, NSUP, _ = _edge_geometry(E)

    @functools.partial(
        pl.kernel,
        out_type=jax.ShapeDtypeStruct((E // CH, CH), jnp.float32),
        mesh=plsc.VectorSubcoreMesh(**_MESH),
        compiler_params=_CPARAMS,
        scratch_types=[
            pltpu.VMEM((N_pad,), jnp.float32),
            pltpu.VMEM((N_pad,), jnp.float32),
            pltpu.VMEM((SL,), jnp.float32),
            pltpu.VMEM((SL,), jnp.float32),
            pltpu.VMEM((SL,), jnp.float32),
            pltpu.VMEM((2 * SK, CH), jnp.int32),
            pltpu.VMEM((2 * SK, CH), jnp.int32),
            pltpu.VMEM((2 * CH,), jnp.float32),
            pltpu.VMEM((16,), jnp.float32),
            pltpu.VMEM_SHARED((N_pad,), jnp.float32),
            pltpu.VMEM_SHARED((N_pad,), jnp.float32),
            pltpu.SemaphoreType.DMA,
        ],
    )
    def k(src_hbm, dst_hbm, hp_hbm, hq_hbm, p0_hbm, p1_hbm, q0_hbm, q1_hbm,
          sc_hbm, out_hbm,
          ptab, qtab, sa, sb, sc_buf, srcs, dsts, outv, scv, psh, qsh, sem):
        c = lax.axis_index("c")
        s = lax.axis_index("s")
        w = c * NS + s
        pltpu.sync_copy(sc_hbm, scv)
        scvec = scv[...]
        noff = s * SL

        def build(part0, part1, hx, addk, shared):
            pltpu.sync_copy(hx.at[pl.ds(noff, SL)], sa)
            pltpu.sync_copy(part0.at[pl.ds(noff, SL)], sb)
            pltpu.sync_copy(part1.at[pl.ds(noff, SL)], sc_buf)

            def body(i, _):
                j = i * 16
                sa[pl.ds(j, 16)] = (sa[pl.ds(j, 16)] + sb[pl.ds(j, 16)]
                                    + sc_buf[pl.ds(j, 16)] + addk)
                return 0

            lax.fori_loop(0, SL // 16, body, 0)
            pltpu.sync_copy(sa, shared.at[pl.ds(noff, SL)])

        build(p0_hbm, p1_hbm, hp_hbm, scvec[0], psh)
        build(q0_hbm, q1_hbm, hq_hbm, scvec[1], qsh)
        plsc.subcore_barrier()
        pltpu.sync_copy(psh, ptab)
        pltpu.sync_copy(qsh, qtab)
        base_row = w * MAXCH
        n_ch = jnp.minimum(MAXCH, jnp.maximum(0, (E - base_row * CH) // CH))

        def loadsup(j):
            roff = (j % 2) * SK
            pltpu.sync_copy(src_hbm.at[pl.ds(base_row + j * SK, SK)],
                            srcs.at[pl.ds(roff, SK)])
            pltpu.sync_copy(dst_hbm.at[pl.ds(base_row + j * SK, SK)],
                            dsts.at[pl.ds(roff, SK)])

        def drain_out():
            pltpu.make_async_copy(outv.at[pl.ds(0, CH)],
                                  out_hbm.at[0], sem).wait()

        @pl.when(n_ch > 0)
        def _():
            loadsup(0)

        def chunk(i, _):
            nxt = i + 1

            @pl.when(jnp.logical_and(nxt < n_ch, nxt % SK == 0))
            def _():
                loadsup(nxt // SK)

            @pl.when(i >= 2)
            def _():
                drain_out()

            row = _suprow(i)
            boff = (i % 2) * CH

            def grp(g, _):
                pg = plsc.load_gather(ptab, [srcs[row, pl.ds(g * 16, 16)]])
                qg = plsc.load_gather(qtab, [dsts[row, pl.ds(g * 16, 16)]])
                outv[pl.ds(boff + g * 16, 16)] = pg + qg
                return 0

            lax.fori_loop(0, CH // 16, grp, 0)
            pltpu.async_copy(outv.at[pl.ds(boff, CH)],
                             out_hbm.at[base_row + i], sem)
            return 0

        lax.fori_loop(0, n_ch, chunk, 0)

        @pl.when(n_ch >= 1)
        def _():
            drain_out()

        @pl.when(n_ch >= 2)
        def _():
            drain_out()

    return k(src2, dst2, hp, hq, p0, p1, q0, q1, scal)


def kernel(x, edge_index, edge_attr, W_em, b_em, W_le1, b_le1, W_nn1, b_nn1,
           W_ih, W_hh, b_ih, b_hh, W_nn3, b_nn3, W_dec, b_dec):
    N = x.shape[0]
    E = edge_index.shape[1]
    N_pad = ((N + 511) // 512) * 512
    _, _, _, rows_pad = _edge_geometry(E)
    E_pad = rows_pad * CH

    def pad2(a, dtype):
        a = jnp.concatenate([a, jnp.zeros((E_pad - E,), dtype)])
        return a.reshape(rows_pad, CH)

    src2 = pad2(edge_index[0], jnp.int32)
    dst2 = pad2(edge_index[1], jnp.int32)
    ea2 = pad2(edge_attr[:, 0], jnp.float32)
    x1 = x[:, 0]
    x_pad = jnp.concatenate([x1, jnp.zeros((N_pad - N,), jnp.float32)])

    bf = lambda z: z.astype(jnp.bfloat16).astype(jnp.float32)
    wem_b = bf(W_em[0])
    s_k = wem_b @ W_le1[:, 0]
    t_k = b_em @ W_le1[:, 0] + b_le1[0]
    scal_a = jnp.zeros((16,), jnp.float32).at[0].set(s_k).at[1].set(t_k)

    a_part = _conv1_sc(x_pad, src2, dst2, ea2, scal_a, N_pad=N_pad, E=E)

    v = b_ih + b_hh
    wnn3_b = bf(W_nn3)
    wp = wnn3_b @ W_dec[:H, 0]
    cp = b_nn3 @ W_dec[:H, 0]
    wq = wnn3_b @ W_dec[H:, 0]
    cq = b_nn3 @ W_dec[H:, 0]
    wc = jnp.zeros((16, H), jnp.float32)
    wc = wc.at[0].set(W_nn1[0]).at[1].set(b_nn1)
    wc = wc.at[3].set(v[0:H]).at[4].set(v[2 * H:3 * H]).at[5].set(v[3 * H:])
    wc = wc.at[6].set(wp).at[7].set(wq).at[8].set(b_em)
    wiqo = jnp.concatenate([W_ih[0:H], W_ih[2 * H:4 * H]],
                           axis=0).T.astype(jnp.bfloat16)

    h_n, c_n, hb, hp, hq = _lstm_tc(x_pad[:, None], a_part[0][:, None],
                                    a_part[1][:, None], wc, wiqo,
                                    N_pad=N_pad, N=N)

    rot = (jnp.arange(H)[:, None] + jnp.arange(16)[None, :]) % H
    p_part, q_part = _conv3_sc(hb, src2, dst2, ea2, wem_b[rot],
                               wp[rot], wq[rot], N_pad=N_pad, E=E)

    scal_e = (jnp.zeros((16,), jnp.float32)
              .at[0].set(cp).at[1].set(cq + b_dec[0]))
    out2 = _decode_sc(src2, dst2, hp[:, 0], hq[:, 0],
                      p_part[0], p_part[1], q_part[0], q_part[1],
                      scal_e, N_pad=N_pad, E=E)

    return (out2.reshape(E, 1), h_n[None], c_n[None])

# --- scband reference (transcript-rebuilt; emitter-appended) ---
"""Pipeline reference for scband-graph-recurrent-25967372272043 (READ-ONLY COPY).

The authoritative reference and input builder live on the scoring server;
editing this copy changes nothing except your own understanding.
"""

import jax, jax.numpy as jnp
import numpy as np

N = 50000
E = 800000
H = 128


def setup_inputs(seed: int = 0) -> dict:
    key = jax.random.key(seed)
    ks = jax.random.split(key, 16)
    inp = {}
    inp["x"] = jax.random.normal(ks[0], (N, 1), dtype=jnp.float32)
    inp["edge_index"] = jax.random.randint(ks[1], (2, E), 0, N, dtype=jnp.int32)
    inp["edge_attr"] = jax.random.normal(ks[2], (E, 1), dtype=jnp.float32)
    # edge_map: Linear(1, 128)
    inp["W_em"] = jax.random.normal(ks[3], (1, H), dtype=jnp.float32) * 0.05
    inp["b_em"] = jnp.zeros((H,), dtype=jnp.float32)
    # conv1 GINEConv internal edge lin: Linear(edge_dim=128 -> in_channels=1)
    inp["W_le1"] = jax.random.normal(ks[4], (H, 1), dtype=jnp.float32) * 0.05
    inp["b_le1"] = jnp.zeros((1,), dtype=jnp.float32)
    # conv1 nn: Linear(1, 128)
    inp["W_nn1"] = jax.random.normal(ks[5], (1, H), dtype=jnp.float32) * 0.05
    inp["b_nn1"] = jnp.zeros((H,), dtype=jnp.float32)
    # LSTM(128, 128), gate order i, f, g, o
    inp["W_ih"] = jax.random.normal(ks[6], (4 * H, H), dtype=jnp.float32) * 0.05
    inp["W_hh"] = jax.random.normal(ks[7], (4 * H, H), dtype=jnp.float32) * 0.05
    inp["b_ih"] = jnp.zeros((4 * H,), dtype=jnp.float32)
    inp["b_hh"] = jnp.zeros((4 * H,), dtype=jnp.float32)
    # conv3 nn: Linear(128, 128) (edge_dim == in_channels, so no edge lin)
    inp["W_nn3"] = jax.random.normal(ks[8], (H, H), dtype=jnp.float32) * 0.05
    inp["b_nn3"] = jnp.zeros((H,), dtype=jnp.float32)
    # decode: Linear(256, 1)
    inp["W_dec"] = jax.random.normal(ks[9], (2 * H, 1), dtype=jnp.float32) * 0.05
    inp["b_dec"] = jnp.zeros((1,), dtype=jnp.float32)
    return inp


def _gine_aggregate(x, src, dst, edge_emb, n_nodes, eps=0.0):
    # GINEConv: m_ij = ReLU(x_j + e_ij); out_pre = (1+eps)*x + sum_j m_ij
    m = jax.nn.relu(x[src] + edge_emb)
    agg = jax.ops.segment_sum(m, dst, num_segments=n_nodes)
    return (1.0 + eps) * x + agg


def reference(x, edge_index, edge_attr, W_em, b_em, W_le1, b_le1, W_nn1, b_nn1,
              W_ih, W_hh, b_ih, b_hh, W_nn3, b_nn3, W_dec, b_dec):
    src = edge_index[0]
    dst = edge_index[1]
    n = x.shape[0]
    edge_embed = edge_attr @ W_em + b_em  # [E, 128]
    # conv1: edge lin maps 128 -> 1 to match in_channels
    e1 = edge_embed @ W_le1 + b_le1  # [E, 1]
    h = _gine_aggregate(x, src, dst, e1, n)  # [N, 1]
    h = h @ W_nn1 + b_nn1  # [N, 128]
    # single-step LSTM (seq_len=1, batch=N), zero initial state
    h_prev = jnp.zeros((n, H), dtype=jnp.float32)
    c_prev = jnp.zeros((n, H), dtype=jnp.float32)
    gates = h @ W_ih.T + h_prev @ W_hh.T + b_ih + b_hh
    i_g, f_g, g_g, o_g = jnp.split(gates, 4, axis=-1)
    c_n = jax.nn.sigmoid(f_g) * c_prev + jax.nn.sigmoid(i_g) * jnp.tanh(g_g)
    h_n = jax.nn.sigmoid(o_g) * jnp.tanh(c_n)
    # conv3: edge_dim == in_channels == 128, edge embed used directly
    h3 = _gine_aggregate(h_n, src, dst, edge_embed, n)  # [N, 128]
    h3 = h3 @ W_nn3 + b_nn3  # [N, 128]
    h1 = h3[src]
    h2 = h3[dst]
    cat = jnp.concatenate([h1, h2], axis=-1)  # [E, 256]
    out = cat @ W_dec + b_dec  # [E, 1]
    return (out, h_n[None], c_n[None])

if __name__ == "__main__":
    import jax
    _d = setup_inputs()
    print(jax.jit(kernel)(*tuple(_d.values())))

</pallas_src>

<mosaic_0001>
#map = affine_map<(d0, d1) -> (0)>
#map1 = affine_map<(d0, d1) -> (0, 0)>
module attributes {stable_mosaic.version = 14 : i64} {
  func.func @k(%arg0: i32, %arg1: i32, %arg2: memref<50176xf32, #tpu.memory_space<hbm>>, %arg3: memref<6408x128xi32, #tpu.memory_space<hbm>>, %arg4: memref<6408x128xi32, #tpu.memory_space<hbm>>, %arg5: memref<6408x128xf32, #tpu.memory_space<hbm>>, %arg6: memref<16xf32, #tpu.memory_space<hbm>>, %arg7: memref<2x50176xf32, #tpu.memory_space<hbm>>, %arg8: memref<50176xf32, #tpu.memory_space<vmem>>, %arg9: memref<32x128xi32, #tpu.memory_space<vmem>>, %arg10: memref<32x128xi32, #tpu.memory_space<vmem>>, %arg11: memref<32x128xf32, #tpu.memory_space<vmem>>, %arg12: memref<256xf32, #tpu.memory_space<vmem>>, %arg13: memref<3136xf32, #tpu.memory_space<vmem>>, %arg14: memref<16xf32, #tpu.memory_space<vmem>>, %arg15: memref<50176xf32, #tpu.memory_space<vmem_shared>>, %arg16: memref<!tpu.dma_semaphore, #tpu.memory_space<semaphore_mem>>) attributes {dimension_semantics = [#tpu.dimension_semantics<core_parallel>, #tpu.dimension_semantics<subcore_parallel>], iteration_bounds = array<i64: 2, 16>, scalar_prefetch = 0 : i64, scratch_operands = 9 : i64, tpu.core_type = #tpu.core_type<sc_vector_subcore>, window_params = [{transform_indices = #map}, {transform_indices = #map1}, {transform_indices = #map1}, {transform_indices = #map1}, {transform_indices = #map}, {transform_indices = #map1}]} {
    %mul3A = arith.constant 16 : i32
    %mul3A_0 = arith.muli %arg0, %mul3A : i32
    %add3A = arith.addi %mul3A_0, %arg1 : i32
    %broadcast_in_dim3A = arith.constant 0.000000e+00 : f32
    %broadcast_in_dim3A_1 = vector.broadcast %broadcast_in_dim3A : f32 to vector<16xf32>
    %scan3A = arith.constant 0 : i32
    %scan3A_2 = arith.constant 0 : i32
    %scan3A_3 = arith.constant 196 : i32
    %scan3A_4 = arith.addi %scan3A_2, %scan3A_3 : i32
    %scan3A_5 = arith.constant 1 : i32
    %scan3A_6 = scf.for %scan3A_64 = %scan3A_2 to %scan3A_4 step %scan3A_5 iter_args(%scan3A_65 = %scan3A) -> (i32)  : i32 {
      %mul3A_66 = arith.constant 16 : i32
      %mul3A_67 = arith.muli %scan3A_64, %mul3A_66 : i32
      %swap3A = arith.index_cast %mul3A_67 : i32 to index
      %swap3A_68 = tpu.vector_load %arg13[%swap3A] {strides = array<i32>} : memref<3136xf32, #tpu.memory_space<vmem>>, vector<16xf32>,
      tpu.vector_store %arg13[%swap3A], %broadcast_in_dim3A_1 {strides = array<i32>} : memref<3136xf32, #tpu.memory_space<vmem>>, vector<16xf32>,
      %scan3A_69 = arith.constant 0 : i32
      scf.yield %scan3A_69 : i32
    }
    %scan3A_7 = arith.constant 196 : i32
    %mul3A_8 = arith.constant 3136 : i32
    %mul3A_9 = arith.muli %arg1, %mul3A_8 : i32
    "tpu.region"() ({
      %run_scoped3A = tpu.sem_alloc : memref<!tpu.dma_semaphore, #tpu.memory_space<semaphore_mem>>
      %dma_start3A = tpu.memref_slice %arg15[%mul3A_9] : memref<50176xf32, #tpu.memory_space<vmem_shared>> -> memref<3136xf32, #tpu.memory_space<vmem_shared>>
      %dma_start3A_64 = tpu.memref_slice %arg15[%mul3A_9] : memref<50176xf32, #tpu.memory_space<vmem_shared>> -> memref<3136xf32, #tpu.memory_space<vmem_shared>>
      tpu.enqueue_dma source(%arg13 : memref<3136xf32, #tpu.memory_space<vmem>>) target(%dma_start3A_64 : memref<3136xf32, #tpu.memory_space<vmem_shared>>) target_semaphore(%run_scoped3A : memref<!tpu.dma_semaphore, #tpu.memory_space<semaphore_mem>>)
      %dma_wait3A = tpu.memref_slice %arg15[%mul3A_9] : memref<50176xf32, #tpu.memory_space<vmem_shared>> -> memref<3136xf32, #tpu.memory_space<vmem_shared>>
      %dma_wait3A_65 = tpu.memref_slice %arg15[%mul3A_9] : memref<50176xf32, #tpu.memory_space<vmem_shared>> -> memref<3136xf32, #tpu.memory_space<vmem_shared>>
      tpu.wait_dma2 semaphore(%run_scoped3A : memref<!tpu.dma_semaphore, #tpu.memory_space<semaphore_mem>>) src(%arg13 : memref<3136xf32, #tpu.memory_space<vmem>>) dst(%dma_wait3A_65 : memref<3136xf32, #tpu.memory_space<vmem_shared>>)
      tpu.yield
    }) : () -> ()
    "tpu.region"() ({
      %run_scoped3A = tpu.sem_alloc : memref<!tpu.dma_semaphore, #tpu.memory_space<semaphore_mem>>
      tpu.enqueue_dma source(%arg2 : memref<50176xf32, #tpu.memory_space<hbm>>) target(%arg8 : memref<50176xf32, #tpu.memory_space<vmem>>) target_semaphore(%run_scoped3A : memref<!tpu.dma_semaphore, #tpu.memory_space<semaphore_mem>>)
      tpu.wait_dma2 semaphore(%run_scoped3A : memref<!tpu.dma_semaphore, #tpu.memory_space<semaphore_mem>>) src(%arg2 : memref<50176xf32, #tpu.memory_space<hbm>>) dst(%arg8 : memref<50176xf32, #tpu.memory_space<vmem>>)
      tpu.yield
    }) : () -> ()
    "tpu.region"() ({
      %run_scoped3A = tpu.sem_alloc : memref<!tpu.dma_semaphore, #tpu.memory_space<semaphore_mem>>
      tpu.enqueue_dma source(%arg6 : memref<16xf32, #tpu.memory_space<hbm>>) target(%arg14 : memref<16xf32, #tpu.memory_space<vmem>>) target_semaphore(%run_scoped3A : memref<!tpu.dma_semaphore, #tpu.memory_space<semaphore_mem>>)
      tpu.wait_dma2 semaphore(%run_scoped3A : memref<!tpu.dma_semaphore, #tpu.memory_space<semaphore_mem>>) src(%arg6 : memref<16xf32, #tpu.memory_space<hbm>>) dst(%arg14 : memref<16xf32, #tpu.memory_space<vmem>>)
      tpu.yield
    }) : () -> ()
    %barrier3A = arith.constant 0 : index
    tpu.barrier barrier_id(%barrier3A)
    %get3A = arith.constant 0 : index
    %get3A_10 = tpu.vector_load %arg14[%get3A] {strides = array<i32>} : memref<16xf32, #tpu.memory_space<vmem>>, vector<16xf32>,
    %slice3A = vector.extract_strided_slice %get3A_10 {offsets = [0], sizes = [1], strides = [1]} : vector<16xf32> to vector<1xf32>
    %squeeze3A = vector.extract %slice3A[0] : f32 from vector<1xf32>
    %slice3A_11 = vector.extract_strided_slice %get3A_10 {offsets = [1], sizes = [1], strides = [1]} : vector<16xf32> to vector<1xf32>
    %squeeze3A_12 = vector.extract %slice3A_11[0] : f32 from vector<1xf32>
    %mul3A_13 = arith.constant 200 : i32
    %mul3A_14 = arith.muli %add3A, %mul3A_13 : i32
    %mul3A_15 = arith.constant 128 : i32
    %mul3A_16 = arith.muli %mul3A_14, %mul3A_15 : i32
    %sub3A = arith.constant 800000 : i32
    %sub3A_17 = arith.subi %sub3A, %mul3A_16 : i32
    %jit3A = arith.constant 128 : i32
    %div3A = arith.divsi %sub3A_17, %jit3A : i32
    %sign3A = arith.constant 0 : i32
    %sign3A_18 = arith.cmpi sgt, %sub3A_17, %sign3A : i32
    %sign3A_19 = arith.extui %sign3A_18 : i1 to i32
    %sign3A_20 = arith.constant 0 : i32
    %sign3A_21 = arith.cmpi slt, %sub3A_17, %sign3A_20 : i32
    %sign3A_22 = arith.extui %sign3A_21 : i1 to i32
    %sign3A_23 = arith.subi %sign3A_19, %sign3A_22 : i32
    %sign3A_24 = arith.constant 0 : i32
    %sign3A_25 = arith.cmpi sgt, %jit3A, %sign3A_24 : i32
    %sign3A_26 = arith.extui %sign3A_25 : i1 to i32
    %sign3A_27 = arith.constant 0 : i32
    %sign3A_28 = arith.cmpi slt, %jit3A, %sign3A_27 : i32
    %sign3A_29 = arith.extui %sign3A_28 : i1 to i32
    %sign3A_30 = arith.subi %sign3A_26, %sign3A_29 : i32
    %ne3A = arith.cmpi ne, %sign3A_23, %sign3A_30 : i32
    %rem3A = arith.remsi %sub3A_17, %jit3A : i32
    %ne3A_31 = arith.constant 0 : i32
    %ne3A_32 = arith.cmpi ne, %rem3A, %ne3A_31 : i32
    %and3A = arith.andi %ne3A, %ne3A_32 : i1
    %sub3A_33 = arith.constant 1 : i32
    %sub3A_34 = arith.subi %div3A, %sub3A_33 : i32
    %select_n3A = arith.select %and3A, %sub3A_34, %div3A : i32
    %max3A = arith.constant 0 : i32
    %max3A_35 = arith.maxsi %max3A, %select_n3A : i32
    %min3A = arith.constant 200 : i32
    %min3A_36 = arith.minsi %min3A, %max3A_35 : i32
    %gt3A = arith.constant 0 : i32
    %gt3A_37 = arith.cmpi sgt, %min3A_36, %gt3A : i32
    %convert_element_type3A = arith.extui %gt3A_37 : i1 to i32
    %cond3A = arith.constant 0 : i32
    %cond3A_38 = arith.cmpi ne, %convert_element_type3A, %cond3A : i32
    scf.if %cond3A_38 {
      %add3A_64 = arith.constant 0 : i32
      %add3A_65 = arith.addi %mul3A_14, %add3A_64 : i32
      "tpu.region"() ({
        %run_scoped3A = tpu.sem_alloc : memref<!tpu.dma_semaphore, #tpu.memory_space<semaphore_mem>>
        %dma_start3A = arith.constant 0 : i32
        %dma_start3A_70 = arith.constant 0 : i32
        %dma_start3A_71 = tpu.memref_slice %arg9[%dma_start3A, %dma_start3A_70] : memref<32x128xi32, #tpu.memory_space<vmem>> -> memref<16x128xi32, #tpu.memory_space<vmem>>
        %dma_start3A_72 = arith.constant 0 : i32
        %dma_start3A_73 = tpu.memref_slice %arg3[%add3A_65, %dma_start3A_72] : memref<6408x128xi32, #tpu.memory_space<hbm>> -> memref<16x128xi32, #tpu.memory_space<hbm>>
        %dma_start3A_74 = arith.constant 0 : i32
        %dma_start3A_75 = arith.constant 0 : i32
        %dma_start3A_76 = tpu.memref_slice %arg9[%dma_start3A_74, %dma_start3A_75] : memref<32x128xi32, #tpu.memory_space<vmem>> -> memref<16x128xi32, #tpu.memory_space<vmem>>
        %dma_start3A_77 = arith.constant 0 : i32
        %dma_start3A_78 = tpu.memref_slice %arg3[%add3A_65, %dma_start3A_77] : memref<6408x128xi32, #tpu.memory_space<hbm>> -> memref<16x128xi32, #tpu.memory_space<hbm>>
        tpu.enqueue_dma source(%dma_start3A_78 : memref<16x128xi32, #tpu.memory_space<hbm>>) target(%dma_start3A_76 : memref<16x128xi32, #tpu.memory_space<vmem>>) target_semaphore(%run_scoped3A : memref<!tpu.dma_semaphore, #tpu.memory_space<semaphore_mem>>)
        %dma_wait3A = arith.constant 0 : i32
        %dma_wait3A_79 = arith.constant 0 : i32
        %dma_wait3A_80 = tpu.memref_slice %arg9[%dma_wait3A, %dma_wait3A_79] : memref<32x128xi32, #tpu.memory_space<vmem>> -> memref<16x128xi32, #tpu.memory_space<vmem>>
        %dma_wait3A_81 = arith.constant 0 : i32
        %dma_wait3A_82 = tpu.memref_slice %arg3[%add3A_65, %dma_wait3A_81] : memref<6408x128xi32, #tpu.memory_space<hbm>> -> memref<16x128xi32, #tpu.memory_space<hbm>>
        %dma_wait3A_83 = arith.constant 0 : i32
        %dma_wait3A_84 = arith.constant 0 : i32
        %dma_wait3A_85 = tpu.memref_slice %arg9[%dma_wait3A_83, %dma_wait3A_84] : memref<32x128xi32, #tpu.memory_space<vmem>> -> memref<16x128xi32, #tpu.memory_space<vmem>>
        %dma_wait3A_86 = arith.constant 0 : i32
        %dma_wait3A_87 = tpu.memref_slice %arg3[%add3A_65, %dma_wait3A_86] : memref<6408x128xi32, #tpu.memory_space<hbm>> -> memref<16x128xi32, #tpu.memory_space<hbm>>
        tpu.wait_dma2 semaphore(%run_scoped3A : memref<!tpu.dma_semaphore, #tpu.memory_space<semaphore_mem>>) src(%dma_wait3A_87 : memref<16x128xi32, #tpu.memory_space<hbm>>) dst(%dma_wait3A_85 : memref<16x128xi32, #tpu.memory_space<vmem>>)
        tpu.yield
      }) : () -> ()
      %add3A_66 = arith.constant 0 : i32
      %add3A_67 = arith.addi %mul3A_14, %add3A_66 : i32
      "tpu.region"() ({
        %run_scoped3A = tpu.sem_alloc : memref<!tpu.dma_semaphore, #tpu.memory_space<semaphore_mem>>
        %dma_start3A = arith.constant 0 : i32
        %dma_start3A_70 = arith.constant 0 : i32
        %dma_start3A_71 = tpu.memref_slice %arg10[%dma_start3A, %dma_start3A_70] : memref<32x128xi32, #tpu.memory_space<vmem>> -> memref<16x128xi32, #tpu.memory_space<vmem>>
        %dma_start3A_72 = arith.constant 0 : i32
        %dma_start3A_73 = tpu.memref_slice %arg4[%add3A_67, %dma_start3A_72] : memref<6408x128xi32, #tpu.memory_space<hbm>> -> memref<16x128xi32, #tpu.memory_space<hbm>>
        %dma_start3A_74 = arith.constant 0 : i32
        %dma_start3A_75 = arith.constant 0 : i32
        %dma_start3A_76 = tpu.memref_slice %arg10[%dma_start3A_74, %dma_start3A_75] : memref<32x128xi32, #tpu.memory_space<vmem>> -> memref<16x128xi32, #tpu.memory_space<vmem>>
        %dma_start3A_77 = arith.constant 0 : i32
        %dma_start3A_78 = tpu.memref_slice %arg4[%add3A_67, %dma_start3A_77] : memref<6408x128xi32, #tpu.memory_space<hbm>> -> memref<16x128xi32, #tpu.memory_space<hbm>>
        tpu.enqueue_dma source(%dma_start3A_78 : memref<16x128xi32, #tpu.memory_space<hbm>>) target(%dma_start3A_76 : memref<16x128xi32, #tpu.memory_space<vmem>>) target_semaphore(%run_scoped3A : memref<!tpu.dma_semaphore, #tpu.memory_space<semaphore_mem>>)
        %dma_wait3A = arith.constant 0 : i32
        %dma_wait3A_79 = arith.constant 0 : i32
        %dma_wait3A_80 = tpu.memref_slice %arg10[%dma_wait3A, %dma_wait3A_79] : memref<32x128xi32, #tpu.memory_space<vmem>> -> memref<16x128xi32, #tpu.memory_space<vmem>>
        %dma_wait3A_81 = arith.constant 0 : i32
        %dma_wait3A_82 = tpu.memref_slice %arg4[%add3A_67, %dma_wait3A_81] : memref<6408x128xi32, #tpu.memory_space<hbm>> -> memref<16x128xi32, #tpu.memory_space<hbm>>
        %dma_wait3A_83 = arith.constant 0 : i32
        %dma_wait3A_84 = arith.constant 0 : i32
        %dma_wait3A_85 = tpu.memref_slice %arg10[%dma_wait3A_83, %dma_wait3A_84] : memref<32x128xi32, #tpu.memory_space<vmem>> -> memref<16x128xi32, #tpu.memory_space<vmem>>
        %dma_wait3A_86 = arith.constant 0 : i32
        %dma_wait3A_87 = tpu.memref_slice %arg4[%add3A_67, %dma_wait3A_86] : memref<6408x128xi32, #tpu.memory_space<hbm>> -> memref<16x128xi32, #tpu.memory_space<hbm>>
        tpu.wait_dma2 semaphore(%run_scoped3A : memref<!tpu.dma_semaphore, #tpu.memory_space<semaphore_mem>>) src(%dma_wait3A_87 : memref<16x128xi32, #tpu.memory_space<hbm>>) dst(%dma_wait3A_85 : memref<16x128xi32, #tpu.memory_space<vmem>>)
        tpu.yield
      }) : () -> ()
      %add3A_68 = arith.constant 0 : i32
      %add3A_69 = arith.addi %mul3A_14, %add3A_68 : i32
      "tpu.region"() ({
        %run_scoped3A = tpu.sem_alloc : memref<!tpu.dma_semaphore, #tpu.memory_space<semaphore_mem>>
        %dma_start3A = arith.constant 0 : i32
        %dma_start3A_70 = arith.constant 0 : i32
        %dma_start3A_71 = tpu.memref_slice %arg11[%dma_start3A, %dma_start3A_70] : memref<32x128xf32, #tpu.memory_space<vmem>> -> memref<16x128xf32, #tpu.memory_space<vmem>>
        %dma_start3A_72 = arith.constant 0 : i32
        %dma_start3A_73 = tpu.memref_slice %arg5[%add3A_69, %dma_start3A_72] : memref<6408x128xf32, #tpu.memory_space<hbm>> -> memref<16x128xf32, #tpu.memory_space<hbm>>
        %dma_start3A_74 = arith.constant 0 : i32
        %dma_start3A_75 = arith.constant 0 : i32
        %dma_start3A_76 = tpu.memref_slice %arg11[%dma_start3A_74, %dma_start3A_75] : memref<32x128xf32, #tpu.memory_space<vmem>> -> memref<16x128xf32, #tpu.memory_space<vmem>>
        %dma_start3A_77 = arith.constant 0 : i32
        %dma_start3A_78 = tpu.memref_slice %arg5[%add3A_69, %dma_start3A_77] : memref<6408x128xf32, #tpu.memory_space<hbm>> -> memref<16x128xf32, #tpu.memory_space<hbm>>
        tpu.enqueue_dma source(%dma_start3A_78 : memref<16x128xf32, #tpu.memory_space<hbm>>) target(%dma_start3A_76 : memref<16x128xf32, #tpu.memory_space<vmem>>) target_semaphore(%run_scoped3A : memref<!tpu.dma_semaphore, #tpu.memory_space<semaphore_mem>>)
        %dma_wait3A = arith.constant 0 : i32
        %dma_wait3A_79 = arith.constant 0 : i32
        %dma_wait3A_80 = tpu.memref_slice %arg11[%dma_wait3A, %dma_wait3A_79] : memref<32x128xf32, #tpu.memory_space<vmem>> -> memref<16x128xf32, #tpu.memory_space<vmem>>
        %dma_wait3A_81 = arith.constant 0 : i32
        %dma_wait3A_82 = tpu.memref_slice %arg5[%add3A_69, %dma_wait3A_81] : memref<6408x128xf32, #tpu.memory_space<hbm>> -> memref<16x128xf32, #tpu.memory_space<hbm>>
        %dma_wait3A_83 = arith.constant 0 : i32
        %dma_wait3A_84 = arith.constant 0 : i32
        %dma_wait3A_85 = tpu.memref_slice %arg11[%dma_wait3A_83, %dma_wait3A_84] : memref<32x128xf32, #tpu.memory_space<vmem>> -> memref<16x128xf32, #tpu.memory_space<vmem>>
        %dma_wait3A_86 = arith.constant 0 : i32
        %dma_wait3A_87 = tpu.memref_slice %arg5[%add3A_69, %dma_wait3A_86] : memref<6408x128xf32, #tpu.memory_space<hbm>> -> memref<16x128xf32, #tpu.memory_space<hbm>>
        tpu.wait_dma2 semaphore(%run_scoped3A : memref<!tpu.dma_semaphore, #tpu.memory_space<semaphore_mem>>) src(%dma_wait3A_87 : memref<16x128xf32, #tpu.memory_space<hbm>>) dst(%dma_wait3A_85 : memref<16x128xf32, #tpu.memory_space<vmem>>)
        tpu.yield
      }) : () -> ()
    } else {
    }
    %while3A = arith.constant 0 : i32
    %while3A_39 = arith.constant 0 : i32
    %while3A_40 = arith.subi %min3A_36, %while3A : i32
    %while3A_41 = arith.addi %while3A, %while3A_40 : i32
    %while3A_42 = arith.constant 1 : i32
    %while3A_43 = arith.divsi %while3A_40, %while3A_42 : i32
    %while3A_44 = arith.muli %while3A_43, %while3A_42 : i32
    %while3A_45 = arith.addi %while3A, %while3A_44 : i32
    %while3A_46 = arith.constant 1 : i32
    %while3A_47 = scf.for %while3A_64 = %while3A to %while3A_45 step %while3A_46 iter_args(%while3A_65 = %while3A_39) -> (i32)  : i32 {
      %add3A_66 = arith.constant 1 : i32
      %add3A_67 = arith.addi %while3A_64, %add3A_66 : i32
      %lt3A = arith.cmpi slt, %add3A_67, %min3A_36 : i32
      %jit3A_68 = arith.constant 16 : i32
      %eq3A_69 = arith.constant 0 : i32
      %eq3A_70 = arith.cmpi eq, %jit3A_68, %eq3A_69 : i32
      %jit3A_71 = arith.constant 1 : i32
      %select_n3A_72 = arith.select %eq3A_70, %jit3A_71, %jit3A_68 : i32
      %rem3A_73 = arith.remsi %add3A_67, %select_n3A_72 : i32
      %ne3A_74 = arith.constant 0 : i32
      %ne3A_75 = arith.cmpi ne, %rem3A_73, %ne3A_74 : i32
      %lt3A_76 = arith.constant 0 : i32
      %lt3A_77 = arith.cmpi slt, %rem3A_73, %lt3A_76 : i32
      %lt3A_78 = arith.constant 0 : i32
      %lt3A_79 = arith.cmpi slt, %select_n3A_72, %lt3A_78 : i32
      %ne3A_80 = arith.xori %lt3A_77, %lt3A_79 : i1
      %and3A_81 = arith.andi %ne3A_80, %ne3A_75 : i1
      %add3A_82 = arith.addi %rem3A_73, %select_n3A_72 : i32
      %select_n3A_83 = arith.select %and3A_81, %add3A_82, %rem3A_73 : i32
      %eq3A_84 = arith.constant 0 : i32
      %eq3A_85 = arith.cmpi eq, %select_n3A_83, %eq3A_84 : i32
      %and3A_86 = arith.andi %lt3A, %eq3A_85 : i1
      %convert_element_type3A_87 = arith.extui %and3A_86 : i1 to i32
      %cond3A_88 = arith.constant 0 : i32
      %cond3A_89 = arith.cmpi ne, %convert_element_type3A_87, %cond3A_88 : i32
      scf.if %cond3A_89 {
        %jit3A_185 = arith.constant 16 : i32
        %div3A_186 = arith.divsi %add3A_67, %jit3A_185 : i32
        %sign3A_187 = arith.constant 0 : i32
        %sign3A_188 = arith.cmpi sgt, %add3A_67, %sign3A_187 : i32
        %sign3A_189 = arith.extui %sign3A_188 : i1 to i32
        %sign3A_190 = arith.constant 0 : i32
        %sign3A_191 = arith.cmpi slt, %add3A_67, %sign3A_190 : i32
        %sign3A_192 = arith.extui %sign3A_191 : i1 to i32
        %sign3A_193 = arith.subi %sign3A_189, %sign3A_192 : i32
        %sign3A_194 = arith.constant 0 : i32
        %sign3A_195 = arith.cmpi sgt, %jit3A_185, %sign3A_194 : i32
        %sign3A_196 = arith.extui %sign3A_195 : i1 to i32
        %sign3A_197 = arith.constant 0 : i32
        %sign3A_198 = arith.cmpi slt, %jit3A_185, %sign3A_197 : i32
        %sign3A_199 = arith.extui %sign3A_198 : i1 to i32
        %sign3A_200 = arith.subi %sign3A_196, %sign3A_199 : i32
        %ne3A_201 = arith.cmpi ne, %sign3A_193, %sign3A_200 : i32
        %rem3A_202 = arith.remsi %add3A_67, %jit3A_185 : i32
        %ne3A_203 = arith.constant 0 : i32
        %ne3A_204 = arith.cmpi ne, %rem3A_202, %ne3A_203 : i32
        %and3A_205 = arith.andi %ne3A_201, %ne3A_204 : i1
        %sub3A_206 = arith.constant 1 : i32
        %sub3A_207 = arith.subi %div3A_186, %sub3A_206 : i32
        %select_n3A_208 = arith.select %and3A_205, %sub3A_207, %div3A_186 : i32
        %jit3A_209 = arith.constant 2 : i32
        %eq3A_210 = arith.constant 0 : i32
        %eq3A_211 = arith.cmpi eq, %jit3A_209, %eq3A_210 : i32
        %jit3A_212 = arith.constant 1 : i32
        %select_n3A_213 = arith.select %eq3A_211, %jit3A_212, %jit3A_209 : i32
        %rem3A_214 = arith.remsi %select_n3A_208, %select_n3A_213 : i32
        %ne3A_215 = arith.constant 0 : i32
        %ne3A_216 = arith.cmpi ne, %rem3A_214, %ne3A_215 : i32
        %lt3A_217 = arith.constant 0 : i32
        %lt3A_218 = arith.cmpi slt, %rem3A_214, %lt3A_217 : i32
        %lt3A_219 = arith.constant 0 : i32
        %lt3A_220 = arith.cmpi slt, %select_n3A_213, %lt3A_219 : i32
        %ne3A_221 = arith.xori %lt3A_218, %lt3A_220 : i1
        %and3A_222 = arith.andi %ne3A_221, %ne3A_216 : i1
        %add3A_223 = arith.addi %rem3A_214, %select_n3A_213 : i32
        %select_n3A_224 = arith.select %and3A_222, %add3A_223, %rem3A_214 : i32
        %mul3A_225 = arith.constant 16 : i32
        %mul3A_226 = arith.muli %select_n3A_224, %mul3A_225 : i32
        %mul3A_227 = arith.constant 16 : i32
        %mul3A_228 = arith.muli %select_n3A_208, %mul3A_227 : i32
        %add3A_229 = arith.addi %mul3A_14, %mul3A_228 : i32
        "tpu.region"() ({
          %run_scoped3A = tpu.sem_alloc : memref<!tpu.dma_semaphore, #tpu.memory_space<semaphore_mem>>
          %dma_start3A_236 = arith.constant 0 : i32
          %dma_start3A_237 = tpu.memref_slice %arg9[%mul3A_226, %dma_start3A_236] : memref<32x128xi32, #tpu.memory_space<vmem>> -> memref<16x128xi32, #tpu.memory_space<vmem>>
          %dma_start3A_238 = arith.constant 0 : i32
          %dma_start3A_239 = tpu.memref_slice %arg3[%add3A_229, %dma_start3A_238] : memref<6408x128xi32, #tpu.memory_space<hbm>> -> memref<16x128xi32, #tpu.memory_space<hbm>>
          %dma_start3A_240 = arith.constant 0 : i32
          %dma_start3A_241 = tpu.memref_slice %arg9[%mul3A_226, %dma_start3A_240] : memref<32x128xi32, #tpu.memory_space<vmem>> -> memref<16x128xi32, #tpu.memory_space<vmem>>
          %dma_start3A_242 = arith.constant 0 : i32
          %dma_start3A_243 = tpu.memref_slice %arg3[%add3A_229, %dma_start3A_242] : memref<6408x128xi32, #tpu.memory_space<hbm>> -> memref<16x128xi32, #tpu.memory_space<hbm>>
          tpu.enqueue_dma source(%dma_start3A_243 : memref<16x128xi32, #tpu.memory_space<hbm>>) target(%dma_start3A_241 : memref<16x128xi32, #tpu.memory_space<vmem>>) target_semaphore(%run_scoped3A : memref<!tpu.dma_semaphore, #tpu.memory_space<semaphore_mem>>)
          %dma_wait3A = arith.constant 0 : i32
          %dma_wait3A_244 = tpu.memref_slice %arg9[%mul3A_226, %dma_wait3A] : memref<32x128xi32, #tpu.memory_space<vmem>> -> memref<16x128xi32, #tpu.memory_space<vmem>>
          %dma_wait3A_245 = arith.constant 0 : i32
          %dma_wait3A_246 = tpu.memref_slice %arg3[%add3A_229, %dma_wait3A_245] : memref<6408x128xi32, #tpu.memory_space<hbm>> -> memref<16x128xi32, #tpu.memory_space<hbm>>
          %dma_wait3A_247 = arith.constant 0 : i32
          %dma_wait3A_248 = tpu.memref_slice %arg9[%mul3A_226, %dma_wait3A_247] : memref<32x128xi32, #tpu.memory_space<vmem>> -> memref<16x128xi32, #tpu.memory_space<vmem>>
          %dma_wait3A_249 = arith.constant 0 : i32
          %dma_wait3A_250 = tpu.memref_slice %arg3[%add3A_229, %dma_wait3A_249] : memref<6408x128xi32, #tpu.memory_space<hbm>> -> memref<16x128xi32, #tpu.memory_space<hbm>>
          tpu.wait_dma2 semaphore(%run_scoped3A : memref<!tpu.dma_semaphore, #tpu.memory_space<semaphore_mem>>) src(%dma_wait3A_250 : memref<16x128xi32, #tpu.memory_space<hbm>>) dst(%dma_wait3A_248 : memref<16x128xi32, #tpu.memory_space<vmem>>)
          tpu.yield
        }) : () -> ()
        %mul3A_230 = arith.constant 16 : i32
        %mul3A_231 = arith.muli %select_n3A_208, %mul3A_230 : i32
        %add3A_232 = arith.addi %mul3A_14, %mul3A_231 : i32
        "tpu.region"() ({
          %run_scoped3A = tpu.sem_alloc : memref<!tpu.dma_semaphore, #tpu.memory_space<semaphore_mem>>
          %dma_start3A_236 = arith.constant 0 : i32
          %dma_start3A_237 = tpu.memref_slice %arg10[%mul3A_226, %dma_start3A_236] : memref<32x128xi32, #tpu.memory_space<vmem>> -> memref<16x128xi32, #tpu.memory_space<vmem>>
          %dma_start3A_238 = arith.constant 0 : i32
          %dma_start3A_239 = tpu.memref_slice %arg4[%add3A_232, %dma_start3A_238] : memref<6408x128xi32, #tpu.memory_space<hbm>> -> memref<16x128xi32, #tpu.memory_space<hbm>>
          %dma_start3A_240 = arith.constant 0 : i32
          %dma_start3A_241 = tpu.memref_slice %arg10[%mul3A_226, %dma_start3A_240] : memref<32x128xi32, #tpu.memory_space<vmem>> -> memref<16x128xi32, #tpu.memory_space<vmem>>
          %dma_start3A_242 = arith.constant 0 : i32
          %dma_start3A_243 = tpu.memref_slice %arg4[%add3A_232, %dma_start3A_242] : memref<6408x128xi32, #tpu.memory_space<hbm>> -> memref<16x128xi32, #tpu.memory_space<hbm>>
          tpu.enqueue_dma source(%dma_start3A_243 : memref<16x128xi32, #tpu.memory_space<hbm>>) target(%dma_start3A_241 : memref<16x128xi32, #tpu.memory_space<vmem>>) target_semaphore(%run_scoped3A : memref<!tpu.dma_semaphore, #tpu.memory_space<semaphore_mem>>)
          %dma_wait3A = arith.constant 0 : i32
          %dma_wait3A_244 = tpu.memref_slice %arg10[%mul3A_226, %dma_wait3A] : memref<32x128xi32, #tpu.memory_space<vmem>> -> memref<16x128xi32, #tpu.memory_space<vmem>>
          %dma_wait3A_245 = arith.constant 0 : i32
          %dma_wait3A_246 = tpu.memref_slice %arg4[%add3A_232, %dma_wait3A_245] : memref<6408x128xi32, #tpu.memory_space<hbm>> -> memref<16x128xi32, #tpu.memory_space<hbm>>
          %dma_wait3A_247 = arith.constant 0 : i32
          %dma_wait3A_248 = tpu.memref_slice %arg10[%mul3A_226, %dma_wait3A_247] : memref<32x128xi32, #tpu.memory_space<vmem>> -> memref<16x128xi32, #tpu.memory_space<vmem>>
          %dma_wait3A_249 = arith.constant 0 : i32
          %dma_wait3A_250 = tpu.memref_slice %arg4[%add3A_232, %dma_wait3A_249] : memref<6408x128xi32, #tpu.memory_space<hbm>> -> memref<16x128xi32, #tpu.memory_space<hbm>>
          tpu.wait_dma2 semaphore(%run_scoped3A : memref<!tpu.dma_semaphore, #tpu.memory_space<semaphore_mem>>) src(%dma_wait3A_250 : memref<16x128xi32, #tpu.memory_space<hbm>>) dst(%dma_wait3A_248 : memref<16x128xi32, #tpu.memory_space<vmem>>)
          tpu.yield
        }) : () -> ()
        %mul3A_233 = arith.constant 16 : i32
        %mul3A_234 = arith.muli %select_n3A_208, %mul3A_233 : i32
        %add3A_235 = arith.addi %mul3A_14, %mul3A_234 : i32
        "tpu.region"() ({
          %run_scoped3A = tpu.sem_alloc : memref<!tpu.dma_semaphore, #tpu.memory_space<semaphore_mem>>
          %dma_start3A_236 = arith.constant 0 : i32
          %dma_start3A_237 = tpu.memref_slice %arg11[%mul3A_226, %dma_start3A_236] : memref<32x128xf32, #tpu.memory_space<vmem>> -> memref<16x128xf32, #tpu.memory_space<vmem>>
          %dma_start3A_238 = arith.constant 0 : i32
          %dma_start3A_239 = tpu.memref_slice %arg5[%add3A_235, %dma_start3A_238] : memref<6408x128xf32, #tpu.memory_space<hbm>> -> memref<16x128xf32, #tpu.memory_space<hbm>>
          %dma_start3A_240 = arith.constant 0 : i32
          %dma_start3A_241 = tpu.memref_slice %arg11[%mul3A_226, %dma_start3A_240] : memref<32x128xf32, #tpu.memory_space<vmem>> -> memref<16x128xf32, #tpu.memory_space<vmem>>
          %dma_start3A_242 = arith.constant 0 : i32
          %dma_start3A_243 = tpu.memref_slice %arg5[%add3A_235, %dma_start3A_242] : memref<6408x128xf32, #tpu.memory_space<hbm>> -> memref<16x128xf32, #tpu.memory_space<hbm>>
          tpu.enqueue_dma source(%dma_start3A_243 : memref<16x128xf32, #tpu.memory_space<hbm>>) target(%dma_start3A_241 : memref<16x128xf32, #tpu.memory_space<vmem>>) target_semaphore(%run_scoped3A : memref<!tpu.dma_semaphore, #tpu.memory_space<semaphore_mem>>)
          %dma_wait3A = arith.constant 0 : i32
          %dma_wait3A_244 = tpu.memref_slice %arg11[%mul3A_226, %dma_wait3A] : memref<32x128xf32, #tpu.memory_space<vmem>> -> memref<16x128xf32, #tpu.memory_space<vmem>>
          %dma_wait3A_245 = arith.constant 0 : i32
          %dma_wait3A_246 = tpu.memref_slice %arg5[%add3A_235, %dma_wait3A_245] : memref<6408x128xf32, #tpu.memory_space<hbm>> -> memref<16x128xf32, #tpu.memory_space<hbm>>
          %dma_wait3A_247 = arith.constant 0 : i32
          %dma_wait3A_248 = tpu.memref_slice %arg11[%mul3A_226, %dma_wait3A_247] : memref<32x128xf32, #tpu.memory_space<vmem>> -> memref<16x128xf32, #tpu.memory_space<vmem>>
          %dma_wait3A_249 = arith.constant 0 : i32
          %dma_wait3A_250 = tpu.memref_slice %arg5[%add3A_235, %dma_wait3A_249] : memref<6408x128xf32, #tpu.memory_space<hbm>> -> memref<16x128xf32, #tpu.memory_space<hbm>>
          tpu.wait_dma2 semaphore(%run_scoped3A : memref<!tpu.dma_semaphore, #tpu.memory_space<semaphore_mem>>) src(%dma_wait3A_250 : memref<16x128xf32, #tpu.memory_space<hbm>>) dst(%dma_wait3A_248 : memref<16x128xf32, #tpu.memory_space<vmem>>)
          tpu.yield
        }) : () -> ()
      } else {
      }
      %ge3A_90 = arith.constant 2 : i32
      %ge3A_91 = arith.cmpi sge, %while3A_64, %ge3A_90 : i32
      %convert_element_type3A_92 = arith.extui %ge3A_91 : i1 to i32
      %cond3A_93 = arith.constant 0 : i32
      %cond3A_94 = arith.cmpi ne, %convert_element_type3A_92, %cond3A_93 : i32
      scf.if %cond3A_94 {
        %dma_wait3A = arith.constant 0 : i32
        %dma_wait3A_185 = arith.constant 0 : i32
        %dma_wait3A_186 = tpu.memref_slice %arg12[%dma_wait3A_185] : memref<256xf32, #tpu.memory_space<vmem>> -> memref<128xf32, #tpu.memory_space<vmem>>
        %dma_wait3A_187 = arith.constant 0 : i32
        %dma_wait3A_188 = tpu.memref_slice %arg10[%dma_wait3A, %dma_wait3A_187] : memref<32x128xi32, #tpu.memory_space<vmem>> -> memref<1x128xi32, #tpu.memory_space<vmem>>
        %dma_wait3A_189 = tpu.memref_squeeze %dma_wait3A_188 : memref<1x128xi32, #tpu.memory_space<vmem>> -> memref<128xi32, #tpu.memory_space<vmem>>
        %dma_wait3A_190 = arith.constant 0 : i32
        %dma_wait3A_191 = tpu.memref_slice %arg15[%dma_wait3A_190] : memref<50176xf32, #tpu.memory_space<vmem_shared>> -> memref<50176xf32, #tpu.memory_space<vmem_shared>>
        tpu.wait_indirect_dma semaphore(%arg16 : memref<!tpu.dma_semaphore, #tpu.memory_space<semaphore_mem>>) src(%dma_wait3A_186 : memref<128xf32, #tpu.memory_space<vmem>>) dst(%dma_wait3A_191 : memref<50176xf32, #tpu.memory_space<vmem_shared>>)
      } else {
      }
      %jit3A_95 = arith.constant 16 : i32
      %div3A_96 = arith.divsi %while3A_64, %jit3A_95 : i32
      %sign3A_97 = arith.constant 0 : i32
      %sign3A_98 = arith.cmpi sgt, %while3A_64, %sign3A_97 : i32
      %sign3A_99 = arith.extui %sign3A_98 : i1 to i32
      %sign3A_100 = arith.constant 0 : i32
      %sign3A_101 = arith.cmpi slt, %while3A_64, %sign3A_100 : i32
      %sign3A_102 = arith.extui %sign3A_101 : i1 to i32
      %sign3A_103 = arith.subi %sign3A_99, %sign3A_102 : i32
      %sign3A_104 = arith.constant 0 : i32
      %sign3A_105 = arith.cmpi sgt, %jit3A_95, %sign3A_104 : i32
      %sign3A_106 = arith.extui %sign3A_105 : i1 to i32
      %sign3A_107 = arith.constant 0 : i32
      %sign3A_108 = arith.cmpi slt, %jit3A_95, %sign3A_107 : i32
      %sign3A_109 = arith.extui %sign3A_108 : i1 to i32
      %sign3A_110 = arith.subi %sign3A_106, %sign3A_109 : i32
      %ne3A_111 = arith.cmpi ne, %sign3A_103, %sign3A_110 : i32
      %rem3A_112 = arith.remsi %while3A_64, %jit3A_95 : i32
      %ne3A_113 = arith.constant 0 : i32
      %ne3A_114 = arith.cmpi ne, %rem3A_112, %ne3A_113 : i32
      %and3A_115 = arith.andi %ne3A_111, %ne3A_114 : i1
      %sub3A_116 = arith.constant 1 : i32
      %sub3A_117 = arith.subi %div3A_96, %sub3A_116 : i32
      %select_n3A_118 = arith.select %and3A_115, %sub3A_117, %div3A_96 : i32
      %jit3A_119 = arith.constant 2 : i32
      %eq3A_120 = arith.constant 0 : i32
      %eq3A_121 = arith.cmpi eq, %jit3A_119, %eq3A_120 : i32
      %jit3A_122 = arith.constant 1 : i32
      %select_n3A_123 = arith.select %eq3A_121, %jit3A_122, %jit3A_119 : i32
      %rem3A_124 = arith.remsi %select_n3A_118, %select_n3A_123 : i32
      %ne3A_125 = arith.constant 0 : i32
      %ne3A_126 = arith.cmpi ne, %rem3A_124, %ne3A_125 : i32
      %lt3A_127 = arith.constant 0 : i32
      %lt3A_128 = arith.cmpi slt, %rem3A_124, %lt3A_127 : i32
      %lt3A_129 = arith.constant 0 : i32
      %lt3A_130 = arith.cmpi slt, %select_n3A_123, %lt3A_129 : i32
      %ne3A_131 = arith.xori %lt3A_128, %lt3A_130 : i1
      %and3A_132 = arith.andi %ne3A_131, %ne3A_126 : i1
      %add3A_133 = arith.addi %rem3A_124, %select_n3A_123 : i32
      %select_n3A_134 = arith.select %and3A_132, %add3A_133, %rem3A_124 : i32
      %mul3A_135 = arith.constant 16 : i32
      %mul3A_136 = arith.muli %select_n3A_134, %mul3A_135 : i32
      %jit3A_137 = arith.constant 16 : i32
      %eq3A_138 = arith.constant 0 : i32
      %eq3A_139 = arith.cmpi eq, %jit3A_137, %eq3A_138 : i32
      %jit3A_140 = arith.constant 1 : i32
      %select_n3A_141 = arith.select %eq3A_139, %jit3A_140, %jit3A_137 : i32
      %rem3A_142 = arith.remsi %while3A_64, %select_n3A_141 : i32
      %ne3A_143 = arith.constant 0 : i32
      %ne3A_144 = arith.cmpi ne, %rem3A_142, %ne3A_143 : i32
      %lt3A_145 = arith.constant 0 : i32
      %lt3A_146 = arith.cmpi slt, %rem3A_142, %lt3A_145 : i32
      %lt3A_147 = arith.constant 0 : i32
      %lt3A_148 = arith.cmpi slt, %select_n3A_141, %lt3A_147 : i32
      %ne3A_149 = arith.xori %lt3A_146, %lt3A_148 : i1
      %and3A_150 = arith.andi %ne3A_149, %ne3A_144 : i1
      %add3A_151 = arith.addi %rem3A_142, %select_n3A_141 : i32
      %select_n3A_152 = arith.select %and3A_150, %add3A_151, %rem3A_142 : i32
      %add3A_153 = arith.addi %mul3A_136, %select_n3A_152 : i32
      %jit3A_154 = arith.constant 2 : i32
      %eq3A_155 = arith.constant 0 : i32
      %eq3A_156 = arith.cmpi eq, %jit3A_154, %eq3A_155 : i32
      %jit3A_157 = arith.constant 1 : i32
      %select_n3A_158 = arith.select %eq3A_156, %jit3A_157, %jit3A_154 : i32
      %rem3A_159 = arith.remsi %while3A_64, %select_n3A_158 : i32
      %ne3A_160 = arith.constant 0 : i32
      %ne3A_161 = arith.cmpi ne, %rem3A_159, %ne3A_160 : i32
      %lt3A_162 = arith.constant 0 : i32
      %lt3A_163 = arith.cmpi slt, %rem3A_159, %lt3A_162 : i32
      %lt3A_164 = arith.constant 0 : i32
      %lt3A_165 = arith.cmpi slt, %select_n3A_158, %lt3A_164 : i32
      %ne3A_166 = arith.xori %lt3A_163, %lt3A_165 : i1
      %and3A_167 = arith.andi %ne3A_166, %ne3A_161 : i1
      %add3A_168 = arith.addi %rem3A_159, %select_n3A_158 : i32
      %select_n3A_169 = arith.select %and3A_167, %add3A_168, %rem3A_159 : i32
      %mul3A_170 = arith.constant 128 : i32
      %mul3A_171 = arith.muli %select_n3A_169, %mul3A_170 : i32
      %scan3A_172 = arith.constant 0 : i32
      %scan3A_173 = arith.constant 0 : i32
      %scan3A_174 = arith.constant 8 : i32
      %scan3A_175 = arith.addi %scan3A_173, %scan3A_174 : i32
      %scan3A_176 = arith.constant 1 : i32
      %scan3A_177 = scf.for %scan3A_185 = %scan3A_173 to %scan3A_175 step %scan3A_176 iter_args(%scan3A_186 = %scan3A_172) -> (i32)  : i32 {
        %mul3A_187 = arith.constant 16 : i32
        %mul3A_188 = arith.muli %scan3A_185, %mul3A_187 : i32
        %get3A_189 = arith.index_cast %add3A_153 : i32 to index
        %get3A_190 = arith.index_cast %mul3A_188 : i32 to index
        %get3A_191 = tpu.vector_load %arg9[%get3A_189, %get3A_190] {strides = array<i32>} : memref<32x128xi32, #tpu.memory_space<vmem>>, vector<16xi32>,
        %gather3A = tpu.vector_load_idx %arg8[%get3A_191] : memref<50176xf32, #tpu.memory_space<vmem>>[vector<16xi32>], vector<16xf32>,
        %mul3A_192 = arith.constant 16 : i32
        %mul3A_193 = arith.muli %scan3A_185, %mul3A_192 : i32
        %get3A_194 = arith.index_cast %add3A_153 : i32 to index
        %get3A_195 = arith.index_cast %mul3A_193 : i32 to index
        %get3A_196 = tpu.vector_load %arg11[%get3A_194, %get3A_195] {strides = array<i32>} : memref<32x128xf32, #tpu.memory_space<vmem>>, vector<16xf32>,
        %bitcast3A = vector.bitcast %get3A_196 : vector<16xf32> to vector<16xi32>
        %add3A_197 = arith.constant 32767 : i32
        %add3A_198 = vector.broadcast %add3A_197 : i32 to vector<16xi32>
        %add3A_199 = arith.addi %bitcast3A, %add3A_198 : vector<16xi32>
        %shift_right_logical3A = arith.constant 16 : i32
        %shift_right_logical3A_200 = vector.broadcast %shift_right_logical3A : i32 to vector<16xi32>
        %shift_right_logical3A_201 = arith.shrui %bitcast3A, %shift_right_logical3A_200 : vector<16xi32>
        %and3A_202 = arith.constant 1 : i32
        %and3A_203 = vector.broadcast %and3A_202 : i32 to vector<16xi32>
        %and3A_204 = arith.andi %shift_right_logical3A_201, %and3A_203 : vector<16xi32>
        %add3A_205 = arith.addi %add3A_199, %and3A_204 : vector<16xi32>
        %and3A_206 = arith.constant -65536 : i32
        %and3A_207 = vector.broadcast %and3A_206 : i32 to vector<16xi32>
        %and3A_208 = arith.andi %add3A_205, %and3A_207 : vector<16xi32>
        %bitcast3A_209 = vector.bitcast %and3A_208 : vector<16xi32> to vector<16xf32>
        %mul3A_210 = vector.broadcast %squeeze3A : f32 to vector<16xf32>
        %mul3A_211 = arith.mulf %bitcast3A_209, %mul3A_210 : vector<16xf32>
        %add3A_212 = arith.addf %gather3A, %mul3A_211 : vector<16xf32>
        %add3A_213 = vector.broadcast %squeeze3A_12 : f32 to vector<16xf32>
        %add3A_214 = arith.addf %add3A_212, %add3A_213 : vector<16xf32>
        %max3A_215 = arith.constant 0.000000e+00 : f32
        %max3A_216 = vector.broadcast %max3A_215 : f32 to vector<16xf32>
        %max3A_217 = arith.maximumf %add3A_214, %max3A_216 : vector<16xf32>
        %mul3A_218 = arith.constant 16 : i32
        %mul3A_219 = arith.muli %scan3A_185, %mul3A_218 : i32
        %add3A_220 = arith.addi %mul3A_171, %mul3A_219 : i32
        %swap3A = arith.index_cast %add3A_220 : i32 to index
        %swap3A_221 = tpu.vector_load %arg12[%swap3A] {strides = array<i32>} : memref<256xf32, #tpu.memory_space<vmem>>, vector<16xf32>,
        tpu.vector_store %arg12[%swap3A], %max3A_217 {strides = array<i32>} : memref<256xf32, #tpu.memory_space<vmem>>, vector<16xf32>,
        %scan3A_222 = arith.constant 0 : i32
        scf.yield %scan3A_222 : i32
      }
      %scan3A_178 = arith.constant 8 : i32
      %dma_start3A = tpu.memref_slice %arg12[%mul3A_171] : memref<256xf32, #tpu.memory_space<vmem>> -> memref<128xf32, #tpu.memory_space<vmem>>
      %dma_start3A_179 = arith.constant 0 : i32
      %dma_start3A_180 = tpu.memref_slice %arg10[%add3A_153, %dma_start3A_179] : memref<32x128xi32, #tpu.memory_space<vmem>> -> memref<1x128xi32, #tpu.memory_space<vmem>>
      %dma_start3A_181 = tpu.memref_squeeze %dma_start3A_180 : memref<1x128xi32, #tpu.memory_space<vmem>> -> memref<128xi32, #tpu.memory_space<vmem>>
      %dma_start3A_182 = arith.constant 0 : i32
      %dma_start3A_183 = tpu.memref_slice %arg15[%dma_start3A_182] : memref<50176xf32, #tpu.memory_space<vmem_shared>> -> memref<50176xf32, #tpu.memory_space<vmem_shared>>
      tpu.enqueue_indirect_dma source(%dma_start3A : memref<128xf32, #tpu.memory_space<vmem>>) target(%dma_start3A_183 : memref<50176xf32, #tpu.memory_space<vmem_shared>>) offsets(%dma_start3A_181 : memref<128xi32, #tpu.memory_space<vmem>>) semaphore(%arg16 : memref<!tpu.dma_semaphore, #tpu.memory_space<semaphore_mem>>) {add = true}
      %while3A_184 = arith.constant 0 : i32
      scf.yield %while3A_184 : i32
    }
    %while3A_48 = arith.constant 1 : i32
    %while3A_49 = scf.for %while3A_64 = %while3A_45 to %while3A_41 step %while3A_48 iter_args(%while3A_65 = %while3A_47) -> (i32)  : i32 {
      %add3A_66 = arith.constant 1 : i32
      %add3A_67 = arith.addi %while3A_64, %add3A_66 : i32
      %lt3A = arith.cmpi slt, %add3A_67, %min3A_36 : i32
      %jit3A_68 = arith.constant 16 : i32
      %eq3A_69 = arith.constant 0 : i32
      %eq3A_70 = arith.cmpi eq, %jit3A_68, %eq3A_69 : i32
      %jit3A_71 = arith.constant 1 : i32
      %select_n3A_72 = arith.select %eq3A_70, %jit3A_71, %jit3A_68 : i32
      %rem3A_73 = arith.remsi %add3A_67, %select_n3A_72 : i32
      %ne3A_74 = arith.constant 0 : i32
      %ne3A_75 = arith.cmpi ne, %rem3A_73, %ne3A_74 : i32
      %lt3A_76 = arith.constant 0 : i32
      %lt3A_77 = arith.cmpi slt, %rem3A_73, %lt3A_76 : i32
      %lt3A_78 = arith.constant 0 : i32
      %lt3A_79 = arith.cmpi slt, %select_n3A_72, %lt3A_78 : i32
      %ne3A_80 = arith.xori %lt3A_77, %lt3A_79 : i1
      %and3A_81 = arith.andi %ne3A_80, %ne3A_75 : i1
      %add3A_82 = arith.addi %rem3A_73, %select_n3A_72 : i32
      %select_n3A_83 = arith.select %and3A_81, %add3A_82, %rem3A_73 : i32
      %eq3A_84 = arith.constant 0 : i32
      %eq3A_85 = arith.cmpi eq, %select_n3A_83, %eq3A_84 : i32
      %and3A_86 = arith.andi %lt3A, %eq3A_85 : i1
      %convert_element_type3A_87 = arith.extui %and3A_86 : i1 to i32
      %cond3A_88 = arith.constant 0 : i32
      %cond3A_89 = arith.cmpi ne, %convert_element_type3A_87, %cond3A_88 : i32
      scf.if %cond3A_89 {
        %jit3A_185 = arith.constant 16 : i32
        %div3A_186 = arith.divsi %add3A_67, %jit3A_185 : i32
        %sign3A_187 = arith.constant 0 : i32
        %sign3A_188 = arith.cmpi sgt, %add3A_67, %sign3A_187 : i32
        %sign3A_189 = arith.extui %sign3A_188 : i1 to i32
        %sign3A_190 = arith.constant 0 : i32
        %sign3A_191 = arith.cmpi slt, %add3A_67, %sign3A_190 : i32
        %sign3A_192 = arith.extui %sign3A_191 : i1 to i32
        %sign3A_193 = arith.subi %sign3A_189, %sign3A_192 : i32
        %sign3A_194 = arith.constant 0 : i32
        %sign3A_195 = arith.cmpi sgt, %jit3A_185, %sign3A_194 : i32
        %sign3A_196 = arith.extui %sign3A_195 : i1 to i32
        %sign3A_197 = arith.constant 0 : i32
        %sign3A_198 = arith.cmpi slt, %jit3A_185, %sign3A_197 : i32
        %sign3A_199 = arith.extui %sign3A_198 : i1 to i32
        %sign3A_200 = arith.subi %sign3A_196, %sign3A_199 : i32
        %ne3A_201 = arith.cmpi ne, %sign3A_193, %sign3A_200 : i32
        %rem3A_202 = arith.remsi %add3A_67, %jit3A_185 : i32
        %ne3A_203 = arith.constant 0 : i32
        %ne3A_204 = arith.cmpi ne, %rem3A_202, %ne3A_203 : i32
        %and3A_205 = arith.andi %ne3A_201, %ne3A_204 : i1
        %sub3A_206 = arith.constant 1 : i32
        %sub3A_207 = arith.subi %div3A_186, %sub3A_206 : i32
        %select_n3A_208 = arith.select %and3A_205, %sub3A_207, %div3A_186 : i32
        %jit3A_209 = arith.constant 2 : i32
        %eq3A_210 = arith.constant 0 : i32
        %eq3A_211 = arith.cmpi eq, %jit3A_209, %eq3A_210 : i32
        %jit3A_212 = arith.constant 1 : i32
        %select_n3A_213 = arith.select %eq3A_211, %jit3A_212, %jit3A_209 : i32
        %rem3A_214 = arith.remsi %select_n3A_208, %select_n3A_213 : i32
        %ne3A_215 = arith.constant 0 : i32
        %ne3A_216 = arith.cmpi ne, %rem3A_214, %ne3A_215 : i32
        %lt3A_217 = arith.constant 0 : i32
        %lt3A_218 = arith.cmpi slt, %rem3A_214, %lt3A_217 : i32
        %lt3A_219 = arith.constant 0 : i32
        %lt3A_220 = arith.cmpi slt, %select_n3A_213, %lt3A_219 : i32
        %ne3A_221 = arith.xori %lt3A_218, %lt3A_220 : i1
        %and3A_222 = arith.andi %ne3A_221, %ne3A_216 : i1
        %add3A_223 = arith.addi %rem3A_214, %select_n3A_213 : i32
        %select_n3A_224 = arith.select %and3A_222, %add3A_223, %rem3A_214 : i32
        %mul3A_225 = arith.constant 16 : i32
        %mul3A_226 = arith.muli %select_n3A_224, %mul3A_225 : i32
        %mul3A_227 = arith.constant 16 : i32
        %mul3A_228 = arith.muli %select_n3A_208, %mul3A_227 : i32
        %add3A_229 = arith.addi %mul3A_14, %mul3A_228 : i32
        "tpu.region"() ({
          %run_scoped3A = tpu.sem_alloc : memref<!tpu.dma_semaphore, #tpu.memory_space<semaphore_mem>>
          %dma_start3A_236 = arith.constant 0 : i32
          %dma_start3A_237 = tpu.memref_slice %arg9[%mul3A_226, %dma_start3A_236] : memref<32x128xi32, #tpu.memory_space<vmem>> -> memref<16x128xi32, #tpu.memory_space<vmem>>
          %dma_start3A_238 = arith.constant 0 : i32
          %dma_start3A_239 = tpu.memref_slice %arg3[%add3A_229, %dma_start3A_238] : memref<6408x128xi32, #tpu.memory_space<hbm>> -> memref<16x128xi32, #tpu.memory_space<hbm>>
          %dma_start3A_240 = arith.constant 0 : i32
          %dma_start3A_241 = tpu.memref_slice %arg9[%mul3A_226, %dma_start3A_240] : memref<32x128xi32, #tpu.memory_space<vmem>> -> memref<16x128xi32, #tpu.memory_space<vmem>>
          %dma_start3A_242 = arith.constant 0 : i32
          %dma_start3A_243 = tpu.memref_slice %arg3[%add3A_229, %dma_start3A_242] : memref<6408x128xi32, #tpu.memory_space<hbm>> -> memref<16x128xi32, #tpu.memory_space<hbm>>
          tpu.enqueue_dma source(%dma_start3A_243 : memref<16x128xi32, #tpu.memory_space<hbm>>) target(%dma_start3A_241 : memref<16x128xi32, #tpu.memory_space<vmem>>) target_semaphore(%run_scoped3A : memref<!tpu.dma_semaphore, #tpu.memory_space<semaphore_mem>>)
          %dma_wait3A = arith.constant 0 : i32
          %dma_wait3A_244 = tpu.memref_slice %arg9[%mul3A_226, %dma_wait3A] : memref<32x128xi32, #tpu.memory_space<vmem>> -> memref<16x128xi32, #tpu.memory_space<vmem>>
          %dma_wait3A_245 = arith.constant 0 : i32
          %dma_wait3A_246 = tpu.memref_slice %arg3[%add3A_229, %dma_wait3A_245] : memref<6408x128xi32, #tpu.memory_space<hbm>> -> memref<16x128xi32, #tpu.memory_space<hbm>>
          %dma_wait3A_247 = arith.constant 0 : i32
          %dma_wait3A_248 = tpu.memref_slice %arg9[%mul3A_226, %dma_wait3A_247] : memref<32x128xi32, #tpu.memory_space<vmem>> -> memref<16x128xi32, #tpu.memory_space<vmem>>
          %dma_wait3A_249 = arith.constant 0 : i32
          %dma_wait3A_250 = tpu.memref_slice %arg3[%add3A_229, %dma_wait3A_249] : memref<6408x128xi32, #tpu.memory_space<hbm>> -> memref<16x128xi32, #tpu.memory_space<hbm>>
          tpu.wait_dma2 semaphore(%run_scoped3A : memref<!tpu.dma_semaphore, #tpu.memory_space<semaphore_mem>>) src(%dma_wait3A_250 : memref<16x128xi32, #tpu.memory_space<hbm>>) dst(%dma_wait3A_248 : memref<16x128xi32, #tpu.memory_space<vmem>>)
          tpu.yield
        }) : () -> ()
        %mul3A_230 = arith.constant 16 : i32
        %mul3A_231 = arith.muli %select_n3A_208, %mul3A_230 : i32
        %add3A_232 = arith.addi %mul3A_14, %mul3A_231 : i32
        "tpu.region"() ({
          %run_scoped3A = tpu.sem_alloc : memref<!tpu.dma_semaphore, #tpu.memory_space<semaphore_mem>>
          %dma_start3A_236 = arith.constant 0 : i32
          %dma_start3A_237 = tpu.memref_slice %arg10[%mul3A_226, %dma_start3A_236] : memref<32x128xi32, #tpu.memory_space<vmem>> -> memref<16x128xi32, #tpu.memory_space<vmem>>
          %dma_start3A_238 = arith.constant 0 : i32
          %dma_start3A_239 = tpu.memref_slice %arg4[%add3A_232, %dma_start3A_238] : memref<6408x128xi32, #tpu.memory_space<hbm>> -> memref<16x128xi32, #tpu.memory_space<hbm>>
          %dma_start3A_240 = arith.constant 0 : i32
          %dma_start3A_241 = tpu.memref_slice %arg10[%mul3A_226, %dma_start3A_240] : memref<32x128xi32, #tpu.memory_space<vmem>> -> memref<16x128xi32, #tpu.memory_space<vmem>>
          %dma_start3A_242 = arith.constant 0 : i32
          %dma_start3A_243 = tpu.memref_slice %arg4[%add3A_232, %dma_start3A_242] : memref<6408x128xi32, #tpu.memory_space<hbm>> -> memref<16x128xi32, #tpu.memory_space<hbm>>
          tpu.enqueue_dma source(%dma_start3A_243 : memref<16x128xi32, #tpu.memory_space<hbm>>) target(%dma_start3A_241 : memref<16x128xi32, #tpu.memory_space<vmem>>) target_semaphore(%run_scoped3A : memref<!tpu.dma_semaphore, #tpu.memory_space<semaphore_mem>>)
          %dma_wait3A = arith.constant 0 : i32
          %dma_wait3A_244 = tpu.memref_slice %arg10[%mul3A_226, %dma_wait3A] : memref<32x128xi32, #tpu.memory_space<vmem>> -> memref<16x128xi32, #tpu.memory_space<vmem>>
          %dma_wait3A_245 = arith.constant 0 : i32
          %dma_wait3A_246 = tpu.memref_slice %arg4[%add3A_232, %dma_wait3A_245] : memref<6408x128xi32, #tpu.memory_space<hbm>> -> memref<16x128xi32, #tpu.memory_space<hbm>>
          %dma_wait3A_247 = arith.constant 0 : i32
          %dma_wait3A_248 = tpu.memref_slice %arg10[%mul3A_226, %dma_wait3A_247] : memref<32x128xi32, #tpu.memory_space<vmem>> -> memref<16x128xi32, #tpu.memory_space<vmem>>
          %dma_wait3A_249 = arith.constant 0 : i32
          %dma_wait3A_250 = tpu.memref_slice %arg4[%add3A_232, %dma_wait3A_249] : memref<6408x128xi32, #tpu.memory_space<hbm>> -> memref<16x128xi32, #tpu.memory_space<hbm>>
          tpu.wait_dma2 semaphore(%run_scoped3A : memref<!tpu.dma_semaphore, #tpu.memory_space<semaphore_mem>>) src(%dma_wait3A_250 : memref<16x128xi32, #tpu.memory_space<hbm>>) dst(%dma_wait3A_248 : memref<16x128xi32, #tpu.memory_space<vmem>>)
          tpu.yield
        }) : () -> ()
        %mul3A_233 = arith.constant 16 : i32
        %mul3A_234 = arith.muli %select_n3A_208, %mul3A_233 : i32
        %add3A_235 = arith.addi %mul3A_14, %mul3A_234 : i32
        "tpu.region"() ({
          %run_scoped3A = tpu.sem_alloc : memref<!tpu.dma_semaphore, #tpu.memory_space<semaphore_mem>>
          %dma_start3A_236 = arith.constant 0 : i32
          %dma_start3A_237 = tpu.memref_slice %arg11[%mul3A_226, %dma_start3A_236] : memref<32x128xf32, #tpu.memory_space<vmem>> -> memref<16x128xf32, #tpu.memory_space<vmem>>
          %dma_start3A_238 = arith.constant 0 : i32
          %dma_start3A_239 = tpu.memref_slice %arg5[%add3A_235, %dma_start3A_238] : memref<6408x128xf32, #tpu.memory_space<hbm>> -> memref<16x128xf32, #tpu.memory_space<hbm>>
          %dma_start3A_240 = arith.constant 0 : i32
          %dma_start3A_241 = tpu.memref_slice %arg11[%mul3A_226, %dma_start3A_240] : memref<32x128xf32, #tpu.memory_space<vmem>> -> memref<16x128xf32, #tpu.memory_space<vmem>>
          %dma_start3A_242 = arith.constant 0 : i32
          %dma_start3A_243 = tpu.memref_slice %arg5[%add3A_235, %dma_start3A_242] : memref<6408x128xf32, #tpu.memory_space<hbm>> -> memref<16x128xf32, #tpu.memory_space<hbm>>
          tpu.enqueue_dma source(%dma_start3A_243 : memref<16x128xf32, #tpu.memory_space<hbm>>) target(%dma_start3A_241 : memref<16x128xf32, #tpu.memory_space<vmem>>) target_semaphore(%run_scoped3A : memref<!tpu.dma_semaphore, #tpu.memory_space<semaphore_mem>>)
          %dma_wait3A = arith.constant 0 : i32
          %dma_wait3A_244 = tpu.memref_slice %arg11[%mul3A_226, %dma_wait3A] : memref<32x128xf32, #tpu.memory_space<vmem>> -> memref<16x128xf32, #tpu.memory_space<vmem>>
          %dma_wait3A_245 = arith.constant 0 : i32
          %dma_wait3A_246 = tpu.memref_slice %arg5[%add3A_235, %dma_wait3A_245] : memref<6408x128xf32, #tpu.memory_space<hbm>> -> memref<16x128xf32, #tpu.memory_space<hbm>>
          %dma_wait3A_247 = arith.constant 0 : i32
          %dma_wait3A_248 = tpu.memref_slice %arg11[%mul3A_226, %dma_wait3A_247] : memref<32x128xf32, #tpu.memory_space<vmem>> -> memref<16x128xf32, #tpu.memory_space<vmem>>
          %dma_wait3A_249 = arith.constant 0 : i32
          %dma_wait3A_250 = tpu.memref_slice %arg5[%add3A_235, %dma_wait3A_249] : memref<6408x128xf32, #tpu.memory_space<hbm>> -> memref<16x128xf32, #tpu.memory_space<hbm>>
          tpu.wait_dma2 semaphore(%run_scoped3A : memref<!tpu.dma_semaphore, #tpu.memory_space<semaphore_mem>>) src(%dma_wait3A_250 : memref<16x128xf32, #tpu.memory_space<hbm>>) dst(%dma_wait3A_248 : memref<16x128xf32, #tpu.memory_space<vmem>>)
          tpu.yield
        }) : () -> ()
      } else {
      }
      %ge3A_90 = arith.constant 2 : i32
      %ge3A_91 = arith.cmpi sge, %while3A_64, %ge3A_90 : i32
      %convert_element_type3A_92 = arith.extui %ge3A_91 : i1 to i32
      %cond3A_93 = arith.constant 0 : i32
      %cond3A_94 = arith.cmpi ne, %convert_element_type3A_92, %cond3A_93 : i32
      scf.if %cond3A_94 {
        %dma_wait3A = arith.constant 0 : i32
        %dma_wait3A_185 = arith.constant 0 : i32
        %dma_wait3A_186 = tpu.memref_slice %arg12[%dma_wait3A_185] : memref<256xf32, #tpu.memory_space<vmem>> -> memref<128xf32, #tpu.memory_space<vmem>>
        %dma_wait3A_187 = arith.constant 0 : i32
        %dma_wait3A_188 = tpu.memref_slice %arg10[%dma_wait3A, %dma_wait3A_187] : memref<32x128xi32, #tpu.memory_space<vmem>> -> memref<1x128xi32, #tpu.memory_space<vmem>>
        %dma_wait3A_189 = tpu.memref_squeeze %dma_wait3A_188 : memref<1x128xi32, #tpu.memory_space<vmem>> -> memref<128xi32, #tpu.memory_space<vmem>>
        %dma_wait3A_190 = arith.constant 0 : i32
        %dma_wait3A_191 = tpu.memref_slice %arg15[%dma_wait3A_190] : memref<50176xf32, #tpu.memory_space<vmem_shared>> -> memref<50176xf32, #tpu.memory_space<vmem_shared>>
        tpu.wait_indirect_dma semaphore(%arg16 : memref<!tpu.dma_semaphore, #tpu.memory_space<semaphore_mem>>) src(%dma_wait3A_186 : memref<128xf32, #tpu.memory_space<vmem>>) dst(%dma_wait3A_191 : memref<50176xf32, #tpu.memory_space<vmem_shared>>)
      } else {
      }
      %jit3A_95 = arith.constant 16 : i32
      %div3A_96 = arith.divsi %while3A_64, %jit3A_95 : i32
      %sign3A_97 = arith.constant 0 : i32
      %sign3A_98 = arith.cmpi sgt, %while3A_64, %sign3A_97 : i32
      %sign3A_99 = arith.extui %sign3A_98 : i1 to i32
      %sign3A_100 = arith.constant 0 : i32
      %sign3A_101 = arith.cmpi slt, %while3A_64, %sign3A_100 : i32
      %sign3A_102 = arith.extui %sign3A_101 : i1 to i32
      %sign3A_103 = arith.subi %sign3A_99, %sign3A_102 : i32
      %sign3A_104 = arith.constant 0 : i32
      %sign3A_105 = arith.cmpi sgt, %jit3A_95, %sign3A_104 : i32
      %sign3A_106 = arith.extui %sign3A_105 : i1 to i32
      %sign3A_107 = arith.constant 0 : i32
      %sign3A_108 = arith.cmpi slt, %jit3A_95, %sign3A_107 : i32
      %sign3A_109 = arith.extui %sign3A_108 : i1 to i32
      %sign3A_110 = arith.subi %sign3A_106, %sign3A_109 : i32
      %ne3A_111 = arith.cmpi ne, %sign3A_103, %sign3A_110 : i32
      %rem3A_112 = arith.remsi %while3A_64, %jit3A_95 : i32
      %ne3A_113 = arith.constant 0 : i32
      %ne3A_114 = arith.cmpi ne, %rem3A_112, %ne3A_113 : i32
      %and3A_115 = arith.andi %ne3A_111, %ne3A_114 : i1
      %sub3A_116 = arith.constant 1 : i32
      %sub3A_117 = arith.subi %div3A_96, %sub3A_116 : i32
      %select_n3A_118 = arith.select %and3A_115, %sub3A_117, %div3A_96 : i32
      %jit3A_119 = arith.constant 2 : i32
      %eq3A_120 = arith.constant 0 : i32
      %eq3A_121 = arith.cmpi eq, %jit3A_119, %eq3A_120 : i32
      %jit3A_122 = arith.constant 1 : i32
      %select_n3A_123 = arith.select %eq3A_121, %jit3A_122, %jit3A_119 : i32
      %rem3A_124 = arith.remsi %select_n3A_118, %select_n3A_123 : i32
      %ne3A_125 = arith.constant 0 : i32
      %ne3A_126 = arith.cmpi ne, %rem3A_124, %ne3A_125 : i32
      %lt3A_127 = arith.constant 0 : i32
      %lt3A_128 = arith.cmpi slt, %rem3A_124, %lt3A_127 : i32
      %lt3A_129 = arith.constant 0 : i32
      %lt3A_130 = arith.cmpi slt, %select_n3A_123, %lt3A_129 : i32
      %ne3A_131 = arith.xori %lt3A_128, %lt3A_130 : i1
      %and3A_132 = arith.andi %ne3A_131, %ne3A_126 : i1
      %add3A_133 = arith.addi %rem3A_124, %select_n3A_123 : i32
      %select_n3A_134 = arith.select %and3A_132, %add3A_133, %rem3A_124 : i32
      %mul3A_135 = arith.constant 16 : i32
      %mul3A_136 = arith.muli %select_n3A_134, %mul3A_135 : i32
      %jit3A_137 = arith.constant 16 : i32
      %eq3A_138 = arith.constant 0 : i32
      %eq3A_139 = arith.cmpi eq, %jit3A_137, %eq3A_138 : i32
      %jit3A_140 = arith.constant 1 : i32
      %select_n3A_141 = arith.select %eq3A_139, %jit3A_140, %jit3A_137 : i32
      %rem3A_142 = arith.remsi %while3A_64, %select_n3A_141 : i32
      %ne3A_143 = arith.constant 0 : i32
      %ne3A_144 = arith.cmpi ne, %rem3A_142, %ne3A_143 : i32
      %lt3A_145 = arith.constant 0 : i32
      %lt3A_146 = arith.cmpi slt, %rem3A_142, %lt3A_145 : i32
      %lt3A_147 = arith.constant 0 : i32
      %lt3A_148 = arith.cmpi slt, %select_n3A_141, %lt3A_147 : i32
      %ne3A_149 = arith.xori %lt3A_146, %lt3A_148 : i1
      %and3A_150 = arith.andi %ne3A_149, %ne3A_144 : i1
      %add3A_151 = arith.addi %rem3A_142, %select_n3A_141 : i32
      %select_n3A_152 = arith.select %and3A_150, %add3A_151, %rem3A_142 : i32
      %add3A_153 = arith.addi %mul3A_136, %select_n3A_152 : i32
      %jit3A_154 = arith.constant 2 : i32
      %eq3A_155 = arith.constant 0 : i32
      %eq3A_156 = arith.cmpi eq, %jit3A_154, %eq3A_155 : i32
      %jit3A_157 = arith.constant 1 : i32
      %select_n3A_158 = arith.select %eq3A_156, %jit3A_157, %jit3A_154 : i32
      %rem3A_159 = arith.remsi %while3A_64, %select_n3A_158 : i32
      %ne3A_160 = arith.constant 0 : i32
      %ne3A_161 = arith.cmpi ne, %rem3A_159, %ne3A_160 : i32
      %lt3A_162 = arith.constant 0 : i32
      %lt3A_163 = arith.cmpi slt, %rem3A_159, %lt3A_162 : i32
      %lt3A_164 = arith.constant 0 : i32
      %lt3A_165 = arith.cmpi slt, %select_n3A_158, %lt3A_164 : i32
      %ne3A_166 = arith.xori %lt3A_163, %lt3A_165 : i1
      %and3A_167 = arith.andi %ne3A_166, %ne3A_161 : i1
      %add3A_168 = arith.addi %rem3A_159, %select_n3A_158 : i32
      %select_n3A_169 = arith.select %and3A_167, %add3A_168, %rem3A_159 : i32
      %mul3A_170 = arith.constant 128 : i32
      %mul3A_171 = arith.muli %select_n3A_169, %mul3A_170 : i32
      %scan3A_172 = arith.constant 0 : i32
      %scan3A_173 = arith.constant 0 : i32
      %scan3A_174 = arith.constant 8 : i32
      %scan3A_175 = arith.addi %scan3A_173, %scan3A_174 : i32
      %scan3A_176 = arith.constant 1 : i32
      %scan3A_177 = scf.for %scan3A_185 = %scan3A_173 to %scan3A_175 step %scan3A_176 iter_args(%scan3A_186 = %scan3A_172) -> (i32)  : i32 {
        %mul3A_187 = arith.constant 16 : i32
        %mul3A_188 = arith.muli %scan3A_185, %mul3A_187 : i32
        %get3A_189 = arith.index_cast %add3A_153 : i32 to index
        %get3A_190 = arith.index_cast %mul3A_188 : i32 to index
        %get3A_191 = tpu.vector_load %arg9[%get3A_189, %get3A_190] {strides = array<i32>} : memref<32x128xi32, #tpu.memory_space<vmem>>, vector<16xi32>,
        %gather3A = tpu.vector_load_idx %arg8[%get3A_191] : memref<50176xf32, #tpu.memory_space<vmem>>[vector<16xi32>], vector<16xf32>,
        %mul3A_192 = arith.constant 16 : i32
        %mul3A_193 = arith.muli %scan3A_185, %mul3A_192 : i32
        %get3A_194 = arith.index_cast %add3A_153 : i32 to index
        %get3A_195 = arith.index_cast %mul3A_193 : i32 to index
        %get3A_196 = tpu.vector_load %arg11[%get3A_194, %get3A_195] {strides = array<i32>} : memref<32x128xf32, #tpu.memory_space<vmem>>, vector<16xf32>,
        %bitcast3A = vector.bitcast %get3A_196 : vector<16xf32> to vector<16xi32>
        %add3A_197 = arith.constant 32767 : i32
        %add3A_198 = vector.broadcast %add3A_197 : i32 to vector<16xi32>
        %add3A_199 = arith.addi %bitcast3A, %add3A_198 : vector<16xi32>
        %shift_right_logical3A = arith.constant 16 : i32
        %shift_right_logical3A_200 = vector.broadcast %shift_right_logical3A : i32 to vector<16xi32>
        %shift_right_logical3A_201 = arith.shrui %bitcast3A, %shift_right_logical3A_200 : vector<16xi32>
        %and3A_202 = arith.constant 1 : i32
        %and3A_203 = vector.broadcast %and3A_202 : i32 to vector<16xi32>
        %and3A_204 = arith.andi %shift_right_logical3A_201, %and3A_203 : vector<16xi32>
        %add3A_205 = arith.addi %add3A_199, %and3A_204 : vector<16xi32>
        %and3A_206 = arith.constant -65536 : i32
        %and3A_207 = vector.broadcast %and3A_206 : i32 to vector<16xi32>
        %and3A_208 = arith.andi %add3A_205, %and3A_207 : vector<16xi32>
        %bitcast3A_209 = vector.bitcast %and3A_208 : vector<16xi32> to vector<16xf32>
        %mul3A_210 = vector.broadcast %squeeze3A : f32 to vector<16xf32>
        %mul3A_211 = arith.mulf %bitcast3A_209, %mul3A_210 : vector<16xf32>
        %add3A_212 = arith.addf %gather3A, %mul3A_211 : vector<16xf32>
        %add3A_213 = vector.broadcast %squeeze3A_12 : f32 to vector<16xf32>
        %add3A_214 = arith.addf %add3A_212, %add3A_213 : vector<16xf32>
        %max3A_215 = arith.constant 0.000000e+00 : f32
        %max3A_216 = vector.broadcast %max3A_215 : f32 to vector<16xf32>
        %max3A_217 = arith.maximumf %add3A_214, %max3A_216 : vector<16xf32>
        %mul3A_218 = arith.constant 16 : i32
        %mul3A_219 = arith.muli %scan3A_185, %mul3A_218 : i32
        %add3A_220 = arith.addi %mul3A_171, %mul3A_219 : i32
        %swap3A = arith.index_cast %add3A_220 : i32 to index
        %swap3A_221 = tpu.vector_load %arg12[%swap3A] {strides = array<i32>} : memref<256xf32, #tpu.memory_space<vmem>>, vector<16xf32>,
        tpu.vector_store %arg12[%swap3A], %max3A_217 {strides = array<i32>} : memref<256xf32, #tpu.memory_space<vmem>>, vector<16xf32>,
        %scan3A_222 = arith.constant 0 : i32
        scf.yield %scan3A_222 : i32
      }
      %scan3A_178 = arith.constant 8 : i32
      %dma_start3A = tpu.memref_slice %arg12[%mul3A_171] : memref<256xf32, #tpu.memory_space<vmem>> -> memref<128xf32, #tpu.memory_space<vmem>>
      %dma_start3A_179 = arith.constant 0 : i32
      %dma_start3A_180 = tpu.memref_slice %arg10[%add3A_153, %dma_start3A_179] : memref<32x128xi32, #tpu.memory_space<vmem>> -> memref<1x128xi32, #tpu.memory_space<vmem>>
      %dma_start3A_181 = tpu.memref_squeeze %dma_start3A_180 : memref<1x128xi32, #tpu.memory_space<vmem>> -> memref<128xi32, #tpu.memory_space<vmem>>
      %dma_start3A_182 = arith.constant 0 : i32
      %dma_start3A_183 = tpu.memref_slice %arg15[%dma_start3A_182] : memref<50176xf32, #tpu.memory_space<vmem_shared>> -> memref<50176xf32, #tpu.memory_space<vmem_shared>>
      tpu.enqueue_indirect_dma source(%dma_start3A : memref<128xf32, #tpu.memory_space<vmem>>) target(%dma_start3A_183 : memref<50176xf32, #tpu.memory_space<vmem_shared>>) offsets(%dma_start3A_181 : memref<128xi32, #tpu.memory_space<vmem>>) semaphore(%arg16 : memref<!tpu.dma_semaphore, #tpu.memory_space<semaphore_mem>>) {add = true}
      %while3A_184 = arith.constant 0 : i32
      scf.yield %while3A_184 : i32
    }
    %ge3A = arith.constant 1 : i32
    %ge3A_50 = arith.cmpi sge, %min3A_36, %ge3A : i32
    %convert_element_type3A_51 = arith.extui %ge3A_50 : i1 to i32
    %cond3A_52 = arith.constant 0 : i32
    %cond3A_53 = arith.cmpi ne, %convert_element_type3A_51, %cond3A_52 : i32
    scf.if %cond3A_53 {
      %dma_wait3A = arith.constant 0 : i32
      %dma_wait3A_64 = arith.constant 0 : i32
      %dma_wait3A_65 = tpu.memref_slice %arg12[%dma_wait3A_64] : memref<256xf32, #tpu.memory_space<vmem>> -> memref<128xf32, #tpu.memory_space<vmem>>
      %dma_wait3A_66 = arith.constant 0 : i32
      %dma_wait3A_67 = tpu.memref_slice %arg10[%dma_wait3A, %dma_wait3A_66] : memref<32x128xi32, #tpu.memory_space<vmem>> -> memref<1x128xi32, #tpu.memory_space<vmem>>
      %dma_wait3A_68 = tpu.memref_squeeze %dma_wait3A_67 : memref<1x128xi32, #tpu.memory_space<vmem>> -> memref<128xi32, #tpu.memory_space<vmem>>
      %dma_wait3A_69 = arith.constant 0 : i32
      %dma_wait3A_70 = tpu.memref_slice %arg15[%dma_wait3A_69] : memref<50176xf32, #tpu.memory_space<vmem_shared>> -> memref<50176xf32, #tpu.memory_space<vmem_shared>>
      tpu.wait_indirect_dma semaphore(%arg16 : memref<!tpu.dma_semaphore, #tpu.memory_space<semaphore_mem>>) src(%dma_wait3A_65 : memref<128xf32, #tpu.memory_space<vmem>>) dst(%dma_wait3A_70 : memref<50176xf32, #tpu.memory_space<vmem_shared>>)
    } else {
    }
    %ge3A_54 = arith.constant 2 : i32
    %ge3A_55 = arith.cmpi sge, %min3A_36, %ge3A_54 : i32
    %convert_element_type3A_56 = arith.extui %ge3A_55 : i1 to i32
    %cond3A_57 = arith.constant 0 : i32
    %cond3A_58 = arith.cmpi ne, %convert_element_type3A_56, %cond3A_57 : i32
    scf.if %cond3A_58 {
      %dma_wait3A = arith.constant 0 : i32
      %dma_wait3A_64 = arith.constant 0 : i32
      %dma_wait3A_65 = tpu.memref_slice %arg12[%dma_wait3A_64] : memref<256xf32, #tpu.memory_space<vmem>> -> memref<128xf32, #tpu.memory_space<vmem>>
      %dma_wait3A_66 = arith.constant 0 : i32
      %dma_wait3A_67 = tpu.memref_slice %arg10[%dma_wait3A, %dma_wait3A_66] : memref<32x128xi32, #tpu.memory_space<vmem>> -> memref<1x128xi32, #tpu.memory_space<vmem>>
      %dma_wait3A_68 = tpu.memref_squeeze %dma_wait3A_67 : memref<1x128xi32, #tpu.memory_space<vmem>> -> memref<128xi32, #tpu.memory_space<vmem>>
      %dma_wait3A_69 = arith.constant 0 : i32
      %dma_wait3A_70 = tpu.memref_slice %arg15[%dma_wait3A_69] : memref<50176xf32, #tpu.memory_space<vmem_shared>> -> memref<50176xf32, #tpu.memory_space<vmem_shared>>
      tpu.wait_indirect_dma semaphore(%arg16 : memref<!tpu.dma_semaphore, #tpu.memory_space<semaphore_mem>>) src(%dma_wait3A_65 : memref<128xf32, #tpu.memory_space<vmem>>) dst(%dma_wait3A_70 : memref<50176xf32, #tpu.memory_space<vmem_shared>>)
    } else {
    }
    %barrier3A_59 = arith.constant 0 : index
    tpu.barrier barrier_id(%barrier3A_59)
    %eq3A = arith.constant 0 : i32
    %eq3A_60 = arith.cmpi eq, %arg1, %eq3A : i32
    %convert_element_type3A_61 = arith.extui %eq3A_60 : i1 to i32
    %cond3A_62 = arith.constant 0 : i32
    %cond3A_63 = arith.cmpi ne, %convert_element_type3A_61, %cond3A_62 : i32
    scf.if %cond3A_63 {
      "tpu.region"() ({
        %run_scoped3A = tpu.sem_alloc : memref<!tpu.dma_semaphore, #tpu.memory_space<semaphore_mem>>
        %dma_start3A = arith.constant 0 : i32
        %dma_start3A_64 = tpu.memref_slice %arg7[%arg0, %dma_start3A] : memref<2x50176xf32, #tpu.memory_space<hbm>> -> memref<1x50176xf32, #tpu.memory_space<hbm>>
        %dma_start3A_65 = tpu.memref_squeeze %dma_start3A_64 : memref<1x50176xf32, #tpu.memory_space<hbm>> -> memref<50176xf32, #tpu.memory_space<hbm>>
        tpu.enqueue_dma source(%arg15 : memref<50176xf32, #tpu.memory_space<vmem_shared>>) target(%dma_start3A_65 : memref<50176xf32, #tpu.memory_space<hbm>>) target_semaphore(%run_scoped3A : memref<!tpu.dma_semaphore, #tpu.memory_space<semaphore_mem>>)
        %dma_wait3A = arith.constant 0 : i32
        %dma_wait3A_66 = tpu.memref_slice %arg7[%arg0, %dma_wait3A] : memref<2x50176xf32, #tpu.memory_space<hbm>> -> memref<1x50176xf32, #tpu.memory_space<hbm>>
        %dma_wait3A_67 = tpu.memref_squeeze %dma_wait3A_66 : memref<1x50176xf32, #tpu.memory_space<hbm>> -> memref<50176xf32, #tpu.memory_space<hbm>>
        tpu.wait_dma2 semaphore(%run_scoped3A : memref<!tpu.dma_semaphore, #tpu.memory_space<semaphore_mem>>) src(%arg15 : memref<50176xf32, #tpu.memory_space<vmem_shared>>) dst(%dma_wait3A_67 : memref<50176xf32, #tpu.memory_space<hbm>>)
        tpu.yield
      }) : () -> ()
    } else {
    }
    return
  }
}

#map = affine_map<(d0, d1) -> (0, 0)>
module attributes {stable_mosaic.version = 14 : i64} {
  func.func @k(%arg0: i32, %arg1: i32, %arg2: memref<50000x128xf32, #tpu.memory_space<hbm>>, %arg3: memref<6408x128xi32, #tpu.memory_space<hbm>>, %arg4: memref<6408x128xi32, #tpu.memory_space<hbm>>, %arg5: memref<6408x128xf32, #tpu.memory_space<hbm>>, %arg6: memref<128x16xf32, #tpu.memory_space<hbm>>, %arg7: memref<128x16xf32, #tpu.memory_space<hbm>>, %arg8: memref<128x16xf32, #tpu.memory_space<hbm>>, %arg9: memref<2x50176xf32, #tpu.memory_space<hbm>>, %arg10: memref<2x50176xf32, #tpu.memory_space<hbm>>, %arg11: memref<384x128xf32, #tpu.memory_space<vmem>>, %arg12: memref<32x128xi32, #tpu.memory_space<vmem>>, %arg13: memref<32x128xi32, #tpu.memory_space<vmem>>, %arg14: memref<32x128xf32, #tpu.memory_space<vmem>>, %arg15: memref<256xf32, #tpu.memory_space<vmem>>, %arg16: memref<256xf32, #tpu.memory_space<vmem>>, %arg17: memref<128x16xf32, #tpu.memory_space<vmem>>, %arg18: memref<128x16xf32, #tpu.memory_space<vmem>>, %arg19: memref<128x16xf32, #tpu.memory_space<vmem>>, %arg20: memref<3136xf32, #tpu.memory_space<vmem>>, %arg21: memref<50176xf32, #tpu.memory_space<vmem_shared>>, %arg22: memref<50176xf32, #tpu.memory_space<vmem_shared>>, %arg23: memref<!tpu.dma_semaphore, #tpu.memory_space<semaphore_mem>>, %arg24: memref<!tpu.dma_semaphore, #tpu.memory_space<semaphore_mem>>) attributes {dimension_semantics = [#tpu.dimension_semantics<core_parallel>, #tpu.dimension_semantics<subcore_parallel>], iteration_bounds = array<i64: 2, 16>, scalar_prefetch = 0 : i64, scratch_operands = 14 : i64, tpu.core_type = #tpu.core_type<sc_vector_subcore>, window_params = [{transform_indices = #map}, {transform_indices = #map}, {transform_indices = #map}, {transform_indices = #map}, {transform_indices = #map}, {transform_indices = #map}, {transform_indices = #map}, {transform_indices = #map}, {transform_indices = #map}]} {
    %mul3A = arith.constant 16 : i32
    %mul3A_0 = arith.muli %arg0, %mul3A : i32
    %add3A = arith.addi %mul3A_0, %arg1 : i32
    %broadcast_in_dim3A = arith.constant 0.000000e+00 : f32
    %broadcast_in_dim3A_1 = vector.broadcast %broadcast_in_dim3A : f32 to vector<16xf32>
    %scan3A = arith.constant 0 : i32
    %scan3A_2 = arith.constant 0 : i32
    %scan3A_3 = arith.constant 196 : i32
    %scan3A_4 = arith.addi %scan3A_2, %scan3A_3 : i32
    %scan3A_5 = arith.constant 1 : i32
    %scan3A_6 = scf.for %scan3A_87 = %scan3A_2 to %scan3A_4 step %scan3A_5 iter_args(%scan3A_88 = %scan3A) -> (i32)  : i32 {
      %mul3A_89 = arith.constant 16 : i32
      %mul3A_90 = arith.muli %scan3A_87, %mul3A_89 : i32
      %swap3A = arith.index_cast %mul3A_90 : i32 to index
      %swap3A_91 = tpu.vector_load %arg20[%swap3A] {strides = array<i32>} : memref<3136xf32, #tpu.memory_space<vmem>>, vector<16xf32>,
      tpu.vector_store %arg20[%swap3A], %broadcast_in_dim3A_1 {strides = array<i32>} : memref<3136xf32, #tpu.memory_space<vmem>>, vector<16xf32>,
      %scan3A_92 = arith.constant 0 : i32
      scf.yield %scan3A_92 : i32
    }
    %scan3A_7 = arith.constant 196 : i32
    %mul3A_8 = arith.constant 3136 : i32
    %mul3A_9 = arith.muli %arg1, %mul3A_8 : i32
    "tpu.region"() ({
      %run_scoped3A = tpu.sem_alloc : memref<!tpu.dma_semaphore, #tpu.memory_space<semaphore_mem>>
      %dma_start3A = tpu.memref_slice %arg21[%mul3A_9] : memref<50176xf32, #tpu.memory_space<vmem_shared>> -> memref<3136xf32, #tpu.memory_space<vmem_shared>>
      %dma_start3A_87 = tpu.memref_slice %arg21[%mul3A_9] : memref<50176xf32, #tpu.memory_space<vmem_shared>> -> memref<3136xf32, #tpu.memory_space<vmem_shared>>
      tpu.enqueue_dma source(%arg20 : memref<3136xf32, #tpu.memory_space<vmem>>) target(%dma_start3A_87 : memref<3136xf32, #tpu.memory_space<vmem_shared>>) target_semaphore(%run_scoped3A : memref<!tpu.dma_semaphore, #tpu.memory_space<semaphore_mem>>)
      %dma_wait3A = tpu.memref_slice %arg21[%mul3A_9] : memref<50176xf32, #tpu.memory_space<vmem_shared>> -> memref<3136xf32, #tpu.memory_space<vmem_shared>>
      %dma_wait3A_88 = tpu.memref_slice %arg21[%mul3A_9] : memref<50176xf32, #tpu.memory_space<vmem_shared>> -> memref<3136xf32, #tpu.memory_space<vmem_shared>>
      tpu.wait_dma2 semaphore(%run_scoped3A : memref<!tpu.dma_semaphore, #tpu.memory_space<semaphore_mem>>) src(%arg20 : memref<3136xf32, #tpu.memory_space<vmem>>) dst(%dma_wait3A_88 : memref<3136xf32, #tpu.memory_space<vmem_shared>>)
      tpu.yield
    }) : () -> ()
    %mul3A_10 = arith.constant 3136 : i32
    %mul3A_11 = arith.muli %arg1, %mul3A_10 : i32
    "tpu.region"() ({
      %run_scoped3A = tpu.sem_alloc : memref<!tpu.dma_semaphore, #tpu.memory_space<semaphore_mem>>
      %dma_start3A = tpu.memref_slice %arg22[%mul3A_11] : memref<50176xf32, #tpu.memory_space<vmem_shared>> -> memref<3136xf32, #tpu.memory_space<vmem_shared>>
      %dma_start3A_87 = tpu.memref_slice %arg22[%mul3A_11] : memref<50176xf32, #tpu.memory_space<vmem_shared>> -> memref<3136xf32, #tpu.memory_space<vmem_shared>>
      tpu.enqueue_dma source(%arg20 : memref<3136xf32, #tpu.memory_space<vmem>>) target(%dma_start3A_87 : memref<3136xf32, #tpu.memory_space<vmem_shared>>) target_semaphore(%run_scoped3A : memref<!tpu.dma_semaphore, #tpu.memory_space<semaphore_mem>>)
      %dma_wait3A = tpu.memref_slice %arg22[%mul3A_11] : memref<50176xf32, #tpu.memory_space<vmem_shared>> -> memref<3136xf32, #tpu.memory_space<vmem_shared>>
      %dma_wait3A_88 = tpu.memref_slice %arg22[%mul3A_11] : memref<50176xf32, #tpu.memory_space<vmem_shared>> -> memref<3136xf32, #tpu.memory_space<vmem_shared>>
      tpu.wait_dma2 semaphore(%run_scoped3A : memref<!tpu.dma_semaphore, #tpu.memory_space<semaphore_mem>>) src(%arg20 : memref<3136xf32, #tpu.memory_space<vmem>>) dst(%dma_wait3A_88 : memref<3136xf32, #tpu.memory_space<vmem_shared>>)
      tpu.yield
    }) : () -> ()
    "tpu.region"() ({
      %run_scoped3A = tpu.sem_alloc : memref<!tpu.dma_semaphore, #tpu.memory_space<semaphore_mem>>
      tpu.enqueue_dma source(%arg6 : memref<128x16xf32, #tpu.memory_space<hbm>>) target(%arg17 : memref<128x16xf32, #tpu.memory_space<vmem>>) target_semaphore(%run_scoped3A : memref<!tpu.dma_semaphore, #tpu.memory_space<semaphore_mem>>)
      tpu.wait_dma2 semaphore(%run_scoped3A : memref<!tpu.dma_semaphore, #tpu.memory_space<semaphore_mem>>) src(%arg6 : memref<128x16xf32, #tpu.memory_space<hbm>>) dst(%arg17 : memref<128x16xf32, #tpu.memory_space<vmem>>)
      tpu.yield
    }) : () -> ()
    "tpu.region"() ({
      %run_scoped3A = tpu.sem_alloc : memref<!tpu.dma_semaphore, #tpu.memory_space<semaphore_mem>>
      tpu.enqueue_dma source(%arg7 : memref<128x16xf32, #tpu.memory_space<hbm>>) target(%arg18 : memref<128x16xf32, #tpu.memory_space<vmem>>) target_semaphore(%run_scoped3A : memref<!tpu.dma_semaphore, #tpu.memory_space<semaphore_mem>>)
      tpu.wait_dma2 semaphore(%run_scoped3A : memref<!tpu.dma_semaphore, #tpu.memory_space<semaphore_mem>>) src(%arg7 : memref<128x16xf32, #tpu.memory_space<hbm>>) dst(%arg18 : memref<128x16xf32, #tpu.memory_space<vmem>>)
      tpu.yield
    }) : () -> ()
    "tpu.region"() ({
      %run_scoped3A = tpu.sem_alloc : memref<!tpu.dma_semaphore, #tpu.memory_space<semaphore_mem>>
      tpu.enqueue_dma source(%arg8 : memref<128x16xf32, #tpu.memory_space<hbm>>) target(%arg19 : memref<128x16xf32, #tpu.memory_space<vmem>>) target_semaphore(%run_scoped3A : memref<!tpu.dma_semaphore, #tpu.memory_space<semaphore_mem>>)
      tpu.wait_dma2 semaphore(%run_scoped3A : memref<!tpu.dma_semaphore, #tpu.memory_space<semaphore_mem>>) src(%arg8 : memref<128x16xf32, #tpu.memory_space<hbm>>) dst(%arg19 : memref<128x16xf32, #tpu.memory_space<vmem>>)
      tpu.yield
    }) : () -> ()
    %barrier3A = arith.constant 0 : index
    tpu.barrier barrier_id(%barrier3A)
    %mul3A_12 = arith.constant 200 : i32
    %mul3A_13 = arith.muli %add3A, %mul3A_12 : i32
    %mul3A_14 = arith.constant 128 : i32
    %mul3A_15 = arith.muli %mul3A_13, %mul3A_14 : i32
    %sub3A = arith.constant 800000 : i32
    %sub3A_16 = arith.subi %sub3A, %mul3A_15 : i32
    %jit3A = arith.constant 128 : i32
    %div3A = arith.divsi %sub3A_16, %jit3A : i32
    %sign3A = arith.constant 0 : i32
    %sign3A_17 = arith.cmpi sgt, %sub3A_16, %sign3A : i32
    %sign3A_18 = arith.extui %sign3A_17 : i1 to i32
    %sign3A_19 = arith.constant 0 : i32
    %sign3A_20 = arith.cmpi slt, %sub3A_16, %sign3A_19 : i32
    %sign3A_21 = arith.extui %sign3A_20 : i1 to i32
    %sign3A_22 = arith.subi %sign3A_18, %sign3A_21 : i32
    %sign3A_23 = arith.constant 0 : i32
    %sign3A_24 = arith.cmpi sgt, %jit3A, %sign3A_23 : i32
    %sign3A_25 = arith.extui %sign3A_24 : i1 to i32
    %sign3A_26 = arith.constant 0 : i32
    %sign3A_27 = arith.cmpi slt, %jit3A, %sign3A_26 : i32
    %sign3A_28 = arith.extui %sign3A_27 : i1 to i32
    %sign3A_29 = arith.subi %sign3A_25, %sign3A_28 : i32
    %ne3A = arith.cmpi ne, %sign3A_22, %sign3A_29 : i32
    %rem3A = arith.remsi %sub3A_16, %jit3A : i32
    %ne3A_30 = arith.constant 0 : i32
    %ne3A_31 = arith.cmpi ne, %rem3A, %ne3A_30 : i32
    %and3A = arith.andi %ne3A, %ne3A_31 : i1
    %sub3A_32 = arith.constant 1 : i32
    %sub3A_33 = arith.subi %div3A, %sub3A_32 : i32
    %select_n3A = arith.select %and3A, %sub3A_33, %div3A : i32
    %max3A = arith.constant 0 : i32
    %max3A_34 = arith.maxsi %max3A, %select_n3A : i32
    %min3A = arith.constant 200 : i32
    %min3A_35 = arith.minsi %min3A, %max3A_34 : i32
    %iota3A = tpu.iota {dimensions = array<i32: 0>} : vector<16xi32>
    %add3A_36 = arith.constant 0 : i32
    %add3A_37 = vector.broadcast %add3A_36 : i32 to vector<16xi32>
    %add3A_38 = arith.addi %iota3A, %add3A_37 : vector<16xi32>
    %add3A_39 = arith.constant 16 : i32
    %add3A_40 = vector.broadcast %add3A_39 : i32 to vector<16xi32>
    %add3A_41 = arith.addi %iota3A, %add3A_40 : vector<16xi32>
    %add3A_42 = arith.constant 32 : i32
    %add3A_43 = vector.broadcast %add3A_42 : i32 to vector<16xi32>
    %add3A_44 = arith.addi %iota3A, %add3A_43 : vector<16xi32>
    %add3A_45 = arith.constant 48 : i32
    %add3A_46 = vector.broadcast %add3A_45 : i32 to vector<16xi32>
    %add3A_47 = arith.addi %iota3A, %add3A_46 : vector<16xi32>
    %add3A_48 = arith.constant 64 : i32
    %add3A_49 = vector.broadcast %add3A_48 : i32 to vector<16xi32>
    %add3A_50 = arith.addi %iota3A, %add3A_49 : vector<16xi32>
    %add3A_51 = arith.constant 80 : i32
    %add3A_52 = vector.broadcast %add3A_51 : i32 to vector<16xi32>
    %add3A_53 = arith.addi %iota3A, %add3A_52 : vector<16xi32>
    %add3A_54 = arith.constant 96 : i32
    %add3A_55 = vector.broadcast %add3A_54 : i32 to vector<16xi32>
    %add3A_56 = arith.addi %iota3A, %add3A_55 : vector<16xi32>
    %add3A_57 = arith.constant 112 : i32
    %add3A_58 = vector.broadcast %add3A_57 : i32 to vector<16xi32>
    %add3A_59 = arith.addi %iota3A, %add3A_58 : vector<16xi32>
    %gt3A = arith.constant 0 : i32
    %gt3A_60 = arith.cmpi sgt, %min3A_35, %gt3A : i32
    %convert_element_type3A = arith.extui %gt3A_60 : i1 to i32
    %cond3A = arith.constant 0 : i32
    %cond3A_61 = arith.cmpi ne, %convert_element_type3A, %cond3A : i32
    scf.if %cond3A_61 {
      %add3A_87 = arith.constant 0 : i32
      %add3A_88 = arith.addi %mul3A_13, %add3A_87 : i32
      "tpu.region"() ({
        %run_scoped3A = tpu.sem_alloc : memref<!tpu.dma_semaphore, #tpu.memory_space<semaphore_mem>>
        %dma_start3A = arith.constant 0 : i32
        %dma_start3A_103 = arith.constant 0 : i32
        %dma_start3A_104 = tpu.memref_slice %arg12[%dma_start3A, %dma_start3A_103] : memref<32x128xi32, #tpu.memory_space<vmem>> -> memref<16x128xi32, #tpu.memory_space<vmem>>
        %dma_start3A_105 = arith.constant 0 : i32
        %dma_start3A_106 = tpu.memref_slice %arg3[%add3A_88, %dma_start3A_105] : memref<6408x128xi32, #tpu.memory_space<hbm>> -> memref<16x128xi32, #tpu.memory_space<hbm>>
        %dma_start3A_107 = arith.constant 0 : i32
        %dma_start3A_108 = arith.constant 0 : i32
        %dma_start3A_109 = tpu.memref_slice %arg12[%dma_start3A_107, %dma_start3A_108] : memref<32x128xi32, #tpu.memory_space<vmem>> -> memref<16x128xi32, #tpu.memory_space<vmem>>
        %dma_start3A_110 = arith.constant 0 : i32
        %dma_start3A_111 = tpu.memref_slice %arg3[%add3A_88, %dma_start3A_110] : memref<6408x128xi32, #tpu.memory_space<hbm>> -> memref<16x128xi32, #tpu.memory_space<hbm>>
        tpu.enqueue_dma source(%dma_start3A_111 : memref<16x128xi32, #tpu.memory_space<hbm>>) target(%dma_start3A_109 : memref<16x128xi32, #tpu.memory_space<vmem>>) target_semaphore(%run_scoped3A : memref<!tpu.dma_semaphore, #tpu.memory_space<semaphore_mem>>)
        %dma_wait3A = arith.constant 0 : i32
        %dma_wait3A_112 = arith.constant 0 : i32
        %dma_wait3A_113 = tpu.memref_slice %arg12[%dma_wait3A, %dma_wait3A_112] : memref<32x128xi32, #tpu.memory_space<vmem>> -> memref<16x128xi32, #tpu.memory_space<vmem>>
        %dma_wait3A_114 = arith.constant 0 : i32
        %dma_wait3A_115 = tpu.memref_slice %arg3[%add3A_88, %dma_wait3A_114] : memref<6408x128xi32, #tpu.memory_space<hbm>> -> memref<16x128xi32, #tpu.memory_space<hbm>>
        %dma_wait3A_116 = arith.constant 0 : i32
        %dma_wait3A_117 = arith.constant 0 : i32
        %dma_wait3A_118 = tpu.memref_slice %arg12[%dma_wait3A_116, %dma_wait3A_117] : memref<32x128xi32, #tpu.memory_space<vmem>> -> memref<16x128xi32, #tpu.memory_space<vmem>>
        %dma_wait3A_119 = arith.constant 0 : i32
        %dma_wait3A_120 = tpu.memref_slice %arg3[%add3A_88, %dma_wait3A_119] : memref<6408x128xi32, #tpu.memory_space<hbm>> -> memref<16x128xi32, #tpu.memory_space<hbm>>
        tpu.wait_dma2 semaphore(%run_scoped3A : memref<!tpu.dma_semaphore, #tpu.memory_space<semaphore_mem>>) src(%dma_wait3A_120 : memref<16x128xi32, #tpu.memory_space<hbm>>) dst(%dma_wait3A_118 : memref<16x128xi32, #tpu.memory_space<vmem>>)
        tpu.yield
      }) : () -> ()
      %add3A_89 = arith.constant 0 : i32
      %add3A_90 = arith.addi %mul3A_13, %add3A_89 : i32
      "tpu.region"() ({
        %run_scoped3A = tpu.sem_alloc : memref<!tpu.dma_semaphore, #tpu.memory_space<semaphore_mem>>
        %dma_start3A = arith.constant 0 : i32
        %dma_start3A_103 = arith.constant 0 : i32
        %dma_start3A_104 = tpu.memref_slice %arg13[%dma_start3A, %dma_start3A_103] : memref<32x128xi32, #tpu.memory_space<vmem>> -> memref<16x128xi32, #tpu.memory_space<vmem>>
        %dma_start3A_105 = arith.constant 0 : i32
        %dma_start3A_106 = tpu.memref_slice %arg4[%add3A_90, %dma_start3A_105] : memref<6408x128xi32, #tpu.memory_space<hbm>> -> memref<16x128xi32, #tpu.memory_space<hbm>>
        %dma_start3A_107 = arith.constant 0 : i32
        %dma_start3A_108 = arith.constant 0 : i32
        %dma_start3A_109 = tpu.memref_slice %arg13[%dma_start3A_107, %dma_start3A_108] : memref<32x128xi32, #tpu.memory_space<vmem>> -> memref<16x128xi32, #tpu.memory_space<vmem>>
        %dma_start3A_110 = arith.constant 0 : i32
        %dma_start3A_111 = tpu.memref_slice %arg4[%add3A_90, %dma_start3A_110] : memref<6408x128xi32, #tpu.memory_space<hbm>> -> memref<16x128xi32, #tpu.memory_space<hbm>>
        tpu.enqueue_dma source(%dma_start3A_111 : memref<16x128xi32, #tpu.memory_space<hbm>>) target(%dma_start3A_109 : memref<16x128xi32, #tpu.memory_space<vmem>>) target_semaphore(%run_scoped3A : memref<!tpu.dma_semaphore, #tpu.memory_space<semaphore_mem>>)
        %dma_wait3A = arith.constant 0 : i32
        %dma_wait3A_112 = arith.constant 0 : i32
        %dma_wait3A_113 = tpu.memref_slice %arg13[%dma_wait3A, %dma_wait3A_112] : memref<32x128xi32, #tpu.memory_space<vmem>> -> memref<16x128xi32, #tpu.memory_space<vmem>>
        %dma_wait3A_114 = arith.constant 0 : i32
        %dma_wait3A_115 = tpu.memref_slice %arg4[%add3A_90, %dma_wait3A_114] : memref<6408x128xi32, #tpu.memory_space<hbm>> -> memref<16x128xi32, #tpu.memory_space<hbm>>
        %dma_wait3A_116 = arith.constant 0 : i32
        %dma_wait3A_117 = arith.constant 0 : i32
        %dma_wait3A_118 = tpu.memref_slice %arg13[%dma_wait3A_116, %dma_wait3A_117] : memref<32x128xi32, #tpu.memory_space<vmem>> -> memref<16x128xi32, #tpu.memory_space<vmem>>
        %dma_wait3A_119 = arith.constant 0 : i32
        %dma_wait3A_120 = tpu.memref_slice %arg4[%add3A_90, %dma_wait3A_119] : memref<6408x128xi32, #tpu.memory_space<hbm>> -> memref<16x128xi32, #tpu.memory_space<hbm>>
        tpu.wait_dma2 semaphore(%run_scoped3A : memref<!tpu.dma_semaphore, #tpu.memory_space<semaphore_mem>>) src(%dma_wait3A_120 : memref<16x128xi32, #tpu.memory_space<hbm>>) dst(%dma_wait3A_118 : memref<16x128xi32, #tpu.memory_space<vmem>>)
        tpu.yield
      }) : () -> ()
      %add3A_91 = arith.constant 0 : i32
      %add3A_92 = arith.addi %mul3A_13, %add3A_91 : i32
      "tpu.region"() ({
        %run_scoped3A = tpu.sem_alloc : memref<!tpu.dma_semaphore, #tpu.memory_space<semaphore_mem>>
        %dma_start3A = arith.constant 0 : i32
        %dma_start3A_103 = arith.constant 0 : i32
        %dma_start3A_104 = tpu.memref_slice %arg14[%dma_start3A, %dma_start3A_103] : memref<32x128xf32, #tpu.memory_space<vmem>> -> memref<16x128xf32, #tpu.memory_space<vmem>>
        %dma_start3A_105 = arith.constant 0 : i32
        %dma_start3A_106 = tpu.memref_slice %arg5[%add3A_92, %dma_start3A_105] : memref<6408x128xf32, #tpu.memory_space<hbm>> -> memref<16x128xf32, #tpu.memory_space<hbm>>
        %dma_start3A_107 = arith.constant 0 : i32
        %dma_start3A_108 = arith.constant 0 : i32
        %dma_start3A_109 = tpu.memref_slice %arg14[%dma_start3A_107, %dma_start3A_108] : memref<32x128xf32, #tpu.memory_space<vmem>> -> memref<16x128xf32, #tpu.memory_space<vmem>>
        %dma_start3A_110 = arith.constant 0 : i32
        %dma_start3A_111 = tpu.memref_slice %arg5[%add3A_92, %dma_start3A_110] : memref<6408x128xf32, #tpu.memory_space<hbm>> -> memref<16x128xf32, #tpu.memory_space<hbm>>
        tpu.enqueue_dma source(%dma_start3A_111 : memref<16x128xf32, #tpu.memory_space<hbm>>) target(%dma_start3A_109 : memref<16x128xf32, #tpu.memory_space<vmem>>) target_semaphore(%run_scoped3A : memref<!tpu.dma_semaphore, #tpu.memory_space<semaphore_mem>>)
        %dma_wait3A = arith.constant 0 : i32
        %dma_wait3A_112 = arith.constant 0 : i32
        %dma_wait3A_113 = tpu.memref_slice %arg14[%dma_wait3A, %dma_wait3A_112] : memref<32x128xf32, #tpu.memory_space<vmem>> -> memref<16x128xf32, #tpu.memory_space<vmem>>
        %dma_wait3A_114 = arith.constant 0 : i32
        %dma_wait3A_115 = tpu.memref_slice %arg5[%add3A_92, %dma_wait3A_114] : memref<6408x128xf32, #tpu.memory_space<hbm>> -> memref<16x128xf32, #tpu.memory_space<hbm>>
        %dma_wait3A_116 = arith.constant 0 : i32
        %dma_wait3A_117 = arith.constant 0 : i32
        %dma_wait3A_118 = tpu.memref_slice %arg14[%dma_wait3A_116, %dma_wait3A_117] : memref<32x128xf32, #tpu.memory_space<vmem>> -> memref<16x128xf32, #tpu.memory_space<vmem>>
        %dma_wait3A_119 = arith.constant 0 : i32
        %dma_wait3A_120 = tpu.memref_slice %arg5[%add3A_92, %dma_wait3A_119] : memref<6408x128xf32, #tpu.memory_space<hbm>> -> memref<16x128xf32, #tpu.memory_space<hbm>>
        tpu.wait_dma2 semaphore(%run_scoped3A : memref<!tpu.dma_semaphore, #tpu.memory_space<semaphore_mem>>) src(%dma_wait3A_120 : memref<16x128xf32, #tpu.memory_space<hbm>>) dst(%dma_wait3A_118 : memref<16x128xf32, #tpu.memory_space<vmem>>)
        tpu.yield
      }) : () -> ()
      %gt3A_93 = arith.constant 0 : i32
      %gt3A_94 = arith.cmpi sgt, %min3A_35, %gt3A_93 : i32
      %convert_element_type3A_95 = arith.extui %gt3A_94 : i1 to i32
      %cond3A_96 = arith.constant 0 : i32
      %cond3A_97 = arith.cmpi ne, %convert_element_type3A_95, %cond3A_96 : i32
      scf.if %cond3A_97 {
        %dma_start3A = arith.constant 0 : i32
        %dma_start3A_103 = arith.constant 0 : i32
        %dma_start3A_104 = arith.constant 0 : i32
        %dma_start3A_105 = tpu.memref_slice %arg11[%dma_start3A_103, %dma_start3A_104] : memref<384x128xf32, #tpu.memory_space<vmem>> -> memref<128x128xf32, #tpu.memory_space<vmem>>
        %dma_start3A_106 = arith.constant 0 : i32
        %dma_start3A_107 = tpu.memref_slice %arg12[%dma_start3A, %dma_start3A_106] : memref<32x128xi32, #tpu.memory_space<vmem>> -> memref<1x128xi32, #tpu.memory_space<vmem>>
        %dma_start3A_108 = tpu.memref_squeeze %dma_start3A_107 : memref<1x128xi32, #tpu.memory_space<vmem>> -> memref<128xi32, #tpu.memory_space<vmem>>
        %dma_start3A_109 = arith.constant 0 : i32
        %dma_start3A_110 = arith.constant 0 : i32
        %dma_start3A_111 = tpu.memref_slice %arg2[%dma_start3A_109, %dma_start3A_110] : memref<50000x128xf32, #tpu.memory_space<hbm>> -> memref<50000x128xf32, #tpu.memory_space<hbm>>
        tpu.enqueue_indirect_dma source(%dma_start3A_111 : memref<50000x128xf32, #tpu.memory_space<hbm>>) target(%dma_start3A_105 : memref<128x128xf32, #tpu.memory_space<vmem>>) offsets(%dma_start3A_108 : memref<128xi32, #tpu.memory_space<vmem>>) semaphore(%arg23 : memref<!tpu.dma_semaphore, #tpu.memory_space<semaphore_mem>>)
      } else {
      }
      %gt3A_98 = arith.constant 1 : i32
      %gt3A_99 = arith.cmpi sgt, %min3A_35, %gt3A_98 : i32
      %convert_element_type3A_100 = arith.extui %gt3A_99 : i1 to i32
      %cond3A_101 = arith.constant 0 : i32
      %cond3A_102 = arith.cmpi ne, %convert_element_type3A_100, %cond3A_101 : i32
      scf.if %cond3A_102 {
        %dma_start3A = arith.constant 1 : i32
        %dma_start3A_103 = arith.constant 128 : i32
        %dma_start3A_104 = arith.constant 0 : i32
        %dma_start3A_105 = tpu.memref_slice %arg11[%dma_start3A_103, %dma_start3A_104] : memref<384x128xf32, #tpu.memory_space<vmem>> -> memref<128x128xf32, #tpu.memory_space<vmem>>
        %dma_start3A_106 = arith.constant 0 : i32
        %dma_start3A_107 = tpu.memref_slice %arg12[%dma_start3A, %dma_start3A_106] : memref<32x128xi32, #tpu.memory_space<vmem>> -> memref<1x128xi32, #tpu.memory_space<vmem>>
        %dma_start3A_108 = tpu.memref_squeeze %dma_start3A_107 : memref<1x128xi32, #tpu.memory_space<vmem>> -> memref<128xi32, #tpu.memory_space<vmem>>
        %dma_start3A_109 = arith.constant 0 : i32
        %dma_start3A_110 = arith.constant 0 : i32
        %dma_start3A_111 = tpu.memref_slice %arg2[%dma_start3A_109, %dma_start3A_110] : memref<50000x128xf32, #tpu.memory_space<hbm>> -> memref<50000x128xf32, #tpu.memory_space<hbm>>
        tpu.enqueue_indirect_dma source(%dma_start3A_111 : memref<50000x128xf32, #tpu.memory_space<hbm>>) target(%dma_start3A_105 : memref<128x128xf32, #tpu.memory_space<vmem>>) offsets(%dma_start3A_108 : memref<128xi32, #tpu.memory_space<vmem>>) semaphore(%arg23 : memref<!tpu.dma_semaphore, #tpu.memory_space<semaphore_mem>>)
      } else {
      }
    } else {
    }
    %while3A = arith.constant 0 : i32
    %while3A_62 = arith.constant 0 : i32
    %while3A_63 = arith.subi %min3A_35, %while3A : i32
    %while3A_64 = arith.addi %while3A, %while3A_63 : i32
    %while3A_65 = arith.constant 1 : i32
    %while3A_66 = arith.divsi %while3A_63, %while3A_65 : i32
    %while3A_67 = arith.muli %while3A_66, %while3A_65 : i32
    %while3A_68 = arith.addi %while3A, %while3A_67 : i32
    %while3A_69 = arith.constant 1 : i32
    %while3A_70 = scf.for %while3A_87 = %while3A to %while3A_68 step %while3A_69 iter_args(%while3A_88 = %while3A_62) -> (i32)  : i32 {
      %add3A_89 = arith.constant 2 : i32
      %add3A_90 = arith.addi %while3A_87, %add3A_89 : i32
      %lt3A = arith.cmpi slt, %add3A_90, %min3A_35 : i32
      %jit3A_91 = arith.constant 16 : i32
      %eq3A_92 = arith.constant 0 : i32
      %eq3A_93 = arith.cmpi eq, %jit3A_91, %eq3A_92 : i32
      %jit3A_94 = arith.constant 1 : i32
      %select_n3A_95 = arith.select %eq3A_93, %jit3A_94, %jit3A_91 : i32
      %rem3A_96 = arith.remsi %add3A_90, %select_n3A_95 : i32
      %ne3A_97 = arith.constant 0 : i32
      %ne3A_98 = arith.cmpi ne, %rem3A_96, %ne3A_97 : i32
      %lt3A_99 = arith.constant 0 : i32
      %lt3A_100 = arith.cmpi slt, %rem3A_96, %lt3A_99 : i32
      %lt3A_101 = arith.constant 0 : i32
      %lt3A_102 = arith.cmpi slt, %select_n3A_95, %lt3A_101 : i32
      %ne3A_103 = arith.xori %lt3A_100, %lt3A_102 : i1
      %and3A_104 = arith.andi %ne3A_103, %ne3A_98 : i1
      %add3A_105 = arith.addi %rem3A_96, %select_n3A_95 : i32
      %select_n3A_106 = arith.select %and3A_104, %add3A_105, %rem3A_96 : i32
      %eq3A_107 = arith.constant 0 : i32
      %eq3A_108 = arith.cmpi eq, %select_n3A_106, %eq3A_107 : i32
      %and3A_109 = arith.andi %lt3A, %eq3A_108 : i1
      %convert_element_type3A_110 = arith.extui %and3A_109 : i1 to i32
      %cond3A_111 = arith.constant 0 : i32
      %cond3A_112 = arith.cmpi ne, %convert_element_type3A_110, %cond3A_111 : i32
      scf.if %cond3A_112 {
        %jit3A_534 = arith.constant 16 : i32
        %div3A_535 = arith.divsi %add3A_90, %jit3A_534 : i32
        %sign3A_536 = arith.constant 0 : i32
        %sign3A_537 = arith.cmpi sgt, %add3A_90, %sign3A_536 : i32
        %sign3A_538 = arith.extui %sign3A_537 : i1 to i32
        %sign3A_539 = arith.constant 0 : i32
        %sign3A_540 = arith.cmpi slt, %add3A_90, %sign3A_539 : i32
        %sign3A_541 = arith.extui %sign3A_540 : i1 to i32
        %sign3A_542 = arith.subi %sign3A_538, %sign3A_541 : i32
        %sign3A_543 = arith.constant 0 : i32
        %sign3A_544 = arith.cmpi sgt, %jit3A_534, %sign3A_543 : i32
        %sign3A_545 = arith.extui %sign3A_544 : i1 to i32
        %sign3A_546 = arith.constant 0 : i32
        %sign3A_547 = arith.cmpi slt, %jit3A_534, %sign3A_546 : i32
        %sign3A_548 = arith.extui %sign3A_547 : i1 to i32
        %sign3A_549 = arith.subi %sign3A_545, %sign3A_548 : i32
        %ne3A_550 = arith.cmpi ne, %sign3A_542, %sign3A_549 : i32
        %rem3A_551 = arith.remsi %add3A_90, %jit3A_534 : i32
        %ne3A_552 = arith.constant 0 : i32
        %ne3A_553 = arith.cmpi ne, %rem3A_551, %ne3A_552 : i32
        %and3A_554 = arith.andi %ne3A_550, %ne3A_553 : i1
        %sub3A_555 = arith.constant 1 : i32
        %sub3A_556 = arith.subi %div3A_535, %sub3A_555 : i32
        %select_n3A_557 = arith.select %and3A_554, %sub3A_556, %div3A_535 : i32
        %jit3A_558 = arith.constant 2 : i32
        %eq3A_559 = arith.constant 0 : i32
        %eq3A_560 = arith.cmpi eq, %jit3A_558, %eq3A_559 : i32
        %jit3A_561 = arith.constant 1 : i32
        %select_n3A_562 = arith.select %eq3A_560, %jit3A_561, %jit3A_558 : i32
        %rem3A_563 = arith.remsi %select_n3A_557, %select_n3A_562 : i32
        %ne3A_564 = arith.constant 0 : i32
        %ne3A_565 = arith.cmpi ne, %rem3A_563, %ne3A_564 : i32
        %lt3A_566 = arith.constant 0 : i32
        %lt3A_567 = arith.cmpi slt, %rem3A_563, %lt3A_566 : i32
        %lt3A_568 = arith.constant 0 : i32
        %lt3A_569 = arith.cmpi slt, %select_n3A_562, %lt3A_568 : i32
        %ne3A_570 = arith.xori %lt3A_567, %lt3A_569 : i1
        %and3A_571 = arith.andi %ne3A_570, %ne3A_565 : i1
        %add3A_572 = arith.addi %rem3A_563, %select_n3A_562 : i32
        %select_n3A_573 = arith.select %and3A_571, %add3A_572, %rem3A_563 : i32
        %mul3A_574 = arith.constant 16 : i32
        %mul3A_575 = arith.muli %select_n3A_573, %mul3A_574 : i32
        %mul3A_576 = arith.constant 16 : i32
        %mul3A_577 = arith.muli %select_n3A_557, %mul3A_576 : i32
        %add3A_578 = arith.addi %mul3A_13, %mul3A_577 : i32
        "tpu.region"() ({
          %run_scoped3A = tpu.sem_alloc : memref<!tpu.dma_semaphore, #tpu.memory_space<semaphore_mem>>
          %dma_start3A_585 = arith.constant 0 : i32
          %dma_start3A_586 = tpu.memref_slice %arg12[%mul3A_575, %dma_start3A_585] : memref<32x128xi32, #tpu.memory_space<vmem>> -> memref<16x128xi32, #tpu.memory_space<vmem>>
          %dma_start3A_587 = arith.constant 0 : i32
          %dma_start3A_588 = tpu.memref_slice %arg3[%add3A_578, %dma_start3A_587] : memref<6408x128xi32, #tpu.memory_space<hbm>> -> memref<16x128xi32, #tpu.memory_space<hbm>>
          %dma_start3A_589 = arith.constant 0 : i32
          %dma_start3A_590 = tpu.memref_slice %arg12[%mul3A_575, %dma_start3A_589] : memref<32x128xi32, #tpu.memory_space<vmem>> -> memref<16x128xi32, #tpu.memory_space<vmem>>
          %dma_start3A_591 = arith.constant 0 : i32
          %dma_start3A_592 = tpu.memref_slice %arg3[%add3A_578, %dma_start3A_591] : memref<6408x128xi32, #tpu.memory_space<hbm>> -> memref<16x128xi32, #tpu.memory_space<hbm>>
          tpu.enqueue_dma source(%dma_start3A_592 : memref<16x128xi32, #tpu.memory_space<hbm>>) target(%dma_start3A_590 : memref<16x128xi32, #tpu.memory_space<vmem>>) target_semaphore(%run_scoped3A : memref<!tpu.dma_semaphore, #tpu.memory_space<semaphore_mem>>)
          %dma_wait3A_593 = arith.constant 0 : i32
          %dma_wait3A_594 = tpu.memref_slice %arg12[%mul3A_575, %dma_wait3A_593] : memref<32x128xi32, #tpu.memory_space<vmem>> -> memref<16x128xi32, #tpu.memory_space<vmem>>
          %dma_wait3A_595 = arith.constant 0 : i32
          %dma_wait3A_596 = tpu.memref_slice %arg3[%add3A_578, %dma_wait3A_595] : memref<6408x128xi32, #tpu.memory_space<hbm>> -> memref<16x128xi32, #tpu.memory_space<hbm>>
          %dma_wait3A_597 = arith.constant 0 : i32
          %dma_wait3A_598 = tpu.memref_slice %arg12[%mul3A_575, %dma_wait3A_597] : memref<32x128xi32, #tpu.memory_space<vmem>> -> memref<16x128xi32, #tpu.memory_space<vmem>>
          %dma_wait3A_599 = arith.constant 0 : i32
          %dma_wait3A_600 = tpu.memref_slice %arg3[%add3A_578, %dma_wait3A_599] : memref<6408x128xi32, #tpu.memory_space<hbm>> -> memref<16x128xi32, #tpu.memory_space<hbm>>
          tpu.wait_dma2 semaphore(%run_scoped3A : memref<!tpu.dma_semaphore, #tpu.memory_space<semaphore_mem>>) src(%dma_wait3A_600 : memref<16x128xi32, #tpu.memory_space<hbm>>) dst(%dma_wait3A_598 : memref<16x128xi32, #tpu.memory_space<vmem>>)
          tpu.yield
        }) : () -> ()
        %mul3A_579 = arith.constant 16 : i32
        %mul3A_580 = arith.muli %select_n3A_557, %mul3A_579 : i32
        %add3A_581 = arith.addi %mul3A_13, %mul3A_580 : i32
        "tpu.region"() ({
          %run_scoped3A = tpu.sem_alloc : memref<!tpu.dma_semaphore, #tpu.memory_space<semaphore_mem>>
          %dma_start3A_585 = arith.constant 0 : i32
          %dma_start3A_586 = tpu.memref_slice %arg13[%mul3A_575, %dma_start3A_585] : memref<32x128xi32, #tpu.memory_space<vmem>> -> memref<16x128xi32, #tpu.memory_space<vmem>>
          %dma_start3A_587 = arith.constant 0 : i32
          %dma_start3A_588 = tpu.memref_slice %arg4[%add3A_581, %dma_start3A_587] : memref<6408x128xi32, #tpu.memory_space<hbm>> -> memref<16x128xi32, #tpu.memory_space<hbm>>
          %dma_start3A_589 = arith.constant 0 : i32
          %dma_start3A_590 = tpu.memref_slice %arg13[%mul3A_575, %dma_start3A_589] : memref<32x128xi32, #tpu.memory_space<vmem>> -> memref<16x128xi32, #tpu.memory_space<vmem>>
          %dma_start3A_591 = arith.constant 0 : i32
          %dma_start3A_592 = tpu.memref_slice %arg4[%add3A_581, %dma_start3A_591] : memref<6408x128xi32, #tpu.memory_space<hbm>> -> memref<16x128xi32, #tpu.memory_space<hbm>>
          tpu.enqueue_dma source(%dma_start3A_592 : memref<16x128xi32, #tpu.memory_space<hbm>>) target(%dma_start3A_590 : memref<16x128xi32, #tpu.memory_space<vmem>>) target_semaphore(%run_scoped3A : memref<!tpu.dma_semaphore, #tpu.memory_space<semaphore_mem>>)
          %dma_wait3A_593 = arith.constant 0 : i32
          %dma_wait3A_594 = tpu.memref_slice %arg13[%mul3A_575, %dma_wait3A_593] : memref<32x128xi32, #tpu.memory_space<vmem>> -> memref<16x128xi32, #tpu.memory_space<vmem>>
          %dma_wait3A_595 = arith.constant 0 : i32
          %dma_wait3A_596 = tpu.memref_slice %arg4[%add3A_581, %dma_wait3A_595] : memref<6408x128xi32, #tpu.memory_space<hbm>> -> memref<16x128xi32, #tpu.memory_space<hbm>>
          %dma_wait3A_597 = arith.constant 0 : i32
          %dma_wait3A_598 = tpu.memref_slice %arg13[%mul3A_575, %dma_wait3A_597] : memref<32x128xi32, #tpu.memory_space<vmem>> -> memref<16x128xi32, #tpu.memory_space<vmem>>
          %dma_wait3A_599 = arith.constant 0 : i32
          %dma_wait3A_600 = tpu.memref_slice %arg4[%add3A_581, %dma_wait3A_599] : memref<6408x128xi32, #tpu.memory_space<hbm>> -> memref<16x128xi32, #tpu.memory_space<hbm>>
          tpu.wait_dma2 semaphore(%run_scoped3A : memref<!tpu.dma_semaphore, #tpu.memory_space<semaphore_mem>>) src(%dma_wait3A_600 : memref<16x128xi32, #tpu.memory_space<hbm>>) dst(%dma_wait3A_598 : memref<16x128xi32, #tpu.memory_space<vmem>>)
          tpu.yield
        }) : () -> ()
        %mul3A_582 = arith.constant 16 : i32
        %mul3A_583 = arith.muli %select_n3A_557, %mul3A_582 : i32
        %add3A_584 = arith.addi %mul3A_13, %mul3A_583 : i32
        "tpu.region"() ({
          %run_scoped3A = tpu.sem_alloc : memref<!tpu.dma_semaphore, #tpu.memory_space<semaphore_mem>>
          %dma_start3A_585 = arith.constant 0 : i32
          %dma_start3A_586 = tpu.memref_slice %arg14[%mul3A_575, %dma_start3A_585] : memref<32x128xf32, #tpu.memory_space<vmem>> -> memref<16x128xf32, #tpu.memory_space<vmem>>
          %dma_start3A_587 = arith.constant 0 : i32
          %dma_start3A_588 = tpu.memref_slice %arg5[%add3A_584, %dma_start3A_587] : memref<6408x128xf32, #tpu.memory_space<hbm>> -> memref<16x128xf32, #tpu.memory_space<hbm>>
          %dma_start3A_589 = arith.constant 0 : i32
          %dma_start3A_590 = tpu.memref_slice %arg14[%mul3A_575, %dma_start3A_589] : memref<32x128xf32, #tpu.memory_space<vmem>> -> memref<16x128xf32, #tpu.memory_space<vmem>>
          %dma_start3A_591 = arith.constant 0 : i32
          %dma_start3A_592 = tpu.memref_slice %arg5[%add3A_584, %dma_start3A_591] : memref<6408x128xf32, #tpu.memory_space<hbm>> -> memref<16x128xf32, #tpu.memory_space<hbm>>
          tpu.enqueue_dma source(%dma_start3A_592 : memref<16x128xf32, #tpu.memory_space<hbm>>) target(%dma_start3A_590 : memref<16x128xf32, #tpu.memory_space<vmem>>) target_semaphore(%run_scoped3A : memref<!tpu.dma_semaphore, #tpu.memory_space<semaphore_mem>>)
          %dma_wait3A_593 = arith.constant 0 : i32
          %dma_wait3A_594 = tpu.memref_slice %arg14[%mul3A_575, %dma_wait3A_593] : memref<32x128xf32, #tpu.memory_space<vmem>> -> memref<16x128xf32, #tpu.memory_space<vmem>>
          %dma_wait3A_595 = arith.constant 0 : i32
          %dma_wait3A_596 = tpu.memref_slice %arg5[%add3A_584, %dma_wait3A_595] : memref<6408x128xf32, #tpu.memory_space<hbm>> -> memref<16x128xf32, #tpu.memory_space<hbm>>
          %dma_wait3A_597 = arith.constant 0 : i32
          %dma_wait3A_598 = tpu.memref_slice %arg14[%mul3A_575, %dma_wait3A_597] : memref<32x128xf32, #tpu.memory_space<vmem>> -> memref<16x128xf32, #tpu.memory_space<vmem>>
          %dma_wait3A_599 = arith.constant 0 : i32
          %dma_wait3A_600 = tpu.memref_slice %arg5[%add3A_584, %dma_wait3A_599] : memref<6408x128xf32, #tpu.memory_space<hbm>> -> memref<16x128xf32, #tpu.memory_space<hbm>>
          tpu.wait_dma2 semaphore(%run_scoped3A : memref<!tpu.dma_semaphore, #tpu.memory_space<semaphore_mem>>) src(%dma_wait3A_600 : memref<16x128xf32, #tpu.memory_space<hbm>>) dst(%dma_wait3A_598 : memref<16x128xf32, #tpu.memory_space<vmem>>)
          tpu.yield
        }) : () -> ()
      } else {
      }
      %lt3A_113 = arith.cmpi slt, %add3A_90, %min3A_35 : i32
      %convert_element_type3A_114 = arith.extui %lt3A_113 : i1 to i32
      %cond3A_115 = arith.constant 0 : i32
      %cond3A_116 = arith.cmpi ne, %convert_element_type3A_114, %cond3A_115 : i32
      scf.if %cond3A_116 {
        %jit3A_534 = arith.constant 16 : i32
        %div3A_535 = arith.divsi %add3A_90, %jit3A_534 : i32
        %sign3A_536 = arith.constant 0 : i32
        %sign3A_537 = arith.cmpi sgt, %add3A_90, %sign3A_536 : i32
        %sign3A_538 = arith.extui %sign3A_537 : i1 to i32
        %sign3A_539 = arith.constant 0 : i32
        %sign3A_540 = arith.cmpi slt, %add3A_90, %sign3A_539 : i32
        %sign3A_541 = arith.extui %sign3A_540 : i1 to i32
        %sign3A_542 = arith.subi %sign3A_538, %sign3A_541 : i32
        %sign3A_543 = arith.constant 0 : i32
        %sign3A_544 = arith.cmpi sgt, %jit3A_534, %sign3A_543 : i32
        %sign3A_545 = arith.extui %sign3A_544 : i1 to i32
        %sign3A_546 = arith.constant 0 : i32
        %sign3A_547 = arith.cmpi slt, %jit3A_534, %sign3A_546 : i32
        %sign3A_548 = arith.extui %sign3A_547 : i1 to i32
        %sign3A_549 = arith.subi %sign3A_545, %sign3A_548 : i32
        %ne3A_550 = arith.cmpi ne, %sign3A_542, %sign3A_549 : i32
        %rem3A_551 = arith.remsi %add3A_90, %jit3A_534 : i32
        %ne3A_552 = arith.constant 0 : i32
        %ne3A_553 = arith.cmpi ne, %rem3A_551, %ne3A_552 : i32
        %and3A_554 = arith.andi %ne3A_550, %ne3A_553 : i1
        %sub3A_555 = arith.constant 1 : i32
        %sub3A_556 = arith.subi %div3A_535, %sub3A_555 : i32
        %select_n3A_557 = arith.select %and3A_554, %sub3A_556, %div3A_535 : i32
        %jit3A_558 = arith.constant 2 : i32
        %eq3A_559 = arith.constant 0 : i32
        %eq3A_560 = arith.cmpi eq, %jit3A_558, %eq3A_559 : i32
        %jit3A_561 = arith.constant 1 : i32
        %select_n3A_562 = arith.select %eq3A_560, %jit3A_561, %jit3A_558 : i32
        %rem3A_563 = arith.remsi %select_n3A_557, %select_n3A_562 : i32
        %ne3A_564 = arith.constant 0 : i32
        %ne3A_565 = arith.cmpi ne, %rem3A_563, %ne3A_564 : i32
        %lt3A_566 = arith.constant 0 : i32
        %lt3A_567 = arith.cmpi slt, %rem3A_563, %lt3A_566 : i32
        %lt3A_568 = arith.constant 0 : i32
        %lt3A_569 = arith.cmpi slt, %select_n3A_562, %lt3A_568 : i32
        %ne3A_570 = arith.xori %lt3A_567, %lt3A_569 : i1
        %and3A_571 = arith.andi %ne3A_570, %ne3A_565 : i1
        %add3A_572 = arith.addi %rem3A_563, %select_n3A_562 : i32
        %select_n3A_573 = arith.select %and3A_571, %add3A_572, %rem3A_563 : i32
        %mul3A_574 = arith.constant 16 : i32
        %mul3A_575 = arith.muli %select_n3A_573, %mul3A_574 : i32
        %jit3A_576 = arith.constant 16 : i32
        %eq3A_577 = arith.constant 0 : i32
        %eq3A_578 = arith.cmpi eq, %jit3A_576, %eq3A_577 : i32
        %jit3A_579 = arith.constant 1 : i32
        %select_n3A_580 = arith.select %eq3A_578, %jit3A_579, %jit3A_576 : i32
        %rem3A_581 = arith.remsi %add3A_90, %select_n3A_580 : i32
        %ne3A_582 = arith.constant 0 : i32
        %ne3A_583 = arith.cmpi ne, %rem3A_581, %ne3A_582 : i32
        %lt3A_584 = arith.constant 0 : i32
        %lt3A_585 = arith.cmpi slt, %rem3A_581, %lt3A_584 : i32
        %lt3A_586 = arith.constant 0 : i32
        %lt3A_587 = arith.cmpi slt, %select_n3A_580, %lt3A_586 : i32
        %ne3A_588 = arith.xori %lt3A_585, %lt3A_587 : i1
        %and3A_589 = arith.andi %ne3A_588, %ne3A_583 : i1
        %add3A_590 = arith.addi %rem3A_581, %select_n3A_580 : i32
        %select_n3A_591 = arith.select %and3A_589, %add3A_590, %rem3A_581 : i32
        %add3A_592 = arith.addi %mul3A_575, %select_n3A_591 : i32
        %jit3A_593 = arith.constant 3 : i32
        %eq3A_594 = arith.constant 0 : i32
        %eq3A_595 = arith.cmpi eq, %jit3A_593, %eq3A_594 : i32
        %jit3A_596 = arith.constant 1 : i32
        %select_n3A_597 = arith.select %eq3A_595, %jit3A_596, %jit3A_593 : i32
        %rem3A_598 = arith.remsi %add3A_90, %select_n3A_597 : i32
        %ne3A_599 = arith.constant 0 : i32
        %ne3A_600 = arith.cmpi ne, %rem3A_598, %ne3A_599 : i32
        %lt3A_601 = arith.constant 0 : i32
        %lt3A_602 = arith.cmpi slt, %rem3A_598, %lt3A_601 : i32
        %lt3A_603 = arith.constant 0 : i32
        %lt3A_604 = arith.cmpi slt, %select_n3A_597, %lt3A_603 : i32
        %ne3A_605 = arith.xori %lt3A_602, %lt3A_604 : i1
        %and3A_606 = arith.andi %ne3A_605, %ne3A_600 : i1
        %add3A_607 = arith.addi %rem3A_598, %select_n3A_597 : i32
        %select_n3A_608 = arith.select %and3A_606, %add3A_607, %rem3A_598 : i32
        %mul3A_609 = arith.constant 128 : i32
        %mul3A_610 = arith.muli %select_n3A_608, %mul3A_609 : i32
        %dma_start3A_611 = arith.constant 0 : i32
        %dma_start3A_612 = tpu.memref_slice %arg11[%mul3A_610, %dma_start3A_611] : memref<384x128xf32, #tpu.memory_space<vmem>> -> memref<128x128xf32, #tpu.memory_space<vmem>>
        %dma_start3A_613 = arith.constant 0 : i32
        %dma_start3A_614 = tpu.memref_slice %arg12[%add3A_592, %dma_start3A_613] : memref<32x128xi32, #tpu.memory_space<vmem>> -> memref<1x128xi32, #tpu.memory_space<vmem>>
        %dma_start3A_615 = tpu.memref_squeeze %dma_start3A_614 : memref<1x128xi32, #tpu.memory_space<vmem>> -> memref<128xi32, #tpu.memory_space<vmem>>
        %dma_start3A_616 = arith.constant 0 : i32
        %dma_start3A_617 = arith.constant 0 : i32
        %dma_start3A_618 = tpu.memref_slice %arg2[%dma_start3A_616, %dma_start3A_617] : memref<50000x128xf32, #tpu.memory_space<hbm>> -> memref<50000x128xf32, #tpu.memory_space<hbm>>
        tpu.enqueue_indirect_dma source(%dma_start3A_618 : memref<50000x128xf32, #tpu.memory_space<hbm>>) target(%dma_start3A_612 : memref<128x128xf32, #tpu.memory_space<vmem>>) offsets(%dma_start3A_615 : memref<128xi32, #tpu.memory_space<vmem>>) semaphore(%arg23 : memref<!tpu.dma_semaphore, #tpu.memory_space<semaphore_mem>>)
      } else {
      }
      %ge3A_117 = arith.constant 2 : i32
      %ge3A_118 = arith.cmpi sge, %while3A_87, %ge3A_117 : i32
      %convert_element_type3A_119 = arith.extui %ge3A_118 : i1 to i32
      %cond3A_120 = arith.constant 0 : i32
      %cond3A_121 = arith.cmpi ne, %convert_element_type3A_119, %cond3A_120 : i32
      scf.if %cond3A_121 {
        %dma_wait3A_534 = arith.constant 0 : i32
        %dma_wait3A_535 = arith.constant 0 : i32
        %dma_wait3A_536 = tpu.memref_slice %arg15[%dma_wait3A_535] : memref<256xf32, #tpu.memory_space<vmem>> -> memref<128xf32, #tpu.memory_space<vmem>>
        %dma_wait3A_537 = arith.constant 0 : i32
        %dma_wait3A_538 = tpu.memref_slice %arg13[%dma_wait3A_534, %dma_wait3A_537] : memref<32x128xi32, #tpu.memory_space<vmem>> -> memref<1x128xi32, #tpu.memory_space<vmem>>
        %dma_wait3A_539 = tpu.memref_squeeze %dma_wait3A_538 : memref<1x128xi32, #tpu.memory_space<vmem>> -> memref<128xi32, #tpu.memory_space<vmem>>
        %dma_wait3A_540 = arith.constant 0 : i32
        %dma_wait3A_541 = tpu.memref_slice %arg21[%dma_wait3A_540] : memref<50176xf32, #tpu.memory_space<vmem_shared>> -> memref<50176xf32, #tpu.memory_space<vmem_shared>>
        tpu.wait_indirect_dma semaphore(%arg24 : memref<!tpu.dma_semaphore, #tpu.memory_space<semaphore_mem>>) src(%dma_wait3A_536 : memref<128xf32, #tpu.memory_space<vmem>>) dst(%dma_wait3A_541 : memref<50176xf32, #tpu.memory_space<vmem_shared>>)
        %dma_wait3A_542 = arith.constant 0 : i32
        %dma_wait3A_543 = arith.constant 0 : i32
        %dma_wait3A_544 = tpu.memref_slice %arg15[%dma_wait3A_543] : memref<256xf32, #tpu.memory_space<vmem>> -> memref<128xf32, #tpu.memory_space<vmem>>
        %dma_wait3A_545 = arith.constant 0 : i32
        %dma_wait3A_546 = tpu.memref_slice %arg13[%dma_wait3A_542, %dma_wait3A_545] : memref<32x128xi32, #tpu.memory_space<vmem>> -> memref<1x128xi32, #tpu.memory_space<vmem>>
        %dma_wait3A_547 = tpu.memref_squeeze %dma_wait3A_546 : memref<1x128xi32, #tpu.memory_space<vmem>> -> memref<128xi32, #tpu.memory_space<vmem>>
        %dma_wait3A_548 = arith.constant 0 : i32
        %dma_wait3A_549 = tpu.memref_slice %arg21[%dma_wait3A_548] : memref<50176xf32, #tpu.memory_space<vmem_shared>> -> memref<50176xf32, #tpu.memory_space<vmem_shared>>
        tpu.wait_indirect_dma semaphore(%arg24 : memref<!tpu.dma_semaphore, #tpu.memory_space<semaphore_mem>>) src(%dma_wait3A_544 : memref<128xf32, #tpu.memory_space<vmem>>) dst(%dma_wait3A_549 : memref<50176xf32, #tpu.memory_space<vmem_shared>>)
      } else {
      }
      %jit3A_122 = arith.constant 16 : i32
      %div3A_123 = arith.divsi %while3A_87, %jit3A_122 : i32
      %sign3A_124 = arith.constant 0 : i32
      %sign3A_125 = arith.cmpi sgt, %while3A_87, %sign3A_124 : i32
      %sign3A_126 = arith.extui %sign3A_125 : i1 to i32
      %sign3A_127 = arith.constant 0 : i32
      %sign3A_128 = arith.cmpi slt, %while3A_87, %sign3A_127 : i32
      %sign3A_129 = arith.extui %sign3A_128 : i1 to i32
      %sign3A_130 = arith.subi %sign3A_126, %sign3A_129 : i32
      %sign3A_131 = arith.constant 0 : i32
      %sign3A_132 = arith.cmpi sgt, %jit3A_122, %sign3A_131 : i32
      %sign3A_133 = arith.extui %sign3A_132 : i1 to i32
      %sign3A_134 = arith.constant 0 : i32
      %sign3A_135 = arith.cmpi slt, %jit3A_122, %sign3A_134 : i32
      %sign3A_136 = arith.extui %sign3A_135 : i1 to i32
      %sign3A_137 = arith.subi %sign3A_133, %sign3A_136 : i32
      %ne3A_138 = arith.cmpi ne, %sign3A_130, %sign3A_137 : i32
      %rem3A_139 = arith.remsi %while3A_87, %jit3A_122 : i32
      %ne3A_140 = arith.constant 0 : i32
      %ne3A_141 = arith.cmpi ne, %rem3A_139, %ne3A_140 : i32
      %and3A_142 = arith.andi %ne3A_138, %ne3A_141 : i1
      %sub3A_143 = arith.constant 1 : i32
      %sub3A_144 = arith.subi %div3A_123, %sub3A_143 : i32
      %select_n3A_145 = arith.select %and3A_142, %sub3A_144, %div3A_123 : i32
      %jit3A_146 = arith.constant 2 : i32
      %eq3A_147 = arith.constant 0 : i32
      %eq3A_148 = arith.cmpi eq, %jit3A_146, %eq3A_147 : i32
      %jit3A_149 = arith.constant 1 : i32
      %select_n3A_150 = arith.select %eq3A_148, %jit3A_149, %jit3A_146 : i32
      %rem3A_151 = arith.remsi %select_n3A_145, %select_n3A_150 : i32
      %ne3A_152 = arith.constant 0 : i32
      %ne3A_153 = arith.cmpi ne, %rem3A_151, %ne3A_152 : i32
      %lt3A_154 = arith.constant 0 : i32
      %lt3A_155 = arith.cmpi slt, %rem3A_151, %lt3A_154 : i32
      %lt3A_156 = arith.constant 0 : i32
      %lt3A_157 = arith.cmpi slt, %select_n3A_150, %lt3A_156 : i32
      %ne3A_158 = arith.xori %lt3A_155, %lt3A_157 : i1
      %and3A_159 = arith.andi %ne3A_158, %ne3A_153 : i1
      %add3A_160 = arith.addi %rem3A_151, %select_n3A_150 : i32
      %select_n3A_161 = arith.select %and3A_159, %add3A_160, %rem3A_151 : i32
      %mul3A_162 = arith.constant 16 : i32
      %mul3A_163 = arith.muli %select_n3A_161, %mul3A_162 : i32
      %jit3A_164 = arith.constant 16 : i32
      %eq3A_165 = arith.constant 0 : i32
      %eq3A_166 = arith.cmpi eq, %jit3A_164, %eq3A_165 : i32
      %jit3A_167 = arith.constant 1 : i32
      %select_n3A_168 = arith.select %eq3A_166, %jit3A_167, %jit3A_164 : i32
      %rem3A_169 = arith.remsi %while3A_87, %select_n3A_168 : i32
      %ne3A_170 = arith.constant 0 : i32
      %ne3A_171 = arith.cmpi ne, %rem3A_169, %ne3A_170 : i32
      %lt3A_172 = arith.constant 0 : i32
      %lt3A_173 = arith.cmpi slt, %rem3A_169, %lt3A_172 : i32
      %lt3A_174 = arith.constant 0 : i32
      %lt3A_175 = arith.cmpi slt, %select_n3A_168, %lt3A_174 : i32
      %ne3A_176 = arith.xori %lt3A_173, %lt3A_175 : i1
      %and3A_177 = arith.andi %ne3A_176, %ne3A_171 : i1
      %add3A_178 = arith.addi %rem3A_169, %select_n3A_168 : i32
      %select_n3A_179 = arith.select %and3A_177, %add3A_178, %rem3A_169 : i32
      %add3A_180 = arith.addi %mul3A_163, %select_n3A_179 : i32
      %jit3A_181 = arith.constant 3 : i32
      %eq3A_182 = arith.constant 0 : i32
      %eq3A_183 = arith.cmpi eq, %jit3A_181, %eq3A_182 : i32
      %jit3A_184 = arith.constant 1 : i32
      %select_n3A_185 = arith.select %eq3A_183, %jit3A_184, %jit3A_181 : i32
      %rem3A_186 = arith.remsi %while3A_87, %select_n3A_185 : i32
      %ne3A_187 = arith.constant 0 : i32
      %ne3A_188 = arith.cmpi ne, %rem3A_186, %ne3A_187 : i32
      %lt3A_189 = arith.constant 0 : i32
      %lt3A_190 = arith.cmpi slt, %rem3A_186, %lt3A_189 : i32
      %lt3A_191 = arith.constant 0 : i32
      %lt3A_192 = arith.cmpi slt, %select_n3A_185, %lt3A_191 : i32
      %ne3A_193 = arith.xori %lt3A_190, %lt3A_192 : i1
      %and3A_194 = arith.andi %ne3A_193, %ne3A_188 : i1
      %add3A_195 = arith.addi %rem3A_186, %select_n3A_185 : i32
      %select_n3A_196 = arith.select %and3A_194, %add3A_195, %rem3A_186 : i32
      %mul3A_197 = arith.constant 128 : i32
      %mul3A_198 = arith.muli %select_n3A_196, %mul3A_197 : i32
      %dma_wait3A = arith.constant 0 : i32
      %dma_wait3A_199 = tpu.memref_slice %arg11[%mul3A_198, %dma_wait3A] : memref<384x128xf32, #tpu.memory_space<vmem>> -> memref<128x128xf32, #tpu.memory_space<vmem>>
      %dma_wait3A_200 = arith.constant 0 : i32
      %dma_wait3A_201 = tpu.memref_slice %arg12[%add3A_180, %dma_wait3A_200] : memref<32x128xi32, #tpu.memory_space<vmem>> -> memref<1x128xi32, #tpu.memory_space<vmem>>
      %dma_wait3A_202 = tpu.memref_squeeze %dma_wait3A_201 : memref<1x128xi32, #tpu.memory_space<vmem>> -> memref<128xi32, #tpu.memory_space<vmem>>
      %dma_wait3A_203 = arith.constant 0 : i32
      %dma_wait3A_204 = arith.constant 0 : i32
      %dma_wait3A_205 = tpu.memref_slice %arg2[%dma_wait3A_203, %dma_wait3A_204] : memref<50000x128xf32, #tpu.memory_space<hbm>> -> memref<50000x128xf32, #tpu.memory_space<hbm>>
      tpu.wait_indirect_dma semaphore(%arg23 : memref<!tpu.dma_semaphore, #tpu.memory_space<semaphore_mem>>) src(%dma_wait3A_205 : memref<50000x128xf32, #tpu.memory_space<hbm>>) dst(%dma_wait3A_199 : memref<128x128xf32, #tpu.memory_space<vmem>>)
      %jit3A_206 = arith.constant 16 : i32
      %div3A_207 = arith.divsi %while3A_87, %jit3A_206 : i32
      %sign3A_208 = arith.constant 0 : i32
      %sign3A_209 = arith.cmpi sgt, %while3A_87, %sign3A_208 : i32
      %sign3A_210 = arith.extui %sign3A_209 : i1 to i32
      %sign3A_211 = arith.constant 0 : i32
      %sign3A_212 = arith.cmpi slt, %while3A_87, %sign3A_211 : i32
      %sign3A_213 = arith.extui %sign3A_212 : i1 to i32
      %sign3A_214 = arith.subi %sign3A_210, %sign3A_213 : i32
      %sign3A_215 = arith.constant 0 : i32
      %sign3A_216 = arith.cmpi sgt, %jit3A_206, %sign3A_215 : i32
      %sign3A_217 = arith.extui %sign3A_216 : i1 to i32
      %sign3A_218 = arith.constant 0 : i32
      %sign3A_219 = arith.cmpi slt, %jit3A_206, %sign3A_218 : i32
      %sign3A_220 = arith.extui %sign3A_219 : i1 to i32
      %sign3A_221 = arith.subi %sign3A_217, %sign3A_220 : i32
      %ne3A_222 = arith.cmpi ne, %sign3A_214, %sign3A_221 : i32
      %rem3A_223 = arith.remsi %while3A_87, %jit3A_206 : i32
      %ne3A_224 = arith.constant 0 : i32
      %ne3A_225 = arith.cmpi ne, %rem3A_223, %ne3A_224 : i32
      %and3A_226 = arith.andi %ne3A_222, %ne3A_225 : i1
      %sub3A_227 = arith.constant 1 : i32
      %sub3A_228 = arith.subi %div3A_207, %sub3A_227 : i32
      %select_n3A_229 = arith.select %and3A_226, %sub3A_228, %div3A_207 : i32
      %jit3A_230 = arith.constant 2 : i32
      %eq3A_231 = arith.constant 0 : i32
      %eq3A_232 = arith.cmpi eq, %jit3A_230, %eq3A_231 : i32
      %jit3A_233 = arith.constant 1 : i32
      %select_n3A_234 = arith.select %eq3A_232, %jit3A_233, %jit3A_230 : i32
      %rem3A_235 = arith.remsi %select_n3A_229, %select_n3A_234 : i32
      %ne3A_236 = arith.constant 0 : i32
      %ne3A_237 = arith.cmpi ne, %rem3A_235, %ne3A_236 : i32
      %lt3A_238 = arith.constant 0 : i32
      %lt3A_239 = arith.cmpi slt, %rem3A_235, %lt3A_238 : i32
      %lt3A_240 = arith.constant 0 : i32
      %lt3A_241 = arith.cmpi slt, %select_n3A_234, %lt3A_240 : i32
      %ne3A_242 = arith.xori %lt3A_239, %lt3A_241 : i1
      %and3A_243 = arith.andi %ne3A_242, %ne3A_237 : i1
      %add3A_244 = arith.addi %rem3A_235, %select_n3A_234 : i32
      %select_n3A_245 = arith.select %and3A_243, %add3A_244, %rem3A_235 : i32
      %mul3A_246 = arith.constant 16 : i32
      %mul3A_247 = arith.muli %select_n3A_245, %mul3A_246 : i32
      %jit3A_248 = arith.constant 16 : i32
      %eq3A_249 = arith.constant 0 : i32
      %eq3A_250 = arith.cmpi eq, %jit3A_248, %eq3A_249 : i32
      %jit3A_251 = arith.constant 1 : i32
      %select_n3A_252 = arith.select %eq3A_250, %jit3A_251, %jit3A_248 : i32
      %rem3A_253 = arith.remsi %while3A_87, %select_n3A_252 : i32
      %ne3A_254 = arith.constant 0 : i32
      %ne3A_255 = arith.cmpi ne, %rem3A_253, %ne3A_254 : i32
      %lt3A_256 = arith.constant 0 : i32
      %lt3A_257 = arith.cmpi slt, %rem3A_253, %lt3A_256 : i32
      %lt3A_258 = arith.constant 0 : i32
      %lt3A_259 = arith.cmpi slt, %select_n3A_252, %lt3A_258 : i32
      %ne3A_260 = arith.xori %lt3A_257, %lt3A_259 : i1
      %and3A_261 = arith.andi %ne3A_260, %ne3A_255 : i1
      %add3A_262 = arith.addi %rem3A_253, %select_n3A_252 : i32
      %select_n3A_263 = arith.select %and3A_261, %add3A_262, %rem3A_253 : i32
      %add3A_264 = arith.addi %mul3A_247, %select_n3A_263 : i32
      %jit3A_265 = arith.constant 2 : i32
      %eq3A_266 = arith.constant 0 : i32
      %eq3A_267 = arith.cmpi eq, %jit3A_265, %eq3A_266 : i32
      %jit3A_268 = arith.constant 1 : i32
      %select_n3A_269 = arith.select %eq3A_267, %jit3A_268, %jit3A_265 : i32
      %rem3A_270 = arith.remsi %while3A_87, %select_n3A_269 : i32
      %ne3A_271 = arith.constant 0 : i32
      %ne3A_272 = arith.cmpi ne, %rem3A_270, %ne3A_271 : i32
      %lt3A_273 = arith.constant 0 : i32
      %lt3A_274 = arith.cmpi slt, %rem3A_270, %lt3A_273 : i32
      %lt3A_275 = arith.constant 0 : i32
      %lt3A_276 = arith.cmpi slt, %select_n3A_269, %lt3A_275 : i32
      %ne3A_277 = arith.xori %lt3A_274, %lt3A_276 : i1
      %and3A_278 = arith.andi %ne3A_277, %ne3A_272 : i1
      %add3A_279 = arith.addi %rem3A_270, %select_n3A_269 : i32
      %select_n3A_280 = arith.select %and3A_278, %add3A_279, %rem3A_270 : i32
      %mul3A_281 = arith.constant 128 : i32
      %mul3A_282 = arith.muli %select_n3A_280, %mul3A_281 : i32
      %jit3A_283 = arith.constant 3 : i32
      %eq3A_284 = arith.constant 0 : i32
      %eq3A_285 = arith.cmpi eq, %jit3A_283, %eq3A_284 : i32
      %jit3A_286 = arith.constant 1 : i32
      %select_n3A_287 = arith.select %eq3A_285, %jit3A_286, %jit3A_283 : i32
      %rem3A_288 = arith.remsi %while3A_87, %select_n3A_287 : i32
      %ne3A_289 = arith.constant 0 : i32
      %ne3A_290 = arith.cmpi ne, %rem3A_288, %ne3A_289 : i32
      %lt3A_291 = arith.constant 0 : i32
      %lt3A_292 = arith.cmpi slt, %rem3A_288, %lt3A_291 : i32
      %lt3A_293 = arith.constant 0 : i32
      %lt3A_294 = arith.cmpi slt, %select_n3A_287, %lt3A_293 : i32
      %ne3A_295 = arith.xori %lt3A_292, %lt3A_294 : i1
      %and3A_296 = arith.andi %ne3A_295, %ne3A_290 : i1
      %add3A_297 = arith.addi %rem3A_288, %select_n3A_287 : i32
      %select_n3A_298 = arith.select %and3A_296, %add3A_297, %rem3A_288 : i32
      %mul3A_299 = arith.constant 128 : i32
      %mul3A_300 = arith.muli %select_n3A_298, %mul3A_299 : i32
      %broadcast_in_dim3A_301 = vector.broadcast %mul3A_300 : i32 to vector<16xi32>
      %add3A_302 = arith.addi %add3A_38, %broadcast_in_dim3A_301 : vector<16xi32>
      %add3A_303 = arith.addi %add3A_41, %broadcast_in_dim3A_301 : vector<16xi32>
      %add3A_304 = arith.addi %add3A_44, %broadcast_in_dim3A_301 : vector<16xi32>
      %add3A_305 = arith.addi %add3A_47, %broadcast_in_dim3A_301 : vector<16xi32>
      %add3A_306 = arith.addi %add3A_50, %broadcast_in_dim3A_301 : vector<16xi32>
      %add3A_307 = arith.addi %add3A_53, %broadcast_in_dim3A_301 : vector<16xi32>
      %add3A_308 = arith.addi %add3A_56, %broadcast_in_dim3A_301 : vector<16xi32>
      %add3A_309 = arith.addi %add3A_59, %broadcast_in_dim3A_301 : vector<16xi32>
      %get3A = arith.index_cast %add3A_264 : i32 to index
      %get3A_310 = arith.constant 0 : index
      %get3A_311 = tpu.vector_load %arg14[%get3A, %get3A_310] {strides = array<i32>} : memref<32x128xf32, #tpu.memory_space<vmem>>, vector<16xf32>,
      %bitcast3A = vector.bitcast %get3A_311 : vector<16xf32> to vector<16xi32>
      %add3A_312 = arith.constant 32767 : i32
      %add3A_313 = vector.broadcast %add3A_312 : i32 to vector<16xi32>
      %add3A_314 = arith.addi %bitcast3A, %add3A_313 : vector<16xi32>
      %shift_right_logical3A = arith.constant 16 : i32
      %shift_right_logical3A_315 = vector.broadcast %shift_right_logical3A : i32 to vector<16xi32>
      %shift_right_logical3A_316 = arith.shrui %bitcast3A, %shift_right_logical3A_315 : vector<16xi32>
      %and3A_317 = arith.constant 1 : i32
      %and3A_318 = vector.broadcast %and3A_317 : i32 to vector<16xi32>
      %and3A_319 = arith.andi %shift_right_logical3A_316, %and3A_318 : vector<16xi32>
      %add3A_320 = arith.addi %add3A_314, %and3A_319 : vector<16xi32>
      %and3A_321 = arith.constant -65536 : i32
      %and3A_322 = vector.broadcast %and3A_321 : i32 to vector<16xi32>
      %and3A_323 = arith.andi %add3A_320, %and3A_322 : vector<16xi32>
      %bitcast3A_324 = vector.bitcast %and3A_323 : vector<16xi32> to vector<16xf32>
      %get3A_325 = arith.index_cast %add3A_264 : i32 to index
      %get3A_326 = arith.constant 16 : index
      %get3A_327 = tpu.vector_load %arg14[%get3A_325, %get3A_326] {strides = array<i32>} : memref<32x128xf32, #tpu.memory_space<vmem>>, vector<16xf32>,
      %bitcast3A_328 = vector.bitcast %get3A_327 : vector<16xf32> to vector<16xi32>
      %add3A_329 = arith.constant 32767 : i32
      %add3A_330 = vector.broadcast %add3A_329 : i32 to vector<16xi32>
      %add3A_331 = arith.addi %bitcast3A_328, %add3A_330 : vector<16xi32>
      %shift_right_logical3A_332 = arith.constant 16 : i32
      %shift_right_logical3A_333 = vector.broadcast %shift_right_logical3A_332 : i32 to vector<16xi32>
      %shift_right_logical3A_334 = arith.shrui %bitcast3A_328, %shift_right_logical3A_333 : vector<16xi32>
      %and3A_335 = arith.constant 1 : i32
      %and3A_336 = vector.broadcast %and3A_335 : i32 to vector<16xi32>
      %and3A_337 = arith.andi %shift_right_logical3A_334, %and3A_336 : vector<16xi32>
      %add3A_338 = arith.addi %add3A_331, %and3A_337 : vector<16xi32>
      %and3A_339 = arith.constant -65536 : i32
      %and3A_340 = vector.broadcast %and3A_339 : i32 to vector<16xi32>
      %and3A_341 = arith.andi %add3A_338, %and3A_340 : vector<16xi32>
      %bitcast3A_342 = vector.bitcast %and3A_341 : vector<16xi32> to vector<16xf32>
      %get3A_343 = arith.index_cast %add3A_264 : i32 to index
      %get3A_344 = arith.constant 32 : index
      %get3A_345 = tpu.vector_load %arg14[%get3A_343, %get3A_344] {strides = array<i32>} : memref<32x128xf32, #tpu.memory_space<vmem>>, vector<16xf32>,
      %bitcast3A_346 = vector.bitcast %get3A_345 : vector<16xf32> to vector<16xi32>
      %add3A_347 = arith.constant 32767 : i32
      %add3A_348 = vector.broadcast %add3A_347 : i32 to vector<16xi32>
      %add3A_349 = arith.addi %bitcast3A_346, %add3A_348 : vector<16xi32>
      %shift_right_logical3A_350 = arith.constant 16 : i32
      %shift_right_logical3A_351 = vector.broadcast %shift_right_logical3A_350 : i32 to vector<16xi32>
      %shift_right_logical3A_352 = arith.shrui %bitcast3A_346, %shift_right_logical3A_351 : vector<16xi32>
      %and3A_353 = arith.constant 1 : i32
      %and3A_354 = vector.broadcast %and3A_353 : i32 to vector<16xi32>
      %and3A_355 = arith.andi %shift_right_logical3A_352, %and3A_354 : vector<16xi32>
      %add3A_356 = arith.addi %add3A_349, %and3A_355 : vector<16xi32>
      %and3A_357 = arith.constant -65536 : i32
      %and3A_358 = vector.broadcast %and3A_357 : i32 to vector<16xi32>
      %and3A_359 = arith.andi %add3A_356, %and3A_358 : vector<16xi32>
      %bitcast3A_360 = vector.bitcast %and3A_359 : vector<16xi32> to vector<16xf32>
      %get3A_361 = arith.index_cast %add3A_264 : i32 to index
      %get3A_362 = arith.constant 48 : index
      %get3A_363 = tpu.vector_load %arg14[%get3A_361, %get3A_362] {strides = array<i32>} : memref<32x128xf32, #tpu.memory_space<vmem>>, vector<16xf32>,
      %bitcast3A_364 = vector.bitcast %get3A_363 : vector<16xf32> to vector<16xi32>
      %add3A_365 = arith.constant 32767 : i32
      %add3A_366 = vector.broadcast %add3A_365 : i32 to vector<16xi32>
      %add3A_367 = arith.addi %bitcast3A_364, %add3A_366 : vector<16xi32>
      %shift_right_logical3A_368 = arith.constant 16 : i32
      %shift_right_logical3A_369 = vector.broadcast %shift_right_logical3A_368 : i32 to vector<16xi32>
      %shift_right_logical3A_370 = arith.shrui %bitcast3A_364, %shift_right_logical3A_369 : vector<16xi32>
      %and3A_371 = arith.constant 1 : i32
      %and3A_372 = vector.broadcast %and3A_371 : i32 to vector<16xi32>
      %and3A_373 = arith.andi %shift_right_logical3A_370, %and3A_372 : vector<16xi32>
      %add3A_374 = arith.addi %add3A_367, %and3A_373 : vector<16xi32>
      %and3A_375 = arith.constant -65536 : i32
      %and3A_376 = vector.broadcast %and3A_375 : i32 to vector<16xi32>
      %and3A_377 = arith.andi %add3A_374, %and3A_376 : vector<16xi32>
      %bitcast3A_378 = vector.bitcast %and3A_377 : vector<16xi32> to vector<16xf32>
      %get3A_379 = arith.index_cast %add3A_264 : i32 to index
      %get3A_380 = arith.constant 64 : index
      %get3A_381 = tpu.vector_load %arg14[%get3A_379, %get3A_380] {strides = array<i32>} : memref<32x128xf32, #tpu.memory_space<vmem>>, vector<16xf32>,
      %bitcast3A_382 = vector.bitcast %get3A_381 : vector<16xf32> to vector<16xi32>
      %add3A_383 = arith.constant 32767 : i32
      %add3A_384 = vector.broadcast %add3A_383 : i32 to vector<16xi32>
      %add3A_385 = arith.addi %bitcast3A_382, %add3A_384 : vector<16xi32>
      %shift_right_logical3A_386 = arith.constant 16 : i32
      %shift_right_logical3A_387 = vector.broadcast %shift_right_logical3A_386 : i32 to vector<16xi32>
      %shift_right_logical3A_388 = arith.shrui %bitcast3A_382, %shift_right_logical3A_387 : vector<16xi32>
      %and3A_389 = arith.constant 1 : i32
      %and3A_390 = vector.broadcast %and3A_389 : i32 to vector<16xi32>
      %and3A_391 = arith.andi %shift_right_logical3A_388, %and3A_390 : vector<16xi32>
      %add3A_392 = arith.addi %add3A_385, %and3A_391 : vector<16xi32>
      %and3A_393 = arith.constant -65536 : i32
      %and3A_394 = vector.broadcast %and3A_393 : i32 to vector<16xi32>
      %and3A_395 = arith.andi %add3A_392, %and3A_394 : vector<16xi32>
      %bitcast3A_396 = vector.bitcast %and3A_395 : vector<16xi32> to vector<16xf32>
      %get3A_397 = arith.index_cast %add3A_264 : i32 to index
      %get3A_398 = arith.constant 80 : index
      %get3A_399 = tpu.vector_load %arg14[%get3A_397, %get3A_398] {strides = array<i32>} : memref<32x128xf32, #tpu.memory_space<vmem>>, vector<16xf32>,
      %bitcast3A_400 = vector.bitcast %get3A_399 : vector<16xf32> to vector<16xi32>
      %add3A_401 = arith.constant 32767 : i32
      %add3A_402 = vector.broadcast %add3A_401 : i32 to vector<16xi32>
      %add3A_403 = arith.addi %bitcast3A_400, %add3A_402 : vector<16xi32>
      %shift_right_logical3A_404 = arith.constant 16 : i32
      %shift_right_logical3A_405 = vector.broadcast %shift_right_logical3A_404 : i32 to vector<16xi32>
      %shift_right_logical3A_406 = arith.shrui %bitcast3A_400, %shift_right_logical3A_405 : vector<16xi32>
      %and3A_407 = arith.constant 1 : i32
      %and3A_408 = vector.broadcast %and3A_407 : i32 to vector<16xi32>
      %and3A_409 = arith.andi %shift_right_logical3A_406, %and3A_408 : vector<16xi32>
      %add3A_410 = arith.addi %add3A_403, %and3A_409 : vector<16xi32>
      %and3A_411 = arith.constant -65536 : i32
      %and3A_412 = vector.broadcast %and3A_411 : i32 to vector<16xi32>
      %and3A_413 = arith.andi %add3A_410, %and3A_412 : vector<16xi32>
      %bitcast3A_414 = vector.bitcast %and3A_413 : vector<16xi32> to vector<16xf32>
      %get3A_415 = arith.index_cast %add3A_264 : i32 to index
      %get3A_416 = arith.constant 96 : index
      %get3A_417 = tpu.vector_load %arg14[%get3A_415, %get3A_416] {strides = array<i32>} : memref<32x128xf32, #tpu.memory_space<vmem>>, vector<16xf32>,
      %bitcast3A_418 = vector.bitcast %get3A_417 : vector<16xf32> to vector<16xi32>
      %add3A_419 = arith.constant 32767 : i32
      %add3A_420 = vector.broadcast %add3A_419 : i32 to vector<16xi32>
      %add3A_421 = arith.addi %bitcast3A_418, %add3A_420 : vector<16xi32>
      %shift_right_logical3A_422 = arith.constant 16 : i32
      %shift_right_logical3A_423 = vector.broadcast %shift_right_logical3A_422 : i32 to vector<16xi32>
      %shift_right_logical3A_424 = arith.shrui %bitcast3A_418, %shift_right_logical3A_423 : vector<16xi32>
      %and3A_425 = arith.constant 1 : i32
      %and3A_426 = vector.broadcast %and3A_425 : i32 to vector<16xi32>
      %and3A_427 = arith.andi %shift_right_logical3A_424, %and3A_426 : vector<16xi32>
      %add3A_428 = arith.addi %add3A_421, %and3A_427 : vector<16xi32>
      %and3A_429 = arith.constant -65536 : i32
      %and3A_430 = vector.broadcast %and3A_429 : i32 to vector<16xi32>
      %and3A_431 = arith.andi %add3A_428, %and3A_430 : vector<16xi32>
      %bitcast3A_432 = vector.bitcast %and3A_431 : vector<16xi32> to vector<16xf32>
      %get3A_433 = arith.index_cast %add3A_264 : i32 to index
      %get3A_434 = arith.constant 112 : index
      %get3A_435 = tpu.vector_load %arg14[%get3A_433, %get3A_434] {strides = array<i32>} : memref<32x128xf32, #tpu.memory_space<vmem>>, vector<16xf32>,
      %bitcast3A_436 = vector.bitcast %get3A_435 : vector<16xf32> to vector<16xi32>
      %add3A_437 = arith.constant 32767 : i32
      %add3A_438 = vector.broadcast %add3A_437 : i32 to vector<16xi32>
      %add3A_439 = arith.addi %bitcast3A_436, %add3A_438 : vector<16xi32>
      %shift_right_logical3A_440 = arith.constant 16 : i32
      %shift_right_logical3A_441 = vector.broadcast %shift_right_logical3A_440 : i32 to vector<16xi32>
      %shift_right_logical3A_442 = arith.shrui %bitcast3A_436, %shift_right_logical3A_441 : vector<16xi32>
      %and3A_443 = arith.constant 1 : i32
      %and3A_444 = vector.broadcast %and3A_443 : i32 to vector<16xi32>
      %and3A_445 = arith.andi %shift_right_logical3A_442, %and3A_444 : vector<16xi32>
      %add3A_446 = arith.addi %add3A_439, %and3A_445 : vector<16xi32>
      %and3A_447 = arith.constant -65536 : i32
      %and3A_448 = vector.broadcast %and3A_447 : i32 to vector<16xi32>
      %and3A_449 = arith.andi %add3A_446, %and3A_448 : vector<16xi32>
      %bitcast3A_450 = vector.bitcast %and3A_449 : vector<16xi32> to vector<16xf32>
      %broadcast_in_dim3A_451 = arith.constant 0.000000e+00 : f32
      %broadcast_in_dim3A_452 = vector.broadcast %broadcast_in_dim3A_451 : f32 to vector<16xf32>
      %scan3A_453 = arith.constant 0 : i32
      %scan3A_454 = arith.constant 128 : i32
      %scan3A_455 = arith.addi %scan3A_453, %scan3A_454 : i32
      %scan3A_456 = arith.constant 4 : i32
      %scan3A_457:16 = scf.for %scan3A_534 = %scan3A_453 to %scan3A_455 step %scan3A_456 iter_args(%scan3A_535 = %broadcast_in_dim3A_452, %scan3A_536 = %broadcast_in_dim3A_452, %scan3A_537 = %broadcast_in_dim3A_452, %scan3A_538 = %broadcast_in_dim3A_452, %scan3A_539 = %broadcast_in_dim3A_452, %scan3A_540 = %broadcast_in_dim3A_452, %scan3A_541 = %broadcast_in_dim3A_452, %scan3A_542 = %broadcast_in_dim3A_452, %scan3A_543 = %broadcast_in_dim3A_452, %scan3A_544 = %broadcast_in_dim3A_452, %scan3A_545 = %broadcast_in_dim3A_452, %scan3A_546 = %broadcast_in_dim3A_452, %scan3A_547 = %broadcast_in_dim3A_452, %scan3A_548 = %broadcast_in_dim3A_452, %scan3A_549 = %broadcast_in_dim3A_452, %scan3A_550 = %broadcast_in_dim3A_452) -> (vector<16xf32>, vector<16xf32>, vector<16xf32>, vector<16xf32>, vector<16xf32>, vector<16xf32>, vector<16xf32>, vector<16xf32>, vector<16xf32>, vector<16xf32>, vector<16xf32>, vector<16xf32>, vector<16xf32>, vector<16xf32>, vector<16xf32>, vector<16xf32>)  : i32 {
        %get3A_551 = arith.index_cast %scan3A_534 : i32 to index
        %get3A_552 = arith.constant 0 : index
        %get3A_553 = tpu.vector_load %arg17[%get3A_551, %get3A_552] {strides = array<i32>} : memref<128x16xf32, #tpu.memory_space<vmem>>, vector<16xf32>,
        %get3A_554 = arith.index_cast %scan3A_534 : i32 to index
        %get3A_555 = arith.constant 0 : index
        %get3A_556 = tpu.vector_load %arg18[%get3A_554, %get3A_555] {strides = array<i32>} : memref<128x16xf32, #tpu.memory_space<vmem>>, vector<16xf32>,
        %get3A_557 = arith.index_cast %scan3A_534 : i32 to index
        %get3A_558 = arith.constant 0 : index
        %get3A_559 = tpu.vector_load %arg19[%get3A_557, %get3A_558] {strides = array<i32>} : memref<128x16xf32, #tpu.memory_space<vmem>>, vector<16xf32>,
        %add3A_560 = vector.broadcast %scan3A_534 : i32 to vector<16xi32>
        %add3A_561 = arith.addi %iota3A, %add3A_560 : vector<16xi32>
        %and3A_562 = arith.constant 127 : i32
        %and3A_563 = vector.broadcast %and3A_562 : i32 to vector<16xi32>
        %and3A_564 = arith.andi %add3A_561, %and3A_563 : vector<16xi32>
        %gather3A = tpu.vector_load_idx %arg11[%add3A_302, %and3A_564] : memref<384x128xf32, #tpu.memory_space<vmem>>[vector<16xi32>, vector<16xi32>], vector<16xf32>,
        %mul3A_565 = arith.mulf %bitcast3A_324, %get3A_553 : vector<16xf32>
        %add3A_566 = arith.addf %gather3A, %mul3A_565 : vector<16xf32>
        %max3A_567 = arith.constant 0.000000e+00 : f32
        %max3A_568 = vector.broadcast %max3A_567 : f32 to vector<16xf32>
        %max3A_569 = arith.maximumf %add3A_566, %max3A_568 : vector<16xf32>
        %mul3A_570 = arith.mulf %max3A_569, %get3A_556 : vector<16xf32>
        %add3A_571 = arith.addf %scan3A_535, %mul3A_570 : vector<16xf32>
        %mul3A_572 = arith.mulf %max3A_569, %get3A_559 : vector<16xf32>
        %add3A_573 = arith.addf %scan3A_543, %mul3A_572 : vector<16xf32>
        %gather3A_574 = tpu.vector_load_idx %arg11[%add3A_303, %and3A_564] : memref<384x128xf32, #tpu.memory_space<vmem>>[vector<16xi32>, vector<16xi32>], vector<16xf32>,
        %mul3A_575 = arith.mulf %bitcast3A_342, %get3A_553 : vector<16xf32>
        %add3A_576 = arith.addf %gather3A_574, %mul3A_575 : vector<16xf32>
        %max3A_577 = arith.constant 0.000000e+00 : f32
        %max3A_578 = vector.broadcast %max3A_577 : f32 to vector<16xf32>
        %max3A_579 = arith.maximumf %add3A_576, %max3A_578 : vector<16xf32>
        %mul3A_580 = arith.mulf %max3A_579, %get3A_556 : vector<16xf32>
        %add3A_581 = arith.addf %scan3A_536, %mul3A_580 : vector<16xf32>
        %mul3A_582 = arith.mulf %max3A_579, %get3A_559 : vector<16xf32>
        %add3A_583 = arith.addf %scan3A_544, %mul3A_582 : vector<16xf32>
        %gather3A_584 = tpu.vector_load_idx %arg11[%add3A_304, %and3A_564] : memref<384x128xf32, #tpu.memory_space<vmem>>[vector<16xi32>, vector<16xi32>], vector<16xf32>,
        %mul3A_585 = arith.mulf %bitcast3A_360, %get3A_553 : vector<16xf32>
        %add3A_586 = arith.addf %gather3A_584, %mul3A_585 : vector<16xf32>
        %max3A_587 = arith.constant 0.000000e+00 : f32
        %max3A_588 = vector.broadcast %max3A_587 : f32 to vector<16xf32>
        %max3A_589 = arith.maximumf %add3A_586, %max3A_588 : vector<16xf32>
        %mul3A_590 = arith.mulf %max3A_589, %get3A_556 : vector<16xf32>
        %add3A_591 = arith.addf %scan3A_537, %mul3A_590 : vector<16xf32>
        %mul3A_592 = arith.mulf %max3A_589, %get3A_559 : vector<16xf32>
        %add3A_593 = arith.addf %scan3A_545, %mul3A_592 : vector<16xf32>
        %gather3A_594 = tpu.vector_load_idx %arg11[%add3A_305, %and3A_564] : memref<384x128xf32, #tpu.memory_space<vmem>>[vector<16xi32>, vector<16xi32>], vector<16xf32>,
        %mul3A_595 = arith.mulf %bitcast3A_378, %get3A_553 : vector<16xf32>
        %add3A_596 = arith.addf %gather3A_594, %mul3A_595 : vector<16xf32>
        %max3A_597 = arith.constant 0.000000e+00 : f32
        %max3A_598 = vector.broadcast %max3A_597 : f32 to vector<16xf32>
        %max3A_599 = arith.maximumf %add3A_596, %max3A_598 : vector<16xf32>
        %mul3A_600 = arith.mulf %max3A_599, %get3A_556 : vector<16xf32>
        %add3A_601 = arith.addf %scan3A_538, %mul3A_600 : vector<16xf32>
        %mul3A_602 = arith.mulf %max3A_599, %get3A_559 : vector<16xf32>
        %add3A_603 = arith.addf %scan3A_546, %mul3A_602 : vector<16xf32>
        %gather3A_604 = tpu.vector_load_idx %arg11[%add3A_306, %and3A_564] : memref<384x128xf32, #tpu.memory_space<vmem>>[vector<16xi32>, vector<16xi32>], vector<16xf32>,
        %mul3A_605 = arith.mulf %bitcast3A_396, %get3A_553 : vector<16xf32>
        %add3A_606 = arith.addf %gather3A_604, %mul3A_605 : vector<16xf32>
        %max3A_607 = arith.constant 0.000000e+00 : f32
        %max3A_608 = vector.broadcast %max3A_607 : f32 to vector<16xf32>
        %max3A_609 = arith.maximumf %add3A_606, %max3A_608 : vector<16xf32>
        %mul3A_610 = arith.mulf %max3A_609, %get3A_556 : vector<16xf32>
        %add3A_611 = arith.addf %scan3A_539, %mul3A_610 : vector<16xf32>
        %mul3A_612 = arith.mulf %max3A_609, %get3A_559 : vector<16xf32>
        %add3A_613 = arith.addf %scan3A_547, %mul3A_612 : vector<16xf32>
        %gather3A_614 = tpu.vector_load_idx %arg11[%add3A_307, %and3A_564] : memref<384x128xf32, #tpu.memory_space<vmem>>[vector<16xi32>, vector<16xi32>], vector<16xf32>,
        %mul3A_615 = arith.mulf %bitcast3A_414, %get3A_553 : vector<16xf32>
        %add3A_616 = arith.addf %gather3A_614, %mul3A_615 : vector<16xf32>
        %max3A_617 = arith.constant 0.000000e+00 : f32
        %max3A_618 = vector.broadcast %max3A_617 : f32 to vector<16xf32>
        %max3A_619 = arith.maximumf %add3A_616, %max3A_618 : vector<16xf32>
        %mul3A_620 = arith.mulf %max3A_619, %get3A_556 : vector<16xf32>
        %add3A_621 = arith.addf %scan3A_540, %mul3A_620 : vector<16xf32>
        %mul3A_622 = arith.mulf %max3A_619, %get3A_559 : vector<16xf32>
        %add3A_623 = arith.addf %scan3A_548, %mul3A_622 : vector<16xf32>
        %gather3A_624 = tpu.vector_load_idx %arg11[%add3A_308, %and3A_564] : memref<384x128xf32, #tpu.memory_space<vmem>>[vector<16xi32>, vector<16xi32>], vector<16xf32>,
        %mul3A_625 = arith.mulf %bitcast3A_432, %get3A_553 : vector<16xf32>
        %add3A_626 = arith.addf %gather3A_624, %mul3A_625 : vector<16xf32>
        %max3A_627 = arith.constant 0.000000e+00 : f32
        %max3A_628 = vector.broadcast %max3A_627 : f32 to vector<16xf32>
        %max3A_629 = arith.maximumf %add3A_626, %max3A_628 : vector<16xf32>
        %mul3A_630 = arith.mulf %max3A_629, %get3A_556 : vector<16xf32>
        %add3A_631 = arith.addf %scan3A_541, %mul3A_630 : vector<16xf32>
        %mul3A_632 = arith.mulf %max3A_629, %get3A_559 : vector<16xf32>
        %add3A_633 = arith.addf %scan3A_549, %mul3A_632 : vector<16xf32>
        %gather3A_634 = tpu.vector_load_idx %arg11[%add3A_309, %and3A_564] : memref<384x128xf32, #tpu.memory_space<vmem>>[vector<16xi32>, vector<16xi32>], vector<16xf32>,
        %mul3A_635 = arith.mulf %bitcast3A_450, %get3A_553 : vector<16xf32>
        %add3A_636 = arith.addf %gather3A_634, %mul3A_635 : vector<16xf32>
        %max3A_637 = arith.constant 0.000000e+00 : f32
        %max3A_638 = vector.broadcast %max3A_637 : f32 to vector<16xf32>
        %max3A_639 = arith.maximumf %add3A_636, %max3A_638 : vector<16xf32>
        %mul3A_640 = arith.mulf %max3A_639, %get3A_556 : vector<16xf32>
        %add3A_641 = arith.addf %scan3A_542, %mul3A_640 : vector<16xf32>
        %mul3A_642 = arith.mulf %max3A_639, %get3A_559 : vector<16xf32>
        %add3A_643 = arith.addf %scan3A_550, %mul3A_642 : vector<16xf32>
        %scan3A_644 = arith.constant 1 : i32
        %scan3A_645 = arith.addi %scan3A_534, %scan3A_644 : i32
        %get3A_646 = arith.index_cast %scan3A_645 : i32 to index
        %get3A_647 = arith.constant 0 : index
        %get3A_648 = tpu.vector_load %arg17[%get3A_646, %get3A_647] {strides = array<i32>} : memref<128x16xf32, #tpu.memory_space<vmem>>, vector<16xf32>,
        %get3A_649 = arith.index_cast %scan3A_645 : i32 to index
        %get3A_650 = arith.constant 0 : index
        %get3A_651 = tpu.vector_load %arg18[%get3A_649, %get3A_650] {strides = array<i32>} : memref<128x16xf32, #tpu.memory_space<vmem>>, vector<16xf32>,
        %get3A_652 = arith.index_cast %scan3A_645 : i32 to index
        %get3A_653 = arith.constant 0 : index
        %get3A_654 = tpu.vector_load %arg19[%get3A_652, %get3A_653] {strides = array<i32>} : memref<128x16xf32, #tpu.memory_space<vmem>>, vector<16xf32>,
        %add3A_655 = vector.broadcast %scan3A_645 : i32 to vector<16xi32>
        %add3A_656 = arith.addi %iota3A, %add3A_655 : vector<16xi32>
        %and3A_657 = arith.constant 127 : i32
        %and3A_658 = vector.broadcast %and3A_657 : i32 to vector<16xi32>
        %and3A_659 = arith.andi %add3A_656, %and3A_658 : vector<16xi32>
        %gather3A_660 = tpu.vector_load_idx %arg11[%add3A_302, %and3A_659] : memref<384x128xf32, #tpu.memory_space<vmem>>[vector<16xi32>, vector<16xi32>], vector<16xf32>,
        %mul3A_661 = arith.mulf %bitcast3A_324, %get3A_648 : vector<16xf32>
        %add3A_662 = arith.addf %gather3A_660, %mul3A_661 : vector<16xf32>
        %max3A_663 = arith.constant 0.000000e+00 : f32
        %max3A_664 = vector.broadcast %max3A_663 : f32 to vector<16xf32>
        %max3A_665 = arith.maximumf %add3A_662, %max3A_664 : vector<16xf32>
        %mul3A_666 = arith.mulf %max3A_665, %get3A_651 : vector<16xf32>
        %add3A_667 = arith.addf %add3A_571, %mul3A_666 : vector<16xf32>
        %mul3A_668 = arith.mulf %max3A_665, %get3A_654 : vector<16xf32>
        %add3A_669 = arith.addf %add3A_573, %mul3A_668 : vector<16xf32>
        %gather3A_670 = tpu.vector_load_idx %arg11[%add3A_303, %and3A_659] : memref<384x128xf32, #tpu.memory_space<vmem>>[vector<16xi32>, vector<16xi32>], vector<16xf32>,
        %mul3A_671 = arith.mulf %bitcast3A_342, %get3A_648 : vector<16xf32>
        %add3A_672 = arith.addf %gather3A_670, %mul3A_671 : vector<16xf32>
        %max3A_673 = arith.constant 0.000000e+00 : f32
        %max3A_674 = vector.broadcast %max3A_673 : f32 to vector<16xf32>
        %max3A_675 = arith.maximumf %add3A_672, %max3A_674 : vector<16xf32>
        %mul3A_676 = arith.mulf %max3A_675, %get3A_651 : vector<16xf32>
        %add3A_677 = arith.addf %add3A_581, %mul3A_676 : vector<16xf32>
        %mul3A_678 = arith.mulf %max3A_675, %get3A_654 : vector<16xf32>
        %add3A_679 = arith.addf %add3A_583, %mul3A_678 : vector<16xf32>
        %gather3A_680 = tpu.vector_load_idx %arg11[%add3A_304, %and3A_659] : memref<384x128xf32, #tpu.memory_space<vmem>>[vector<16xi32>, vector<16xi32>], vector<16xf32>,
        %mul3A_681 = arith.mulf %bitcast3A_360, %get3A_648 : vector<16xf32>
        %add3A_682 = arith.addf %gather3A_680, %mul3A_681 : vector<16xf32>
        %max3A_683 = arith.constant 0.000000e+00 : f32
        %max3A_684 = vector.broadcast %max3A_683 : f32 to vector<16xf32>
        %max3A_685 = arith.maximumf %add3A_682, %max3A_684 : vector<16xf32>
        %mul3A_686 = arith.mulf %max3A_685, %get3A_651 : vector<16xf32>
        %add3A_687 = arith.addf %add3A_591, %mul3A_686 : vector<16xf32>
        %mul3A_688 = arith.mulf %max3A_685, %get3A_654 : vector<16xf32>
        %add3A_689 = arith.addf %add3A_593, %mul3A_688 : vector<16xf32>
        %gather3A_690 = tpu.vector_load_idx %arg11[%add3A_305, %and3A_659] : memref<384x128xf32, #tpu.memory_space<vmem>>[vector<16xi32>, vector<16xi32>], vector<16xf32>,
        %mul3A_691 = arith.mulf %bitcast3A_378, %get3A_648 : vector<16xf32>
        %add3A_692 = arith.addf %gather3A_690, %mul3A_691 : vector<16xf32>
        %max3A_693 = arith.constant 0.000000e+00 : f32
        %max3A_694 = vector.broadcast %max3A_693 : f32 to vector<16xf32>
        %max3A_695 = arith.maximumf %add3A_692, %max3A_694 : vector<16xf32>
        %mul3A_696 = arith.mulf %max3A_695, %get3A_651 : vector<16xf32>
        %add3A_697 = arith.addf %add3A_601, %mul3A_696 : vector<16xf32>
        %mul3A_698 = arith.mulf %max3A_695, %get3A_654 : vector<16xf32>
        %add3A_699 = arith.addf %add3A_603, %mul3A_698 : vector<16xf32>
        %gather3A_700 = tpu.vector_load_idx %arg11[%add3A_306, %and3A_659] : memref<384x128xf32, #tpu.memory_space<vmem>>[vector<16xi32>, vector<16xi32>], vector<16xf32>,
        %mul3A_701 = arith.mulf %bitcast3A_396, %get3A_648 : vector<16xf32>
        %add3A_702 = arith.addf %gather3A_700, %mul3A_701 : vector<16xf32>
        %max3A_703 = arith.constant 0.000000e+00 : f32
        %max3A_704 = vector.broadcast %max3A_703 : f32 to vector<16xf32>
        %max3A_705 = arith.maximumf %add3A_702, %max3A_704 : vector<16xf32>
        %mul3A_706 = arith.mulf %max3A_705, %get3A_651 : vector<16xf32>
        %add3A_707 = arith.addf %add3A_611, %mul3A_706 : vector<16xf32>
        %mul3A_708 = arith.mulf %max3A_705, %get3A_654 : vector<16xf32>
        %add3A_709 = arith.addf %add3A_613, %mul3A_708 : vector<16xf32>
        %gather3A_710 = tpu.vector_load_idx %arg11[%add3A_307, %and3A_659] : memref<384x128xf32, #tpu.memory_space<vmem>>[vector<16xi32>, vector<16xi32>], vector<16xf32>,
        %mul3A_711 = arith.mulf %bitcast3A_414, %get3A_648 : vector<16xf32>
        %add3A_712 = arith.addf %gather3A_710, %mul3A_711 : vector<16xf32>
        %max3A_713 = arith.constant 0.000000e+00 : f32
        %max3A_714 = vector.broadcast %max3A_713 : f32 to vector<16xf32>
        %max3A_715 = arith.maximumf %add3A_712, %max3A_714 : vector<16xf32>
        %mul3A_716 = arith.mulf %max3A_715, %get3A_651 : vector<16xf32>
        %add3A_717 = arith.addf %add3A_621, %mul3A_716 : vector<16xf32>
        %mul3A_718 = arith.mulf %max3A_715, %get3A_654 : vector<16xf32>
        %add3A_719 = arith.addf %add3A_623, %mul3A_718 : vector<16xf32>
        %gather3A_720 = tpu.vector_load_idx %arg11[%add3A_308, %and3A_659] : memref<384x128xf32, #tpu.memory_space<vmem>>[vector<16xi32>, vector<16xi32>], vector<16xf32>,
        %mul3A_721 = arith.mulf %bitcast3A_432, %get3A_648 : vector<16xf32>
        %add3A_722 = arith.addf %gather3A_720, %mul3A_721 : vector<16xf32>
        %max3A_723 = arith.constant 0.000000e+00 : f32
        %max3A_724 = vector.broadcast %max3A_723 : f32 to vector<16xf32>
        %max3A_725 = arith.maximumf %add3A_722, %max3A_724 : vector<16xf32>
        %mul3A_726 = arith.mulf %max3A_725, %get3A_651 : vector<16xf32>
        %add3A_727 = arith.addf %add3A_631, %mul3A_726 : vector<16xf32>
        %mul3A_728 = arith.mulf %max3A_725, %get3A_654 : vector<16xf32>
        %add3A_729 = arith.addf %add3A_633, %mul3A_728 : vector<16xf32>
        %gather3A_730 = tpu.vector_load_idx %arg11[%add3A_309, %and3A_659] : memref<384x128xf32, #tpu.memory_space<vmem>>[vector<16xi32>, vector<16xi32>], vector<16xf32>,
        %mul3A_731 = arith.mulf %bitcast3A_450, %get3A_648 : vector<16xf32>
        %add3A_732 = arith.addf %gather3A_730, %mul3A_731 : vector<16xf32>
        %max3A_733 = arith.constant 0.000000e+00 : f32
        %max3A_734 = vector.broadcast %max3A_733 : f32 to vector<16xf32>
        %max3A_735 = arith.maximumf %add3A_732, %max3A_734 : vector<16xf32>
        %mul3A_736 = arith.mulf %max3A_735, %get3A_651 : vector<16xf32>
        %add3A_737 = arith.addf %add3A_641, %mul3A_736 : vector<16xf32>
        %mul3A_738 = arith.mulf %max3A_735, %get3A_654 : vector<16xf32>
        %add3A_739 = arith.addf %add3A_643, %mul3A_738 : vector<16xf32>
        %scan3A_740 = arith.constant 2 : i32
        %scan3A_741 = arith.addi %scan3A_534, %scan3A_740 : i32
        %get3A_742 = arith.index_cast %scan3A_741 : i32 to index
        %get3A_743 = arith.constant 0 : index
        %get3A_744 = tpu.vector_load %arg17[%get3A_742, %get3A_743] {strides = array<i32>} : memref<128x16xf32, #tpu.memory_space<vmem>>, vector<16xf32>,
        %get3A_745 = arith.index_cast %scan3A_741 : i32 to index
        %get3A_746 = arith.constant 0 : index
        %get3A_747 = tpu.vector_load %arg18[%get3A_745, %get3A_746] {strides = array<i32>} : memref<128x16xf32, #tpu.memory_space<vmem>>, vector<16xf32>,
        %get3A_748 = arith.index_cast %scan3A_741 : i32 to index
        %get3A_749 = arith.constant 0 : index
        %get3A_750 = tpu.vector_load %arg19[%get3A_748, %get3A_749] {strides = array<i32>} : memref<128x16xf32, #tpu.memory_space<vmem>>, vector<16xf32>,
        %add3A_751 = vector.broadcast %scan3A_741 : i32 to vector<16xi32>
        %add3A_752 = arith.addi %iota3A, %add3A_751 : vector<16xi32>
        %and3A_753 = arith.constant 127 : i32
        %and3A_754 = vector.broadcast %and3A_753 : i32 to vector<16xi32>
        %and3A_755 = arith.andi %add3A_752, %and3A_754 : vector<16xi32>
        %gather3A_756 = tpu.vector_load_idx %arg11[%add3A_302, %and3A_755] : memref<384x128xf32, #tpu.memory_space<vmem>>[vector<16xi32>, vector<16xi32>], vector<16xf32>,
        %mul3A_757 = arith.mulf %bitcast3A_324, %get3A_744 : vector<16xf32>
        %add3A_758 = arith.addf %gather3A_756, %mul3A_757 : vector<16xf32>
        %max3A_759 = arith.constant 0.000000e+00 : f32
        %max3A_760 = vector.broadcast %max3A_759 : f32 to vector<16xf32>
        %max3A_761 = arith.maximumf %add3A_758, %max3A_760 : vector<16xf32>
        %mul3A_762 = arith.mulf %max3A_761, %get3A_747 : vector<16xf32>
        %add3A_763 = arith.addf %add3A_667, %mul3A_762 : vector<16xf32>
        %mul3A_764 = arith.mulf %max3A_761, %get3A_750 : vector<16xf32>
        %add3A_765 = arith.addf %add3A_669, %mul3A_764 : vector<16xf32>
        %gather3A_766 = tpu.vector_load_idx %arg11[%add3A_303, %and3A_755] : memref<384x128xf32, #tpu.memory_space<vmem>>[vector<16xi32>, vector<16xi32>], vector<16xf32>,
        %mul3A_767 = arith.mulf %bitcast3A_342, %get3A_744 : vector<16xf32>
        %add3A_768 = arith.addf %gather3A_766, %mul3A_767 : vector<16xf32>
        %max3A_769 = arith.constant 0.000000e+00 : f32
        %max3A_770 = vector.broadcast %max3A_769 : f32 to vector<16xf32>
        %max3A_771 = arith.maximumf %add3A_768, %max3A_770 : vector<16xf32>
        %mul3A_772 = arith.mulf %max3A_771, %get3A_747 : vector<16xf32>
        %add3A_773 = arith.addf %add3A_677, %mul3A_772 : vector<16xf32>
        %mul3A_774 = arith.mulf %max3A_771, %get3A_750 : vector<16xf32>
        %add3A_775 = arith.addf %add3A_679, %mul3A_774 : vector<16xf32>
        %gather3A_776 = tpu.vector_load_idx %arg11[%add3A_304, %and3A_755] : memref<384x128xf32, #tpu.memory_space<vmem>>[vector<16xi32>, vector<16xi32>], vector<16xf32>,
        %mul3A_777 = arith.mulf %bitcast3A_360, %get3A_744 : vector<16xf32>
        %add3A_778 = arith.addf %gather3A_776, %mul3A_777 : vector<16xf32>
        %max3A_779 = arith.constant 0.000000e+00 : f32
        %max3A_780 = vector.broadcast %max3A_779 : f32 to vector<16xf32>
        %max3A_781 = arith.maximumf %add3A_778, %max3A_780 : vector<16xf32>
        %mul3A_782 = arith.mulf %max3A_781, %get3A_747 : vector<16xf32>
        %add3A_783 = arith.addf %add3A_687, %mul3A_782 : vector<16xf32>
        %mul3A_784 = arith.mulf %max3A_781, %get3A_750 : vector<16xf32>
        %add3A_785 = arith.addf %add3A_689, %mul3A_784 : vector<16xf32>
        %gather3A_786 = tpu.vector_load_idx %arg11[%add3A_305, %and3A_755] : memref<384x128xf32, #tpu.memory_space<vmem>>[vector<16xi32>, vector<16xi32>], vector<16xf32>,
        %mul3A_787 = arith.mulf %bitcast3A_378, %get3A_744 : vector<16xf32>
        %add3A_788 = arith.addf %gather3A_786, %mul3A_787 : vector<16xf32>
        %max3A_789 = arith.constant 0.000000e+00 : f32
        %max3A_790 = vector.broadcast %max3A_789 : f32 to vector<16xf32>
        %max3A_791 = arith.maximumf %add3A_788, %max3A_790 : vector<16xf32>
        %mul3A_792 = arith.mulf %max3A_791, %get3A_747 : vector<16xf32>
        %add3A_793 = arith.addf %add3A_697, %mul3A_792 : vector<16xf32>
        %mul3A_794 = arith.mulf %max3A_791, %get3A_750 : vector<16xf32>
        %add3A_795 = arith.addf %add3A_699, %mul3A_794 : vector<16xf32>
        %gather3A_796 = tpu.vector_load_idx %arg11[%add3A_306, %and3A_755] : memref<384x128xf32, #tpu.memory_space<vmem>>[vector<16xi32>, vector<16xi32>], vector<16xf32>,
        %mul3A_797 = arith.mulf %bitcast3A_396, %get3A_744 : vector<16xf32>
        %add3A_798 = arith.addf %gather3A_796, %mul3A_797 : vector<16xf32>
        %max3A_799 = arith.constant 0.000000e+00 : f32
        %max3A_800 = vector.broadcast %max3A_799 : f32 to vector<16xf32>
        %max3A_801 = arith.maximumf %add3A_798, %max3A_800 : vector<16xf32>
        %mul3A_802 = arith.mulf %max3A_801, %get3A_747 : vector<16xf32>
        %add3A_803 = arith.addf %add3A_707, %mul3A_802 : vector<16xf32>
        %mul3A_804 = arith.mulf %max3A_801, %get3A_750 : vector<16xf32>
        %add3A_805 = arith.addf %add3A_709, %mul3A_804 : vector<16xf32>
        %gather3A_806 = tpu.vector_load_idx %arg11[%add3A_307, %and3A_755] : memref<384x128xf32, #tpu.memory_space<vmem>>[vector<16xi32>, vector<16xi32>], vector<16xf32>,
        %mul3A_807 = arith.mulf %bitcast3A_414, %get3A_744 : vector<16xf32>
        %add3A_808 = arith.addf %gather3A_806, %mul3A_807 : vector<16xf32>
        %max3A_809 = arith.constant 0.000000e+00 : f32
        %max3A_810 = vector.broadcast %max3A_809 : f32 to vector<16xf32>
        %max3A_811 = arith.maximumf %add3A_808, %max3A_810 : vector<16xf32>
        %mul3A_812 = arith.mulf %max3A_811, %get3A_747 : vector<16xf32>
        %add3A_813 = arith.addf %add3A_717, %mul3A_812 : vector<16xf32>
        %mul3A_814 = arith.mulf %max3A_811, %get3A_750 : vector<16xf32>
        %add3A_815 = arith.addf %add3A_719, %mul3A_814 : vector<16xf32>
        %gather3A_816 = tpu.vector_load_idx %arg11[%add3A_308, %and3A_755] : memref<384x128xf32, #tpu.memory_space<vmem>>[vector<16xi32>, vector<16xi32>], vector<16xf32>,
        %mul3A_817 = arith.mulf %bitcast3A_432, %get3A_744 : vector<16xf32>
        %add3A_818 = arith.addf %gather3A_816, %mul3A_817 : vector<16xf32>
        %max3A_819 = arith.constant 0.000000e+00 : f32
        %max3A_820 = vector.broadcast %max3A_819 : f32 to vector<16xf32>
        %max3A_821 = arith.maximumf %add3A_818, %max3A_820 : vector<16xf32>
        %mul3A_822 = arith.mulf %max3A_821, %get3A_747 : vector<16xf32>
        %add3A_823 = arith.addf %add3A_727, %mul3A_822 : vector<16xf32>
        %mul3A_824 = arith.mulf %max3A_821, %get3A_750 : vector<16xf32>
        %add3A_825 = arith.addf %add3A_729, %mul3A_824 : vector<16xf32>
        %gather3A_826 = tpu.vector_load_idx %arg11[%add3A_309, %and3A_755] : memref<384x128xf32, #tpu.memory_space<vmem>>[vector<16xi32>, vector<16xi32>], vector<16xf32>,
        %mul3A_827 = arith.mulf %bitcast3A_450, %get3A_744 : vector<16xf32>
        %add3A_828 = arith.addf %gather3A_826, %mul3A_827 : vector<16xf32>
        %max3A_829 = arith.constant 0.000000e+00 : f32
        %max3A_830 = vector.broadcast %max3A_829 : f32 to vector<16xf32>
        %max3A_831 = arith.maximumf %add3A_828, %max3A_830 : vector<16xf32>
        %mul3A_832 = arith.mulf %max3A_831, %get3A_747 : vector<16xf32>
        %add3A_833 = arith.addf %add3A_737, %mul3A_832 : vector<16xf32>
        %mul3A_834 = arith.mulf %max3A_831, %get3A_750 : vector<16xf32>
        %add3A_835 = arith.addf %add3A_739, %mul3A_834 : vector<16xf32>
        %scan3A_836 = arith.constant 3 : i32
        %scan3A_837 = arith.addi %scan3A_534, %scan3A_836 : i32
        %get3A_838 = arith.index_cast %scan3A_837 : i32 to index
        %get3A_839 = arith.constant 0 : index
        %get3A_840 = tpu.vector_load %arg17[%get3A_838, %get3A_839] {strides = array<i32>} : memref<128x16xf32, #tpu.memory_space<vmem>>, vector<16xf32>,
        %get3A_841 = arith.index_cast %scan3A_837 : i32 to index
        %get3A_842 = arith.constant 0 : index
        %get3A_843 = tpu.vector_load %arg18[%get3A_841, %get3A_842] {strides = array<i32>} : memref<128x16xf32, #tpu.memory_space<vmem>>, vector<16xf32>,
        %get3A_844 = arith.index_cast %scan3A_837 : i32 to index
        %get3A_845 = arith.constant 0 : index
        %get3A_846 = tpu.vector_load %arg19[%get3A_844, %get3A_845] {strides = array<i32>} : memref<128x16xf32, #tpu.memory_space<vmem>>, vector<16xf32>,
        %add3A_847 = vector.broadcast %scan3A_837 : i32 to vector<16xi32>
        %add3A_848 = arith.addi %iota3A, %add3A_847 : vector<16xi32>
        %and3A_849 = arith.constant 127 : i32
        %and3A_850 = vector.broadcast %and3A_849 : i32 to vector<16xi32>
        %and3A_851 = arith.andi %add3A_848, %and3A_850 : vector<16xi32>
        %gather3A_852 = tpu.vector_load_idx %arg11[%add3A_302, %and3A_851] : memref<384x128xf32, #tpu.memory_space<vmem>>[vector<16xi32>, vector<16xi32>], vector<16xf32>,
        %mul3A_853 = arith.mulf %bitcast3A_324, %get3A_840 : vector<16xf32>
        %add3A_854 = arith.addf %gather3A_852, %mul3A_853 : vector<16xf32>
        %max3A_855 = arith.constant 0.000000e+00 : f32
        %max3A_856 = vector.broadcast %max3A_855 : f32 to vector<16xf32>
        %max3A_857 = arith.maximumf %add3A_854, %max3A_856 : vector<16xf32>
        %mul3A_858 = arith.mulf %max3A_857, %get3A_843 : vector<16xf32>
        %add3A_859 = arith.addf %add3A_763, %mul3A_858 : vector<16xf32>
        %mul3A_860 = arith.mulf %max3A_857, %get3A_846 : vector<16xf32>
        %add3A_861 = arith.addf %add3A_765, %mul3A_860 : vector<16xf32>
        %gather3A_862 = tpu.vector_load_idx %arg11[%add3A_303, %and3A_851] : memref<384x128xf32, #tpu.memory_space<vmem>>[vector<16xi32>, vector<16xi32>], vector<16xf32>,
        %mul3A_863 = arith.mulf %bitcast3A_342, %get3A_840 : vector<16xf32>
        %add3A_864 = arith.addf %gather3A_862, %mul3A_863 : vector<16xf32>
        %max3A_865 = arith.constant 0.000000e+00 : f32
        %max3A_866 = vector.broadcast %max3A_865 : f32 to vector<16xf32>
        %max3A_867 = arith.maximumf %add3A_864, %max3A_866 : vector<16xf32>
        %mul3A_868 = arith.mulf %max3A_867, %get3A_843 : vector<16xf32>
        %add3A_869 = arith.addf %add3A_773, %mul3A_868 : vector<16xf32>
        %mul3A_870 = arith.mulf %max3A_867, %get3A_846 : vector<16xf32>
        %add3A_871 = arith.addf %add3A_775, %mul3A_870 : vector<16xf32>
        %gather3A_872 = tpu.vector_load_idx %arg11[%add3A_304, %and3A_851] : memref<384x128xf32, #tpu.memory_space<vmem>>[vector<16xi32>, vector<16xi32>], vector<16xf32>,
        %mul3A_873 = arith.mulf %bitcast3A_360, %get3A_840 : vector<16xf32>
        %add3A_874 = arith.addf %gather3A_872, %mul3A_873 : vector<16xf32>
        %max3A_875 = arith.constant 0.000000e+00 : f32
        %max3A_876 = vector.broadcast %max3A_875 : f32 to vector<16xf32>
        %max3A_877 = arith.maximumf %add3A_874, %max3A_876 : vector<16xf32>
        %mul3A_878 = arith.mulf %max3A_877, %get3A_843 : vector<16xf32>
        %add3A_879 = arith.addf %add3A_783, %mul3A_878 : vector<16xf32>
        %mul3A_880 = arith.mulf %max3A_877, %get3A_846 : vector<16xf32>
        %add3A_881 = arith.addf %add3A_785, %mul3A_880 : vector<16xf32>
        %gather3A_882 = tpu.vector_load_idx %arg11[%add3A_305, %and3A_851] : memref<384x128xf32, #tpu.memory_space<vmem>>[vector<16xi32>, vector<16xi32>], vector<16xf32>,
        %mul3A_883 = arith.mulf %bitcast3A_378, %get3A_840 : vector<16xf32>
        %add3A_884 = arith.addf %gather3A_882, %mul3A_883 : vector<16xf32>
        %max3A_885 = arith.constant 0.000000e+00 : f32
        %max3A_886 = vector.broadcast %max3A_885 : f32 to vector<16xf32>
        %max3A_887 = arith.maximumf %add3A_884, %max3A_886 : vector<16xf32>
        %mul3A_888 = arith.mulf %max3A_887, %get3A_843 : vector<16xf32>
        %add3A_889 = arith.addf %add3A_793, %mul3A_888 : vector<16xf32>
        %mul3A_890 = arith.mulf %max3A_887, %get3A_846 : vector<16xf32>
        %add3A_891 = arith.addf %add3A_795, %mul3A_890 : vector<16xf32>
        %gather3A_892 = tpu.vector_load_idx %arg11[%add3A_306, %and3A_851] : memref<384x128xf32, #tpu.memory_space<vmem>>[vector<16xi32>, vector<16xi32>], vector<16xf32>,
        %mul3A_893 = arith.mulf %bitcast3A_396, %get3A_840 : vector<16xf32>
        %add3A_894 = arith.addf %gather3A_892, %mul3A_893 : vector<16xf32>
        %max3A_895 = arith.constant 0.000000e+00 : f32
        %max3A_896 = vector.broadcast %max3A_895 : f32 to vector<16xf32>
        %max3A_897 = arith.maximumf %add3A_894, %max3A_896 : vector<16xf32>
        %mul3A_898 = arith.mulf %max3A_897, %get3A_843 : vector<16xf32>
        %add3A_899 = arith.addf %add3A_803, %mul3A_898 : vector<16xf32>
        %mul3A_900 = arith.mulf %max3A_897, %get3A_846 : vector<16xf32>
        %add3A_901 = arith.addf %add3A_805, %mul3A_900 : vector<16xf32>
        %gather3A_902 = tpu.vector_load_idx %arg11[%add3A_307, %and3A_851] : memref<384x128xf32, #tpu.memory_space<vmem>>[vector<16xi32>, vector<16xi32>], vector<16xf32>,
        %mul3A_903 = arith.mulf %bitcast3A_414, %get3A_840 : vector<16xf32>
        %add3A_904 = arith.addf %gather3A_902, %mul3A_903 : vector<16xf32>
        %max3A_905 = arith.constant 0.000000e+00 : f32
        %max3A_906 = vector.broadcast %max3A_905 : f32 to vector<16xf32>
        %max3A_907 = arith.maximumf %add3A_904, %max3A_906 : vector<16xf32>
        %mul3A_908 = arith.mulf %max3A_907, %get3A_843 : vector<16xf32>
        %add3A_909 = arith.addf %add3A_813, %mul3A_908 : vector<16xf32>
        %mul3A_910 = arith.mulf %max3A_907, %get3A_846 : vector<16xf32>
        %add3A_911 = arith.addf %add3A_815, %mul3A_910 : vector<16xf32>
        %gather3A_912 = tpu.vector_load_idx %arg11[%add3A_308, %and3A_851] : memref<384x128xf32, #tpu.memory_space<vmem>>[vector<16xi32>, vector<16xi32>], vector<16xf32>,
        %mul3A_913 = arith.mulf %bitcast3A_432, %get3A_840 : vector<16xf32>
        %add3A_914 = arith.addf %gather3A_912, %mul3A_913 : vector<16xf32>
        %max3A_915 = arith.constant 0.000000e+00 : f32
        %max3A_916 = vector.broadcast %max3A_915 : f32 to vector<16xf32>
        %max3A_917 = arith.maximumf %add3A_914, %max3A_916 : vector<16xf32>
        %mul3A_918 = arith.mulf %max3A_917, %get3A_843 : vector<16xf32>
        %add3A_919 = arith.addf %add3A_823, %mul3A_918 : vector<16xf32>
        %mul3A_920 = arith.mulf %max3A_917, %get3A_846 : vector<16xf32>
        %add3A_921 = arith.addf %add3A_825, %mul3A_920 : vector<16xf32>
        %gather3A_922 = tpu.vector_load_idx %arg11[%add3A_309, %and3A_851] : memref<384x128xf32, #tpu.memory_space<vmem>>[vector<16xi32>, vector<16xi32>], vector<16xf32>,
        %mul3A_923 = arith.mulf %bitcast3A_450, %get3A_840 : vector<16xf32>
        %add3A_924 = arith.addf %gather3A_922, %mul3A_923 : vector<16xf32>
        %max3A_925 = arith.constant 0.000000e+00 : f32
        %max3A_926 = vector.broadcast %max3A_925 : f32 to vector<16xf32>
        %max3A_927 = arith.maximumf %add3A_924, %max3A_926 : vector<16xf32>
        %mul3A_928 = arith.mulf %max3A_927, %get3A_843 : vector<16xf32>
        %add3A_929 = arith.addf %add3A_833, %mul3A_928 : vector<16xf32>
        %mul3A_930 = arith.mulf %max3A_927, %get3A_846 : vector<16xf32>
        %add3A_931 = arith.addf %add3A_835, %mul3A_930 : vector<16xf32>
        scf.yield %add3A_859, %add3A_869, %add3A_879, %add3A_889, %add3A_899, %add3A_909, %add3A_919, %add3A_929, %add3A_861, %add3A_871, %add3A_881, %add3A_891, %add3A_901, %add3A_911, %add3A_921, %add3A_931 : vector<16xf32>, vector<16xf32>, vector<16xf32>, vector<16xf32>, vector<16xf32>, vector<16xf32>, vector<16xf32>, vector<16xf32>, vector<16xf32>, vector<16xf32>, vector<16xf32>, vector<16xf32>, vector<16xf32>, vector<16xf32>, vector<16xf32>, vector<16xf32>
      }
      %scan3A_458 = arith.constant 128 : i32
      %add3A_459 = arith.constant 0 : i32
      %add3A_460 = arith.addi %mul3A_282, %add3A_459 : i32
      %swap3A = arith.index_cast %add3A_460 : i32 to index
      %swap3A_461 = tpu.vector_load %arg15[%swap3A] {strides = array<i32>} : memref<256xf32, #tpu.memory_space<vmem>>, vector<16xf32>,
      tpu.vector_store %arg15[%swap3A], %scan3A_457#0 {strides = array<i32>} : memref<256xf32, #tpu.memory_space<vmem>>, vector<16xf32>,
      %add3A_462 = arith.constant 0 : i32
      %add3A_463 = arith.addi %mul3A_282, %add3A_462 : i32
      %swap3A_464 = arith.index_cast %add3A_463 : i32 to index
      %swap3A_465 = tpu.vector_load %arg16[%swap3A_464] {strides = array<i32>} : memref<256xf32, #tpu.memory_space<vmem>>, vector<16xf32>,
      tpu.vector_store %arg16[%swap3A_464], %scan3A_457#8 {strides = array<i32>} : memref<256xf32, #tpu.memory_space<vmem>>, vector<16xf32>,
      %add3A_466 = arith.constant 16 : i32
      %add3A_467 = arith.addi %mul3A_282, %add3A_466 : i32
      %swap3A_468 = arith.index_cast %add3A_467 : i32 to index
      %swap3A_469 = tpu.vector_load %arg15[%swap3A_468] {strides = array<i32>} : memref<256xf32, #tpu.memory_space<vmem>>, vector<16xf32>,
      tpu.vector_store %arg15[%swap3A_468], %scan3A_457#1 {strides = array<i32>} : memref<256xf32, #tpu.memory_space<vmem>>, vector<16xf32>,
      %add3A_470 = arith.constant 16 : i32
      %add3A_471 = arith.addi %mul3A_282, %add3A_470 : i32
      %swap3A_472 = arith.index_cast %add3A_471 : i32 to index
      %swap3A_473 = tpu.vector_load %arg16[%swap3A_472] {strides = array<i32>} : memref<256xf32, #tpu.memory_space<vmem>>, vector<16xf32>,
      tpu.vector_store %arg16[%swap3A_472], %scan3A_457#9 {strides = array<i32>} : memref<256xf32, #tpu.memory_space<vmem>>, vector<16xf32>,
      %add3A_474 = arith.constant 32 : i32
      %add3A_475 = arith.addi %mul3A_282, %add3A_474 : i32
      %swap3A_476 = arith.index_cast %add3A_475 : i32 to index
      %swap3A_477 = tpu.vector_load %arg15[%swap3A_476] {strides = array<i32>} : memref<256xf32, #tpu.memory_space<vmem>>, vector<16xf32>,
      tpu.vector_store %arg15[%swap3A_476], %scan3A_457#2 {strides = array<i32>} : memref<256xf32, #tpu.memory_space<vmem>>, vector<16xf32>,
      %add3A_478 = arith.constant 32 : i32
      %add3A_479 = arith.addi %mul3A_282, %add3A_478 : i32
      %swap3A_480 = arith.index_cast %add3A_479 : i32 to index
      %swap3A_481 = tpu.vector_load %arg16[%swap3A_480] {strides = array<i32>} : memref<256xf32, #tpu.memory_space<vmem>>, vector<16xf32>,
      tpu.vector_store %arg16[%swap3A_480], %scan3A_457#10 {strides = array<i32>} : memref<256xf32, #tpu.memory_space<vmem>>, vector<16xf32>,
      %add3A_482 = arith.constant 48 : i32
      %add3A_483 = arith.addi %mul3A_282, %add3A_482 : i32
      %swap3A_484 = arith.index_cast %add3A_483 : i32 to index
      %swap3A_485 = tpu.vector_load %arg15[%swap3A_484] {strides = array<i32>} : memref<256xf32, #tpu.memory_space<vmem>>, vector<16xf32>,
      tpu.vector_store %arg15[%swap3A_484], %scan3A_457#3 {strides = array<i32>} : memref<256xf32, #tpu.memory_space<vmem>>, vector<16xf32>,
      %add3A_486 = arith.constant 48 : i32
      %add3A_487 = arith.addi %mul3A_282, %add3A_486 : i32
      %swap3A_488 = arith.index_cast %add3A_487 : i32 to index
      %swap3A_489 = tpu.vector_load %arg16[%swap3A_488] {strides = array<i32>} : memref<256xf32, #tpu.memory_space<vmem>>, vector<16xf32>,
      tpu.vector_store %arg16[%swap3A_488], %scan3A_457#11 {strides = array<i32>} : memref<256xf32, #tpu.memory_space<vmem>>, vector<16xf32>,
      %add3A_490 = arith.constant 64 : i32
      %add3A_491 = arith.addi %mul3A_282, %add3A_490 : i32
      %swap3A_492 = arith.index_cast %add3A_491 : i32 to index
      %swap3A_493 = tpu.vector_load %arg15[%swap3A_492] {strides = array<i32>} : memref<256xf32, #tpu.memory_space<vmem>>, vector<16xf32>,
      tpu.vector_store %arg15[%swap3A_492], %scan3A_457#4 {strides = array<i32>} : memref<256xf32, #tpu.memory_space<vmem>>, vector<16xf32>,
      %add3A_494 = arith.constant 64 : i32
      %add3A_495 = arith.addi %mul3A_282, %add3A_494 : i32
      %swap3A_496 = arith.index_cast %add3A_495 : i32 to index
      %swap3A_497 = tpu.vector_load %arg16[%swap3A_496] {strides = array<i32>} : memref<256xf32, #tpu.memory_space<vmem>>, vector<16xf32>,
      tpu.vector_store %arg16[%swap3A_496], %scan3A_457#12 {strides = array<i32>} : memref<256xf32, #tpu.memory_space<vmem>>, vector<16xf32>,
      %add3A_498 = arith.constant 80 : i32
      %add3A_499 = arith.addi %mul3A_282, %add3A_498 : i32
      %swap3A_500 = arith.index_cast %add3A_499 : i32 to index
      %swap3A_501 = tpu.vector_load %arg15[%swap3A_500] {strides = array<i32>} : memref<256xf32, #tpu.memory_space<vmem>>, vector<16xf32>,
      tpu.vector_store %arg15[%swap3A_500], %scan3A_457#5 {strides = array<i32>} : memref<256xf32, #tpu.memory_space<vmem>>, vector<16xf32>,
      %add3A_502 = arith.constant 80 : i32
      %add3A_503 = arith.addi %mul3A_282, %add3A_502 : i32
      %swap3A_504 = arith.index_cast %add3A_503 : i32 to index
      %swap3A_505 = tpu.vector_load %arg16[%swap3A_504] {strides = array<i32>} : memref<256xf32, #tpu.memory_space<vmem>>, vector<16xf32>,
      tpu.vector_store %arg16[%swap3A_504], %scan3A_457#13 {strides = array<i32>} : memref<256xf32, #tpu.memory_space<vmem>>, vector<16xf32>,
      %add3A_506 = arith.constant 96 : i32
      %add3A_507 = arith.addi %mul3A_282, %add3A_506 : i32
      %swap3A_508 = arith.index_cast %add3A_507 : i32 to index
      %swap3A_509 = tpu.vector_load %arg15[%swap3A_508] {strides = array<i32>} : memref<256xf32, #tpu.memory_space<vmem>>, vector<16xf32>,
      tpu.vector_store %arg15[%swap3A_508], %scan3A_457#6 {strides = array<i32>} : memref<256xf32, #tpu.memory_space<vmem>>, vector<16xf32>,
      %add3A_510 = arith.constant 96 : i32
      %add3A_511 = arith.addi %mul3A_282, %add3A_510 : i32
      %swap3A_512 = arith.index_cast %add3A_511 : i32 to index
      %swap3A_513 = tpu.vector_load %arg16[%swap3A_512] {strides = array<i32>} : memref<256xf32, #tpu.memory_space<vmem>>, vector<16xf32>,
      tpu.vector_store %arg16[%swap3A_512], %scan3A_457#14 {strides = array<i32>} : memref<256xf32, #tpu.memory_space<vmem>>, vector<16xf32>,
      %add3A_514 = arith.constant 112 : i32
      %add3A_515 = arith.addi %mul3A_282, %add3A_514 : i32
      %swap3A_516 = arith.index_cast %add3A_515 : i32 to index
      %swap3A_517 = tpu.vector_load %arg15[%swap3A_516] {strides = array<i32>} : memref<256xf32, #tpu.memory_space<vmem>>, vector<16xf32>,
      tpu.vector_store %arg15[%swap3A_516], %scan3A_457#7 {strides = array<i32>} : memref<256xf32, #tpu.memory_space<vmem>>, vector<16xf32>,
      %add3A_518 = arith.constant 112 : i32
      %add3A_519 = arith.addi %mul3A_282, %add3A_518 : i32
      %swap3A_520 = arith.index_cast %add3A_519 : i32 to index
      %swap3A_521 = tpu.vector_load %arg16[%swap3A_520] {strides = array<i32>} : memref<256xf32, #tpu.memory_space<vmem>>, vector<16xf32>,
      tpu.vector_store %arg16[%swap3A_520], %scan3A_457#15 {strides = array<i32>} : memref<256xf32, #tpu.memory_space<vmem>>, vector<16xf32>,
      %dma_start3A = tpu.memref_slice %arg15[%mul3A_282] : memref<256xf32, #tpu.memory_space<vmem>> -> memref<128xf32, #tpu.memory_space<vmem>>
      %dma_start3A_522 = arith.constant 0 : i32
      %dma_start3A_523 = tpu.memref_slice %arg13[%add3A_264, %dma_start3A_522] : memref<32x128xi32, #tpu.memory_space<vmem>> -> memref<1x128xi32, #tpu.memory_space<vmem>>
      %dma_start3A_524 = tpu.memref_squeeze %dma_start3A_523 : memref<1x128xi32, #tpu.memory_space<vmem>> -> memref<128xi32, #tpu.memory_space<vmem>>
      %dma_start3A_525 = arith.constant 0 : i32
      %dma_start3A_526 = tpu.memref_slice %arg21[%dma_start3A_525] : memref<50176xf32, #tpu.memory_space<vmem_shared>> -> memref<50176xf32, #tpu.memory_space<vmem_shared>>
      tpu.enqueue_indirect_dma source(%dma_start3A : memref<128xf32, #tpu.memory_space<vmem>>) target(%dma_start3A_526 : memref<50176xf32, #tpu.memory_space<vmem_shared>>) offsets(%dma_start3A_524 : memref<128xi32, #tpu.memory_space<vmem>>) semaphore(%arg24 : memref<!tpu.dma_semaphore, #tpu.memory_space<semaphore_mem>>) {add = true}
      %dma_start3A_527 = tpu.memref_slice %arg16[%mul3A_282] : memref<256xf32, #tpu.memory_space<vmem>> -> memref<128xf32, #tpu.memory_space<vmem>>
      %dma_start3A_528 = arith.constant 0 : i32
      %dma_start3A_529 = tpu.memref_slice %arg13[%add3A_264, %dma_start3A_528] : memref<32x128xi32, #tpu.memory_space<vmem>> -> memref<1x128xi32, #tpu.memory_space<vmem>>
      %dma_start3A_530 = tpu.memref_squeeze %dma_start3A_529 : memref<1x128xi32, #tpu.memory_space<vmem>> -> memref<128xi32, #tpu.memory_space<vmem>>
      %dma_start3A_531 = arith.constant 0 : i32
      %dma_start3A_532 = tpu.memref_slice %arg22[%dma_start3A_531] : memref<50176xf32, #tpu.memory_space<vmem_shared>> -> memref<50176xf32, #tpu.memory_space<vmem_shared>>
      tpu.enqueue_indirect_dma source(%dma_start3A_527 : memref<128xf32, #tpu.memory_space<vmem>>) target(%dma_start3A_532 : memref<50176xf32, #tpu.memory_space<vmem_shared>>) offsets(%dma_start3A_530 : memref<128xi32, #tpu.memory_space<vmem>>) semaphore(%arg24 : memref<!tpu.dma_semaphore, #tpu.memory_space<semaphore_mem>>) {add = true}
      %while3A_533 = arith.constant 0 : i32
      scf.yield %while3A_533 : i32
    }
    %while3A_71 = arith.constant 1 : i32
    %while3A_72 = scf.for %while3A_87 = %while3A_68 to %while3A_64 step %while3A_71 iter_args(%while3A_88 = %while3A_70) -> (i32)  : i32 {
      %add3A_89 = arith.constant 2 : i32
      %add3A_90 = arith.addi %while3A_87, %add3A_89 : i32
      %lt3A = arith.cmpi slt, %add3A_90, %min3A_35 : i32
      %jit3A_91 = arith.constant 16 : i32
      %eq3A_92 = arith.constant 0 : i32
      %eq3A_93 = arith.cmpi eq, %jit3A_91, %eq3A_92 : i32
      %jit3A_94 = arith.constant 1 : i32
      %select_n3A_95 = arith.select %eq3A_93, %jit3A_94, %jit3A_91 : i32
      %rem3A_96 = arith.remsi %add3A_90, %select_n3A_95 : i32
      %ne3A_97 = arith.constant 0 : i32
      %ne3A_98 = arith.cmpi ne, %rem3A_96, %ne3A_97 : i32
      %lt3A_99 = arith.constant 0 : i32
      %lt3A_100 = arith.cmpi slt, %rem3A_96, %lt3A_99 : i32
      %lt3A_101 = arith.constant 0 : i32
      %lt3A_102 = arith.cmpi slt, %select_n3A_95, %lt3A_101 : i32
      %ne3A_103 = arith.xori %lt3A_100, %lt3A_102 : i1
      %and3A_104 = arith.andi %ne3A_103, %ne3A_98 : i1
      %add3A_105 = arith.addi %rem3A_96, %select_n3A_95 : i32
      %select_n3A_106 = arith.select %and3A_104, %add3A_105, %rem3A_96 : i32
      %eq3A_107 = arith.constant 0 : i32
      %eq3A_108 = arith.cmpi eq, %select_n3A_106, %eq3A_107 : i32
      %and3A_109 = arith.andi %lt3A, %eq3A_108 : i1
      %convert_element_type3A_110 = arith.extui %and3A_109 : i1 to i32
      %cond3A_111 = arith.constant 0 : i32
      %cond3A_112 = arith.cmpi ne, %convert_element_type3A_110, %cond3A_111 : i32
      scf.if %cond3A_112 {
        %jit3A_534 = arith.constant 16 : i32
        %div3A_535 = arith.divsi %add3A_90, %jit3A_534 : i32
        %sign3A_536 = arith.constant 0 : i32
        %sign3A_537 = arith.cmpi sgt, %add3A_90, %sign3A_536 : i32
        %sign3A_538 = arith.extui %sign3A_537 : i1 to i32
        %sign3A_539 = arith.constant 0 : i32
        %sign3A_540 = arith.cmpi slt, %add3A_90, %sign3A_539 : i32
        %sign3A_541 = arith.extui %sign3A_540 : i1 to i32
        %sign3A_542 = arith.subi %sign3A_538, %sign3A_541 : i32
        %sign3A_543 = arith.constant 0 : i32
        %sign3A_544 = arith.cmpi sgt, %jit3A_534, %sign3A_543 : i32
        %sign3A_545 = arith.extui %sign3A_544 : i1 to i32
        %sign3A_546 = arith.constant 0 : i32
        %sign3A_547 = arith.cmpi slt, %jit3A_534, %sign3A_546 : i32
        %sign3A_548 = arith.extui %sign3A_547 : i1 to i32
        %sign3A_549 = arith.subi %sign3A_545, %sign3A_548 : i32
        %ne3A_550 = arith.cmpi ne, %sign3A_542, %sign3A_549 : i32
        %rem3A_551 = arith.remsi %add3A_90, %jit3A_534 : i32
        %ne3A_552 = arith.constant 0 : i32
        %ne3A_553 = arith.cmpi ne, %rem3A_551, %ne3A_552 : i32
        %and3A_554 = arith.andi %ne3A_550, %ne3A_553 : i1
        %sub3A_555 = arith.constant 1 : i32
        %sub3A_556 = arith.subi %div3A_535, %sub3A_555 : i32
        %select_n3A_557 = arith.select %and3A_554, %sub3A_556, %div3A_535 : i32
        %jit3A_558 = arith.constant 2 : i32
        %eq3A_559 = arith.constant 0 : i32
        %eq3A_560 = arith.cmpi eq, %jit3A_558, %eq3A_559 : i32
        %jit3A_561 = arith.constant 1 : i32
        %select_n3A_562 = arith.select %eq3A_560, %jit3A_561, %jit3A_558 : i32
        %rem3A_563 = arith.remsi %select_n3A_557, %select_n3A_562 : i32
        %ne3A_564 = arith.constant 0 : i32
        %ne3A_565 = arith.cmpi ne, %rem3A_563, %ne3A_564 : i32
        %lt3A_566 = arith.constant 0 : i32
        %lt3A_567 = arith.cmpi slt, %rem3A_563, %lt3A_566 : i32
        %lt3A_568 = arith.constant 0 : i32
        %lt3A_569 = arith.cmpi slt, %select_n3A_562, %lt3A_568 : i32
        %ne3A_570 = arith.xori %lt3A_567, %lt3A_569 : i1
        %and3A_571 = arith.andi %ne3A_570, %ne3A_565 : i1
        %add3A_572 = arith.addi %rem3A_563, %select_n3A_562 : i32
        %select_n3A_573 = arith.select %and3A_571, %add3A_572, %rem3A_563 : i32
        %mul3A_574 = arith.constant 16 : i32
        %mul3A_575 = arith.muli %select_n3A_573, %mul3A_574 : i32
        %mul3A_576 = arith.constant 16 : i32
        %mul3A_577 = arith.muli %select_n3A_557, %mul3A_576 : i32
        %add3A_578 = arith.addi %mul3A_13, %mul3A_577 : i32
        "tpu.region"() ({
          %run_scoped3A = tpu.sem_alloc : memref<!tpu.dma_semaphore, #tpu.memory_space<semaphore_mem>>
          %dma_start3A_585 = arith.constant 0 : i32
          %dma_start3A_586 = tpu.memref_slice %arg12[%mul3A_575, %dma_start3A_585] : memref<32x128xi32, #tpu.memory_space<vmem>> -> memref<16x128xi32, #tpu.memory_space<vmem>>
          %dma_start3A_587 = arith.constant 0 : i32
          %dma_start3A_588 = tpu.memref_slice %arg3[%add3A_578, %dma_start3A_587] : memref<6408x128xi32, #tpu.memory_space<hbm>> -> memref<16x128xi32, #tpu.memory_space<hbm>>
          %dma_start3A_589 = arith.constant 0 : i32
          %dma_start3A_590 = tpu.memref_slice %arg12[%mul3A_575, %dma_start3A_589] : memref<32x128xi32, #tpu.memory_space<vmem>> -> memref<16x128xi32, #tpu.memory_space<vmem>>
          %dma_start3A_591 = arith.constant 0 : i32
          %dma_start3A_592 = tpu.memref_slice %arg3[%add3A_578, %dma_start3A_591] : memref<6408x128xi32, #tpu.memory_space<hbm>> -> memref<16x128xi32, #tpu.memory_space<hbm>>
          tpu.enqueue_dma source(%dma_start3A_592 : memref<16x128xi32, #tpu.memory_space<hbm>>) target(%dma_start3A_590 : memref<16x128xi32, #tpu.memory_space<vmem>>) target_semaphore(%run_scoped3A : memref<!tpu.dma_semaphore, #tpu.memory_space<semaphore_mem>>)
          %dma_wait3A_593 = arith.constant 0 : i32
          %dma_wait3A_594 = tpu.memref_slice %arg12[%mul3A_575, %dma_wait3A_593] : memref<32x128xi32, #tpu.memory_space<vmem>> -> memref<16x128xi32, #tpu.memory_space<vmem>>
          %dma_wait3A_595 = arith.constant 0 : i32
          %dma_wait3A_596 = tpu.memref_slice %arg3[%add3A_578, %dma_wait3A_595] : memref<6408x128xi32, #tpu.memory_space<hbm>> -> memref<16x128xi32, #tpu.memory_space<hbm>>
          %dma_wait3A_597 = arith.constant 0 : i32
          %dma_wait3A_598 = tpu.memref_slice %arg12[%mul3A_575, %dma_wait3A_597] : memref<32x128xi32, #tpu.memory_space<vmem>> -> memref<16x128xi32, #tpu.memory_space<vmem>>
          %dma_wait3A_599 = arith.constant 0 : i32
          %dma_wait3A_600 = tpu.memref_slice %arg3[%add3A_578, %dma_wait3A_599] : memref<6408x128xi32, #tpu.memory_space<hbm>> -> memref<16x128xi32, #tpu.memory_space<hbm>>
          tpu.wait_dma2 semaphore(%run_scoped3A : memref<!tpu.dma_semaphore, #tpu.memory_space<semaphore_mem>>) src(%dma_wait3A_600 : memref<16x128xi32, #tpu.memory_space<hbm>>) dst(%dma_wait3A_598 : memref<16x128xi32, #tpu.memory_space<vmem>>)
          tpu.yield
        }) : () -> ()
        %mul3A_579 = arith.constant 16 : i32
        %mul3A_580 = arith.muli %select_n3A_557, %mul3A_579 : i32
        %add3A_581 = arith.addi %mul3A_13, %mul3A_580 : i32
        "tpu.region"() ({
          %run_scoped3A = tpu.sem_alloc : memref<!tpu.dma_semaphore, #tpu.memory_space<semaphore_mem>>
          %dma_start3A_585 = arith.constant 0 : i32
          %dma_start3A_586 = tpu.memref_slice %arg13[%mul3A_575, %dma_start3A_585] : memref<32x128xi32, #tpu.memory_space<vmem>> -> memref<16x128xi32, #tpu.memory_space<vmem>>
          %dma_start3A_587 = arith.constant 0 : i32
          %dma_start3A_588 = tpu.memref_slice %arg4[%add3A_581, %dma_start3A_587] : memref<6408x128xi32, #tpu.memory_space<hbm>> -> memref<16x128xi32, #tpu.memory_space<hbm>>
          %dma_start3A_589 = arith.constant 0 : i32
          %dma_start3A_590 = tpu.memref_slice %arg13[%mul3A_575, %dma_start3A_589] : memref<32x128xi32, #tpu.memory_space<vmem>> -> memref<16x128xi32, #tpu.memory_space<vmem>>
          %dma_start3A_591 = arith.constant 0 : i32
          %dma_start3A_592 = tpu.memref_slice %arg4[%add3A_581, %dma_start3A_591] : memref<6408x128xi32, #tpu.memory_space<hbm>> -> memref<16x128xi32, #tpu.memory_space<hbm>>
          tpu.enqueue_dma source(%dma_start3A_592 : memref<16x128xi32, #tpu.memory_space<hbm>>) target(%dma_start3A_590 : memref<16x128xi32, #tpu.memory_space<vmem>>) target_semaphore(%run_scoped3A : memref<!tpu.dma_semaphore, #tpu.memory_space<semaphore_mem>>)
          %dma_wait3A_593 = arith.constant 0 : i32
          %dma_wait3A_594 = tpu.memref_slice %arg13[%mul3A_575, %dma_wait3A_593] : memref<32x128xi32, #tpu.memory_space<vmem>> -> memref<16x128xi32, #tpu.memory_space<vmem>>
          %dma_wait3A_595 = arith.constant 0 : i32
          %dma_wait3A_596 = tpu.memref_slice %arg4[%add3A_581, %dma_wait3A_595] : memref<6408x128xi32, #tpu.memory_space<hbm>> -> memref<16x128xi32, #tpu.memory_space<hbm>>
          %dma_wait3A_597 = arith.constant 0 : i32
          %dma_wait3A_598 = tpu.memref_slice %arg13[%mul3A_575, %dma_wait3A_597] : memref<32x128xi32, #tpu.memory_space<vmem>> -> memref<16x128xi32, #tpu.memory_space<vmem>>
          %dma_wait3A_599 = arith.constant 0 : i32
          %dma_wait3A_600 = tpu.memref_slice %arg4[%add3A_581, %dma_wait3A_599] : memref<6408x128xi32, #tpu.memory_space<hbm>> -> memref<16x128xi32, #tpu.memory_space<hbm>>
          tpu.wait_dma2 semaphore(%run_scoped3A : memref<!tpu.dma_semaphore, #tpu.memory_space<semaphore_mem>>) src(%dma_wait3A_600 : memref<16x128xi32, #tpu.memory_space<hbm>>) dst(%dma_wait3A_598 : memref<16x128xi32, #tpu.memory_space<vmem>>)
          tpu.yield
        }) : () -> ()
        %mul3A_582 = arith.constant 16 : i32
        %mul3A_583 = arith.muli %select_n3A_557, %mul3A_582 : i32
        %add3A_584 = arith.addi %mul3A_13, %mul3A_583 : i32
        "tpu.region"() ({
          %run_scoped3A = tpu.sem_alloc : memref<!tpu.dma_semaphore, #tpu.memory_space<semaphore_mem>>
          %dma_start3A_585 = arith.constant 0 : i32
          %dma_start3A_586 = tpu.memref_slice %arg14[%mul3A_575, %dma_start3A_585] : memref<32x128xf32, #tpu.memory_space<vmem>> -> memref<16x128xf32, #tpu.memory_space<vmem>>
          %dma_start3A_587 = arith.constant 0 : i32
          %dma_start3A_588 = tpu.memref_slice %arg5[%add3A_584, %dma_start3A_587] : memref<6408x128xf32, #tpu.memory_space<hbm>> -> memref<16x128xf32, #tpu.memory_space<hbm>>
          %dma_start3A_589 = arith.constant 0 : i32
          %dma_start3A_590 = tpu.memref_slice %arg14[%mul3A_575, %dma_start3A_589] : memref<32x128xf32, #tpu.memory_space<vmem>> -> memref<16x128xf32, #tpu.memory_space<vmem>>
          %dma_start3A_591 = arith.constant 0 : i32
          %dma_start3A_592 = tpu.memref_slice %arg5[%add3A_584, %dma_start3A_591] : memref<6408x128xf32, #tpu.memory_space<hbm>> -> memref<16x128xf32, #tpu.memory_space<hbm>>
          tpu.enqueue_dma source(%dma_start3A_592 : memref<16x128xf32, #tpu.memory_space<hbm>>) target(%dma_start3A_590 : memref<16x128xf32, #tpu.memory_space<vmem>>) target_semaphore(%run_scoped3A : memref<!tpu.dma_semaphore, #tpu.memory_space<semaphore_mem>>)
          %dma_wait3A_593 = arith.constant 0 : i32
          %dma_wait3A_594 = tpu.memref_slice %arg14[%mul3A_575, %dma_wait3A_593] : memref<32x128xf32, #tpu.memory_space<vmem>> -> memref<16x128xf32, #tpu.memory_space<vmem>>
          %dma_wait3A_595 = arith.constant 0 : i32
          %dma_wait3A_596 = tpu.memref_slice %arg5[%add3A_584, %dma_wait3A_595] : memref<6408x128xf32, #tpu.memory_space<hbm>> -> memref<16x128xf32, #tpu.memory_space<hbm>>
          %dma_wait3A_597 = arith.constant 0 : i32
          %dma_wait3A_598 = tpu.memref_slice %arg14[%mul3A_575, %dma_wait3A_597] : memref<32x128xf32, #tpu.memory_space<vmem>> -> memref<16x128xf32, #tpu.memory_space<vmem>>
          %dma_wait3A_599 = arith.constant 0 : i32
          %dma_wait3A_600 = tpu.memref_slice %arg5[%add3A_584, %dma_wait3A_599] : memref<6408x128xf32, #tpu.memory_space<hbm>> -> memref<16x128xf32, #tpu.memory_space<hbm>>
          tpu.wait_dma2 semaphore(%run_scoped3A : memref<!tpu.dma_semaphore, #tpu.memory_space<semaphore_mem>>) src(%dma_wait3A_600 : memref<16x128xf32, #tpu.memory_space<hbm>>) dst(%dma_wait3A_598 : memref<16x128xf32, #tpu.memory_space<vmem>>)
          tpu.yield
        }) : () -> ()
      } else {
      }
      %lt3A_113 = arith.cmpi slt, %add3A_90, %min3A_35 : i32
      %convert_element_type3A_114 = arith.extui %lt3A_113 : i1 to i32
      %cond3A_115 = arith.constant 0 : i32
      %cond3A_116 = arith.cmpi ne, %convert_element_type3A_114, %cond3A_115 : i32
      scf.if %cond3A_116 {
        %jit3A_534 = arith.constant 16 : i32
        %div3A_535 = arith.divsi %add3A_90, %jit3A_534 : i32
        %sign3A_536 = arith.constant 0 : i32
        %sign3A_537 = arith.cmpi sgt, %add3A_90, %sign3A_536 : i32
        %sign3A_538 = arith.extui %sign3A_537 : i1 to i32
        %sign3A_539 = arith.constant 0 : i32
        %sign3A_540 = arith.cmpi slt, %add3A_90, %sign3A_539 : i32
        %sign3A_541 = arith.extui %sign3A_540 : i1 to i32
        %sign3A_542 = arith.subi %sign3A_538, %sign3A_541 : i32
        %sign3A_543 = arith.constant 0 : i32
        %sign3A_544 = arith.cmpi sgt, %jit3A_534, %sign3A_543 : i32
        %sign3A_545 = arith.extui %sign3A_544 : i1 to i32
        %sign3A_546 = arith.constant 0 : i32
        %sign3A_547 = arith.cmpi slt, %jit3A_534, %sign3A_546 : i32
        %sign3A_548 = arith.extui %sign3A_547 : i1 to i32
        %sign3A_549 = arith.subi %sign3A_545, %sign3A_548 : i32
        %ne3A_550 = arith.cmpi ne, %sign3A_542, %sign3A_549 : i32
        %rem3A_551 = arith.remsi %add3A_90, %jit3A_534 : i32
        %ne3A_552 = arith.constant 0 : i32
        %ne3A_553 = arith.cmpi ne, %rem3A_551, %ne3A_552 : i32
        %and3A_554 = arith.andi %ne3A_550, %ne3A_553 : i1
        %sub3A_555 = arith.constant 1 : i32
        %sub3A_556 = arith.subi %div3A_535, %sub3A_555 : i32
        %select_n3A_557 = arith.select %and3A_554, %sub3A_556, %div3A_535 : i32
        %jit3A_558 = arith.constant 2 : i32
        %eq3A_559 = arith.constant 0 : i32
        %eq3A_560 = arith.cmpi eq, %jit3A_558, %eq3A_559 : i32
        %jit3A_561 = arith.constant 1 : i32
        %select_n3A_562 = arith.select %eq3A_560, %jit3A_561, %jit3A_558 : i32
        %rem3A_563 = arith.remsi %select_n3A_557, %select_n3A_562 : i32
        %ne3A_564 = arith.constant 0 : i32
        %ne3A_565 = arith.cmpi ne, %rem3A_563, %ne3A_564 : i32
        %lt3A_566 = arith.constant 0 : i32
        %lt3A_567 = arith.cmpi slt, %rem3A_563, %lt3A_566 : i32
        %lt3A_568 = arith.constant 0 : i32
        %lt3A_569 = arith.cmpi slt, %select_n3A_562, %lt3A_568 : i32
        %ne3A_570 = arith.xori %lt3A_567, %lt3A_569 : i1
        %and3A_571 = arith.andi %ne3A_570, %ne3A_565 : i1
        %add3A_572 = arith.addi %rem3A_563, %select_n3A_562 : i32
        %select_n3A_573 = arith.select %and3A_571, %add3A_572, %rem3A_563 : i32
        %mul3A_574 = arith.constant 16 : i32
        %mul3A_575 = arith.muli %select_n3A_573, %mul3A_574 : i32
        %jit3A_576 = arith.constant 16 : i32
        %eq3A_577 = arith.constant 0 : i32
        %eq3A_578 = arith.cmpi eq, %jit3A_576, %eq3A_577 : i32
        %jit3A_579 = arith.constant 1 : i32
        %select_n3A_580 = arith.select %eq3A_578, %jit3A_579, %jit3A_576 : i32
        %rem3A_581 = arith.remsi %add3A_90, %select_n3A_580 : i32
        %ne3A_582 = arith.constant 0 : i32
        %ne3A_583 = arith.cmpi ne, %rem3A_581, %ne3A_582 : i32
        %lt3A_584 = arith.constant 0 : i32
        %lt3A_585 = arith.cmpi slt, %rem3A_581, %lt3A_584 : i32
        %lt3A_586 = arith.constant 0 : i32
        %lt3A_587 = arith.cmpi slt, %select_n3A_580, %lt3A_586 : i32
        %ne3A_588 = arith.xori %lt3A_585, %lt3A_587 : i1
        %and3A_589 = arith.andi %ne3A_588, %ne3A_583 : i1
        %add3A_590 = arith.addi %rem3A_581, %select_n3A_580 : i32
        %select_n3A_591 = arith.select %and3A_589, %add3A_590, %rem3A_581 : i32
        %add3A_592 = arith.addi %mul3A_575, %select_n3A_591 : i32
        %jit3A_593 = arith.constant 3 : i32
        %eq3A_594 = arith.constant 0 : i32
        %eq3A_595 = arith.cmpi eq, %jit3A_593, %eq3A_594 : i32
        %jit3A_596 = arith.constant 1 : i32
        %select_n3A_597 = arith.select %eq3A_595, %jit3A_596, %jit3A_593 : i32
        %rem3A_598 = arith.remsi %add3A_90, %select_n3A_597 : i32
        %ne3A_599 = arith.constant 0 : i32
        %ne3A_600 = arith.cmpi ne, %rem3A_598, %ne3A_599 : i32
        %lt3A_601 = arith.constant 0 : i32
        %lt3A_602 = arith.cmpi slt, %rem3A_598, %lt3A_601 : i32
        %lt3A_603 = arith.constant 0 : i32
        %lt3A_604 = arith.cmpi slt, %select_n3A_597, %lt3A_603 : i32
        %ne3A_605 = arith.xori %lt3A_602, %lt3A_604 : i1
        %and3A_606 = arith.andi %ne3A_605, %ne3A_600 : i1
        %add3A_607 = arith.addi %rem3A_598, %select_n3A_597 : i32
        %select_n3A_608 = arith.select %and3A_606, %add3A_607, %rem3A_598 : i32
        %mul3A_609 = arith.constant 128 : i32
        %mul3A_610 = arith.muli %select_n3A_608, %mul3A_609 : i32
        %dma_start3A_611 = arith.constant 0 : i32
        %dma_start3A_612 = tpu.memref_slice %arg11[%mul3A_610, %dma_start3A_611] : memref<384x128xf32, #tpu.memory_space<vmem>> -> memref<128x128xf32, #tpu.memory_space<vmem>>
        %dma_start3A_613 = arith.constant 0 : i32
        %dma_start3A_614 = tpu.memref_slice %arg12[%add3A_592, %dma_start3A_613] : memref<32x128xi32, #tpu.memory_space<vmem>> -> memref<1x128xi32, #tpu.memory_space<vmem>>
        %dma_start3A_615 = tpu.memref_squeeze %dma_start3A_614 : memref<1x128xi32, #tpu.memory_space<vmem>> -> memref<128xi32, #tpu.memory_space<vmem>>
        %dma_start3A_616 = arith.constant 0 : i32
        %dma_start3A_617 = arith.constant 0 : i32
        %dma_start3A_618 = tpu.memref_slice %arg2[%dma_start3A_616, %dma_start3A_617] : memref<50000x128xf32, #tpu.memory_space<hbm>> -> memref<50000x128xf32, #tpu.memory_space<hbm>>
        tpu.enqueue_indirect_dma source(%dma_start3A_618 : memref<50000x128xf32, #tpu.memory_space<hbm>>) target(%dma_start3A_612 : memref<128x128xf32, #tpu.memory_space<vmem>>) offsets(%dma_start3A_615 : memref<128xi32, #tpu.memory_space<vmem>>) semaphore(%arg23 : memref<!tpu.dma_semaphore, #tpu.memory_space<semaphore_mem>>)
      } else {
      }
      %ge3A_117 = arith.constant 2 : i32
      %ge3A_118 = arith.cmpi sge, %while3A_87, %ge3A_117 : i32
      %convert_element_type3A_119 = arith.extui %ge3A_118 : i1 to i32
      %cond3A_120 = arith.constant 0 : i32
      %cond3A_121 = arith.cmpi ne, %convert_element_type3A_119, %cond3A_120 : i32
      scf.if %cond3A_121 {
        %dma_wait3A_534 = arith.constant 0 : i32
        %dma_wait3A_535 = arith.constant 0 : i32
        %dma_wait3A_536 = tpu.memref_slice %arg15[%dma_wait3A_535] : memref<256xf32, #tpu.memory_space<vmem>> -> memref<128xf32, #tpu.memory_space<vmem>>
        %dma_wait3A_537 = arith.constant 0 : i32
        %dma_wait3A_538 = tpu.memref_slice %arg13[%dma_wait3A_534, %dma_wait3A_537] : memref<32x128xi32, #tpu.memory_space<vmem>> -> memref<1x128xi32, #tpu.memory_space<vmem>>
        %dma_wait3A_539 = tpu.memref_squeeze %dma_wait3A_538 : memref<1x128xi32, #tpu.memory_space<vmem>> -> memref<128xi32, #tpu.memory_space<vmem>>
        %dma_wait3A_540 = arith.constant 0 : i32
        %dma_wait3A_541 = tpu.memref_slice %arg21[%dma_wait3A_540] : memref<50176xf32, #tpu.memory_space<vmem_shared>> -> memref<50176xf32, #tpu.memory_space<vmem_shared>>
        tpu.wait_indirect_dma semaphore(%arg24 : memref<!tpu.dma_semaphore, #tpu.memory_space<semaphore_mem>>) src(%dma_wait3A_536 : memref<128xf32, #tpu.memory_space<vmem>>) dst(%dma_wait3A_541 : memref<50176xf32, #tpu.memory_space<vmem_shared>>)
        %dma_wait3A_542 = arith.constant 0 : i32
        %dma_wait3A_543 = arith.constant 0 : i32
        %dma_wait3A_544 = tpu.memref_slice %arg15[%dma_wait3A_543] : memref<256xf32, #tpu.memory_space<vmem>> -> memref<128xf32, #tpu.memory_space<vmem>>
        %dma_wait3A_545 = arith.constant 0 : i32
        %dma_wait3A_546 = tpu.memref_slice %arg13[%dma_wait3A_542, %dma_wait3A_545] : memref<32x128xi32, #tpu.memory_space<vmem>> -> memref<1x128xi32, #tpu.memory_space<vmem>>
        %dma_wait3A_547 = tpu.memref_squeeze %dma_wait3A_546 : memref<1x128xi32, #tpu.memory_space<vmem>> -> memref<128xi32, #tpu.memory_space<vmem>>
        %dma_wait3A_548 = arith.constant 0 : i32
        %dma_wait3A_549 = tpu.memref_slice %arg21[%dma_wait3A_548] : memref<50176xf32, #tpu.memory_space<vmem_shared>> -> memref<50176xf32, #tpu.memory_space<vmem_shared>>
        tpu.wait_indirect_dma semaphore(%arg24 : memref<!tpu.dma_semaphore, #tpu.memory_space<semaphore_mem>>) src(%dma_wait3A_544 : memref<128xf32, #tpu.memory_space<vmem>>) dst(%dma_wait3A_549 : memref<50176xf32, #tpu.memory_space<vmem_shared>>)
      } else {
      }
      %jit3A_122 = arith.constant 16 : i32
      %div3A_123 = arith.divsi %while3A_87, %jit3A_122 : i32
      %sign3A_124 = arith.constant 0 : i32
      %sign3A_125 = arith.cmpi sgt, %while3A_87, %sign3A_124 : i32
      %sign3A_126 = arith.extui %sign3A_125 : i1 to i32
      %sign3A_127 = arith.constant 0 : i32
      %sign3A_128 = arith.cmpi slt, %while3A_87, %sign3A_127 : i32
      %sign3A_129 = arith.extui %sign3A_128 : i1 to i32
      %sign3A_130 = arith.subi %sign3A_126, %sign3A_129 : i32
      %sign3A_131 = arith.constant 0 : i32
      %sign3A_132 = arith.cmpi sgt, %jit3A_122, %sign3A_131 : i32
      %sign3A_133 = arith.extui %sign3A_132 : i1 to i32
      %sign3A_134 = arith.constant 0 : i32
      %sign3A_135 = arith.cmpi slt, %jit3A_122, %sign3A_134 : i32
      %sign3A_136 = arith.extui %sign3A_135 : i1 to i32
      %sign3A_137 = arith.subi %sign3A_133, %sign3A_136 : i32
      %ne3A_138 = arith.cmpi ne, %sign3A_130, %sign3A_137 : i32
      %rem3A_139 = arith.remsi %while3A_87, %jit3A_122 : i32
      %ne3A_140 = arith.constant 0 : i32
      %ne3A_141 = arith.cmpi ne, %rem3A_139, %ne3A_140 : i32
      %and3A_142 = arith.andi %ne3A_138, %ne3A_141 : i1
      %sub3A_143 = arith.constant 1 : i32
      %sub3A_144 = arith.subi %div3A_123, %sub3A_143 : i32
      %select_n3A_145 = arith.select %and3A_142, %sub3A_144, %div3A_123 : i32
      %jit3A_146 = arith.constant 2 : i32
      %eq3A_147 = arith.constant 0 : i32
      %eq3A_148 = arith.cmpi eq, %jit3A_146, %eq3A_147 : i32
      %jit3A_149 = arith.constant 1 : i32
      %select_n3A_150 = arith.select %eq3A_148, %jit3A_149, %jit3A_146 : i32
      %rem3A_151 = arith.remsi %select_n3A_145, %select_n3A_150 : i32
      %ne3A_152 = arith.constant 0 : i32
      %ne3A_153 = arith.cmpi ne, %rem3A_151, %ne3A_152 : i32
      %lt3A_154 = arith.constant 0 : i32
      %lt3A_155 = arith.cmpi slt, %rem3A_151, %lt3A_154 : i32
      %lt3A_156 = arith.constant 0 : i32
      %lt3A_157 = arith.cmpi slt, %select_n3A_150, %lt3A_156 : i32
      %ne3A_158 = arith.xori %lt3A_155, %lt3A_157 : i1
      %and3A_159 = arith.andi %ne3A_158, %ne3A_153 : i1
      %add3A_160 = arith.addi %rem3A_151, %select_n3A_150 : i32
      %select_n3A_161 = arith.select %and3A_159, %add3A_160, %rem3A_151 : i32
      %mul3A_162 = arith.constant 16 : i32
      %mul3A_163 = arith.muli %select_n3A_161, %mul3A_162 : i32
      %jit3A_164 = arith.constant 16 : i32
      %eq3A_165 = arith.constant 0 : i32
      %eq3A_166 = arith.cmpi eq, %jit3A_164, %eq3A_165 : i32
      %jit3A_167 = arith.constant 1 : i32
      %select_n3A_168 = arith.select %eq3A_166, %jit3A_167, %jit3A_164 : i32
      %rem3A_169 = arith.remsi %while3A_87, %select_n3A_168 : i32
      %ne3A_170 = arith.constant 0 : i32
      %ne3A_171 = arith.cmpi ne, %rem3A_169, %ne3A_170 : i32
      %lt3A_172 = arith.constant 0 : i32
      %lt3A_173 = arith.cmpi slt, %rem3A_169, %lt3A_172 : i32
      %lt3A_174 = arith.constant 0 : i32
      %lt3A_175 = arith.cmpi slt, %select_n3A_168, %lt3A_174 : i32
      %ne3A_176 = arith.xori %lt3A_173, %lt3A_175 : i1
      %and3A_177 = arith.andi %ne3A_176, %ne3A_171 : i1
      %add3A_178 = arith.addi %rem3A_169, %select_n3A_168 : i32
      %select_n3A_179 = arith.select %and3A_177, %add3A_178, %rem3A_169 : i32
      %add3A_180 = arith.addi %mul3A_163, %select_n3A_179 : i32
      %jit3A_181 = arith.constant 3 : i32
      %eq3A_182 = arith.constant 0 : i32
      %eq3A_183 = arith.cmpi eq, %jit3A_181, %eq3A_182 : i32
      %jit3A_184 = arith.constant 1 : i32
      %select_n3A_185 = arith.select %eq3A_183, %jit3A_184, %jit3A_181 : i32
      %rem3A_186 = arith.remsi %while3A_87, %select_n3A_185 : i32
      %ne3A_187 = arith.constant 0 : i32
      %ne3A_188 = arith.cmpi ne, %rem3A_186, %ne3A_187 : i32
      %lt3A_189 = arith.constant 0 : i32
      %lt3A_190 = arith.cmpi slt, %rem3A_186, %lt3A_189 : i32
      %lt3A_191 = arith.constant 0 : i32
      %lt3A_192 = arith.cmpi slt, %select_n3A_185, %lt3A_191 : i32
      %ne3A_193 = arith.xori %lt3A_190, %lt3A_192 : i1
      %and3A_194 = arith.andi %ne3A_193, %ne3A_188 : i1
      %add3A_195 = arith.addi %rem3A_186, %select_n3A_185 : i32
      %select_n3A_196 = arith.select %and3A_194, %add3A_195, %rem3A_186 : i32
      %mul3A_197 = arith.constant 128 : i32
      %mul3A_198 = arith.muli %select_n3A_196, %mul3A_197 : i32
      %dma_wait3A = arith.constant 0 : i32
      %dma_wait3A_199 = tpu.memref_slice %arg11[%mul3A_198, %dma_wait3A] : memref<384x128xf32, #tpu.memory_space<vmem>> -> memref<128x128xf32, #tpu.memory_space<vmem>>
      %dma_wait3A_200 = arith.constant 0 : i32
      %dma_wait3A_201 = tpu.memref_slice %arg12[%add3A_180, %dma_wait3A_200] : memref<32x128xi32, #tpu.memory_space<vmem>> -> memref<1x128xi32, #tpu.memory_space<vmem>>
      %dma_wait3A_202 = tpu.memref_squeeze %dma_wait3A_201 : memref<1x128xi32, #tpu.memory_space<vmem>> -> memref<128xi32, #tpu.memory_space<vmem>>
      %dma_wait3A_203 = arith.constant 0 : i32
      %dma_wait3A_204 = arith.constant 0 : i32
      %dma_wait3A_205 = tpu.memref_slice %arg2[%dma_wait3A_203, %dma_wait3A_204] : memref<50000x128xf32, #tpu.memory_space<hbm>> -> memref<50000x128xf32, #tpu.memory_space<hbm>>
      tpu.wait_indirect_dma semaphore(%arg23 : memref<!tpu.dma_semaphore, #tpu.memory_space<semaphore_mem>>) src(%dma_wait3A_205 : memref<50000x128xf32, #tpu.memory_space<hbm>>) dst(%dma_wait3A_199 : memref<128x128xf32, #tpu.memory_space<vmem>>)
      %jit3A_206 = arith.constant 16 : i32
      %div3A_207 = arith.divsi %while3A_87, %jit3A_206 : i32
      %sign3A_208 = arith.constant 0 : i32
      %sign3A_209 = arith.cmpi sgt, %while3A_87, %sign3A_208 : i32
      %sign3A_210 = arith.extui %sign3A_209 : i1 to i32
      %sign3A_211 = arith.constant 0 : i32
      %sign3A_212 = arith.cmpi slt, %while3A_87, %sign3A_211 : i32
      %sign3A_213 = arith.extui %sign3A_212 : i1 to i32
      %sign3A_214 = arith.subi %sign3A_210, %sign3A_213 : i32
      %sign3A_215 = arith.constant 0 : i32
      %sign3A_216 = arith.cmpi sgt, %jit3A_206, %sign3A_215 : i32
      %sign3A_217 = arith.extui %sign3A_216 : i1 to i32
      %sign3A_218 = arith.constant 0 : i32
      %sign3A_219 = arith.cmpi slt, %jit3A_206, %sign3A_218 : i32
      %sign3A_220 = arith.extui %sign3A_219 : i1 to i32
      %sign3A_221 = arith.subi %sign3A_217, %sign3A_220 : i32
      %ne3A_222 = arith.cmpi ne, %sign3A_214, %sign3A_221 : i32
      %rem3A_223 = arith.remsi %while3A_87, %jit3A_206 : i32
      %ne3A_224 = arith.constant 0 : i32
      %ne3A_225 = arith.cmpi ne, %rem3A_223, %ne3A_224 : i32
      %and3A_226 = arith.andi %ne3A_222, %ne3A_225 : i1
      %sub3A_227 = arith.constant 1 : i32
      %sub3A_228 = arith.subi %div3A_207, %sub3A_227 : i32
      %select_n3A_229 = arith.select %and3A_226, %sub3A_228, %div3A_207 : i32
      %jit3A_230 = arith.constant 2 : i32
      %eq3A_231 = arith.constant 0 : i32
      %eq3A_232 = arith.cmpi eq, %jit3A_230, %eq3A_231 : i32
      %jit3A_233 = arith.constant 1 : i32
      %select_n3A_234 = arith.select %eq3A_232, %jit3A_233, %jit3A_230 : i32
      %rem3A_235 = arith.remsi %select_n3A_229, %select_n3A_234 : i32
      %ne3A_236 = arith.constant 0 : i32
      %ne3A_237 = arith.cmpi ne, %rem3A_235, %ne3A_236 : i32
      %lt3A_238 = arith.constant 0 : i32
      %lt3A_239 = arith.cmpi slt, %rem3A_235, %lt3A_238 : i32
      %lt3A_240 = arith.constant 0 : i32
      %lt3A_241 = arith.cmpi slt, %select_n3A_234, %lt3A_240 : i32
      %ne3A_242 = arith.xori %lt3A_239, %lt3A_241 : i1
      %and3A_243 = arith.andi %ne3A_242, %ne3A_237 : i1
      %add3A_244 = arith.addi %rem3A_235, %select_n3A_234 : i32
      %select_n3A_245 = arith.select %and3A_243, %add3A_244, %rem3A_235 : i32
      %mul3A_246 = arith.constant 16 : i32
      %mul3A_247 = arith.muli %select_n3A_245, %mul3A_246 : i32
      %jit3A_248 = arith.constant 16 : i32
      %eq3A_249 = arith.constant 0 : i32
      %eq3A_250 = arith.cmpi eq, %jit3A_248, %eq3A_249 : i32
      %jit3A_251 = arith.constant 1 : i32
      %select_n3A_252 = arith.select %eq3A_250, %jit3A_251, %jit3A_248 : i32
      %rem3A_253 = arith.remsi %while3A_87, %select_n3A_252 : i32
      %ne3A_254 = arith.constant 0 : i32
      %ne3A_255 = arith.cmpi ne, %rem3A_253, %ne3A_254 : i32
      %lt3A_256 = arith.constant 0 : i32
      %lt3A_257 = arith.cmpi slt, %rem3A_253, %lt3A_256 : i32
      %lt3A_258 = arith.constant 0 : i32
      %lt3A_259 = arith.cmpi slt, %select_n3A_252, %lt3A_258 : i32
      %ne3A_260 = arith.xori %lt3A_257, %lt3A_259 : i1
      %and3A_261 = arith.andi %ne3A_260, %ne3A_255 : i1
      %add3A_262 = arith.addi %rem3A_253, %select_n3A_252 : i32
      %select_n3A_263 = arith.select %and3A_261, %add3A_262, %rem3A_253 : i32
      %add3A_264 = arith.addi %mul3A_247, %select_n3A_263 : i32
      %jit3A_265 = arith.constant 2 : i32
      %eq3A_266 = arith.constant 0 : i32
      %eq3A_267 = arith.cmpi eq, %jit3A_265, %eq3A_266 : i32
      %jit3A_268 = arith.constant 1 : i32
      %select_n3A_269 = arith.select %eq3A_267, %jit3A_268, %jit3A_265 : i32
      %rem3A_270 = arith.remsi %while3A_87, %select_n3A_269 : i32
      %ne3A_271 = arith.constant 0 : i32
      %ne3A_272 = arith.cmpi ne, %rem3A_270, %ne3A_271 : i32
      %lt3A_273 = arith.constant 0 : i32
      %lt3A_274 = arith.cmpi slt, %rem3A_270, %lt3A_273 : i32
      %lt3A_275 = arith.constant 0 : i32
      %lt3A_276 = arith.cmpi slt, %select_n3A_269, %lt3A_275 : i32
      %ne3A_277 = arith.xori %lt3A_274, %lt3A_276 : i1
      %and3A_278 = arith.andi %ne3A_277, %ne3A_272 : i1
      %add3A_279 = arith.addi %rem3A_270, %select_n3A_269 : i32
      %select_n3A_280 = arith.select %and3A_278, %add3A_279, %rem3A_270 : i32
      %mul3A_281 = arith.constant 128 : i32
      %mul3A_282 = arith.muli %select_n3A_280, %mul3A_281 : i32
      %jit3A_283 = arith.constant 3 : i32
      %eq3A_284 = arith.constant 0 : i32
      %eq3A_285 = arith.cmpi eq, %jit3A_283, %eq3A_284 : i32
      %jit3A_286 = arith.constant 1 : i32
      %select_n3A_287 = arith.select %eq3A_285, %jit3A_286, %jit3A_283 : i32
      %rem3A_288 = arith.remsi %while3A_87, %select_n3A_287 : i32
      %ne3A_289 = arith.constant 0 : i32
      %ne3A_290 = arith.cmpi ne, %rem3A_288, %ne3A_289 : i32
      %lt3A_291 = arith.constant 0 : i32
      %lt3A_292 = arith.cmpi slt, %rem3A_288, %lt3A_291 : i32
      %lt3A_293 = arith.constant 0 : i32
      %lt3A_294 = arith.cmpi slt, %select_n3A_287, %lt3A_293 : i32
      %ne3A_295 = arith.xori %lt3A_292, %lt3A_294 : i1
      %and3A_296 = arith.andi %ne3A_295, %ne3A_290 : i1
      %add3A_297 = arith.addi %rem3A_288, %select_n3A_287 : i32
      %select_n3A_298 = arith.select %and3A_296, %add3A_297, %rem3A_288 : i32
      %mul3A_299 = arith.constant 128 : i32
      %mul3A_300 = arith.muli %select_n3A_298, %mul3A_299 : i32
      %broadcast_in_dim3A_301 = vector.broadcast %mul3A_300 : i32 to vector<16xi32>
      %add3A_302 = arith.addi %add3A_38, %broadcast_in_dim3A_301 : vector<16xi32>
      %add3A_303 = arith.addi %add3A_41, %broadcast_in_dim3A_301 : vector<16xi32>
      %add3A_304 = arith.addi %add3A_44, %broadcast_in_dim3A_301 : vector<16xi32>
      %add3A_305 = arith.addi %add3A_47, %broadcast_in_dim3A_301 : vector<16xi32>
      %add3A_306 = arith.addi %add3A_50, %broadcast_in_dim3A_301 : vector<16xi32>
      %add3A_307 = arith.addi %add3A_53, %broadcast_in_dim3A_301 : vector<16xi32>
      %add3A_308 = arith.addi %add3A_56, %broadcast_in_dim3A_301 : vector<16xi32>
      %add3A_309 = arith.addi %add3A_59, %broadcast_in_dim3A_301 : vector<16xi32>
      %get3A = arith.index_cast %add3A_264 : i32 to index
      %get3A_310 = arith.constant 0 : index
      %get3A_311 = tpu.vector_load %arg14[%get3A, %get3A_310] {strides = array<i32>} : memref<32x128xf32, #tpu.memory_space<vmem>>, vector<16xf32>,
      %bitcast3A = vector.bitcast %get3A_311 : vector<16xf32> to vector<16xi32>
      %add3A_312 = arith.constant 32767 : i32
      %add3A_313 = vector.broadcast %add3A_312 : i32 to vector<16xi32>
      %add3A_314 = arith.addi %bitcast3A, %add3A_313 : vector<16xi32>
      %shift_right_logical3A = arith.constant 16 : i32
      %shift_right_logical3A_315 = vector.broadcast %shift_right_logical3A : i32 to vector<16xi32>
      %shift_right_logical3A_316 = arith.shrui %bitcast3A, %shift_right_logical3A_315 : vector<16xi32>
      %and3A_317 = arith.constant 1 : i32
      %and3A_318 = vector.broadcast %and3A_317 : i32 to vector<16xi32>
      %and3A_319 = arith.andi %shift_right_logical3A_316, %and3A_318 : vector<16xi32>
      %add3A_320 = arith.addi %add3A_314, %and3A_319 : vector<16xi32>
      %and3A_321 = arith.constant -65536 : i32
      %and3A_322 = vector.broadcast %and3A_321 : i32 to vector<16xi32>
      %and3A_323 = arith.andi %add3A_320, %and3A_322 : vector<16xi32>
      %bitcast3A_324 = vector.bitcast %and3A_323 : vector<16xi32> to vector<16xf32>
      %get3A_325 = arith.index_cast %add3A_264 : i32 to index
      %get3A_326 = arith.constant 16 : index
      %get3A_327 = tpu.vector_load %arg14[%get3A_325, %get3A_326] {strides = array<i32>} : memref<32x128xf32, #tpu.memory_space<vmem>>, vector<16xf32>,
      %bitcast3A_328 = vector.bitcast %get3A_327 : vector<16xf32> to vector<16xi32>
      %add3A_329 = arith.constant 32767 : i32
      %add3A_330 = vector.broadcast %add3A_329 : i32 to vector<16xi32>
      %add3A_331 = arith.addi %bitcast3A_328, %add3A_330 : vector<16xi32>
      %shift_right_logical3A_332 = arith.constant 16 : i32
      %shift_right_logical3A_333 = vector.broadcast %shift_right_logical3A_332 : i32 to vector<16xi32>
      %shift_right_logical3A_334 = arith.shrui %bitcast3A_328, %shift_right_logical3A_333 : vector<16xi32>
      %and3A_335 = arith.constant 1 : i32
      %and3A_336 = vector.broadcast %and3A_335 : i32 to vector<16xi32>
      %and3A_337 = arith.andi %shift_right_logical3A_334, %and3A_336 : vector<16xi32>
      %add3A_338 = arith.addi %add3A_331, %and3A_337 : vector<16xi32>
      %and3A_339 = arith.constant -65536 : i32
      %and3A_340 = vector.broadcast %and3A_339 : i32 to vector<16xi32>
      %and3A_341 = arith.andi %add3A_338, %and3A_340 : vector<16xi32>
      %bitcast3A_342 = vector.bitcast %and3A_341 : vector<16xi32> to vector<16xf32>
      %get3A_343 = arith.index_cast %add3A_264 : i32 to index
      %get3A_344 = arith.constant 32 : index
      %get3A_345 = tpu.vector_load %arg14[%get3A_343, %get3A_344] {strides = array<i32>} : memref<32x128xf32, #tpu.memory_space<vmem>>, vector<16xf32>,
      %bitcast3A_346 = vector.bitcast %get3A_345 : vector<16xf32> to vector<16xi32>
      %add3A_347 = arith.constant 32767 : i32
      %add3A_348 = vector.broadcast %add3A_347 : i32 to vector<16xi32>
      %add3A_349 = arith.addi %bitcast3A_346, %add3A_348 : vector<16xi32>
      %shift_right_logical3A_350 = arith.constant 16 : i32
      %shift_right_logical3A_351 = vector.broadcast %shift_right_logical3A_350 : i32 to vector<16xi32>
      %shift_right_logical3A_352 = arith.shrui %bitcast3A_346, %shift_right_logical3A_351 : vector<16xi32>
      %and3A_353 = arith.constant 1 : i32
      %and3A_354 = vector.broadcast %and3A_353 : i32 to vector<16xi32>
      %and3A_355 = arith.andi %shift_right_logical3A_352, %and3A_354 : vector<16xi32>
      %add3A_356 = arith.addi %add3A_349, %and3A_355 : vector<16xi32>
      %and3A_357 = arith.constant -65536 : i32
      %and3A_358 = vector.broadcast %and3A_357 : i32 to vector<16xi32>
      %and3A_359 = arith.andi %add3A_356, %and3A_358 : vector<16xi32>
      %bitcast3A_360 = vector.bitcast %and3A_359 : vector<16xi32> to vector<16xf32>
      %get3A_361 = arith.index_cast %add3A_264 : i32 to index
      %get3A_362 = arith.constant 48 : index
      %get3A_363 = tpu.vector_load %arg14[%get3A_361, %get3A_362] {strides = array<i32>} : memref<32x128xf32, #tpu.memory_space<vmem>>, vector<16xf32>,
      %bitcast3A_364 = vector.bitcast %get3A_363 : vector<16xf32> to vector<16xi32>
      %add3A_365 = arith.constant 32767 : i32
      %add3A_366 = vector.broadcast %add3A_365 : i32 to vector<16xi32>
      %add3A_367 = arith.addi %bitcast3A_364, %add3A_366 : vector<16xi32>
      %shift_right_logical3A_368 = arith.constant 16 : i32
      %shift_right_logical3A_369 = vector.broadcast %shift_right_logical3A_368 : i32 to vector<16xi32>
      %shift_right_logical3A_370 = arith.shrui %bitcast3A_364, %shift_right_logical3A_369 : vector<16xi32>
      %and3A_371 = arith.constant 1 : i32
      %and3A_372 = vector.broadcast %and3A_371 : i32 to vector<16xi32>
      %and3A_373 = arith.andi %shift_right_logical3A_370, %and3A_372 : vector<16xi32>
      %add3A_374 = arith.addi %add3A_367, %and3A_373 : vector<16xi32>
      %and3A_375 = arith.constant -65536 : i32
      %and3A_376 = vector.broadcast %and3A_375 : i32 to vector<16xi32>
      %and3A_377 = arith.andi %add3A_374, %and3A_376 : vector<16xi32>
      %bitcast3A_378 = vector.bitcast %and3A_377 : vector<16xi32> to vector<16xf32>
      %get3A_379 = arith.index_cast %add3A_264 : i32 to index
      %get3A_380 = arith.constant 64 : index
      %get3A_381 = tpu.vector_load %arg14[%get3A_379, %get3A_380] {strides = array<i32>} : memref<32x128xf32, #tpu.memory_space<vmem>>, vector<16xf32>,
      %bitcast3A_382 = vector.bitcast %get3A_381 : vector<16xf32> to vector<16xi32>
      %add3A_383 = arith.constant 32767 : i32
      %add3A_384 = vector.broadcast %add3A_383 : i32 to vector<16xi32>
      %add3A_385 = arith.addi %bitcast3A_382, %add3A_384 : vector<16xi32>
      %shift_right_logical3A_386 = arith.constant 16 : i32
      %shift_right_logical3A_387 = vector.broadcast %shift_right_logical3A_386 : i32 to vector<16xi32>
      %shift_right_logical3A_388 = arith.shrui %bitcast3A_382, %shift_right_logical3A_387 : vector<16xi32>
      %and3A_389 = arith.constant 1 : i32
      %and3A_390 = vector.broadcast %and3A_389 : i32 to vector<16xi32>
      %and3A_391 = arith.andi %shift_right_logical3A_388, %and3A_390 : vector<16xi32>
      %add3A_392 = arith.addi %add3A_385, %and3A_391 : vector<16xi32>
      %and3A_393 = arith.constant -65536 : i32
      %and3A_394 = vector.broadcast %and3A_393 : i32 to vector<16xi32>
      %and3A_395 = arith.andi %add3A_392, %and3A_394 : vector<16xi32>
      %bitcast3A_396 = vector.bitcast %and3A_395 : vector<16xi32> to vector<16xf32>
      %get3A_397 = arith.index_cast %add3A_264 : i32 to index
      %get3A_398 = arith.constant 80 : index
      %get3A_399 = tpu.vector_load %arg14[%get3A_397, %get3A_398] {strides = array<i32>} : memref<32x128xf32, #tpu.memory_space<vmem>>, vector<16xf32>,
      %bitcast3A_400 = vector.bitcast %get3A_399 : vector<16xf32> to vector<16xi32>
      %add3A_401 = arith.constant 32767 : i32
      %add3A_402 = vector.broadcast %add3A_401 : i32 to vector<16xi32>
      %add3A_403 = arith.addi %bitcast3A_400, %add3A_402 : vector<16xi32>
      %shift_right_logical3A_404 = arith.constant 16 : i32
      %shift_right_logical3A_405 = vector.broadcast %shift_right_logical3A_404 : i32 to vector<16xi32>
      %shift_right_logical3A_406 = arith.shrui %bitcast3A_400, %shift_right_logical3A_405 : vector<16xi32>
      %and3A_407 = arith.constant 1 : i32
      %and3A_408 = vector.broadcast %and3A_407 : i32 to vector<16xi32>
      %and3A_409 = arith.andi %shift_right_logical3A_406, %and3A_408 : vector<16xi32>
      %add3A_410 = arith.addi %add3A_403, %and3A_409 : vector<16xi32>
      %and3A_411 = arith.constant -65536 : i32
      %and3A_412 = vector.broadcast %and3A_411 : i32 to vector<16xi32>
      %and3A_413 = arith.andi %add3A_410, %and3A_412 : vector<16xi32>
      %bitcast3A_414 = vector.bitcast %and3A_413 : vector<16xi32> to vector<16xf32>
      %get3A_415 = arith.index_cast %add3A_264 : i32 to index
      %get3A_416 = arith.constant 96 : index
      %get3A_417 = tpu.vector_load %arg14[%get3A_415, %get3A_416] {strides = array<i32>} : memref<32x128xf32, #tpu.memory_space<vmem>>, vector<16xf32>,
      %bitcast3A_418 = vector.bitcast %get3A_417 : vector<16xf32> to vector<16xi32>
      %add3A_419 = arith.constant 32767 : i32
      %add3A_420 = vector.broadcast %add3A_419 : i32 to vector<16xi32>
      %add3A_421 = arith.addi %bitcast3A_418, %add3A_420 : vector<16xi32>
      %shift_right_logical3A_422 = arith.constant 16 : i32
      %shift_right_logical3A_423 = vector.broadcast %shift_right_logical3A_422 : i32 to vector<16xi32>
      %shift_right_logical3A_424 = arith.shrui %bitcast3A_418, %shift_right_logical3A_423 : vector<16xi32>
      %and3A_425 = arith.constant 1 : i32
      %and3A_426 = vector.broadcast %and3A_425 : i32 to vector<16xi32>
      %and3A_427 = arith.andi %shift_right_logical3A_424, %and3A_426 : vector<16xi32>
      %add3A_428 = arith.addi %add3A_421, %and3A_427 : vector<16xi32>
      %and3A_429 = arith.constant -65536 : i32
      %and3A_430 = vector.broadcast %and3A_429 : i32 to vector<16xi32>
      %and3A_431 = arith.andi %add3A_428, %and3A_430 : vector<16xi32>
      %bitcast3A_432 = vector.bitcast %and3A_431 : vector<16xi32> to vector<16xf32>
      %get3A_433 = arith.index_cast %add3A_264 : i32 to index
      %get3A_434 = arith.constant 112 : index
      %get3A_435 = tpu.vector_load %arg14[%get3A_433, %get3A_434] {strides = array<i32>} : memref<32x128xf32, #tpu.memory_space<vmem>>, vector<16xf32>,
      %bitcast3A_436 = vector.bitcast %get3A_435 : vector<16xf32> to vector<16xi32>
      %add3A_437 = arith.constant 32767 : i32
      %add3A_438 = vector.broadcast %add3A_437 : i32 to vector<16xi32>
      %add3A_439 = arith.addi %bitcast3A_436, %add3A_438 : vector<16xi32>
      %shift_right_logical3A_440 = arith.constant 16 : i32
      %shift_right_logical3A_441 = vector.broadcast %shift_right_logical3A_440 : i32 to vector<16xi32>
      %shift_right_logical3A_442 = arith.shrui %bitcast3A_436, %shift_right_logical3A_441 : vector<16xi32>
      %and3A_443 = arith.constant 1 : i32
      %and3A_444 = vector.broadcast %and3A_443 : i32 to vector<16xi32>
      %and3A_445 = arith.andi %shift_right_logical3A_442, %and3A_444 : vector<16xi32>
      %add3A_446 = arith.addi %add3A_439, %and3A_445 : vector<16xi32>
      %and3A_447 = arith.constant -65536 : i32
      %and3A_448 = vector.broadcast %and3A_447 : i32 to vector<16xi32>
      %and3A_449 = arith.andi %add3A_446, %and3A_448 : vector<16xi32>
      %bitcast3A_450 = vector.bitcast %and3A_449 : vector<16xi32> to vector<16xf32>
      %broadcast_in_dim3A_451 = arith.constant 0.000000e+00 : f32
      %broadcast_in_dim3A_452 = vector.broadcast %broadcast_in_dim3A_451 : f32 to vector<16xf32>
      %scan3A_453 = arith.constant 0 : i32
      %scan3A_454 = arith.constant 128 : i32
      %scan3A_455 = arith.addi %scan3A_453, %scan3A_454 : i32
      %scan3A_456 = arith.constant 4 : i32
      %scan3A_457:16 = scf.for %scan3A_534 = %scan3A_453 to %scan3A_455 step %scan3A_456 iter_args(%scan3A_535 = %broadcast_in_dim3A_452, %scan3A_536 = %broadcast_in_dim3A_452, %scan3A_537 = %broadcast_in_dim3A_452, %scan3A_538 = %broadcast_in_dim3A_452, %scan3A_539 = %broadcast_in_dim3A_452, %scan3A_540 = %broadcast_in_dim3A_452, %scan3A_541 = %broadcast_in_dim3A_452, %scan3A_542 = %broadcast_in_dim3A_452, %scan3A_543 = %broadcast_in_dim3A_452, %scan3A_544 = %broadcast_in_dim3A_452, %scan3A_545 = %broadcast_in_dim3A_452, %scan3A_546 = %broadcast_in_dim3A_452, %scan3A_547 = %broadcast_in_dim3A_452, %scan3A_548 = %broadcast_in_dim3A_452, %scan3A_549 = %broadcast_in_dim3A_452, %scan3A_550 = %broadcast_in_dim3A_452) -> (vector<16xf32>, vector<16xf32>, vector<16xf32>, vector<16xf32>, vector<16xf32>, vector<16xf32>, vector<16xf32>, vector<16xf32>, vector<16xf32>, vector<16xf32>, vector<16xf32>, vector<16xf32>, vector<16xf32>, vector<16xf32>, vector<16xf32>, vector<16xf32>)  : i32 {
        %get3A_551 = arith.index_cast %scan3A_534 : i32 to index
        %get3A_552 = arith.constant 0 : index
        %get3A_553 = tpu.vector_load %arg17[%get3A_551, %get3A_552] {strides = array<i32>} : memref<128x16xf32, #tpu.memory_space<vmem>>, vector<16xf32>,
        %get3A_554 = arith.index_cast %scan3A_534 : i32 to index
        %get3A_555 = arith.constant 0 : index
        %get3A_556 = tpu.vector_load %arg18[%get3A_554, %get3A_555] {strides = array<i32>} : memref<128x16xf32, #tpu.memory_space<vmem>>, vector<16xf32>,
        %get3A_557 = arith.index_cast %scan3A_534 : i32 to index
        %get3A_558 = arith.constant 0 : index
        %get3A_559 = tpu.vector_load %arg19[%get3A_557, %get3A_558] {strides = array<i32>} : memref<128x16xf32, #tpu.memory_space<vmem>>, vector<16xf32>,
        %add3A_560 = vector.broadcast %scan3A_534 : i32 to vector<16xi32>
        %add3A_561 = arith.addi %iota3A, %add3A_560 : vector<16xi32>
        %and3A_562 = arith.constant 127 : i32
        %and3A_563 = vector.broadcast %and3A_562 : i32 to vector<16xi32>
        %and3A_564 = arith.andi %add3A_561, %and3A_563 : vector<16xi32>
        %gather3A = tpu.vector_load_idx %arg11[%add3A_302, %and3A_564] : memref<384x128xf32, #tpu.memory_space<vmem>>[vector<16xi32>, vector<16xi32>], vector<16xf32>,
        %mul3A_565 = arith.mulf %bitcast3A_324, %get3A_553 : vector<16xf32>
        %add3A_566 = arith.addf %gather3A, %mul3A_565 : vector<16xf32>
        %max3A_567 = arith.constant 0.000000e+00 : f32
        %max3A_568 = vector.broadcast %max3A_567 : f32 to vector<16xf32>
        %max3A_569 = arith.maximumf %add3A_566, %max3A_568 : vector<16xf32>
        %mul3A_570 = arith.mulf %max3A_569, %get3A_556 : vector<16xf32>
        %add3A_571 = arith.addf %scan3A_535, %mul3A_570 : vector<16xf32>
        %mul3A_572 = arith.mulf %max3A_569, %get3A_559 : vector<16xf32>
        %add3A_573 = arith.addf %scan3A_543, %mul3A_572 : vector<16xf32>
        %gather3A_574 = tpu.vector_load_idx %arg11[%add3A_303, %and3A_564] : memref<384x128xf32, #tpu.memory_space<vmem>>[vector<16xi32>, vector<16xi32>], vector<16xf32>,
        %mul3A_575 = arith.mulf %bitcast3A_342, %get3A_553 : vector<16xf32>
        %add3A_576 = arith.addf %gather3A_574, %mul3A_575 : vector<16xf32>
        %max3A_577 = arith.constant 0.000000e+00 : f32
        %max3A_578 = vector.broadcast %max3A_577 : f32 to vector<16xf32>
        %max3A_579 = arith.maximumf %add3A_576, %max3A_578 : vector<16xf32>
        %mul3A_580 = arith.mulf %max3A_579, %get3A_556 : vector<16xf32>
        %add3A_581 = arith.addf %scan3A_536, %mul3A_580 : vector<16xf32>
        %mul3A_582 = arith.mulf %max3A_579, %get3A_559 : vector<16xf32>
        %add3A_583 = arith.addf %scan3A_544, %mul3A_582 : vector<16xf32>
        %gather3A_584 = tpu.vector_load_idx %arg11[%add3A_304, %and3A_564] : memref<384x128xf32, #tpu.memory_space<vmem>>[vector<16xi32>, vector<16xi32>], vector<16xf32>,
        %mul3A_585 = arith.mulf %bitcast3A_360, %get3A_553 : vector<16xf32>
        %add3A_586 = arith.addf %gather3A_584, %mul3A_585 : vector<16xf32>
        %max3A_587 = arith.constant 0.000000e+00 : f32
        %max3A_588 = vector.broadcast %max3A_587 : f32 to vector<16xf32>
        %max3A_589 = arith.maximumf %add3A_586, %max3A_588 : vector<16xf32>
        %mul3A_590 = arith.mulf %max3A_589, %get3A_556 : vector<16xf32>
        %add3A_591 = arith.addf %scan3A_537, %mul3A_590 : vector<16xf32>
        %mul3A_592 = arith.mulf %max3A_589, %get3A_559 : vector<16xf32>
        %add3A_593 = arith.addf %scan3A_545, %mul3A_592 : vector<16xf32>
        %gather3A_594 = tpu.vector_load_idx %arg11[%add3A_305, %and3A_564] : memref<384x128xf32, #tpu.memory_space<vmem>>[vector<16xi32>, vector<16xi32>], vector<16xf32>,
        %mul3A_595 = arith.mulf %bitcast3A_378, %get3A_553 : vector<16xf32>
        %add3A_596 = arith.addf %gather3A_594, %mul3A_595 : vector<16xf32>
        %max3A_597 = arith.constant 0.000000e+00 : f32
        %max3A_598 = vector.broadcast %max3A_597 : f32 to vector<16xf32>
        %max3A_599 = arith.maximumf %add3A_596, %max3A_598 : vector<16xf32>
        %mul3A_600 = arith.mulf %max3A_599, %get3A_556 : vector<16xf32>
        %add3A_601 = arith.addf %scan3A_538, %mul3A_600 : vector<16xf32>
        %mul3A_602 = arith.mulf %max3A_599, %get3A_559 : vector<16xf32>
        %add3A_603 = arith.addf %scan3A_546, %mul3A_602 : vector<16xf32>
        %gather3A_604 = tpu.vector_load_idx %arg11[%add3A_306, %and3A_564] : memref<384x128xf32, #tpu.memory_space<vmem>>[vector<16xi32>, vector<16xi32>], vector<16xf32>,
        %mul3A_605 = arith.mulf %bitcast3A_396, %get3A_553 : vector<16xf32>
        %add3A_606 = arith.addf %gather3A_604, %mul3A_605 : vector<16xf32>
        %max3A_607 = arith.constant 0.000000e+00 : f32
        %max3A_608 = vector.broadcast %max3A_607 : f32 to vector<16xf32>
        %max3A_609 = arith.maximumf %add3A_606, %max3A_608 : vector<16xf32>
        %mul3A_610 = arith.mulf %max3A_609, %get3A_556 : vector<16xf32>
        %add3A_611 = arith.addf %scan3A_539, %mul3A_610 : vector<16xf32>
        %mul3A_612 = arith.mulf %max3A_609, %get3A_559 : vector<16xf32>
        %add3A_613 = arith.addf %scan3A_547, %mul3A_612 : vector<16xf32>
        %gather3A_614 = tpu.vector_load_idx %arg11[%add3A_307, %and3A_564] : memref<384x128xf32, #tpu.memory_space<vmem>>[vector<16xi32>, vector<16xi32>], vector<16xf32>,
        %mul3A_615 = arith.mulf %bitcast3A_414, %get3A_553 : vector<16xf32>
        %add3A_616 = arith.addf %gather3A_614, %mul3A_615 : vector<16xf32>
        %max3A_617 = arith.constant 0.000000e+00 : f32
        %max3A_618 = vector.broadcast %max3A_617 : f32 to vector<16xf32>
        %max3A_619 = arith.maximumf %add3A_616, %max3A_618 : vector<16xf32>
        %mul3A_620 = arith.mulf %max3A_619, %get3A_556 : vector<16xf32>
        %add3A_621 = arith.addf %scan3A_540, %mul3A_620 : vector<16xf32>
        %mul3A_622 = arith.mulf %max3A_619, %get3A_559 : vector<16xf32>
        %add3A_623 = arith.addf %scan3A_548, %mul3A_622 : vector<16xf32>
        %gather3A_624 = tpu.vector_load_idx %arg11[%add3A_308, %and3A_564] : memref<384x128xf32, #tpu.memory_space<vmem>>[vector<16xi32>, vector<16xi32>], vector<16xf32>,
        %mul3A_625 = arith.mulf %bitcast3A_432, %get3A_553 : vector<16xf32>
        %add3A_626 = arith.addf %gather3A_624, %mul3A_625 : vector<16xf32>
        %max3A_627 = arith.constant 0.000000e+00 : f32
        %max3A_628 = vector.broadcast %max3A_627 : f32 to vector<16xf32>
        %max3A_629 = arith.maximumf %add3A_626, %max3A_628 : vector<16xf32>
        %mul3A_630 = arith.mulf %max3A_629, %get3A_556 : vector<16xf32>
        %add3A_631 = arith.addf %scan3A_541, %mul3A_630 : vector<16xf32>
        %mul3A_632 = arith.mulf %max3A_629, %get3A_559 : vector<16xf32>
        %add3A_633 = arith.addf %scan3A_549, %mul3A_632 : vector<16xf32>
        %gather3A_634 = tpu.vector_load_idx %arg11[%add3A_309, %and3A_564] : memref<384x128xf32, #tpu.memory_space<vmem>>[vector<16xi32>, vector<16xi32>], vector<16xf32>,
        %mul3A_635 = arith.mulf %bitcast3A_450, %get3A_553 : vector<16xf32>
        %add3A_636 = arith.addf %gather3A_634, %mul3A_635 : vector<16xf32>
        %max3A_637 = arith.constant 0.000000e+00 : f32
        %max3A_638 = vector.broadcast %max3A_637 : f32 to vector<16xf32>
        %max3A_639 = arith.maximumf %add3A_636, %max3A_638 : vector<16xf32>
        %mul3A_640 = arith.mulf %max3A_639, %get3A_556 : vector<16xf32>
        %add3A_641 = arith.addf %scan3A_542, %mul3A_640 : vector<16xf32>
        %mul3A_642 = arith.mulf %max3A_639, %get3A_559 : vector<16xf32>
        %add3A_643 = arith.addf %scan3A_550, %mul3A_642 : vector<16xf32>
        %scan3A_644 = arith.constant 1 : i32
        %scan3A_645 = arith.addi %scan3A_534, %scan3A_644 : i32
        %get3A_646 = arith.index_cast %scan3A_645 : i32 to index
        %get3A_647 = arith.constant 0 : index
        %get3A_648 = tpu.vector_load %arg17[%get3A_646, %get3A_647] {strides = array<i32>} : memref<128x16xf32, #tpu.memory_space<vmem>>, vector<16xf32>,
        %get3A_649 = arith.index_cast %scan3A_645 : i32 to index
        %get3A_650 = arith.constant 0 : index
        %get3A_651 = tpu.vector_load %arg18[%get3A_649, %get3A_650] {strides = array<i32>} : memref<128x16xf32, #tpu.memory_space<vmem>>, vector<16xf32>,
        %get3A_652 = arith.index_cast %scan3A_645 : i32 to index
        %get3A_653 = arith.constant 0 : index
        %get3A_654 = tpu.vector_load %arg19[%get3A_652, %get3A_653] {strides = array<i32>} : memref<128x16xf32, #tpu.memory_space<vmem>>, vector<16xf32>,
        %add3A_655 = vector.broadcast %scan3A_645 : i32 to vector<16xi32>
        %add3A_656 = arith.addi %iota3A, %add3A_655 : vector<16xi32>
        %and3A_657 = arith.constant 127 : i32
        %and3A_658 = vector.broadcast %and3A_657 : i32 to vector<16xi32>
        %and3A_659 = arith.andi %add3A_656, %and3A_658 : vector<16xi32>
        %gather3A_660 = tpu.vector_load_idx %arg11[%add3A_302, %and3A_659] : memref<384x128xf32, #tpu.memory_space<vmem>>[vector<16xi32>, vector<16xi32>], vector<16xf32>,
        %mul3A_661 = arith.mulf %bitcast3A_324, %get3A_648 : vector<16xf32>
        %add3A_662 = arith.addf %gather3A_660, %mul3A_661 : vector<16xf32>
        %max3A_663 = arith.constant 0.000000e+00 : f32
        %max3A_664 = vector.broadcast %max3A_663 : f32 to vector<16xf32>
        %max3A_665 = arith.maximumf %add3A_662, %max3A_664 : vector<16xf32>
        %mul3A_666 = arith.mulf %max3A_665, %get3A_651 : vector<16xf32>
        %add3A_667 = arith.addf %add3A_571, %mul3A_666 : vector<16xf32>
        %mul3A_668 = arith.mulf %max3A_665, %get3A_654 : vector<16xf32>
        %add3A_669 = arith.addf %add3A_573, %mul3A_668 : vector<16xf32>
        %gather3A_670 = tpu.vector_load_idx %arg11[%add3A_303, %and3A_659] : memref<384x128xf32, #tpu.memory_space<vmem>>[vector<16xi32>, vector<16xi32>], vector<16xf32>,
        %mul3A_671 = arith.mulf %bitcast3A_342, %get3A_648 : vector<16xf32>
        %add3A_672 = arith.addf %gather3A_670, %mul3A_671 : vector<16xf32>
        %max3A_673 = arith.constant 0.000000e+00 : f32
        %max3A_674 = vector.broadcast %max3A_673 : f32 to vector<16xf32>
        %max3A_675 = arith.maximumf %add3A_672, %max3A_674 : vector<16xf32>
        %mul3A_676 = arith.mulf %max3A_675, %get3A_651 : vector<16xf32>
        %add3A_677 = arith.addf %add3A_581, %mul3A_676 : vector<16xf32>
        %mul3A_678 = arith.mulf %max3A_675, %get3A_654 : vector<16xf32>
        %add3A_679 = arith.addf %add3A_583, %mul3A_678 : vector<16xf32>
        %gather3A_680 = tpu.vector_load_idx %arg11[%add3A_304, %and3A_659] : memref<384x128xf32, #tpu.memory_space<vmem>>[vector<16xi32>, vector<16xi32>], vector<16xf32>,
        %mul3A_681 = arith.mulf %bitcast3A_360, %get3A_648 : vector<16xf32>
        %add3A_682 = arith.addf %gather3A_680, %mul3A_681 : vector<16xf32>
        %max3A_683 = arith.constant 0.000000e+00 : f32
        %max3A_684 = vector.broadcast %max3A_683 : f32 to vector<16xf32>
        %max3A_685 = arith.maximumf %add3A_682, %max3A_684 : vector<16xf32>
        %mul3A_686 = arith.mulf %max3A_685, %get3A_651 : vector<16xf32>
        %add3A_687 = arith.addf %add3A_591, %mul3A_686 : vector<16xf32>
        %mul3A_688 = arith.mulf %max3A_685, %get3A_654 : vector<16xf32>
        %add3A_689 = arith.addf %add3A_593, %mul3A_688 : vector<16xf32>
        %gather3A_690 = tpu.vector_load_idx %arg11[%add3A_305, %and3A_659] : memref<384x128xf32, #tpu.memory_space<vmem>>[vector<16xi32>, vector<16xi32>], vector<16xf32>,
        %mul3A_691 = arith.mulf %bitcast3A_378, %get3A_648 : vector<16xf32>
        %add3A_692 = arith.addf %gather3A_690, %mul3A_691 : vector<16xf32>
        %max3A_693 = arith.constant 0.000000e+00 : f32
        %max3A_694 = vector.broadcast %max3A_693 : f32 to vector<16xf32>
        %max3A_695 = arith.maximumf %add3A_692, %max3A_694 : vector<16xf32>
        %mul3A_696 = arith.mulf %max3A_695, %get3A_651 : vector<16xf32>
        %add3A_697 = arith.addf %add3A_601, %mul3A_696 : vector<16xf32>
        %mul3A_698 = arith.mulf %max3A_695, %get3A_654 : vector<16xf32>
        %add3A_699 = arith.addf %add3A_603, %mul3A_698 : vector<16xf32>
        %gather3A_700 = tpu.vector_load_idx %arg11[%add3A_306, %and3A_659] : memref<384x128xf32, #tpu.memory_space<vmem>>[vector<16xi32>, vector<16xi32>], vector<16xf32>,
        %mul3A_701 = arith.mulf %bitcast3A_396, %get3A_648 : vector<16xf32>
        %add3A_702 = arith.addf %gather3A_700, %mul3A_701 : vector<16xf32>
        %max3A_703 = arith.constant 0.000000e+00 : f32
        %max3A_704 = vector.broadcast %max3A_703 : f32 to vector<16xf32>
        %max3A_705 = arith.maximumf %add3A_702, %max3A_704 : vector<16xf32>
        %mul3A_706 = arith.mulf %max3A_705, %get3A_651 : vector<16xf32>
        %add3A_707 = arith.addf %add3A_611, %mul3A_706 : vector<16xf32>
        %mul3A_708 = arith.mulf %max3A_705, %get3A_654 : vector<16xf32>
        %add3A_709 = arith.addf %add3A_613, %mul3A_708 : vector<16xf32>
        %gather3A_710 = tpu.vector_load_idx %arg11[%add3A_307, %and3A_659] : memref<384x128xf32, #tpu.memory_space<vmem>>[vector<16xi32>, vector<16xi32>], vector<16xf32>,
        %mul3A_711 = arith.mulf %bitcast3A_414, %get3A_648 : vector<16xf32>
        %add3A_712 = arith.addf %gather3A_710, %mul3A_711 : vector<16xf32>
        %max3A_713 = arith.constant 0.000000e+00 : f32
        %max3A_714 = vector.broadcast %max3A_713 : f32 to vector<16xf32>
        %max3A_715 = arith.maximumf %add3A_712, %max3A_714 : vector<16xf32>
        %mul3A_716 = arith.mulf %max3A_715, %get3A_651 : vector<16xf32>
        %add3A_717 = arith.addf %add3A_621, %mul3A_716 : vector<16xf32>
        %mul3A_718 = arith.mulf %max3A_715, %get3A_654 : vector<16xf32>
        %add3A_719 = arith.addf %add3A_623, %mul3A_718 : vector<16xf32>
        %gather3A_720 = tpu.vector_load_idx %arg11[%add3A_308, %and3A_659] : memref<384x128xf32, #tpu.memory_space<vmem>>[vector<16xi32>, vector<16xi32>], vector<16xf32>,
        %mul3A_721 = arith.mulf %bitcast3A_432, %get3A_648 : vector<16xf32>
        %add3A_722 = arith.addf %gather3A_720, %mul3A_721 : vector<16xf32>
        %max3A_723 = arith.constant 0.000000e+00 : f32
        %max3A_724 = vector.broadcast %max3A_723 : f32 to vector<16xf32>
        %max3A_725 = arith.maximumf %add3A_722, %max3A_724 : vector<16xf32>
        %mul3A_726 = arith.mulf %max3A_725, %get3A_651 : vector<16xf32>
        %add3A_727 = arith.addf %add3A_631, %mul3A_726 : vector<16xf32>
        %mul3A_728 = arith.mulf %max3A_725, %get3A_654 : vector<16xf32>
        %add3A_729 = arith.addf %add3A_633, %mul3A_728 : vector<16xf32>
        %gather3A_730 = tpu.vector_load_idx %arg11[%add3A_309, %and3A_659] : memref<384x128xf32, #tpu.memory_space<vmem>>[vector<16xi32>, vector<16xi32>], vector<16xf32>,
        %mul3A_731 = arith.mulf %bitcast3A_450, %get3A_648 : vector<16xf32>
        %add3A_732 = arith.addf %gather3A_730, %mul3A_731 : vector<16xf32>
        %max3A_733 = arith.constant 0.000000e+00 : f32
        %max3A_734 = vector.broadcast %max3A_733 : f32 to vector<16xf32>
        %max3A_735 = arith.maximumf %add3A_732, %max3A_734 : vector<16xf32>
        %mul3A_736 = arith.mulf %max3A_735, %get3A_651 : vector<16xf32>
        %add3A_737 = arith.addf %add3A_641, %mul3A_736 : vector<16xf32>
        %mul3A_738 = arith.mulf %max3A_735, %get3A_654 : vector<16xf32>
        %add3A_739 = arith.addf %add3A_643, %mul3A_738 : vector<16xf32>
        %scan3A_740 = arith.constant 2 : i32
        %scan3A_741 = arith.addi %scan3A_534, %scan3A_740 : i32
        %get3A_742 = arith.index_cast %scan3A_741 : i32 to index
        %get3A_743 = arith.constant 0 : index
        %get3A_744 = tpu.vector_load %arg17[%get3A_742, %get3A_743] {strides = array<i32>} : memref<128x16xf32, #tpu.memory_space<vmem>>, vector<16xf32>,
        %get3A_745 = arith.index_cast %scan3A_741 : i32 to index
        %get3A_746 = arith.constant 0 : index
        %get3A_747 = tpu.vector_load %arg18[%get3A_745, %get3A_746] {strides = array<i32>} : memref<128x16xf32, #tpu.memory_space<vmem>>, vector<16xf32>,
        %get3A_748 = arith.index_cast %scan3A_741 : i32 to index
        %get3A_749 = arith.constant 0 : index
        %get3A_750 = tpu.vector_load %arg19[%get3A_748, %get3A_749] {strides = array<i32>} : memref<128x16xf32, #tpu.memory_space<vmem>>, vector<16xf32>,
        %add3A_751 = vector.broadcast %scan3A_741 : i32 to vector<16xi32>
        %add3A_752 = arith.addi %iota3A, %add3A_751 : vector<16xi32>
        %and3A_753 = arith.constant 127 : i32
        %and3A_754 = vector.broadcast %and3A_753 : i32 to vector<16xi32>
        %and3A_755 = arith.andi %add3A_752, %and3A_754 : vector<16xi32>
        %gather3A_756 = tpu.vector_load_idx %arg11[%add3A_302, %and3A_755] : memref<384x128xf32, #tpu.memory_space<vmem>>[vector<16xi32>, vector<16xi32>], vector<16xf32>,
        %mul3A_757 = arith.mulf %bitcast3A_324, %get3A_744 : vector<16xf32>
        %add3A_758 = arith.addf %gather3A_756, %mul3A_757 : vector<16xf32>
        %max3A_759 = arith.constant 0.000000e+00 : f32
        %max3A_760 = vector.broadcast %max3A_759 : f32 to vector<16xf32>
        %max3A_761 = arith.maximumf %add3A_758, %max3A_760 : vector<16xf32>
        %mul3A_762 = arith.mulf %max3A_761, %get3A_747 : vector<16xf32>
        %add3A_763 = arith.addf %add3A_667, %mul3A_762 : vector<16xf32>
        %mul3A_764 = arith.mulf %max3A_761, %get3A_750 : vector<16xf32>
        %add3A_765 = arith.addf %add3A_669, %mul3A_764 : vector<16xf32>
        %gather3A_766 = tpu.vector_load_idx %arg11[%add3A_303, %and3A_755] : memref<384x128xf32, #tpu.memory_space<vmem>>[vector<16xi32>, vector<16xi32>], vector<16xf32>,
        %mul3A_767 = arith.mulf %bitcast3A_342, %get3A_744 : vector<16xf32>
        %add3A_768 = arith.addf %gather3A_766, %mul3A_767 : vector<16xf32>
        %max3A_769 = arith.constant 0.000000e+00 : f32
        %max3A_770 = vector.broadcast %max3A_769 : f32 to vector<16xf32>
        %max3A_771 = arith.maximumf %add3A_768, %max3A_770 : vector<16xf32>
        %mul3A_772 = arith.mulf %max3A_771, %get3A_747 : vector<16xf32>
        %add3A_773 = arith.addf %add3A_677, %mul3A_772 : vector<16xf32>
        %mul3A_774 = arith.mulf %max3A_771, %get3A_750 : vector<16xf32>
        %add3A_775 = arith.addf %add3A_679, %mul3A_774 : vector<16xf32>
        %gather3A_776 = tpu.vector_load_idx %arg11[%add3A_304, %and3A_755] : memref<384x128xf32, #tpu.memory_space<vmem>>[vector<16xi32>, vector<16xi32>], vector<16xf32>,
        %mul3A_777 = arith.mulf %bitcast3A_360, %get3A_744 : vector<16xf32>
        %add3A_778 = arith.addf %gather3A_776, %mul3A_777 : vector<16xf32>
        %max3A_779 = arith.constant 0.000000e+00 : f32
        %max3A_780 = vector.broadcast %max3A_779 : f32 to vector<16xf32>
        %max3A_781 = arith.maximumf %add3A_778, %max3A_780 : vector<16xf32>
        %mul3A_782 = arith.mulf %max3A_781, %get3A_747 : vector<16xf32>
        %add3A_783 = arith.addf %add3A_687, %mul3A_782 : vector<16xf32>
        %mul3A_784 = arith.mulf %max3A_781, %get3A_750 : vector<16xf32>
        %add3A_785 = arith.addf %add3A_689, %mul3A_784 : vector<16xf32>
        %gather3A_786 = tpu.vector_load_idx %arg11[%add3A_305, %and3A_755] : memref<384x128xf32, #tpu.memory_space<vmem>>[vector<16xi32>, vector<16xi32>], vector<16xf32>,
        %mul3A_787 = arith.mulf %bitcast3A_378, %get3A_744 : vector<16xf32>
        %add3A_788 = arith.addf %gather3A_786, %mul3A_787 : vector<16xf32>
        %max3A_789 = arith.constant 0.000000e+00 : f32
        %max3A_790 = vector.broadcast %max3A_789 : f32 to vector<16xf32>
        %max3A_791 = arith.maximumf %add3A_788, %max3A_790 : vector<16xf32>
        %mul3A_792 = arith.mulf %max3A_791, %get3A_747 : vector<16xf32>
        %add3A_793 = arith.addf %add3A_697, %mul3A_792 : vector<16xf32>
        %mul3A_794 = arith.mulf %max3A_791, %get3A_750 : vector<16xf32>
        %add3A_795 = arith.addf %add3A_699, %mul3A_794 : vector<16xf32>
        %gather3A_796 = tpu.vector_load_idx %arg11[%add3A_306, %and3A_755] : memref<384x128xf32, #tpu.memory_space<vmem>>[vector<16xi32>, vector<16xi32>], vector<16xf32>,
        %mul3A_797 = arith.mulf %bitcast3A_396, %get3A_744 : vector<16xf32>
        %add3A_798 = arith.addf %gather3A_796, %mul3A_797 : vector<16xf32>
        %max3A_799 = arith.constant 0.000000e+00 : f32
        %max3A_800 = vector.broadcast %max3A_799 : f32 to vector<16xf32>
        %max3A_801 = arith.maximumf %add3A_798, %max3A_800 : vector<16xf32>
        %mul3A_802 = arith.mulf %max3A_801, %get3A_747 : vector<16xf32>
        %add3A_803 = arith.addf %add3A_707, %mul3A_802 : vector<16xf32>
        %mul3A_804 = arith.mulf %max3A_801, %get3A_750 : vector<16xf32>
        %add3A_805 = arith.addf %add3A_709, %mul3A_804 : vector<16xf32>
        %gather3A_806 = tpu.vector_load_idx %arg11[%add3A_307, %and3A_755] : memref<384x128xf32, #tpu.memory_space<vmem>>[vector<16xi32>, vector<16xi32>], vector<16xf32>,
        %mul3A_807 = arith.mulf %bitcast3A_414, %get3A_744 : vector<16xf32>
        %add3A_808 = arith.addf %gather3A_806, %mul3A_807 : vector<16xf32>
        %max3A_809 = arith.constant 0.000000e+00 : f32
        %max3A_810 = vector.broadcast %max3A_809 : f32 to vector<16xf32>
        %max3A_811 = arith.maximumf %add3A_808, %max3A_810 : vector<16xf32>
        %mul3A_812 = arith.mulf %max3A_811, %get3A_747 : vector<16xf32>
        %add3A_813 = arith.addf %add3A_717, %mul3A_812 : vector<16xf32>
        %mul3A_814 = arith.mulf %max3A_811, %get3A_750 : vector<16xf32>
        %add3A_815 = arith.addf %add3A_719, %mul3A_814 : vector<16xf32>
        %gather3A_816 = tpu.vector_load_idx %arg11[%add3A_308, %and3A_755] : memref<384x128xf32, #tpu.memory_space<vmem>>[vector<16xi32>, vector<16xi32>], vector<16xf32>,
        %mul3A_817 = arith.mulf %bitcast3A_432, %get3A_744 : vector<16xf32>
        %add3A_818 = arith.addf %gather3A_816, %mul3A_817 : vector<16xf32>
        %max3A_819 = arith.constant 0.000000e+00 : f32
        %max3A_820 = vector.broadcast %max3A_819 : f32 to vector<16xf32>
        %max3A_821 = arith.maximumf %add3A_818, %max3A_820 : vector<16xf32>
        %mul3A_822 = arith.mulf %max3A_821, %get3A_747 : vector<16xf32>
        %add3A_823 = arith.addf %add3A_727, %mul3A_822 : vector<16xf32>
        %mul3A_824 = arith.mulf %max3A_821, %get3A_750 : vector<16xf32>
        %add3A_825 = arith.addf %add3A_729, %mul3A_824 : vector<16xf32>
        %gather3A_826 = tpu.vector_load_idx %arg11[%add3A_309, %and3A_755] : memref<384x128xf32, #tpu.memory_space<vmem>>[vector<16xi32>, vector<16xi32>], vector<16xf32>,
        %mul3A_827 = arith.mulf %bitcast3A_450, %get3A_744 : vector<16xf32>
        %add3A_828 = arith.addf %gather3A_826, %mul3A_827 : vector<16xf32>
        %max3A_829 = arith.constant 0.000000e+00 : f32
        %max3A_830 = vector.broadcast %max3A_829 : f32 to vector<16xf32>
        %max3A_831 = arith.maximumf %add3A_828, %max3A_830 : vector<16xf32>
        %mul3A_832 = arith.mulf %max3A_831, %get3A_747 : vector<16xf32>
        %add3A_833 = arith.addf %add3A_737, %mul3A_832 : vector<16xf32>
        %mul3A_834 = arith.mulf %max3A_831, %get3A_750 : vector<16xf32>
        %add3A_835 = arith.addf %add3A_739, %mul3A_834 : vector<16xf32>
        %scan3A_836 = arith.constant 3 : i32
        %scan3A_837 = arith.addi %scan3A_534, %scan3A_836 : i32
        %get3A_838 = arith.index_cast %scan3A_837 : i32 to index
        %get3A_839 = arith.constant 0 : index
        %get3A_840 = tpu.vector_load %arg17[%get3A_838, %get3A_839] {strides = array<i32>} : memref<128x16xf32, #tpu.memory_space<vmem>>, vector<16xf32>,
        %get3A_841 = arith.index_cast %scan3A_837 : i32 to index
        %get3A_842 = arith.constant 0 : index
        %get3A_843 = tpu.vector_load %arg18[%get3A_841, %get3A_842] {strides = array<i32>} : memref<128x16xf32, #tpu.memory_space<vmem>>, vector<16xf32>,
        %get3A_844 = arith.index_cast %scan3A_837 : i32 to index
        %get3A_845 = arith.constant 0 : index
        %get3A_846 = tpu.vector_load %arg19[%get3A_844, %get3A_845] {strides = array<i32>} : memref<128x16xf32, #tpu.memory_space<vmem>>, vector<16xf32>,
        %add3A_847 = vector.broadcast %scan3A_837 : i32 to vector<16xi32>
        %add3A_848 = arith.addi %iota3A, %add3A_847 : vector<16xi32>
        %and3A_849 = arith.constant 127 : i32
        %and3A_850 = vector.broadcast %and3A_849 : i32 to vector<16xi32>
        %and3A_851 = arith.andi %add3A_848, %and3A_850 : vector<16xi32>
        %gather3A_852 = tpu.vector_load_idx %arg11[%add3A_302, %and3A_851] : memref<384x128xf32, #tpu.memory_space<vmem>>[vector<16xi32>, vector<16xi32>], vector<16xf32>,
        %mul3A_853 = arith.mulf %bitcast3A_324, %get3A_840 : vector<16xf32>
        %add3A_854 = arith.addf %gather3A_852, %mul3A_853 : vector<16xf32>
        %max3A_855 = arith.constant 0.000000e+00 : f32
        %max3A_856 = vector.broadcast %max3A_855 : f32 to vector<16xf32>
        %max3A_857 = arith.maximumf %add3A_854, %max3A_856 : vector<16xf32>
        %mul3A_858 = arith.mulf %max3A_857, %get3A_843 : vector<16xf32>
        %add3A_859 = arith.addf %add3A_763, %mul3A_858 : vector<16xf32>
        %mul3A_860 = arith.mulf %max3A_857, %get3A_846 : vector<16xf32>
        %add3A_861 = arith.addf %add3A_765, %mul3A_860 : vector<16xf32>
        %gather3A_862 = tpu.vector_load_idx %arg11[%add3A_303, %and3A_851] : memref<384x128xf32, #tpu.memory_space<vmem>>[vector<16xi32>, vector<16xi32>], vector<16xf32>,
        %mul3A_863 = arith.mulf %bitcast3A_342, %get3A_840 : vector<16xf32>
        %add3A_864 = arith.addf %gather3A_862, %mul3A_863 : vector<16xf32>
        %max3A_865 = arith.constant 0.000000e+00 : f32
        %max3A_866 = vector.broadcast %max3A_865 : f32 to vector<16xf32>
        %max3A_867 = arith.maximumf %add3A_864, %max3A_866 : vector<16xf32>
        %mul3A_868 = arith.mulf %max3A_867, %get3A_843 : vector<16xf32>
        %add3A_869 = arith.addf %add3A_773, %mul3A_868 : vector<16xf32>
        %mul3A_870 = arith.mulf %max3A_867, %get3A_846 : vector<16xf32>
        %add3A_871 = arith.addf %add3A_775, %mul3A_870 : vector<16xf32>
        %gather3A_872 = tpu.vector_load_idx %arg11[%add3A_304, %and3A_851] : memref<384x128xf32, #tpu.memory_space<vmem>>[vector<16xi32>, vector<16xi32>], vector<16xf32>,
        %mul3A_873 = arith.mulf %bitcast3A_360, %get3A_840 : vector<16xf32>
        %add3A_874 = arith.addf %gather3A_872, %mul3A_873 : vector<16xf32>
        %max3A_875 = arith.constant 0.000000e+00 : f32
        %max3A_876 = vector.broadcast %max3A_875 : f32 to vector<16xf32>
        %max3A_877 = arith.maximumf %add3A_874, %max3A_876 : vector<16xf32>
        %mul3A_878 = arith.mulf %max3A_877, %get3A_843 : vector<16xf32>
        %add3A_879 = arith.addf %add3A_783, %mul3A_878 : vector<16xf32>
        %mul3A_880 = arith.mulf %max3A_877, %get3A_846 : vector<16xf32>
        %add3A_881 = arith.addf %add3A_785, %mul3A_880 : vector<16xf32>
        %gather3A_882 = tpu.vector_load_idx %arg11[%add3A_305, %and3A_851] : memref<384x128xf32, #tpu.memory_space<vmem>>[vector<16xi32>, vector<16xi32>], vector<16xf32>,
        %mul3A_883 = arith.mulf %bitcast3A_378, %get3A_840 : vector<16xf32>
        %add3A_884 = arith.addf %gather3A_882, %mul3A_883 : vector<16xf32>
        %max3A_885 = arith.constant 0.000000e+00 : f32
        %max3A_886 = vector.broadcast %max3A_885 : f32 to vector<16xf32>
        %max3A_887 = arith.maximumf %add3A_884, %max3A_886 : vector<16xf32>
        %mul3A_888 = arith.mulf %max3A_887, %get3A_843 : vector<16xf32>
        %add3A_889 = arith.addf %add3A_793, %mul3A_888 : vector<16xf32>
        %mul3A_890 = arith.mulf %max3A_887, %get3A_846 : vector<16xf32>
        %add3A_891 = arith.addf %add3A_795, %mul3A_890 : vector<16xf32>
        %gather3A_892 = tpu.vector_load_idx %arg11[%add3A_306, %and3A_851] : memref<384x128xf32, #tpu.memory_space<vmem>>[vector<16xi32>, vector<16xi32>], vector<16xf32>,
        %mul3A_893 = arith.mulf %bitcast3A_396, %get3A_840 : vector<16xf32>
        %add3A_894 = arith.addf %gather3A_892, %mul3A_893 : vector<16xf32>
        %max3A_895 = arith.constant 0.000000e+00 : f32
        %max3A_896 = vector.broadcast %max3A_895 : f32 to vector<16xf32>
        %max3A_897 = arith.maximumf %add3A_894, %max3A_896 : vector<16xf32>
        %mul3A_898 = arith.mulf %max3A_897, %get3A_843 : vector<16xf32>
        %add3A_899 = arith.addf %add3A_803, %mul3A_898 : vector<16xf32>
        %mul3A_900 = arith.mulf %max3A_897, %get3A_846 : vector<16xf32>
        %add3A_901 = arith.addf %add3A_805, %mul3A_900 : vector<16xf32>
        %gather3A_902 = tpu.vector_load_idx %arg11[%add3A_307, %and3A_851] : memref<384x128xf32, #tpu.memory_space<vmem>>[vector<16xi32>, vector<16xi32>], vector<16xf32>,
        %mul3A_903 = arith.mulf %bitcast3A_414, %get3A_840 : vector<16xf32>
        %add3A_904 = arith.addf %gather3A_902, %mul3A_903 : vector<16xf32>
        %max3A_905 = arith.constant 0.000000e+00 : f32
        %max3A_906 = vector.broadcast %max3A_905 : f32 to vector<16xf32>
        %max3A_907 = arith.maximumf %add3A_904, %max3A_906 : vector<16xf32>
        %mul3A_908 = arith.mulf %max3A_907, %get3A_843 : vector<16xf32>
        %add3A_909 = arith.addf %add3A_813, %mul3A_908 : vector<16xf32>
        %mul3A_910 = arith.mulf %max3A_907, %get3A_846 : vector<16xf32>
        %add3A_911 = arith.addf %add3A_815, %mul3A_910 : vector<16xf32>
        %gather3A_912 = tpu.vector_load_idx %arg11[%add3A_308, %and3A_851] : memref<384x128xf32, #tpu.memory_space<vmem>>[vector<16xi32>, vector<16xi32>], vector<16xf32>,
        %mul3A_913 = arith.mulf %bitcast3A_432, %get3A_840 : vector<16xf32>
        %add3A_914 = arith.addf %gather3A_912, %mul3A_913 : vector<16xf32>
        %max3A_915 = arith.constant 0.000000e+00 : f32
        %max3A_916 = vector.broadcast %max3A_915 : f32 to vector<16xf32>
        %max3A_917 = arith.maximumf %add3A_914, %max3A_916 : vector<16xf32>
        %mul3A_918 = arith.mulf %max3A_917, %get3A_843 : vector<16xf32>
        %add3A_919 = arith.addf %add3A_823, %mul3A_918 : vector<16xf32>
        %mul3A_920 = arith.mulf %max3A_917, %get3A_846 : vector<16xf32>
        %add3A_921 = arith.addf %add3A_825, %mul3A_920 : vector<16xf32>
        %gather3A_922 = tpu.vector_load_idx %arg11[%add3A_309, %and3A_851] : memref<384x128xf32, #tpu.memory_space<vmem>>[vector<16xi32>, vector<16xi32>], vector<16xf32>,
        %mul3A_923 = arith.mulf %bitcast3A_450, %get3A_840 : vector<16xf32>
        %add3A_924 = arith.addf %gather3A_922, %mul3A_923 : vector<16xf32>
        %max3A_925 = arith.constant 0.000000e+00 : f32
        %max3A_926 = vector.broadcast %max3A_925 : f32 to vector<16xf32>
        %max3A_927 = arith.maximumf %add3A_924, %max3A_926 : vector<16xf32>
        %mul3A_928 = arith.mulf %max3A_927, %get3A_843 : vector<16xf32>
        %add3A_929 = arith.addf %add3A_833, %mul3A_928 : vector<16xf32>
        %mul3A_930 = arith.mulf %max3A_927, %get3A_846 : vector<16xf32>
        %add3A_931 = arith.addf %add3A_835, %mul3A_930 : vector<16xf32>
        scf.yield %add3A_859, %add3A_869, %add3A_879, %add3A_889, %add3A_899, %add3A_909, %add3A_919, %add3A_929, %add3A_861, %add3A_871, %add3A_881, %add3A_891, %add3A_901, %add3A_911, %add3A_921, %add3A_931 : vector<16xf32>, vector<16xf32>, vector<16xf32>, vector<16xf32>, vector<16xf32>, vector<16xf32>, vector<16xf32>, vector<16xf32>, vector<16xf32>, vector<16xf32>, vector<16xf32>, vector<16xf32>, vector<16xf32>, vector<16xf32>, vector<16xf32>, vector<16xf32>
      }
      %scan3A_458 = arith.constant 128 : i32
      %add3A_459 = arith.constant 0 : i32
      %add3A_460 = arith.addi %mul3A_282, %add3A_459 : i32
      %swap3A = arith.index_cast %add3A_460 : i32 to index
      %swap3A_461 = tpu.vector_load %arg15[%swap3A] {strides = array<i32>} : memref<256xf32, #tpu.memory_space<vmem>>, vector<16xf32>,
      tpu.vector_store %arg15[%swap3A], %scan3A_457#0 {strides = array<i32>} : memref<256xf32, #tpu.memory_space<vmem>>, vector<16xf32>,
      %add3A_462 = arith.constant 0 : i32
      %add3A_463 = arith.addi %mul3A_282, %add3A_462 : i32
      %swap3A_464 = arith.index_cast %add3A_463 : i32 to index
      %swap3A_465 = tpu.vector_load %arg16[%swap3A_464] {strides = array<i32>} : memref<256xf32, #tpu.memory_space<vmem>>, vector<16xf32>,
      tpu.vector_store %arg16[%swap3A_464], %scan3A_457#8 {strides = array<i32>} : memref<256xf32, #tpu.memory_space<vmem>>, vector<16xf32>,
      %add3A_466 = arith.constant 16 : i32
      %add3A_467 = arith.addi %mul3A_282, %add3A_466 : i32
      %swap3A_468 = arith.index_cast %add3A_467 : i32 to index
      %swap3A_469 = tpu.vector_load %arg15[%swap3A_468] {strides = array<i32>} : memref<256xf32, #tpu.memory_space<vmem>>, vector<16xf32>,
      tpu.vector_store %arg15[%swap3A_468], %scan3A_457#1 {strides = array<i32>} : memref<256xf32, #tpu.memory_space<vmem>>, vector<16xf32>,
      %add3A_470 = arith.constant 16 : i32
      %add3A_471 = arith.addi %mul3A_282, %add3A_470 : i32
      %swap3A_472 = arith.index_cast %add3A_471 : i32 to index
      %swap3A_473 = tpu.vector_load %arg16[%swap3A_472] {strides = array<i32>} : memref<256xf32, #tpu.memory_space<vmem>>, vector<16xf32>,
      tpu.vector_store %arg16[%swap3A_472], %scan3A_457#9 {strides = array<i32>} : memref<256xf32, #tpu.memory_space<vmem>>, vector<16xf32>,
      %add3A_474 = arith.constant 32 : i32
      %add3A_475 = arith.addi %mul3A_282, %add3A_474 : i32
      %swap3A_476 = arith.index_cast %add3A_475 : i32 to index
      %swap3A_477 = tpu.vector_load %arg15[%swap3A_476] {strides = array<i32>} : memref<256xf32, #tpu.memory_space<vmem>>, vector<16xf32>,
      tpu.vector_store %arg15[%swap3A_476], %scan3A_457#2 {strides = array<i32>} : memref<256xf32, #tpu.memory_space<vmem>>, vector<16xf32>,
      %add3A_478 = arith.constant 32 : i32
      %add3A_479 = arith.addi %mul3A_282, %add3A_478 : i32
      %swap3A_480 = arith.index_cast %add3A_479 : i32 to index
      %swap3A_481 = tpu.vector_load %arg16[%swap3A_480] {strides = array<i32>} : memref<256xf32, #tpu.memory_space<vmem>>, vector<16xf32>,
      tpu.vector_store %arg16[%swap3A_480], %scan3A_457#10 {strides = array<i32>} : memref<256xf32, #tpu.memory_space<vmem>>, vector<16xf32>,
      %add3A_482 = arith.constant 48 : i32
      %add3A_483 = arith.addi %mul3A_282, %add3A_482 : i32
      %swap3A_484 = arith.index_cast %add3A_483 : i32 to index
      %swap3A_485 = tpu.vector_load %arg15[%swap3A_484] {strides = array<i32>} : memref<256xf32, #tpu.memory_space<vmem>>, vector<16xf32>,
      tpu.vector_store %arg15[%swap3A_484], %scan3A_457#3 {strides = array<i32>} : memref<256xf32, #tpu.memory_space<vmem>>, vector<16xf32>,
      %add3A_486 = arith.constant 48 : i32
      %add3A_487 = arith.addi %mul3A_282, %add3A_486 : i32
      %swap3A_488 = arith.index_cast %add3A_487 : i32 to index
      %swap3A_489 = tpu.vector_load %arg16[%swap3A_488] {strides = array<i32>} : memref<256xf32, #tpu.memory_space<vmem>>, vector<16xf32>,
      tpu.vector_store %arg16[%swap3A_488], %scan3A_457#11 {strides = array<i32>} : memref<256xf32, #tpu.memory_space<vmem>>, vector<16xf32>,
      %add3A_490 = arith.constant 64 : i32
      %add3A_491 = arith.addi %mul3A_282, %add3A_490 : i32
      %swap3A_492 = arith.index_cast %add3A_491 : i32 to index
      %swap3A_493 = tpu.vector_load %arg15[%swap3A_492] {strides = array<i32>} : memref<256xf32, #tpu.memory_space<vmem>>, vector<16xf32>,
      tpu.vector_store %arg15[%swap3A_492], %scan3A_457#4 {strides = array<i32>} : memref<256xf32, #tpu.memory_space<vmem>>, vector<16xf32>,
      %add3A_494 = arith.constant 64 : i32
      %add3A_495 = arith.addi %mul3A_282, %add3A_494 : i32
      %swap3A_496 = arith.index_cast %add3A_495 : i32 to index
      %swap3A_497 = tpu.vector_load %arg16[%swap3A_496] {strides = array<i32>} : memref<256xf32, #tpu.memory_space<vmem>>, vector<16xf32>,
      tpu.vector_store %arg16[%swap3A_496], %scan3A_457#12 {strides = array<i32>} : memref<256xf32, #tpu.memory_space<vmem>>, vector<16xf32>,
      %add3A_498 = arith.constant 80 : i32
      %add3A_499 = arith.addi %mul3A_282, %add3A_498 : i32
      %swap3A_500 = arith.index_cast %add3A_499 : i32 to index
      %swap3A_501 = tpu.vector_load %arg15[%swap3A_500] {strides = array<i32>} : memref<256xf32, #tpu.memory_space<vmem>>, vector<16xf32>,
      tpu.vector_store %arg15[%swap3A_500], %scan3A_457#5 {strides = array<i32>} : memref<256xf32, #tpu.memory_space<vmem>>, vector<16xf32>,
      %add3A_502 = arith.constant 80 : i32
      %add3A_503 = arith.addi %mul3A_282, %add3A_502 : i32
      %swap3A_504 = arith.index_cast %add3A_503 : i32 to index
      %swap3A_505 = tpu.vector_load %arg16[%swap3A_504] {strides = array<i32>} : memref<256xf32, #tpu.memory_space<vmem>>, vector<16xf32>,
      tpu.vector_store %arg16[%swap3A_504], %scan3A_457#13 {strides = array<i32>} : memref<256xf32, #tpu.memory_space<vmem>>, vector<16xf32>,
      %add3A_506 = arith.constant 96 : i32
      %add3A_507 = arith.addi %mul3A_282, %add3A_506 : i32
      %swap3A_508 = arith.index_cast %add3A_507 : i32 to index
      %swap3A_509 = tpu.vector_load %arg15[%swap3A_508] {strides = array<i32>} : memref<256xf32, #tpu.memory_space<vmem>>, vector<16xf32>,
      tpu.vector_store %arg15[%swap3A_508], %scan3A_457#6 {strides = array<i32>} : memref<256xf32, #tpu.memory_space<vmem>>, vector<16xf32>,
      %add3A_510 = arith.constant 96 : i32
      %add3A_511 = arith.addi %mul3A_282, %add3A_510 : i32
      %swap3A_512 = arith.index_cast %add3A_511 : i32 to index
      %swap3A_513 = tpu.vector_load %arg16[%swap3A_512] {strides = array<i32>} : memref<256xf32, #tpu.memory_space<vmem>>, vector<16xf32>,
      tpu.vector_store %arg16[%swap3A_512], %scan3A_457#14 {strides = array<i32>} : memref<256xf32, #tpu.memory_space<vmem>>, vector<16xf32>,
      %add3A_514 = arith.constant 112 : i32
      %add3A_515 = arith.addi %mul3A_282, %add3A_514 : i32
      %swap3A_516 = arith.index_cast %add3A_515 : i32 to index
      %swap3A_517 = tpu.vector_load %arg15[%swap3A_516] {strides = array<i32>} : memref<256xf32, #tpu.memory_space<vmem>>, vector<16xf32>,
      tpu.vector_store %arg15[%swap3A_516], %scan3A_457#7 {strides = array<i32>} : memref<256xf32, #tpu.memory_space<vmem>>, vector<16xf32>,
      %add3A_518 = arith.constant 112 : i32
      %add3A_519 = arith.addi %mul3A_282, %add3A_518 : i32
      %swap3A_520 = arith.index_cast %add3A_519 : i32 to index
      %swap3A_521 = tpu.vector_load %arg16[%swap3A_520] {strides = array<i32>} : memref<256xf32, #tpu.memory_space<vmem>>, vector<16xf32>,
      tpu.vector_store %arg16[%swap3A_520], %scan3A_457#15 {strides = array<i32>} : memref<256xf32, #tpu.memory_space<vmem>>, vector<16xf32>,
      %dma_start3A = tpu.memref_slice %arg15[%mul3A_282] : memref<256xf32, #tpu.memory_space<vmem>> -> memref<128xf32, #tpu.memory_space<vmem>>
      %dma_start3A_522 = arith.constant 0 : i32
      %dma_start3A_523 = tpu.memref_slice %arg13[%add3A_264, %dma_start3A_522] : memref<32x128xi32, #tpu.memory_space<vmem>> -> memref<1x128xi32, #tpu.memory_space<vmem>>
      %dma_start3A_524 = tpu.memref_squeeze %dma_start3A_523 : memref<1x128xi32, #tpu.memory_space<vmem>> -> memref<128xi32, #tpu.memory_space<vmem>>
      %dma_start3A_525 = arith.constant 0 : i32
      %dma_start3A_526 = tpu.memref_slice %arg21[%dma_start3A_525] : memref<50176xf32, #tpu.memory_space<vmem_shared>> -> memref<50176xf32, #tpu.memory_space<vmem_shared>>
      tpu.enqueue_indirect_dma source(%dma_start3A : memref<128xf32, #tpu.memory_space<vmem>>) target(%dma_start3A_526 : memref<50176xf32, #tpu.memory_space<vmem_shared>>) offsets(%dma_start3A_524 : memref<128xi32, #tpu.memory_space<vmem>>) semaphore(%arg24 : memref<!tpu.dma_semaphore, #tpu.memory_space<semaphore_mem>>) {add = true}
      %dma_start3A_527 = tpu.memref_slice %arg16[%mul3A_282] : memref<256xf32, #tpu.memory_space<vmem>> -> memref<128xf32, #tpu.memory_space<vmem>>
      %dma_start3A_528 = arith.constant 0 : i32
      %dma_start3A_529 = tpu.memref_slice %arg13[%add3A_264, %dma_start3A_528] : memref<32x128xi32, #tpu.memory_space<vmem>> -> memref<1x128xi32, #tpu.memory_space<vmem>>
      %dma_start3A_530 = tpu.memref_squeeze %dma_start3A_529 : memref<1x128xi32, #tpu.memory_space<vmem>> -> memref<128xi32, #tpu.memory_space<vmem>>
      %dma_start3A_531 = arith.constant 0 : i32
      %dma_start3A_532 = tpu.memref_slice %arg22[%dma_start3A_531] : memref<50176xf32, #tpu.memory_space<vmem_shared>> -> memref<50176xf32, #tpu.memory_space<vmem_shared>>
      tpu.enqueue_indirect_dma source(%dma_start3A_527 : memref<128xf32, #tpu.memory_space<vmem>>) target(%dma_start3A_532 : memref<50176xf32, #tpu.memory_space<vmem_shared>>) offsets(%dma_start3A_530 : memref<128xi32, #tpu.memory_space<vmem>>) semaphore(%arg24 : memref<!tpu.dma_semaphore, #tpu.memory_space<semaphore_mem>>) {add = true}
      %while3A_533 = arith.constant 0 : i32
      scf.yield %while3A_533 : i32
    }
    %ge3A = arith.constant 1 : i32
    %ge3A_73 = arith.cmpi sge, %min3A_35, %ge3A : i32
    %convert_element_type3A_74 = arith.extui %ge3A_73 : i1 to i32
    %cond3A_75 = arith.constant 0 : i32
    %cond3A_76 = arith.cmpi ne, %convert_element_type3A_74, %cond3A_75 : i32
    scf.if %cond3A_76 {
      %dma_wait3A = arith.constant 0 : i32
      %dma_wait3A_87 = arith.constant 0 : i32
      %dma_wait3A_88 = tpu.memref_slice %arg15[%dma_wait3A_87] : memref<256xf32, #tpu.memory_space<vmem>> -> memref<128xf32, #tpu.memory_space<vmem>>
      %dma_wait3A_89 = arith.constant 0 : i32
      %dma_wait3A_90 = tpu.memref_slice %arg13[%dma_wait3A, %dma_wait3A_89] : memref<32x128xi32, #tpu.memory_space<vmem>> -> memref<1x128xi32, #tpu.memory_space<vmem>>
      %dma_wait3A_91 = tpu.memref_squeeze %dma_wait3A_90 : memref<1x128xi32, #tpu.memory_space<vmem>> -> memref<128xi32, #tpu.memory_space<vmem>>
      %dma_wait3A_92 = arith.constant 0 : i32
      %dma_wait3A_93 = tpu.memref_slice %arg21[%dma_wait3A_92] : memref<50176xf32, #tpu.memory_space<vmem_shared>> -> memref<50176xf32, #tpu.memory_space<vmem_shared>>
      tpu.wait_indirect_dma semaphore(%arg24 : memref<!tpu.dma_semaphore, #tpu.memory_space<semaphore_mem>>) src(%dma_wait3A_88 : memref<128xf32, #tpu.memory_space<vmem>>) dst(%dma_wait3A_93 : memref<50176xf32, #tpu.memory_space<vmem_shared>>)
      %dma_wait3A_94 = arith.constant 0 : i32
      %dma_wait3A_95 = arith.constant 0 : i32
      %dma_wait3A_96 = tpu.memref_slice %arg15[%dma_wait3A_95] : memref<256xf32, #tpu.memory_space<vmem>> -> memref<128xf32, #tpu.memory_space<vmem>>
      %dma_wait3A_97 = arith.constant 0 : i32
      %dma_wait3A_98 = tpu.memref_slice %arg13[%dma_wait3A_94, %dma_wait3A_97] : memref<32x128xi32, #tpu.memory_space<vmem>> -> memref<1x128xi32, #tpu.memory_space<vmem>>
      %dma_wait3A_99 = tpu.memref_squeeze %dma_wait3A_98 : memref<1x128xi32, #tpu.memory_space<vmem>> -> memref<128xi32, #tpu.memory_space<vmem>>
      %dma_wait3A_100 = arith.constant 0 : i32
      %dma_wait3A_101 = tpu.memref_slice %arg21[%dma_wait3A_100] : memref<50176xf32, #tpu.memory_space<vmem_shared>> -> memref<50176xf32, #tpu.memory_space<vmem_shared>>
      tpu.wait_indirect_dma semaphore(%arg24 : memref<!tpu.dma_semaphore, #tpu.memory_space<semaphore_mem>>) src(%dma_wait3A_96 : memref<128xf32, #tpu.memory_space<vmem>>) dst(%dma_wait3A_101 : memref<50176xf32, #tpu.memory_space<vmem_shared>>)
    } else {
    }
    %ge3A_77 = arith.constant 2 : i32
    %ge3A_78 = arith.cmpi sge, %min3A_35, %ge3A_77 : i32
    %convert_element_type3A_79 = arith.extui %ge3A_78 : i1 to i32
    %cond3A_80 = arith.constant 0 : i32
    %cond3A_81 = arith.cmpi ne, %convert_element_type3A_79, %cond3A_80 : i32
    scf.if %cond3A_81 {
      %dma_wait3A = arith.constant 0 : i32
      %dma_wait3A_87 = arith.constant 0 : i32
      %dma_wait3A_88 = tpu.memref_slice %arg15[%dma_wait3A_87] : memref<256xf32, #tpu.memory_space<vmem>> -> memref<128xf32, #tpu.memory_space<vmem>>
      %dma_wait3A_89 = arith.constant 0 : i32
      %dma_wait3A_90 = tpu.memref_slice %arg13[%dma_wait3A, %dma_wait3A_89] : memref<32x128xi32, #tpu.memory_space<vmem>> -> memref<1x128xi32, #tpu.memory_space<vmem>>
      %dma_wait3A_91 = tpu.memref_squeeze %dma_wait3A_90 : memref<1x128xi32, #tpu.memory_space<vmem>> -> memref<128xi32, #tpu.memory_space<vmem>>
      %dma_wait3A_92 = arith.constant 0 : i32
      %dma_wait3A_93 = tpu.memref_slice %arg21[%dma_wait3A_92] : memref<50176xf32, #tpu.memory_space<vmem_shared>> -> memref<50176xf32, #tpu.memory_space<vmem_shared>>
      tpu.wait_indirect_dma semaphore(%arg24 : memref<!tpu.dma_semaphore, #tpu.memory_space<semaphore_mem>>) src(%dma_wait3A_88 : memref<128xf32, #tpu.memory_space<vmem>>) dst(%dma_wait3A_93 : memref<50176xf32, #tpu.memory_space<vmem_shared>>)
      %dma_wait3A_94 = arith.constant 0 : i32
      %dma_wait3A_95 = arith.constant 0 : i32
      %dma_wait3A_96 = tpu.memref_slice %arg15[%dma_wait3A_95] : memref<256xf32, #tpu.memory_space<vmem>> -> memref<128xf32, #tpu.memory_space<vmem>>
      %dma_wait3A_97 = arith.constant 0 : i32
      %dma_wait3A_98 = tpu.memref_slice %arg13[%dma_wait3A_94, %dma_wait3A_97] : memref<32x128xi32, #tpu.memory_space<vmem>> -> memref<1x128xi32, #tpu.memory_space<vmem>>
      %dma_wait3A_99 = tpu.memref_squeeze %dma_wait3A_98 : memref<1x128xi32, #tpu.memory_space<vmem>> -> memref<128xi32, #tpu.memory_space<vmem>>
      %dma_wait3A_100 = arith.constant 0 : i32
      %dma_wait3A_101 = tpu.memref_slice %arg21[%dma_wait3A_100] : memref<50176xf32, #tpu.memory_space<vmem_shared>> -> memref<50176xf32, #tpu.memory_space<vmem_shared>>
      tpu.wait_indirect_dma semaphore(%arg24 : memref<!tpu.dma_semaphore, #tpu.memory_space<semaphore_mem>>) src(%dma_wait3A_96 : memref<128xf32, #tpu.memory_space<vmem>>) dst(%dma_wait3A_101 : memref<50176xf32, #tpu.memory_space<vmem_shared>>)
    } else {
    }
    %barrier3A_82 = arith.constant 0 : index
    tpu.barrier barrier_id(%barrier3A_82)
    %eq3A = arith.constant 0 : i32
    %eq3A_83 = arith.cmpi eq, %arg1, %eq3A : i32
    %convert_element_type3A_84 = arith.extui %eq3A_83 : i1 to i32
    %cond3A_85 = arith.constant 0 : i32
    %cond3A_86 = arith.cmpi ne, %convert_element_type3A_84, %cond3A_85 : i32
    scf.if %cond3A_86 {
      "tpu.region"() ({
        %run_scoped3A = tpu.sem_alloc : memref<!tpu.dma_semaphore, #tpu.memory_space<semaphore_mem>>
        %dma_start3A = arith.constant 0 : i32
        %dma_start3A_87 = tpu.memref_slice %arg9[%arg0, %dma_start3A] : memref<2x50176xf32, #tpu.memory_space<hbm>> -> memref<1x50176xf32, #tpu.memory_space<hbm>>
        %dma_start3A_88 = tpu.memref_squeeze %dma_start3A_87 : memref<1x50176xf32, #tpu.memory_space<hbm>> -> memref<50176xf32, #tpu.memory_space<hbm>>
        tpu.enqueue_dma source(%arg21 : memref<50176xf32, #tpu.memory_space<vmem_shared>>) target(%dma_start3A_88 : memref<50176xf32, #tpu.memory_space<hbm>>) target_semaphore(%run_scoped3A : memref<!tpu.dma_semaphore, #tpu.memory_space<semaphore_mem>>)
        %dma_wait3A = arith.constant 0 : i32
        %dma_wait3A_89 = tpu.memref_slice %arg9[%arg0, %dma_wait3A] : memref<2x50176xf32, #tpu.memory_space<hbm>> -> memref<1x50176xf32, #tpu.memory_space<hbm>>
        %dma_wait3A_90 = tpu.memref_squeeze %dma_wait3A_89 : memref<1x50176xf32, #tpu.memory_space<hbm>> -> memref<50176xf32, #tpu.memory_space<hbm>>
        tpu.wait_dma2 semaphore(%run_scoped3A : memref<!tpu.dma_semaphore, #tpu.memory_space<semaphore_mem>>) src(%arg21 : memref<50176xf32, #tpu.memory_space<vmem_shared>>) dst(%dma_wait3A_90 : memref<50176xf32, #tpu.memory_space<hbm>>)
        tpu.yield
      }) : () -> ()
      "tpu.region"() ({
        %run_scoped3A = tpu.sem_alloc : memref<!tpu.dma_semaphore, #tpu.memory_space<semaphore_mem>>
        %dma_start3A = arith.constant 0 : i32
        %dma_start3A_87 = tpu.memref_slice %arg10[%arg0, %dma_start3A] : memref<2x50176xf32, #tpu.memory_space<hbm>> -> memref<1x50176xf32, #tpu.memory_space<hbm>>
        %dma_start3A_88 = tpu.memref_squeeze %dma_start3A_87 : memref<1x50176xf32, #tpu.memory_space<hbm>> -> memref<50176xf32, #tpu.memory_space<hbm>>
        tpu.enqueue_dma source(%arg22 : memref<50176xf32, #tpu.memory_space<vmem_shared>>) target(%dma_start3A_88 : memref<50176xf32, #tpu.memory_space<hbm>>) target_semaphore(%run_scoped3A : memref<!tpu.dma_semaphore, #tpu.memory_space<semaphore_mem>>)
        %dma_wait3A = arith.constant 0 : i32
        %dma_wait3A_89 = tpu.memref_slice %arg10[%arg0, %dma_wait3A] : memref<2x50176xf32, #tpu.memory_space<hbm>> -> memref<1x50176xf32, #tpu.memory_space<hbm>>
        %dma_wait3A_90 = tpu.memref_squeeze %dma_wait3A_89 : memref<1x50176xf32, #tpu.memory_space<hbm>> -> memref<50176xf32, #tpu.memory_space<hbm>>
        tpu.wait_dma2 semaphore(%run_scoped3A : memref<!tpu.dma_semaphore, #tpu.memory_space<semaphore_mem>>) src(%arg22 : memref<50176xf32, #tpu.memory_space<vmem_shared>>) dst(%dma_wait3A_90 : memref<50176xf32, #tpu.memory_space<hbm>>)
        tpu.yield
      }) : () -> ()
    } else {
    }
    return
  }
}

#map = affine_map<(d0, d1) -> (0, 0)>
#map1 = affine_map<(d0, d1) -> (0)>
module attributes {stable_mosaic.version = 14 : i64} {
  func.func @k(%arg0: i32, %arg1: i32, %arg2: memref<6408x128xi32, #tpu.memory_space<hbm>>, %arg3: memref<6408x128xi32, #tpu.memory_space<hbm>>, %arg4: memref<50176xf32, #tpu.memory_space<hbm>>, %arg5: memref<50176xf32, #tpu.memory_space<hbm>>, %arg6: memref<50176xf32, #tpu.memory_space<hbm>>, %arg7: memref<50176xf32, #tpu.memory_space<hbm>>, %arg8: memref<50176xf32, #tpu.memory_space<hbm>>, %arg9: memref<50176xf32, #tpu.memory_space<hbm>>, %arg10: memref<16xf32, #tpu.memory_space<hbm>>, %arg11: memref<6250x128xf32, #tpu.memory_space<hbm>>, %arg12: memref<50176xf32, #tpu.memory_space<vmem>>, %arg13: memref<50176xf32, #tpu.memory_space<vmem>>, %arg14: memref<3136xf32, #tpu.memory_space<vmem>>, %arg15: memref<3136xf32, #tpu.memory_space<vmem>>, %arg16: memref<3136xf32, #tpu.memory_space<vmem>>, %arg17: memref<32x128xi32, #tpu.memory_space<vmem>>, %arg18: memref<32x128xi32, #tpu.memory_space<vmem>>, %arg19: memref<256xf32, #tpu.memory_space<vmem>>, %arg20: memref<16xf32, #tpu.memory_space<vmem>>, %arg21: memref<50176xf32, #tpu.memory_space<vmem_shared>>, %arg22: memref<50176xf32, #tpu.memory_space<vmem_shared>>, %arg23: memref<!tpu.dma_semaphore, #tpu.memory_space<semaphore_mem>>) attributes {dimension_semantics = [#tpu.dimension_semantics<core_parallel>, #tpu.dimension_semantics<subcore_parallel>], iteration_bounds = array<i64: 2, 16>, scalar_prefetch = 0 : i64, scratch_operands = 12 : i64, tpu.core_type = #tpu.core_type<sc_vector_subcore>, window_params = [{transform_indices = #map}, {transform_indices = #map}, {transform_indices = #map1}, {transform_indices = #map1}, {transform_indices = #map1}, {transform_indices = #map1}, {transform_indices = #map1}, {transform_indices = #map1}, {transform_indices = #map1}, {transform_indices = #map}]} {
    %mul3A = arith.constant 16 : i32
    %mul3A_0 = arith.muli %arg0, %mul3A : i32
    %add3A = arith.addi %mul3A_0, %arg1 : i32
    "tpu.region"() ({
      %run_scoped3A = tpu.sem_alloc : memref<!tpu.dma_semaphore, #tpu.memory_space<semaphore_mem>>
      tpu.enqueue_dma source(%arg10 : memref<16xf32, #tpu.memory_space<hbm>>) target(%arg20 : memref<16xf32, #tpu.memory_space<vmem>>) target_semaphore(%run_scoped3A : memref<!tpu.dma_semaphore, #tpu.memory_space<semaphore_mem>>)
      tpu.wait_dma2 semaphore(%run_scoped3A : memref<!tpu.dma_semaphore, #tpu.memory_space<semaphore_mem>>) src(%arg10 : memref<16xf32, #tpu.memory_space<hbm>>) dst(%arg20 : memref<16xf32, #tpu.memory_space<vmem>>)
      tpu.yield
    }) : () -> ()
    %get3A = arith.constant 0 : index
    %get3A_1 = tpu.vector_load %arg20[%get3A] {strides = array<i32>} : memref<16xf32, #tpu.memory_space<vmem>>, vector<16xf32>,
    %mul3A_2 = arith.constant 3136 : i32
    %mul3A_3 = arith.muli %arg1, %mul3A_2 : i32
    %slice3A = vector.extract_strided_slice %get3A_1 {offsets = [0], sizes = [1], strides = [1]} : vector<16xf32> to vector<1xf32>
    %squeeze3A = vector.extract %slice3A[0] : f32 from vector<1xf32>
    "tpu.region"() ({
      %run_scoped3A = tpu.sem_alloc : memref<!tpu.dma_semaphore, #tpu.memory_space<semaphore_mem>>
      %dma_start3A = tpu.memref_slice %arg4[%mul3A_3] : memref<50176xf32, #tpu.memory_space<hbm>> -> memref<3136xf32, #tpu.memory_space<hbm>>
      %dma_start3A_65 = tpu.memref_slice %arg4[%mul3A_3] : memref<50176xf32, #tpu.memory_space<hbm>> -> memref<3136xf32, #tpu.memory_space<hbm>>
      tpu.enqueue_dma source(%dma_start3A_65 : memref<3136xf32, #tpu.memory_space<hbm>>) target(%arg14 : memref<3136xf32, #tpu.memory_space<vmem>>) target_semaphore(%run_scoped3A : memref<!tpu.dma_semaphore, #tpu.memory_space<semaphore_mem>>)
      %dma_wait3A = tpu.memref_slice %arg4[%mul3A_3] : memref<50176xf32, #tpu.memory_space<hbm>> -> memref<3136xf32, #tpu.memory_space<hbm>>
      %dma_wait3A_66 = tpu.memref_slice %arg4[%mul3A_3] : memref<50176xf32, #tpu.memory_space<hbm>> -> memref<3136xf32, #tpu.memory_space<hbm>>
      tpu.wait_dma2 semaphore(%run_scoped3A : memref<!tpu.dma_semaphore, #tpu.memory_space<semaphore_mem>>) src(%dma_wait3A_66 : memref<3136xf32, #tpu.memory_space<hbm>>) dst(%arg14 : memref<3136xf32, #tpu.memory_space<vmem>>)
      tpu.yield
    }) : () -> ()
    "tpu.region"() ({
      %run_scoped3A = tpu.sem_alloc : memref<!tpu.dma_semaphore, #tpu.memory_space<semaphore_mem>>
      %dma_start3A = tpu.memref_slice %arg6[%mul3A_3] : memref<50176xf32, #tpu.memory_space<hbm>> -> memref<3136xf32, #tpu.memory_space<hbm>>
      %dma_start3A_65 = tpu.memref_slice %arg6[%mul3A_3] : memref<50176xf32, #tpu.memory_space<hbm>> -> memref<3136xf32, #tpu.memory_space<hbm>>
      tpu.enqueue_dma source(%dma_start3A_65 : memref<3136xf32, #tpu.memory_space<hbm>>) target(%arg15 : memref<3136xf32, #tpu.memory_space<vmem>>) target_semaphore(%run_scoped3A : memref<!tpu.dma_semaphore, #tpu.memory_space<semaphore_mem>>)
      %dma_wait3A = tpu.memref_slice %arg6[%mul3A_3] : memref<50176xf32, #tpu.memory_space<hbm>> -> memref<3136xf32, #tpu.memory_space<hbm>>
      %dma_wait3A_66 = tpu.memref_slice %arg6[%mul3A_3] : memref<50176xf32, #tpu.memory_space<hbm>> -> memref<3136xf32, #tpu.memory_space<hbm>>
      tpu.wait_dma2 semaphore(%run_scoped3A : memref<!tpu.dma_semaphore, #tpu.memory_space<semaphore_mem>>) src(%dma_wait3A_66 : memref<3136xf32, #tpu.memory_space<hbm>>) dst(%arg15 : memref<3136xf32, #tpu.memory_space<vmem>>)
      tpu.yield
    }) : () -> ()
    "tpu.region"() ({
      %run_scoped3A = tpu.sem_alloc : memref<!tpu.dma_semaphore, #tpu.memory_space<semaphore_mem>>
      %dma_start3A = tpu.memref_slice %arg7[%mul3A_3] : memref<50176xf32, #tpu.memory_space<hbm>> -> memref<3136xf32, #tpu.memory_space<hbm>>
      %dma_start3A_65 = tpu.memref_slice %arg7[%mul3A_3] : memref<50176xf32, #tpu.memory_space<hbm>> -> memref<3136xf32, #tpu.memory_space<hbm>>
      tpu.enqueue_dma source(%dma_start3A_65 : memref<3136xf32, #tpu.memory_space<hbm>>) target(%arg16 : memref<3136xf32, #tpu.memory_space<vmem>>) target_semaphore(%run_scoped3A : memref<!tpu.dma_semaphore, #tpu.memory_space<semaphore_mem>>)
      %dma_wait3A = tpu.memref_slice %arg7[%mul3A_3] : memref<50176xf32, #tpu.memory_space<hbm>> -> memref<3136xf32, #tpu.memory_space<hbm>>
      %dma_wait3A_66 = tpu.memref_slice %arg7[%mul3A_3] : memref<50176xf32, #tpu.memory_space<hbm>> -> memref<3136xf32, #tpu.memory_space<hbm>>
      tpu.wait_dma2 semaphore(%run_scoped3A : memref<!tpu.dma_semaphore, #tpu.memory_space<semaphore_mem>>) src(%dma_wait3A_66 : memref<3136xf32, #tpu.memory_space<hbm>>) dst(%arg16 : memref<3136xf32, #tpu.memory_space<vmem>>)
      tpu.yield
    }) : () -> ()
    %scan3A = arith.constant 0 : i32
    %scan3A_4 = arith.constant 0 : i32
    %scan3A_5 = arith.constant 196 : i32
    %scan3A_6 = arith.addi %scan3A_4, %scan3A_5 : i32
    %scan3A_7 = arith.constant 1 : i32
    %scan3A_8 = scf.for %scan3A_65 = %scan3A_4 to %scan3A_6 step %scan3A_7 iter_args(%scan3A_66 = %scan3A) -> (i32)  : i32 {
      %mul3A_67 = arith.constant 16 : i32
      %mul3A_68 = arith.muli %scan3A_65, %mul3A_67 : i32
      %get3A_69 = arith.index_cast %mul3A_68 : i32 to index
      %get3A_70 = tpu.vector_load %arg14[%get3A_69] {strides = array<i32>} : memref<3136xf32, #tpu.memory_space<vmem>>, vector<16xf32>,
      %get3A_71 = arith.index_cast %mul3A_68 : i32 to index
      %get3A_72 = tpu.vector_load %arg15[%get3A_71] {strides = array<i32>} : memref<3136xf32, #tpu.memory_space<vmem>>, vector<16xf32>,
      %add3A_73 = arith.addf %get3A_70, %get3A_72 : vector<16xf32>
      %get3A_74 = arith.index_cast %mul3A_68 : i32 to index
      %get3A_75 = tpu.vector_load %arg16[%get3A_74] {strides = array<i32>} : memref<3136xf32, #tpu.memory_space<vmem>>, vector<16xf32>,
      %add3A_76 = arith.addf %add3A_73, %get3A_75 : vector<16xf32>
      %add3A_77 = vector.broadcast %squeeze3A : f32 to vector<16xf32>
      %add3A_78 = arith.addf %add3A_76, %add3A_77 : vector<16xf32>
      %swap3A = arith.index_cast %mul3A_68 : i32 to index
      %swap3A_79 = tpu.vector_load %arg14[%swap3A] {strides = array<i32>} : memref<3136xf32, #tpu.memory_space<vmem>>, vector<16xf32>,
      tpu.vector_store %arg14[%swap3A], %add3A_78 {strides = array<i32>} : memref<3136xf32, #tpu.memory_space<vmem>>, vector<16xf32>,
      %scan3A_80 = arith.constant 0 : i32
      scf.yield %scan3A_80 : i32
    }
    %scan3A_9 = arith.constant 196 : i32
    "tpu.region"() ({
      %run_scoped3A = tpu.sem_alloc : memref<!tpu.dma_semaphore, #tpu.memory_space<semaphore_mem>>
      %dma_start3A = tpu.memref_slice %arg21[%mul3A_3] : memref<50176xf32, #tpu.memory_space<vmem_shared>> -> memref<3136xf32, #tpu.memory_space<vmem_shared>>
      %dma_start3A_65 = tpu.memref_slice %arg21[%mul3A_3] : memref<50176xf32, #tpu.memory_space<vmem_shared>> -> memref<3136xf32, #tpu.memory_space<vmem_shared>>
      tpu.enqueue_dma source(%arg14 : memref<3136xf32, #tpu.memory_space<vmem>>) target(%dma_start3A_65 : memref<3136xf32, #tpu.memory_space<vmem_shared>>) target_semaphore(%run_scoped3A : memref<!tpu.dma_semaphore, #tpu.memory_space<semaphore_mem>>)
      %dma_wait3A = tpu.memref_slice %arg21[%mul3A_3] : memref<50176xf32, #tpu.memory_space<vmem_shared>> -> memref<3136xf32, #tpu.memory_space<vmem_shared>>
      %dma_wait3A_66 = tpu.memref_slice %arg21[%mul3A_3] : memref<50176xf32, #tpu.memory_space<vmem_shared>> -> memref<3136xf32, #tpu.memory_space<vmem_shared>>
      tpu.wait_dma2 semaphore(%run_scoped3A : memref<!tpu.dma_semaphore, #tpu.memory_space<semaphore_mem>>) src(%arg14 : memref<3136xf32, #tpu.memory_space<vmem>>) dst(%dma_wait3A_66 : memref<3136xf32, #tpu.memory_space<vmem_shared>>)
      tpu.yield
    }) : () -> ()
    %slice3A_10 = vector.extract_strided_slice %get3A_1 {offsets = [1], sizes = [1], strides = [1]} : vector<16xf32> to vector<1xf32>
    %squeeze3A_11 = vector.extract %slice3A_10[0] : f32 from vector<1xf32>
    "tpu.region"() ({
      %run_scoped3A = tpu.sem_alloc : memref<!tpu.dma_semaphore, #tpu.memory_space<semaphore_mem>>
      %dma_start3A = tpu.memref_slice %arg5[%mul3A_3] : memref<50176xf32, #tpu.memory_space<hbm>> -> memref<3136xf32, #tpu.memory_space<hbm>>
      %dma_start3A_65 = tpu.memref_slice %arg5[%mul3A_3] : memref<50176xf32, #tpu.memory_space<hbm>> -> memref<3136xf32, #tpu.memory_space<hbm>>
      tpu.enqueue_dma source(%dma_start3A_65 : memref<3136xf32, #tpu.memory_space<hbm>>) target(%arg14 : memref<3136xf32, #tpu.memory_space<vmem>>) target_semaphore(%run_scoped3A : memref<!tpu.dma_semaphore, #tpu.memory_space<semaphore_mem>>)
      %dma_wait3A = tpu.memref_slice %arg5[%mul3A_3] : memref<50176xf32, #tpu.memory_space<hbm>> -> memref<3136xf32, #tpu.memory_space<hbm>>
      %dma_wait3A_66 = tpu.memref_slice %arg5[%mul3A_3] : memref<50176xf32, #tpu.memory_space<hbm>> -> memref<3136xf32, #tpu.memory_space<hbm>>
      tpu.wait_dma2 semaphore(%run_scoped3A : memref<!tpu.dma_semaphore, #tpu.memory_space<semaphore_mem>>) src(%dma_wait3A_66 : memref<3136xf32, #tpu.memory_space<hbm>>) dst(%arg14 : memref<3136xf32, #tpu.memory_space<vmem>>)
      tpu.yield
    }) : () -> ()
    "tpu.region"() ({
      %run_scoped3A = tpu.sem_alloc : memref<!tpu.dma_semaphore, #tpu.memory_space<semaphore_mem>>
      %dma_start3A = tpu.memref_slice %arg8[%mul3A_3] : memref<50176xf32, #tpu.memory_space<hbm>> -> memref<3136xf32, #tpu.memory_space<hbm>>
      %dma_start3A_65 = tpu.memref_slice %arg8[%mul3A_3] : memref<50176xf32, #tpu.memory_space<hbm>> -> memref<3136xf32, #tpu.memory_space<hbm>>
      tpu.enqueue_dma source(%dma_start3A_65 : memref<3136xf32, #tpu.memory_space<hbm>>) target(%arg15 : memref<3136xf32, #tpu.memory_space<vmem>>) target_semaphore(%run_scoped3A : memref<!tpu.dma_semaphore, #tpu.memory_space<semaphore_mem>>)
      %dma_wait3A = tpu.memref_slice %arg8[%mul3A_3] : memref<50176xf32, #tpu.memory_space<hbm>> -> memref<3136xf32, #tpu.memory_space<hbm>>
      %dma_wait3A_66 = tpu.memref_slice %arg8[%mul3A_3] : memref<50176xf32, #tpu.memory_space<hbm>> -> memref<3136xf32, #tpu.memory_space<hbm>>
      tpu.wait_dma2 semaphore(%run_scoped3A : memref<!tpu.dma_semaphore, #tpu.memory_space<semaphore_mem>>) src(%dma_wait3A_66 : memref<3136xf32, #tpu.memory_space<hbm>>) dst(%arg15 : memref<3136xf32, #tpu.memory_space<vmem>>)
      tpu.yield
    }) : () -> ()
    "tpu.region"() ({
      %run_scoped3A = tpu.sem_alloc : memref<!tpu.dma_semaphore, #tpu.memory_space<semaphore_mem>>
      %dma_start3A = tpu.memref_slice %arg9[%mul3A_3] : memref<50176xf32, #tpu.memory_space<hbm>> -> memref<3136xf32, #tpu.memory_space<hbm>>
      %dma_start3A_65 = tpu.memref_slice %arg9[%mul3A_3] : memref<50176xf32, #tpu.memory_space<hbm>> -> memref<3136xf32, #tpu.memory_space<hbm>>
      tpu.enqueue_dma source(%dma_start3A_65 : memref<3136xf32, #tpu.memory_space<hbm>>) target(%arg16 : memref<3136xf32, #tpu.memory_space<vmem>>) target_semaphore(%run_scoped3A : memref<!tpu.dma_semaphore, #tpu.memory_space<semaphore_mem>>)
      %dma_wait3A = tpu.memref_slice %arg9[%mul3A_3] : memref<50176xf32, #tpu.memory_space<hbm>> -> memref<3136xf32, #tpu.memory_space<hbm>>
      %dma_wait3A_66 = tpu.memref_slice %arg9[%mul3A_3] : memref<50176xf32, #tpu.memory_space<hbm>> -> memref<3136xf32, #tpu.memory_space<hbm>>
      tpu.wait_dma2 semaphore(%run_scoped3A : memref<!tpu.dma_semaphore, #tpu.memory_space<semaphore_mem>>) src(%dma_wait3A_66 : memref<3136xf32, #tpu.memory_space<hbm>>) dst(%arg16 : memref<3136xf32, #tpu.memory_space<vmem>>)
      tpu.yield
    }) : () -> ()
    %scan3A_12 = arith.constant 0 : i32
    %scan3A_13 = arith.constant 0 : i32
    %scan3A_14 = arith.constant 196 : i32
    %scan3A_15 = arith.addi %scan3A_13, %scan3A_14 : i32
    %scan3A_16 = arith.constant 1 : i32
    %scan3A_17 = scf.for %scan3A_65 = %scan3A_13 to %scan3A_15 step %scan3A_16 iter_args(%scan3A_66 = %scan3A_12) -> (i32)  : i32 {
      %mul3A_67 = arith.constant 16 : i32
      %mul3A_68 = arith.muli %scan3A_65, %mul3A_67 : i32
      %get3A_69 = arith.index_cast %mul3A_68 : i32 to index
      %get3A_70 = tpu.vector_load %arg14[%get3A_69] {strides = array<i32>} : memref<3136xf32, #tpu.memory_space<vmem>>, vector<16xf32>,
      %get3A_71 = arith.index_cast %mul3A_68 : i32 to index
      %get3A_72 = tpu.vector_load %arg15[%get3A_71] {strides = array<i32>} : memref<3136xf32, #tpu.memory_space<vmem>>, vector<16xf32>,
      %add3A_73 = arith.addf %get3A_70, %get3A_72 : vector<16xf32>
      %get3A_74 = arith.index_cast %mul3A_68 : i32 to index
      %get3A_75 = tpu.vector_load %arg16[%get3A_74] {strides = array<i32>} : memref<3136xf32, #tpu.memory_space<vmem>>, vector<16xf32>,
      %add3A_76 = arith.addf %add3A_73, %get3A_75 : vector<16xf32>
      %add3A_77 = vector.broadcast %squeeze3A_11 : f32 to vector<16xf32>
      %add3A_78 = arith.addf %add3A_76, %add3A_77 : vector<16xf32>
      %swap3A = arith.index_cast %mul3A_68 : i32 to index
      %swap3A_79 = tpu.vector_load %arg14[%swap3A] {strides = array<i32>} : memref<3136xf32, #tpu.memory_space<vmem>>, vector<16xf32>,
      tpu.vector_store %arg14[%swap3A], %add3A_78 {strides = array<i32>} : memref<3136xf32, #tpu.memory_space<vmem>>, vector<16xf32>,
      %scan3A_80 = arith.constant 0 : i32
      scf.yield %scan3A_80 : i32
    }
    %scan3A_18 = arith.constant 196 : i32
    "tpu.region"() ({
      %run_scoped3A = tpu.sem_alloc : memref<!tpu.dma_semaphore, #tpu.memory_space<semaphore_mem>>
      %dma_start3A = tpu.memref_slice %arg22[%mul3A_3] : memref<50176xf32, #tpu.memory_space<vmem_shared>> -> memref<3136xf32, #tpu.memory_space<vmem_shared>>
      %dma_start3A_65 = tpu.memref_slice %arg22[%mul3A_3] : memref<50176xf32, #tpu.memory_space<vmem_shared>> -> memref<3136xf32, #tpu.memory_space<vmem_shared>>
      tpu.enqueue_dma source(%arg14 : memref<3136xf32, #tpu.memory_space<vmem>>) target(%dma_start3A_65 : memref<3136xf32, #tpu.memory_space<vmem_shared>>) target_semaphore(%run_scoped3A : memref<!tpu.dma_semaphore, #tpu.memory_space<semaphore_mem>>)
      %dma_wait3A = tpu.memref_slice %arg22[%mul3A_3] : memref<50176xf32, #tpu.memory_space<vmem_shared>> -> memref<3136xf32, #tpu.memory_space<vmem_shared>>
      %dma_wait3A_66 = tpu.memref_slice %arg22[%mul3A_3] : memref<50176xf32, #tpu.memory_space<vmem_shared>> -> memref<3136xf32, #tpu.memory_space<vmem_shared>>
      tpu.wait_dma2 semaphore(%run_scoped3A : memref<!tpu.dma_semaphore, #tpu.memory_space<semaphore_mem>>) src(%arg14 : memref<3136xf32, #tpu.memory_space<vmem>>) dst(%dma_wait3A_66 : memref<3136xf32, #tpu.memory_space<vmem_shared>>)
      tpu.yield
    }) : () -> ()
    %barrier3A = arith.constant 0 : index
    tpu.barrier barrier_id(%barrier3A)
    "tpu.region"() ({
      %run_scoped3A = tpu.sem_alloc : memref<!tpu.dma_semaphore, #tpu.memory_space<semaphore_mem>>
      tpu.enqueue_dma source(%arg21 : memref<50176xf32, #tpu.memory_space<vmem_shared>>) target(%arg12 : memref<50176xf32, #tpu.memory_space<vmem>>) target_semaphore(%run_scoped3A : memref<!tpu.dma_semaphore, #tpu.memory_space<semaphore_mem>>)
      tpu.wait_dma2 semaphore(%run_scoped3A : memref<!tpu.dma_semaphore, #tpu.memory_space<semaphore_mem>>) src(%arg21 : memref<50176xf32, #tpu.memory_space<vmem_shared>>) dst(%arg12 : memref<50176xf32, #tpu.memory_space<vmem>>)
      tpu.yield
    }) : () -> ()
    "tpu.region"() ({
      %run_scoped3A = tpu.sem_alloc : memref<!tpu.dma_semaphore, #tpu.memory_space<semaphore_mem>>
      tpu.enqueue_dma source(%arg22 : memref<50176xf32, #tpu.memory_space<vmem_shared>>) target(%arg13 : memref<50176xf32, #tpu.memory_space<vmem>>) target_semaphore(%run_scoped3A : memref<!tpu.dma_semaphore, #tpu.memory_space<semaphore_mem>>)
      tpu.wait_dma2 semaphore(%run_scoped3A : memref<!tpu.dma_semaphore, #tpu.memory_space<semaphore_mem>>) src(%arg22 : memref<50176xf32, #tpu.memory_space<vmem_shared>>) dst(%arg13 : memref<50176xf32, #tpu.memory_space<vmem>>)
      tpu.yield
    }) : () -> ()
    %mul3A_19 = arith.constant 200 : i32
    %mul3A_20 = arith.muli %add3A, %mul3A_19 : i32
    %mul3A_21 = arith.constant 128 : i32
    %mul3A_22 = arith.muli %mul3A_20, %mul3A_21 : i32
    %sub3A = arith.constant 800000 : i32
    %sub3A_23 = arith.subi %sub3A, %mul3A_22 : i32
    %jit3A = arith.constant 128 : i32
    %div3A = arith.divsi %sub3A_23, %jit3A : i32
    %sign3A = arith.constant 0 : i32
    %sign3A_24 = arith.cmpi sgt, %sub3A_23, %sign3A : i32
    %sign3A_25 = arith.extui %sign3A_24 : i1 to i32
    %sign3A_26 = arith.constant 0 : i32
    %sign3A_27 = arith.cmpi slt, %sub3A_23, %sign3A_26 : i32
    %sign3A_28 = arith.extui %sign3A_27 : i1 to i32
    %sign3A_29 = arith.subi %sign3A_25, %sign3A_28 : i32
    %sign3A_30 = arith.constant 0 : i32
    %sign3A_31 = arith.cmpi sgt, %jit3A, %sign3A_30 : i32
    %sign3A_32 = arith.extui %sign3A_31 : i1 to i32
    %sign3A_33 = arith.constant 0 : i32
    %sign3A_34 = arith.cmpi slt, %jit3A, %sign3A_33 : i32
    %sign3A_35 = arith.extui %sign3A_34 : i1 to i32
    %sign3A_36 = arith.subi %sign3A_32, %sign3A_35 : i32
    %ne3A = arith.cmpi ne, %sign3A_29, %sign3A_36 : i32
    %rem3A = arith.remsi %sub3A_23, %jit3A : i32
    %ne3A_37 = arith.constant 0 : i32
    %ne3A_38 = arith.cmpi ne, %rem3A, %ne3A_37 : i32
    %and3A = arith.andi %ne3A, %ne3A_38 : i1
    %sub3A_39 = arith.constant 1 : i32
    %sub3A_40 = arith.subi %div3A, %sub3A_39 : i32
    %select_n3A = arith.select %and3A, %sub3A_40, %div3A : i32
    %max3A = arith.constant 0 : i32
    %max3A_41 = arith.maxsi %max3A, %select_n3A : i32
    %min3A = arith.constant 200 : i32
    %min3A_42 = arith.minsi %min3A, %max3A_41 : i32
    %gt3A = arith.constant 0 : i32
    %gt3A_43 = arith.cmpi sgt, %min3A_42, %gt3A : i32
    %convert_element_type3A = arith.extui %gt3A_43 : i1 to i32
    %cond3A = arith.constant 0 : i32
    %cond3A_44 = arith.cmpi ne, %convert_element_type3A, %cond3A : i32
    scf.if %cond3A_44 {
      %add3A_65 = arith.constant 0 : i32
      %add3A_66 = arith.addi %mul3A_20, %add3A_65 : i32
      "tpu.region"() ({
        %run_scoped3A = tpu.sem_alloc : memref<!tpu.dma_semaphore, #tpu.memory_space<semaphore_mem>>
        %dma_start3A = arith.constant 0 : i32
        %dma_start3A_69 = arith.constant 0 : i32
        %dma_start3A_70 = tpu.memref_slice %arg17[%dma_start3A, %dma_start3A_69] : memref<32x128xi32, #tpu.memory_space<vmem>> -> memref<16x128xi32, #tpu.memory_space<vmem>>
        %dma_start3A_71 = arith.constant 0 : i32
        %dma_start3A_72 = tpu.memref_slice %arg2[%add3A_66, %dma_start3A_71] : memref<6408x128xi32, #tpu.memory_space<hbm>> -> memref<16x128xi32, #tpu.memory_space<hbm>>
        %dma_start3A_73 = arith.constant 0 : i32
        %dma_start3A_74 = arith.constant 0 : i32
        %dma_start3A_75 = tpu.memref_slice %arg17[%dma_start3A_73, %dma_start3A_74] : memref<32x128xi32, #tpu.memory_space<vmem>> -> memref<16x128xi32, #tpu.memory_space<vmem>>
        %dma_start3A_76 = arith.constant 0 : i32
        %dma_start3A_77 = tpu.memref_slice %arg2[%add3A_66, %dma_start3A_76] : memref<6408x128xi32, #tpu.memory_space<hbm>> -> memref<16x128xi32, #tpu.memory_space<hbm>>
        tpu.enqueue_dma source(%dma_start3A_77 : memref<16x128xi32, #tpu.memory_space<hbm>>) target(%dma_start3A_75 : memref<16x128xi32, #tpu.memory_space<vmem>>) target_semaphore(%run_scoped3A : memref<!tpu.dma_semaphore, #tpu.memory_space<semaphore_mem>>)
        %dma_wait3A = arith.constant 0 : i32
        %dma_wait3A_78 = arith.constant 0 : i32
        %dma_wait3A_79 = tpu.memref_slice %arg17[%dma_wait3A, %dma_wait3A_78] : memref<32x128xi32, #tpu.memory_space<vmem>> -> memref<16x128xi32, #tpu.memory_space<vmem>>
        %dma_wait3A_80 = arith.constant 0 : i32
        %dma_wait3A_81 = tpu.memref_slice %arg2[%add3A_66, %dma_wait3A_80] : memref<6408x128xi32, #tpu.memory_space<hbm>> -> memref<16x128xi32, #tpu.memory_space<hbm>>
        %dma_wait3A_82 = arith.constant 0 : i32
        %dma_wait3A_83 = arith.constant 0 : i32
        %dma_wait3A_84 = tpu.memref_slice %arg17[%dma_wait3A_82, %dma_wait3A_83] : memref<32x128xi32, #tpu.memory_space<vmem>> -> memref<16x128xi32, #tpu.memory_space<vmem>>
        %dma_wait3A_85 = arith.constant 0 : i32
        %dma_wait3A_86 = tpu.memref_slice %arg2[%add3A_66, %dma_wait3A_85] : memref<6408x128xi32, #tpu.memory_space<hbm>> -> memref<16x128xi32, #tpu.memory_space<hbm>>
        tpu.wait_dma2 semaphore(%run_scoped3A : memref<!tpu.dma_semaphore, #tpu.memory_space<semaphore_mem>>) src(%dma_wait3A_86 : memref<16x128xi32, #tpu.memory_space<hbm>>) dst(%dma_wait3A_84 : memref<16x128xi32, #tpu.memory_space<vmem>>)
        tpu.yield
      }) : () -> ()
      %add3A_67 = arith.constant 0 : i32
      %add3A_68 = arith.addi %mul3A_20, %add3A_67 : i32
      "tpu.region"() ({
        %run_scoped3A = tpu.sem_alloc : memref<!tpu.dma_semaphore, #tpu.memory_space<semaphore_mem>>
        %dma_start3A = arith.constant 0 : i32
        %dma_start3A_69 = arith.constant 0 : i32
        %dma_start3A_70 = tpu.memref_slice %arg18[%dma_start3A, %dma_start3A_69] : memref<32x128xi32, #tpu.memory_space<vmem>> -> memref<16x128xi32, #tpu.memory_space<vmem>>
        %dma_start3A_71 = arith.constant 0 : i32
        %dma_start3A_72 = tpu.memref_slice %arg3[%add3A_68, %dma_start3A_71] : memref<6408x128xi32, #tpu.memory_space<hbm>> -> memref<16x128xi32, #tpu.memory_space<hbm>>
        %dma_start3A_73 = arith.constant 0 : i32
        %dma_start3A_74 = arith.constant 0 : i32
        %dma_start3A_75 = tpu.memref_slice %arg18[%dma_start3A_73, %dma_start3A_74] : memref<32x128xi32, #tpu.memory_space<vmem>> -> memref<16x128xi32, #tpu.memory_space<vmem>>
        %dma_start3A_76 = arith.constant 0 : i32
        %dma_start3A_77 = tpu.memref_slice %arg3[%add3A_68, %dma_start3A_76] : memref<6408x128xi32, #tpu.memory_space<hbm>> -> memref<16x128xi32, #tpu.memory_space<hbm>>
        tpu.enqueue_dma source(%dma_start3A_77 : memref<16x128xi32, #tpu.memory_space<hbm>>) target(%dma_start3A_75 : memref<16x128xi32, #tpu.memory_space<vmem>>) target_semaphore(%run_scoped3A : memref<!tpu.dma_semaphore, #tpu.memory_space<semaphore_mem>>)
        %dma_wait3A = arith.constant 0 : i32
        %dma_wait3A_78 = arith.constant 0 : i32
        %dma_wait3A_79 = tpu.memref_slice %arg18[%dma_wait3A, %dma_wait3A_78] : memref<32x128xi32, #tpu.memory_space<vmem>> -> memref<16x128xi32, #tpu.memory_space<vmem>>
        %dma_wait3A_80 = arith.constant 0 : i32
        %dma_wait3A_81 = tpu.memref_slice %arg3[%add3A_68, %dma_wait3A_80] : memref<6408x128xi32, #tpu.memory_space<hbm>> -> memref<16x128xi32, #tpu.memory_space<hbm>>
        %dma_wait3A_82 = arith.constant 0 : i32
        %dma_wait3A_83 = arith.constant 0 : i32
        %dma_wait3A_84 = tpu.memref_slice %arg18[%dma_wait3A_82, %dma_wait3A_83] : memref<32x128xi32, #tpu.memory_space<vmem>> -> memref<16x128xi32, #tpu.memory_space<vmem>>
        %dma_wait3A_85 = arith.constant 0 : i32
        %dma_wait3A_86 = tpu.memref_slice %arg3[%add3A_68, %dma_wait3A_85] : memref<6408x128xi32, #tpu.memory_space<hbm>> -> memref<16x128xi32, #tpu.memory_space<hbm>>
        tpu.wait_dma2 semaphore(%run_scoped3A : memref<!tpu.dma_semaphore, #tpu.memory_space<semaphore_mem>>) src(%dma_wait3A_86 : memref<16x128xi32, #tpu.memory_space<hbm>>) dst(%dma_wait3A_84 : memref<16x128xi32, #tpu.memory_space<vmem>>)
        tpu.yield
      }) : () -> ()
    } else {
    }
    %while3A = arith.constant 0 : i32
    %while3A_45 = arith.constant 0 : i32
    %while3A_46 = arith.subi %min3A_42, %while3A : i32
    %while3A_47 = arith.addi %while3A, %while3A_46 : i32
    %while3A_48 = arith.constant 1 : i32
    %while3A_49 = arith.divsi %while3A_46, %while3A_48 : i32
    %while3A_50 = arith.muli %while3A_49, %while3A_48 : i32
    %while3A_51 = arith.addi %while3A, %while3A_50 : i32
    %while3A_52 = arith.constant 1 : i32
    %while3A_53 = scf.for %while3A_65 = %while3A to %while3A_51 step %while3A_52 iter_args(%while3A_66 = %while3A_45) -> (i32)  : i32 {
      %add3A_67 = arith.constant 1 : i32
      %add3A_68 = arith.addi %while3A_65, %add3A_67 : i32
      %lt3A = arith.cmpi slt, %add3A_68, %min3A_42 : i32
      %jit3A_69 = arith.constant 16 : i32
      %eq3A = arith.constant 0 : i32
      %eq3A_70 = arith.cmpi eq, %jit3A_69, %eq3A : i32
      %jit3A_71 = arith.constant 1 : i32
      %select_n3A_72 = arith.select %eq3A_70, %jit3A_71, %jit3A_69 : i32
      %rem3A_73 = arith.remsi %add3A_68, %select_n3A_72 : i32
      %ne3A_74 = arith.constant 0 : i32
      %ne3A_75 = arith.cmpi ne, %rem3A_73, %ne3A_74 : i32
      %lt3A_76 = arith.constant 0 : i32
      %lt3A_77 = arith.cmpi slt, %rem3A_73, %lt3A_76 : i32
      %lt3A_78 = arith.constant 0 : i32
      %lt3A_79 = arith.cmpi slt, %select_n3A_72, %lt3A_78 : i32
      %ne3A_80 = arith.xori %lt3A_77, %lt3A_79 : i1
      %and3A_81 = arith.andi %ne3A_80, %ne3A_75 : i1
      %add3A_82 = arith.addi %rem3A_73, %select_n3A_72 : i32
      %select_n3A_83 = arith.select %and3A_81, %add3A_82, %rem3A_73 : i32
      %eq3A_84 = arith.constant 0 : i32
      %eq3A_85 = arith.cmpi eq, %select_n3A_83, %eq3A_84 : i32
      %and3A_86 = arith.andi %lt3A, %eq3A_85 : i1
      %convert_element_type3A_87 = arith.extui %and3A_86 : i1 to i32
      %cond3A_88 = arith.constant 0 : i32
      %cond3A_89 = arith.cmpi ne, %convert_element_type3A_87, %cond3A_88 : i32
      scf.if %cond3A_89 {
        %jit3A_188 = arith.constant 16 : i32
        %div3A_189 = arith.divsi %add3A_68, %jit3A_188 : i32
        %sign3A_190 = arith.constant 0 : i32
        %sign3A_191 = arith.cmpi sgt, %add3A_68, %sign3A_190 : i32
        %sign3A_192 = arith.extui %sign3A_191 : i1 to i32
        %sign3A_193 = arith.constant 0 : i32
        %sign3A_194 = arith.cmpi slt, %add3A_68, %sign3A_193 : i32
        %sign3A_195 = arith.extui %sign3A_194 : i1 to i32
        %sign3A_196 = arith.subi %sign3A_192, %sign3A_195 : i32
        %sign3A_197 = arith.constant 0 : i32
        %sign3A_198 = arith.cmpi sgt, %jit3A_188, %sign3A_197 : i32
        %sign3A_199 = arith.extui %sign3A_198 : i1 to i32
        %sign3A_200 = arith.constant 0 : i32
        %sign3A_201 = arith.cmpi slt, %jit3A_188, %sign3A_200 : i32
        %sign3A_202 = arith.extui %sign3A_201 : i1 to i32
        %sign3A_203 = arith.subi %sign3A_199, %sign3A_202 : i32
        %ne3A_204 = arith.cmpi ne, %sign3A_196, %sign3A_203 : i32
        %rem3A_205 = arith.remsi %add3A_68, %jit3A_188 : i32
        %ne3A_206 = arith.constant 0 : i32
        %ne3A_207 = arith.cmpi ne, %rem3A_205, %ne3A_206 : i32
        %and3A_208 = arith.andi %ne3A_204, %ne3A_207 : i1
        %sub3A_209 = arith.constant 1 : i32
        %sub3A_210 = arith.subi %div3A_189, %sub3A_209 : i32
        %select_n3A_211 = arith.select %and3A_208, %sub3A_210, %div3A_189 : i32
        %jit3A_212 = arith.constant 2 : i32
        %eq3A_213 = arith.constant 0 : i32
        %eq3A_214 = arith.cmpi eq, %jit3A_212, %eq3A_213 : i32
        %jit3A_215 = arith.constant 1 : i32
        %select_n3A_216 = arith.select %eq3A_214, %jit3A_215, %jit3A_212 : i32
        %rem3A_217 = arith.remsi %select_n3A_211, %select_n3A_216 : i32
        %ne3A_218 = arith.constant 0 : i32
        %ne3A_219 = arith.cmpi ne, %rem3A_217, %ne3A_218 : i32
        %lt3A_220 = arith.constant 0 : i32
        %lt3A_221 = arith.cmpi slt, %rem3A_217, %lt3A_220 : i32
        %lt3A_222 = arith.constant 0 : i32
        %lt3A_223 = arith.cmpi slt, %select_n3A_216, %lt3A_222 : i32
        %ne3A_224 = arith.xori %lt3A_221, %lt3A_223 : i1
        %and3A_225 = arith.andi %ne3A_224, %ne3A_219 : i1
        %add3A_226 = arith.addi %rem3A_217, %select_n3A_216 : i32
        %select_n3A_227 = arith.select %and3A_225, %add3A_226, %rem3A_217 : i32
        %mul3A_228 = arith.constant 16 : i32
        %mul3A_229 = arith.muli %select_n3A_227, %mul3A_228 : i32
        %mul3A_230 = arith.constant 16 : i32
        %mul3A_231 = arith.muli %select_n3A_211, %mul3A_230 : i32
        %add3A_232 = arith.addi %mul3A_20, %mul3A_231 : i32
        "tpu.region"() ({
          %run_scoped3A = tpu.sem_alloc : memref<!tpu.dma_semaphore, #tpu.memory_space<semaphore_mem>>
          %dma_start3A_236 = arith.constant 0 : i32
          %dma_start3A_237 = tpu.memref_slice %arg17[%mul3A_229, %dma_start3A_236] : memref<32x128xi32, #tpu.memory_space<vmem>> -> memref<16x128xi32, #tpu.memory_space<vmem>>
          %dma_start3A_238 = arith.constant 0 : i32
          %dma_start3A_239 = tpu.memref_slice %arg2[%add3A_232, %dma_start3A_238] : memref<6408x128xi32, #tpu.memory_space<hbm>> -> memref<16x128xi32, #tpu.memory_space<hbm>>
          %dma_start3A_240 = arith.constant 0 : i32
          %dma_start3A_241 = tpu.memref_slice %arg17[%mul3A_229, %dma_start3A_240] : memref<32x128xi32, #tpu.memory_space<vmem>> -> memref<16x128xi32, #tpu.memory_space<vmem>>
          %dma_start3A_242 = arith.constant 0 : i32
          %dma_start3A_243 = tpu.memref_slice %arg2[%add3A_232, %dma_start3A_242] : memref<6408x128xi32, #tpu.memory_space<hbm>> -> memref<16x128xi32, #tpu.memory_space<hbm>>
          tpu.enqueue_dma source(%dma_start3A_243 : memref<16x128xi32, #tpu.memory_space<hbm>>) target(%dma_start3A_241 : memref<16x128xi32, #tpu.memory_space<vmem>>) target_semaphore(%run_scoped3A : memref<!tpu.dma_semaphore, #tpu.memory_space<semaphore_mem>>)
          %dma_wait3A = arith.constant 0 : i32
          %dma_wait3A_244 = tpu.memref_slice %arg17[%mul3A_229, %dma_wait3A] : memref<32x128xi32, #tpu.memory_space<vmem>> -> memref<16x128xi32, #tpu.memory_space<vmem>>
          %dma_wait3A_245 = arith.constant 0 : i32
          %dma_wait3A_246 = tpu.memref_slice %arg2[%add3A_232, %dma_wait3A_245] : memref<6408x128xi32, #tpu.memory_space<hbm>> -> memref<16x128xi32, #tpu.memory_space<hbm>>
          %dma_wait3A_247 = arith.constant 0 : i32
          %dma_wait3A_248 = tpu.memref_slice %arg17[%mul3A_229, %dma_wait3A_247] : memref<32x128xi32, #tpu.memory_space<vmem>> -> memref<16x128xi32, #tpu.memory_space<vmem>>
          %dma_wait3A_249 = arith.constant 0 : i32
          %dma_wait3A_250 = tpu.memref_slice %arg2[%add3A_232, %dma_wait3A_249] : memref<6408x128xi32, #tpu.memory_space<hbm>> -> memref<16x128xi32, #tpu.memory_space<hbm>>
          tpu.wait_dma2 semaphore(%run_scoped3A : memref<!tpu.dma_semaphore, #tpu.memory_space<semaphore_mem>>) src(%dma_wait3A_250 : memref<16x128xi32, #tpu.memory_space<hbm>>) dst(%dma_wait3A_248 : memref<16x128xi32, #tpu.memory_space<vmem>>)
          tpu.yield
        }) : () -> ()
        %mul3A_233 = arith.constant 16 : i32
        %mul3A_234 = arith.muli %select_n3A_211, %mul3A_233 : i32
        %add3A_235 = arith.addi %mul3A_20, %mul3A_234 : i32
        "tpu.region"() ({
          %run_scoped3A = tpu.sem_alloc : memref<!tpu.dma_semaphore, #tpu.memory_space<semaphore_mem>>
          %dma_start3A_236 = arith.constant 0 : i32
          %dma_start3A_237 = tpu.memref_slice %arg18[%mul3A_229, %dma_start3A_236] : memref<32x128xi32, #tpu.memory_space<vmem>> -> memref<16x128xi32, #tpu.memory_space<vmem>>
          %dma_start3A_238 = arith.constant 0 : i32
          %dma_start3A_239 = tpu.memref_slice %arg3[%add3A_235, %dma_start3A_238] : memref<6408x128xi32, #tpu.memory_space<hbm>> -> memref<16x128xi32, #tpu.memory_space<hbm>>
          %dma_start3A_240 = arith.constant 0 : i32
          %dma_start3A_241 = tpu.memref_slice %arg18[%mul3A_229, %dma_start3A_240] : memref<32x128xi32, #tpu.memory_space<vmem>> -> memref<16x128xi32, #tpu.memory_space<vmem>>
          %dma_start3A_242 = arith.constant 0 : i32
          %dma_start3A_243 = tpu.memref_slice %arg3[%add3A_235, %dma_start3A_242] : memref<6408x128xi32, #tpu.memory_space<hbm>> -> memref<16x128xi32, #tpu.memory_space<hbm>>
          tpu.enqueue_dma source(%dma_start3A_243 : memref<16x128xi32, #tpu.memory_space<hbm>>) target(%dma_start3A_241 : memref<16x128xi32, #tpu.memory_space<vmem>>) target_semaphore(%run_scoped3A : memref<!tpu.dma_semaphore, #tpu.memory_space<semaphore_mem>>)
          %dma_wait3A = arith.constant 0 : i32
          %dma_wait3A_244 = tpu.memref_slice %arg18[%mul3A_229, %dma_wait3A] : memref<32x128xi32, #tpu.memory_space<vmem>> -> memref<16x128xi32, #tpu.memory_space<vmem>>
          %dma_wait3A_245 = arith.constant 0 : i32
          %dma_wait3A_246 = tpu.memref_slice %arg3[%add3A_235, %dma_wait3A_245] : memref<6408x128xi32, #tpu.memory_space<hbm>> -> memref<16x128xi32, #tpu.memory_space<hbm>>
          %dma_wait3A_247 = arith.constant 0 : i32
          %dma_wait3A_248 = tpu.memref_slice %arg18[%mul3A_229, %dma_wait3A_247] : memref<32x128xi32, #tpu.memory_space<vmem>> -> memref<16x128xi32, #tpu.memory_space<vmem>>
          %dma_wait3A_249 = arith.constant 0 : i32
          %dma_wait3A_250 = tpu.memref_slice %arg3[%add3A_235, %dma_wait3A_249] : memref<6408x128xi32, #tpu.memory_space<hbm>> -> memref<16x128xi32, #tpu.memory_space<hbm>>
          tpu.wait_dma2 semaphore(%run_scoped3A : memref<!tpu.dma_semaphore, #tpu.memory_space<semaphore_mem>>) src(%dma_wait3A_250 : memref<16x128xi32, #tpu.memory_space<hbm>>) dst(%dma_wait3A_248 : memref<16x128xi32, #tpu.memory_space<vmem>>)
          tpu.yield
        }) : () -> ()
      } else {
      }
      %ge3A_90 = arith.constant 2 : i32
      %ge3A_91 = arith.cmpi sge, %while3A_65, %ge3A_90 : i32
      %convert_element_type3A_92 = arith.extui %ge3A_91 : i1 to i32
      %cond3A_93 = arith.constant 0 : i32
      %cond3A_94 = arith.cmpi ne, %convert_element_type3A_92, %cond3A_93 : i32
      scf.if %cond3A_94 {
        %dma_wait3A = arith.constant 0 : i32
        %dma_wait3A_188 = arith.constant 0 : i32
        %dma_wait3A_189 = tpu.memref_slice %arg19[%dma_wait3A_188] : memref<256xf32, #tpu.memory_space<vmem>> -> memref<128xf32, #tpu.memory_space<vmem>>
        %dma_wait3A_190 = arith.constant 0 : i32
        %dma_wait3A_191 = tpu.memref_slice %arg11[%dma_wait3A, %dma_wait3A_190] : memref<6250x128xf32, #tpu.memory_space<hbm>> -> memref<1x128xf32, #tpu.memory_space<hbm>>
        %dma_wait3A_192 = tpu.memref_squeeze %dma_wait3A_191 : memref<1x128xf32, #tpu.memory_space<hbm>> -> memref<128xf32, #tpu.memory_space<hbm>>
        %dma_wait3A_193 = arith.constant 0 : i32
        %dma_wait3A_194 = tpu.memref_slice %arg11[%dma_wait3A, %dma_wait3A_193] : memref<6250x128xf32, #tpu.memory_space<hbm>> -> memref<1x128xf32, #tpu.memory_space<hbm>>
        %dma_wait3A_195 = tpu.memref_squeeze %dma_wait3A_194 : memref<1x128xf32, #tpu.memory_space<hbm>> -> memref<128xf32, #tpu.memory_space<hbm>>
        %dma_wait3A_196 = arith.constant 0 : i32
        %dma_wait3A_197 = tpu.memref_slice %arg19[%dma_wait3A_196] : memref<256xf32, #tpu.memory_space<vmem>> -> memref<128xf32, #tpu.memory_space<vmem>>
        tpu.wait_dma2 semaphore(%arg23 : memref<!tpu.dma_semaphore, #tpu.memory_space<semaphore_mem>>) src(%dma_wait3A_197 : memref<128xf32, #tpu.memory_space<vmem>>) dst(%dma_wait3A_195 : memref<128xf32, #tpu.memory_space<hbm>>)
      } else {
      }
      %jit3A_95 = arith.constant 16 : i32
      %div3A_96 = arith.divsi %while3A_65, %jit3A_95 : i32
      %sign3A_97 = arith.constant 0 : i32
      %sign3A_98 = arith.cmpi sgt, %while3A_65, %sign3A_97 : i32
      %sign3A_99 = arith.extui %sign3A_98 : i1 to i32
      %sign3A_100 = arith.constant 0 : i32
      %sign3A_101 = arith.cmpi slt, %while3A_65, %sign3A_100 : i32
      %sign3A_102 = arith.extui %sign3A_101 : i1 to i32
      %sign3A_103 = arith.subi %sign3A_99, %sign3A_102 : i32
      %sign3A_104 = arith.constant 0 : i32
      %sign3A_105 = arith.cmpi sgt, %jit3A_95, %sign3A_104 : i32
      %sign3A_106 = arith.extui %sign3A_105 : i1 to i32
      %sign3A_107 = arith.constant 0 : i32
      %sign3A_108 = arith.cmpi slt, %jit3A_95, %sign3A_107 : i32
      %sign3A_109 = arith.extui %sign3A_108 : i1 to i32
      %sign3A_110 = arith.subi %sign3A_106, %sign3A_109 : i32
      %ne3A_111 = arith.cmpi ne, %sign3A_103, %sign3A_110 : i32
      %rem3A_112 = arith.remsi %while3A_65, %jit3A_95 : i32
      %ne3A_113 = arith.constant 0 : i32
      %ne3A_114 = arith.cmpi ne, %rem3A_112, %ne3A_113 : i32
      %and3A_115 = arith.andi %ne3A_111, %ne3A_114 : i1
      %sub3A_116 = arith.constant 1 : i32
      %sub3A_117 = arith.subi %div3A_96, %sub3A_116 : i32
      %select_n3A_118 = arith.select %and3A_115, %sub3A_117, %div3A_96 : i32
      %jit3A_119 = arith.constant 2 : i32
      %eq3A_120 = arith.constant 0 : i32
      %eq3A_121 = arith.cmpi eq, %jit3A_119, %eq3A_120 : i32
      %jit3A_122 = arith.constant 1 : i32
      %select_n3A_123 = arith.select %eq3A_121, %jit3A_122, %jit3A_119 : i32
      %rem3A_124 = arith.remsi %select_n3A_118, %select_n3A_123 : i32
      %ne3A_125 = arith.constant 0 : i32
      %ne3A_126 = arith.cmpi ne, %rem3A_124, %ne3A_125 : i32
      %lt3A_127 = arith.constant 0 : i32
      %lt3A_128 = arith.cmpi slt, %rem3A_124, %lt3A_127 : i32
      %lt3A_129 = arith.constant 0 : i32
      %lt3A_130 = arith.cmpi slt, %select_n3A_123, %lt3A_129 : i32
      %ne3A_131 = arith.xori %lt3A_128, %lt3A_130 : i1
      %and3A_132 = arith.andi %ne3A_131, %ne3A_126 : i1
      %add3A_133 = arith.addi %rem3A_124, %select_n3A_123 : i32
      %select_n3A_134 = arith.select %and3A_132, %add3A_133, %rem3A_124 : i32
      %mul3A_135 = arith.constant 16 : i32
      %mul3A_136 = arith.muli %select_n3A_134, %mul3A_135 : i32
      %jit3A_137 = arith.constant 16 : i32
      %eq3A_138 = arith.constant 0 : i32
      %eq3A_139 = arith.cmpi eq, %jit3A_137, %eq3A_138 : i32
      %jit3A_140 = arith.constant 1 : i32
      %select_n3A_141 = arith.select %eq3A_139, %jit3A_140, %jit3A_137 : i32
      %rem3A_142 = arith.remsi %while3A_65, %select_n3A_141 : i32
      %ne3A_143 = arith.constant 0 : i32
      %ne3A_144 = arith.cmpi ne, %rem3A_142, %ne3A_143 : i32
      %lt3A_145 = arith.constant 0 : i32
      %lt3A_146 = arith.cmpi slt, %rem3A_142, %lt3A_145 : i32
      %lt3A_147 = arith.constant 0 : i32
      %lt3A_148 = arith.cmpi slt, %select_n3A_141, %lt3A_147 : i32
      %ne3A_149 = arith.xori %lt3A_146, %lt3A_148 : i1
      %and3A_150 = arith.andi %ne3A_149, %ne3A_144 : i1
      %add3A_151 = arith.addi %rem3A_142, %select_n3A_141 : i32
      %select_n3A_152 = arith.select %and3A_150, %add3A_151, %rem3A_142 : i32
      %add3A_153 = arith.addi %mul3A_136, %select_n3A_152 : i32
      %jit3A_154 = arith.constant 2 : i32
      %eq3A_155 = arith.constant 0 : i32
      %eq3A_156 = arith.cmpi eq, %jit3A_154, %eq3A_155 : i32
      %jit3A_157 = arith.constant 1 : i32
      %select_n3A_158 = arith.select %eq3A_156, %jit3A_157, %jit3A_154 : i32
      %rem3A_159 = arith.remsi %while3A_65, %select_n3A_158 : i32
      %ne3A_160 = arith.constant 0 : i32
      %ne3A_161 = arith.cmpi ne, %rem3A_159, %ne3A_160 : i32
      %lt3A_162 = arith.constant 0 : i32
      %lt3A_163 = arith.cmpi slt, %rem3A_159, %lt3A_162 : i32
      %lt3A_164 = arith.constant 0 : i32
      %lt3A_165 = arith.cmpi slt, %select_n3A_158, %lt3A_164 : i32
      %ne3A_166 = arith.xori %lt3A_163, %lt3A_165 : i1
      %and3A_167 = arith.andi %ne3A_166, %ne3A_161 : i1
      %add3A_168 = arith.addi %rem3A_159, %select_n3A_158 : i32
      %select_n3A_169 = arith.select %and3A_167, %add3A_168, %rem3A_159 : i32
      %mul3A_170 = arith.constant 128 : i32
      %mul3A_171 = arith.muli %select_n3A_169, %mul3A_170 : i32
      %scan3A_172 = arith.constant 0 : i32
      %scan3A_173 = arith.constant 0 : i32
      %scan3A_174 = arith.constant 8 : i32
      %scan3A_175 = arith.addi %scan3A_173, %scan3A_174 : i32
      %scan3A_176 = arith.constant 1 : i32
      %scan3A_177 = scf.for %scan3A_188 = %scan3A_173 to %scan3A_175 step %scan3A_176 iter_args(%scan3A_189 = %scan3A_172) -> (i32)  : i32 {
        %mul3A_190 = arith.constant 16 : i32
        %mul3A_191 = arith.muli %scan3A_188, %mul3A_190 : i32
        %get3A_192 = arith.index_cast %add3A_153 : i32 to index
        %get3A_193 = arith.index_cast %mul3A_191 : i32 to index
        %get3A_194 = tpu.vector_load %arg17[%get3A_192, %get3A_193] {strides = array<i32>} : memref<32x128xi32, #tpu.memory_space<vmem>>, vector<16xi32>,
        %gather3A = tpu.vector_load_idx %arg12[%get3A_194] : memref<50176xf32, #tpu.memory_space<vmem>>[vector<16xi32>], vector<16xf32>,
        %mul3A_195 = arith.constant 16 : i32
        %mul3A_196 = arith.muli %scan3A_188, %mul3A_195 : i32
        %get3A_197 = arith.index_cast %add3A_153 : i32 to index
        %get3A_198 = arith.index_cast %mul3A_196 : i32 to index
        %get3A_199 = tpu.vector_load %arg18[%get3A_197, %get3A_198] {strides = array<i32>} : memref<32x128xi32, #tpu.memory_space<vmem>>, vector<16xi32>,
        %gather3A_200 = tpu.vector_load_idx %arg13[%get3A_199] : memref<50176xf32, #tpu.memory_space<vmem>>[vector<16xi32>], vector<16xf32>,
        %add3A_201 = arith.addf %gather3A, %gather3A_200 : vector<16xf32>
        %mul3A_202 = arith.constant 16 : i32
        %mul3A_203 = arith.muli %scan3A_188, %mul3A_202 : i32
        %add3A_204 = arith.addi %mul3A_171, %mul3A_203 : i32
        %swap3A = arith.index_cast %add3A_204 : i32 to index
        %swap3A_205 = tpu.vector_load %arg19[%swap3A] {strides = array<i32>} : memref<256xf32, #tpu.memory_space<vmem>>, vector<16xf32>,
        tpu.vector_store %arg19[%swap3A], %add3A_201 {strides = array<i32>} : memref<256xf32, #tpu.memory_space<vmem>>, vector<16xf32>,
        %scan3A_206 = arith.constant 0 : i32
        scf.yield %scan3A_206 : i32
      }
      %scan3A_178 = arith.constant 8 : i32
      %add3A_179 = arith.addi %mul3A_20, %while3A_65 : i32
      %dma_start3A = tpu.memref_slice %arg19[%mul3A_171] : memref<256xf32, #tpu.memory_space<vmem>> -> memref<128xf32, #tpu.memory_space<vmem>>
      %dma_start3A_180 = arith.constant 0 : i32
      %dma_start3A_181 = tpu.memref_slice %arg11[%add3A_179, %dma_start3A_180] : memref<6250x128xf32, #tpu.memory_space<hbm>> -> memref<1x128xf32, #tpu.memory_space<hbm>>
      %dma_start3A_182 = tpu.memref_squeeze %dma_start3A_181 : memref<1x128xf32, #tpu.memory_space<hbm>> -> memref<128xf32, #tpu.memory_space<hbm>>
      %dma_start3A_183 = arith.constant 0 : i32
      %dma_start3A_184 = tpu.memref_slice %arg11[%add3A_179, %dma_start3A_183] : memref<6250x128xf32, #tpu.memory_space<hbm>> -> memref<1x128xf32, #tpu.memory_space<hbm>>
      %dma_start3A_185 = tpu.memref_squeeze %dma_start3A_184 : memref<1x128xf32, #tpu.memory_space<hbm>> -> memref<128xf32, #tpu.memory_space<hbm>>
      %dma_start3A_186 = tpu.memref_slice %arg19[%mul3A_171] : memref<256xf32, #tpu.memory_space<vmem>> -> memref<128xf32, #tpu.memory_space<vmem>>
      tpu.enqueue_dma source(%dma_start3A_186 : memref<128xf32, #tpu.memory_space<vmem>>) target(%dma_start3A_185 : memref<128xf32, #tpu.memory_space<hbm>>) target_semaphore(%arg23 : memref<!tpu.dma_semaphore, #tpu.memory_space<semaphore_mem>>)
      %while3A_187 = arith.constant 0 : i32
      scf.yield %while3A_187 : i32
    }
    %while3A_54 = arith.constant 1 : i32
    %while3A_55 = scf.for %while3A_65 = %while3A_51 to %while3A_47 step %while3A_54 iter_args(%while3A_66 = %while3A_53) -> (i32)  : i32 {
      %add3A_67 = arith.constant 1 : i32
      %add3A_68 = arith.addi %while3A_65, %add3A_67 : i32
      %lt3A = arith.cmpi slt, %add3A_68, %min3A_42 : i32
      %jit3A_69 = arith.constant 16 : i32
      %eq3A = arith.constant 0 : i32
      %eq3A_70 = arith.cmpi eq, %jit3A_69, %eq3A : i32
      %jit3A_71 = arith.constant 1 : i32
      %select_n3A_72 = arith.select %eq3A_70, %jit3A_71, %jit3A_69 : i32
      %rem3A_73 = arith.remsi %add3A_68, %select_n3A_72 : i32
      %ne3A_74 = arith.constant 0 : i32
      %ne3A_75 = arith.cmpi ne, %rem3A_73, %ne3A_74 : i32
      %lt3A_76 = arith.constant 0 : i32
      %lt3A_77 = arith.cmpi slt, %rem3A_73, %lt3A_76 : i32
      %lt3A_78 = arith.constant 0 : i32
      %lt3A_79 = arith.cmpi slt, %select_n3A_72, %lt3A_78 : i32
      %ne3A_80 = arith.xori %lt3A_77, %lt3A_79 : i1
      %and3A_81 = arith.andi %ne3A_80, %ne3A_75 : i1
      %add3A_82 = arith.addi %rem3A_73, %select_n3A_72 : i32
      %select_n3A_83 = arith.select %and3A_81, %add3A_82, %rem3A_73 : i32
      %eq3A_84 = arith.constant 0 : i32
      %eq3A_85 = arith.cmpi eq, %select_n3A_83, %eq3A_84 : i32
      %and3A_86 = arith.andi %lt3A, %eq3A_85 : i1
      %convert_element_type3A_87 = arith.extui %and3A_86 : i1 to i32
      %cond3A_88 = arith.constant 0 : i32
      %cond3A_89 = arith.cmpi ne, %convert_element_type3A_87, %cond3A_88 : i32
      scf.if %cond3A_89 {
        %jit3A_188 = arith.constant 16 : i32
        %div3A_189 = arith.divsi %add3A_68, %jit3A_188 : i32
        %sign3A_190 = arith.constant 0 : i32
        %sign3A_191 = arith.cmpi sgt, %add3A_68, %sign3A_190 : i32
        %sign3A_192 = arith.extui %sign3A_191 : i1 to i32
        %sign3A_193 = arith.constant 0 : i32
        %sign3A_194 = arith.cmpi slt, %add3A_68, %sign3A_193 : i32
        %sign3A_195 = arith.extui %sign3A_194 : i1 to i32
        %sign3A_196 = arith.subi %sign3A_192, %sign3A_195 : i32
        %sign3A_197 = arith.constant 0 : i32
        %sign3A_198 = arith.cmpi sgt, %jit3A_188, %sign3A_197 : i32
        %sign3A_199 = arith.extui %sign3A_198 : i1 to i32
        %sign3A_200 = arith.constant 0 : i32
        %sign3A_201 = arith.cmpi slt, %jit3A_188, %sign3A_200 : i32
        %sign3A_202 = arith.extui %sign3A_201 : i1 to i32
        %sign3A_203 = arith.subi %sign3A_199, %sign3A_202 : i32
        %ne3A_204 = arith.cmpi ne, %sign3A_196, %sign3A_203 : i32
        %rem3A_205 = arith.remsi %add3A_68, %jit3A_188 : i32
        %ne3A_206 = arith.constant 0 : i32
        %ne3A_207 = arith.cmpi ne, %rem3A_205, %ne3A_206 : i32
        %and3A_208 = arith.andi %ne3A_204, %ne3A_207 : i1
        %sub3A_209 = arith.constant 1 : i32
        %sub3A_210 = arith.subi %div3A_189, %sub3A_209 : i32
        %select_n3A_211 = arith.select %and3A_208, %sub3A_210, %div3A_189 : i32
        %jit3A_212 = arith.constant 2 : i32
        %eq3A_213 = arith.constant 0 : i32
        %eq3A_214 = arith.cmpi eq, %jit3A_212, %eq3A_213 : i32
        %jit3A_215 = arith.constant 1 : i32
        %select_n3A_216 = arith.select %eq3A_214, %jit3A_215, %jit3A_212 : i32
        %rem3A_217 = arith.remsi %select_n3A_211, %select_n3A_216 : i32
        %ne3A_218 = arith.constant 0 : i32
        %ne3A_219 = arith.cmpi ne, %rem3A_217, %ne3A_218 : i32
        %lt3A_220 = arith.constant 0 : i32
        %lt3A_221 = arith.cmpi slt, %rem3A_217, %lt3A_220 : i32
        %lt3A_222 = arith.constant 0 : i32
        %lt3A_223 = arith.cmpi slt, %select_n3A_216, %lt3A_222 : i32
        %ne3A_224 = arith.xori %lt3A_221, %lt3A_223 : i1
        %and3A_225 = arith.andi %ne3A_224, %ne3A_219 : i1
        %add3A_226 = arith.addi %rem3A_217, %select_n3A_216 : i32
        %select_n3A_227 = arith.select %and3A_225, %add3A_226, %rem3A_217 : i32
        %mul3A_228 = arith.constant 16 : i32
        %mul3A_229 = arith.muli %select_n3A_227, %mul3A_228 : i32
        %mul3A_230 = arith.constant 16 : i32
        %mul3A_231 = arith.muli %select_n3A_211, %mul3A_230 : i32
        %add3A_232 = arith.addi %mul3A_20, %mul3A_231 : i32
        "tpu.region"() ({
          %run_scoped3A = tpu.sem_alloc : memref<!tpu.dma_semaphore, #tpu.memory_space<semaphore_mem>>
          %dma_start3A_236 = arith.constant 0 : i32
          %dma_start3A_237 = tpu.memref_slice %arg17[%mul3A_229, %dma_start3A_236] : memref<32x128xi32, #tpu.memory_space<vmem>> -> memref<16x128xi32, #tpu.memory_space<vmem>>
          %dma_start3A_238 = arith.constant 0 : i32
          %dma_start3A_239 = tpu.memref_slice %arg2[%add3A_232, %dma_start3A_238] : memref<6408x128xi32, #tpu.memory_space<hbm>> -> memref<16x128xi32, #tpu.memory_space<hbm>>
          %dma_start3A_240 = arith.constant 0 : i32
          %dma_start3A_241 = tpu.memref_slice %arg17[%mul3A_229, %dma_start3A_240] : memref<32x128xi32, #tpu.memory_space<vmem>> -> memref<16x128xi32, #tpu.memory_space<vmem>>
          %dma_start3A_242 = arith.constant 0 : i32
          %dma_start3A_243 = tpu.memref_slice %arg2[%add3A_232, %dma_start3A_242] : memref<6408x128xi32, #tpu.memory_space<hbm>> -> memref<16x128xi32, #tpu.memory_space<hbm>>
          tpu.enqueue_dma source(%dma_start3A_243 : memref<16x128xi32, #tpu.memory_space<hbm>>) target(%dma_start3A_241 : memref<16x128xi32, #tpu.memory_space<vmem>>) target_semaphore(%run_scoped3A : memref<!tpu.dma_semaphore, #tpu.memory_space<semaphore_mem>>)
          %dma_wait3A = arith.constant 0 : i32
          %dma_wait3A_244 = tpu.memref_slice %arg17[%mul3A_229, %dma_wait3A] : memref<32x128xi32, #tpu.memory_space<vmem>> -> memref<16x128xi32, #tpu.memory_space<vmem>>
          %dma_wait3A_245 = arith.constant 0 : i32
          %dma_wait3A_246 = tpu.memref_slice %arg2[%add3A_232, %dma_wait3A_245] : memref<6408x128xi32, #tpu.memory_space<hbm>> -> memref<16x128xi32, #tpu.memory_space<hbm>>
          %dma_wait3A_247 = arith.constant 0 : i32
          %dma_wait3A_248 = tpu.memref_slice %arg17[%mul3A_229, %dma_wait3A_247] : memref<32x128xi32, #tpu.memory_space<vmem>> -> memref<16x128xi32, #tpu.memory_space<vmem>>
          %dma_wait3A_249 = arith.constant 0 : i32
          %dma_wait3A_250 = tpu.memref_slice %arg2[%add3A_232, %dma_wait3A_249] : memref<6408x128xi32, #tpu.memory_space<hbm>> -> memref<16x128xi32, #tpu.memory_space<hbm>>
          tpu.wait_dma2 semaphore(%run_scoped3A : memref<!tpu.dma_semaphore, #tpu.memory_space<semaphore_mem>>) src(%dma_wait3A_250 : memref<16x128xi32, #tpu.memory_space<hbm>>) dst(%dma_wait3A_248 : memref<16x128xi32, #tpu.memory_space<vmem>>)
          tpu.yield
        }) : () -> ()
        %mul3A_233 = arith.constant 16 : i32
        %mul3A_234 = arith.muli %select_n3A_211, %mul3A_233 : i32
        %add3A_235 = arith.addi %mul3A_20, %mul3A_234 : i32
        "tpu.region"() ({
          %run_scoped3A = tpu.sem_alloc : memref<!tpu.dma_semaphore, #tpu.memory_space<semaphore_mem>>
          %dma_start3A_236 = arith.constant 0 : i32
          %dma_start3A_237 = tpu.memref_slice %arg18[%mul3A_229, %dma_start3A_236] : memref<32x128xi32, #tpu.memory_space<vmem>> -> memref<16x128xi32, #tpu.memory_space<vmem>>
          %dma_start3A_238 = arith.constant 0 : i32
          %dma_start3A_239 = tpu.memref_slice %arg3[%add3A_235, %dma_start3A_238] : memref<6408x128xi32, #tpu.memory_space<hbm>> -> memref<16x128xi32, #tpu.memory_space<hbm>>
          %dma_start3A_240 = arith.constant 0 : i32
          %dma_start3A_241 = tpu.memref_slice %arg18[%mul3A_229, %dma_start3A_240] : memref<32x128xi32, #tpu.memory_space<vmem>> -> memref<16x128xi32, #tpu.memory_space<vmem>>
          %dma_start3A_242 = arith.constant 0 : i32
          %dma_start3A_243 = tpu.memref_slice %arg3[%add3A_235, %dma_start3A_242] : memref<6408x128xi32, #tpu.memory_space<hbm>> -> memref<16x128xi32, #tpu.memory_space<hbm>>
          tpu.enqueue_dma source(%dma_start3A_243 : memref<16x128xi32, #tpu.memory_space<hbm>>) target(%dma_start3A_241 : memref<16x128xi32, #tpu.memory_space<vmem>>) target_semaphore(%run_scoped3A : memref<!tpu.dma_semaphore, #tpu.memory_space<semaphore_mem>>)
          %dma_wait3A = arith.constant 0 : i32
          %dma_wait3A_244 = tpu.memref_slice %arg18[%mul3A_229, %dma_wait3A] : memref<32x128xi32, #tpu.memory_space<vmem>> -> memref<16x128xi32, #tpu.memory_space<vmem>>
          %dma_wait3A_245 = arith.constant 0 : i32
          %dma_wait3A_246 = tpu.memref_slice %arg3[%add3A_235, %dma_wait3A_245] : memref<6408x128xi32, #tpu.memory_space<hbm>> -> memref<16x128xi32, #tpu.memory_space<hbm>>
          %dma_wait3A_247 = arith.constant 0 : i32
          %dma_wait3A_248 = tpu.memref_slice %arg18[%mul3A_229, %dma_wait3A_247] : memref<32x128xi32, #tpu.memory_space<vmem>> -> memref<16x128xi32, #tpu.memory_space<vmem>>
          %dma_wait3A_249 = arith.constant 0 : i32
          %dma_wait3A_250 = tpu.memref_slice %arg3[%add3A_235, %dma_wait3A_249] : memref<6408x128xi32, #tpu.memory_space<hbm>> -> memref<16x128xi32, #tpu.memory_space<hbm>>
          tpu.wait_dma2 semaphore(%run_scoped3A : memref<!tpu.dma_semaphore, #tpu.memory_space<semaphore_mem>>) src(%dma_wait3A_250 : memref<16x128xi32, #tpu.memory_space<hbm>>) dst(%dma_wait3A_248 : memref<16x128xi32, #tpu.memory_space<vmem>>)
          tpu.yield
        }) : () -> ()
      } else {
      }
      %ge3A_90 = arith.constant 2 : i32
      %ge3A_91 = arith.cmpi sge, %while3A_65, %ge3A_90 : i32
      %convert_element_type3A_92 = arith.extui %ge3A_91 : i1 to i32
      %cond3A_93 = arith.constant 0 : i32
      %cond3A_94 = arith.cmpi ne, %convert_element_type3A_92, %cond3A_93 : i32
      scf.if %cond3A_94 {
        %dma_wait3A = arith.constant 0 : i32
        %dma_wait3A_188 = arith.constant 0 : i32
        %dma_wait3A_189 = tpu.memref_slice %arg19[%dma_wait3A_188] : memref<256xf32, #tpu.memory_space<vmem>> -> memref<128xf32, #tpu.memory_space<vmem>>
        %dma_wait3A_190 = arith.constant 0 : i32
        %dma_wait3A_191 = tpu.memref_slice %arg11[%dma_wait3A, %dma_wait3A_190] : memref<6250x128xf32, #tpu.memory_space<hbm>> -> memref<1x128xf32, #tpu.memory_space<hbm>>
        %dma_wait3A_192 = tpu.memref_squeeze %dma_wait3A_191 : memref<1x128xf32, #tpu.memory_space<hbm>> -> memref<128xf32, #tpu.memory_space<hbm>>
        %dma_wait3A_193 = arith.constant 0 : i32
        %dma_wait3A_194 = tpu.memref_slice %arg11[%dma_wait3A, %dma_wait3A_193] : memref<6250x128xf32, #tpu.memory_space<hbm>> -> memref<1x128xf32, #tpu.memory_space<hbm>>
        %dma_wait3A_195 = tpu.memref_squeeze %dma_wait3A_194 : memref<1x128xf32, #tpu.memory_space<hbm>> -> memref<128xf32, #tpu.memory_space<hbm>>
        %dma_wait3A_196 = arith.constant 0 : i32
        %dma_wait3A_197 = tpu.memref_slice %arg19[%dma_wait3A_196] : memref<256xf32, #tpu.memory_space<vmem>> -> memref<128xf32, #tpu.memory_space<vmem>>
        tpu.wait_dma2 semaphore(%arg23 : memref<!tpu.dma_semaphore, #tpu.memory_space<semaphore_mem>>) src(%dma_wait3A_197 : memref<128xf32, #tpu.memory_space<vmem>>) dst(%dma_wait3A_195 : memref<128xf32, #tpu.memory_space<hbm>>)
      } else {
      }
      %jit3A_95 = arith.constant 16 : i32
      %div3A_96 = arith.divsi %while3A_65, %jit3A_95 : i32
      %sign3A_97 = arith.constant 0 : i32
      %sign3A_98 = arith.cmpi sgt, %while3A_65, %sign3A_97 : i32
      %sign3A_99 = arith.extui %sign3A_98 : i1 to i32
      %sign3A_100 = arith.constant 0 : i32
      %sign3A_101 = arith.cmpi slt, %while3A_65, %sign3A_100 : i32
      %sign3A_102 = arith.extui %sign3A_101 : i1 to i32
      %sign3A_103 = arith.subi %sign3A_99, %sign3A_102 : i32
      %sign3A_104 = arith.constant 0 : i32
      %sign3A_105 = arith.cmpi sgt, %jit3A_95, %sign3A_104 : i32
      %sign3A_106 = arith.extui %sign3A_105 : i1 to i32
      %sign3A_107 = arith.constant 0 : i32
      %sign3A_108 = arith.cmpi slt, %jit3A_95, %sign3A_107 : i32
      %sign3A_109 = arith.extui %sign3A_108 : i1 to i32
      %sign3A_110 = arith.subi %sign3A_106, %sign3A_109 : i32
      %ne3A_111 = arith.cmpi ne, %sign3A_103, %sign3A_110 : i32
      %rem3A_112 = arith.remsi %while3A_65, %jit3A_95 : i32
      %ne3A_113 = arith.constant 0 : i32
      %ne3A_114 = arith.cmpi ne, %rem3A_112, %ne3A_113 : i32
      %and3A_115 = arith.andi %ne3A_111, %ne3A_114 : i1
      %sub3A_116 = arith.constant 1 : i32
      %sub3A_117 = arith.subi %div3A_96, %sub3A_116 : i32
      %select_n3A_118 = arith.select %and3A_115, %sub3A_117, %div3A_96 : i32
      %jit3A_119 = arith.constant 2 : i32
      %eq3A_120 = arith.constant 0 : i32
      %eq3A_121 = arith.cmpi eq, %jit3A_119, %eq3A_120 : i32
      %jit3A_122 = arith.constant 1 : i32
      %select_n3A_123 = arith.select %eq3A_121, %jit3A_122, %jit3A_119 : i32
      %rem3A_124 = arith.remsi %select_n3A_118, %select_n3A_123 : i32
      %ne3A_125 = arith.constant 0 : i32
      %ne3A_126 = arith.cmpi ne, %rem3A_124, %ne3A_125 : i32
      %lt3A_127 = arith.constant 0 : i32
      %lt3A_128 = arith.cmpi slt, %rem3A_124, %lt3A_127 : i32
      %lt3A_129 = arith.constant 0 : i32
      %lt3A_130 = arith.cmpi slt, %select_n3A_123, %lt3A_129 : i32
      %ne3A_131 = arith.xori %lt3A_128, %lt3A_130 : i1
      %and3A_132 = arith.andi %ne3A_131, %ne3A_126 : i1
      %add3A_133 = arith.addi %rem3A_124, %select_n3A_123 : i32
      %select_n3A_134 = arith.select %and3A_132, %add3A_133, %rem3A_124 : i32
      %mul3A_135 = arith.constant 16 : i32
      %mul3A_136 = arith.muli %select_n3A_134, %mul3A_135 : i32
      %jit3A_137 = arith.constant 16 : i32
      %eq3A_138 = arith.constant 0 : i32
      %eq3A_139 = arith.cmpi eq, %jit3A_137, %eq3A_138 : i32
      %jit3A_140 = arith.constant 1 : i32
      %select_n3A_141 = arith.select %eq3A_139, %jit3A_140, %jit3A_137 : i32
      %rem3A_142 = arith.remsi %while3A_65, %select_n3A_141 : i32
      %ne3A_143 = arith.constant 0 : i32
      %ne3A_144 = arith.cmpi ne, %rem3A_142, %ne3A_143 : i32
      %lt3A_145 = arith.constant 0 : i32
      %lt3A_146 = arith.cmpi slt, %rem3A_142, %lt3A_145 : i32
      %lt3A_147 = arith.constant 0 : i32
      %lt3A_148 = arith.cmpi slt, %select_n3A_141, %lt3A_147 : i32
      %ne3A_149 = arith.xori %lt3A_146, %lt3A_148 : i1
      %and3A_150 = arith.andi %ne3A_149, %ne3A_144 : i1
      %add3A_151 = arith.addi %rem3A_142, %select_n3A_141 : i32
      %select_n3A_152 = arith.select %and3A_150, %add3A_151, %rem3A_142 : i32
      %add3A_153 = arith.addi %mul3A_136, %select_n3A_152 : i32
      %jit3A_154 = arith.constant 2 : i32
      %eq3A_155 = arith.constant 0 : i32
      %eq3A_156 = arith.cmpi eq, %jit3A_154, %eq3A_155 : i32
      %jit3A_157 = arith.constant 1 : i32
      %select_n3A_158 = arith.select %eq3A_156, %jit3A_157, %jit3A_154 : i32
      %rem3A_159 = arith.remsi %while3A_65, %select_n3A_158 : i32
      %ne3A_160 = arith.constant 0 : i32
      %ne3A_161 = arith.cmpi ne, %rem3A_159, %ne3A_160 : i32
      %lt3A_162 = arith.constant 0 : i32
      %lt3A_163 = arith.cmpi slt, %rem3A_159, %lt3A_162 : i32
      %lt3A_164 = arith.constant 0 : i32
      %lt3A_165 = arith.cmpi slt, %select_n3A_158, %lt3A_164 : i32
      %ne3A_166 = arith.xori %lt3A_163, %lt3A_165 : i1
      %and3A_167 = arith.andi %ne3A_166, %ne3A_161 : i1
      %add3A_168 = arith.addi %rem3A_159, %select_n3A_158 : i32
      %select_n3A_169 = arith.select %and3A_167, %add3A_168, %rem3A_159 : i32
      %mul3A_170 = arith.constant 128 : i32
      %mul3A_171 = arith.muli %select_n3A_169, %mul3A_170 : i32
      %scan3A_172 = arith.constant 0 : i32
      %scan3A_173 = arith.constant 0 : i32
      %scan3A_174 = arith.constant 8 : i32
      %scan3A_175 = arith.addi %scan3A_173, %scan3A_174 : i32
      %scan3A_176 = arith.constant 1 : i32
      %scan3A_177 = scf.for %scan3A_188 = %scan3A_173 to %scan3A_175 step %scan3A_176 iter_args(%scan3A_189 = %scan3A_172) -> (i32)  : i32 {
        %mul3A_190 = arith.constant 16 : i32
        %mul3A_191 = arith.muli %scan3A_188, %mul3A_190 : i32
        %get3A_192 = arith.index_cast %add3A_153 : i32 to index
        %get3A_193 = arith.index_cast %mul3A_191 : i32 to index
        %get3A_194 = tpu.vector_load %arg17[%get3A_192, %get3A_193] {strides = array<i32>} : memref<32x128xi32, #tpu.memory_space<vmem>>, vector<16xi32>,
        %gather3A = tpu.vector_load_idx %arg12[%get3A_194] : memref<50176xf32, #tpu.memory_space<vmem>>[vector<16xi32>], vector<16xf32>,
        %mul3A_195 = arith.constant 16 : i32
        %mul3A_196 = arith.muli %scan3A_188, %mul3A_195 : i32
        %get3A_197 = arith.index_cast %add3A_153 : i32 to index
        %get3A_198 = arith.index_cast %mul3A_196 : i32 to index
        %get3A_199 = tpu.vector_load %arg18[%get3A_197, %get3A_198] {strides = array<i32>} : memref<32x128xi32, #tpu.memory_space<vmem>>, vector<16xi32>,
        %gather3A_200 = tpu.vector_load_idx %arg13[%get3A_199] : memref<50176xf32, #tpu.memory_space<vmem>>[vector<16xi32>], vector<16xf32>,
        %add3A_201 = arith.addf %gather3A, %gather3A_200 : vector<16xf32>
        %mul3A_202 = arith.constant 16 : i32
        %mul3A_203 = arith.muli %scan3A_188, %mul3A_202 : i32
        %add3A_204 = arith.addi %mul3A_171, %mul3A_203 : i32
        %swap3A = arith.index_cast %add3A_204 : i32 to index
        %swap3A_205 = tpu.vector_load %arg19[%swap3A] {strides = array<i32>} : memref<256xf32, #tpu.memory_space<vmem>>, vector<16xf32>,
        tpu.vector_store %arg19[%swap3A], %add3A_201 {strides = array<i32>} : memref<256xf32, #tpu.memory_space<vmem>>, vector<16xf32>,
        %scan3A_206 = arith.constant 0 : i32
        scf.yield %scan3A_206 : i32
      }
      %scan3A_178 = arith.constant 8 : i32
      %add3A_179 = arith.addi %mul3A_20, %while3A_65 : i32
      %dma_start3A = tpu.memref_slice %arg19[%mul3A_171] : memref<256xf32, #tpu.memory_space<vmem>> -> memref<128xf32, #tpu.memory_space<vmem>>
      %dma_start3A_180 = arith.constant 0 : i32
      %dma_start3A_181 = tpu.memref_slice %arg11[%add3A_179, %dma_start3A_180] : memref<6250x128xf32, #tpu.memory_space<hbm>> -> memref<1x128xf32, #tpu.memory_space<hbm>>
      %dma_start3A_182 = tpu.memref_squeeze %dma_start3A_181 : memref<1x128xf32, #tpu.memory_space<hbm>> -> memref<128xf32, #tpu.memory_space<hbm>>
      %dma_start3A_183 = arith.constant 0 : i32
      %dma_start3A_184 = tpu.memref_slice %arg11[%add3A_179, %dma_start3A_183] : memref<6250x128xf32, #tpu.memory_space<hbm>> -> memref<1x128xf32, #tpu.memory_space<hbm>>
      %dma_start3A_185 = tpu.memref_squeeze %dma_start3A_184 : memref<1x128xf32, #tpu.memory_space<hbm>> -> memref<128xf32, #tpu.memory_space<hbm>>
      %dma_start3A_186 = tpu.memref_slice %arg19[%mul3A_171] : memref<256xf32, #tpu.memory_space<vmem>> -> memref<128xf32, #tpu.memory_space<vmem>>
      tpu.enqueue_dma source(%dma_start3A_186 : memref<128xf32, #tpu.memory_space<vmem>>) target(%dma_start3A_185 : memref<128xf32, #tpu.memory_space<hbm>>) target_semaphore(%arg23 : memref<!tpu.dma_semaphore, #tpu.memory_space<semaphore_mem>>)
      %while3A_187 = arith.constant 0 : i32
      scf.yield %while3A_187 : i32
    }
    %ge3A = arith.constant 1 : i32
    %ge3A_56 = arith.cmpi sge, %min3A_42, %ge3A : i32
    %convert_element_type3A_57 = arith.extui %ge3A_56 : i1 to i32
    %cond3A_58 = arith.constant 0 : i32
    %cond3A_59 = arith.cmpi ne, %convert_element_type3A_57, %cond3A_58 : i32
    scf.if %cond3A_59 {
      %dma_wait3A = arith.constant 0 : i32
      %dma_wait3A_65 = arith.constant 0 : i32
      %dma_wait3A_66 = tpu.memref_slice %arg19[%dma_wait3A_65] : memref<256xf32, #tpu.memory_space<vmem>> -> memref<128xf32, #tpu.memory_space<vmem>>
      %dma_wait3A_67 = arith.constant 0 : i32
      %dma_wait3A_68 = tpu.memref_slice %arg11[%dma_wait3A, %dma_wait3A_67] : memref<6250x128xf32, #tpu.memory_space<hbm>> -> memref<1x128xf32, #tpu.memory_space<hbm>>
      %dma_wait3A_69 = tpu.memref_squeeze %dma_wait3A_68 : memref<1x128xf32, #tpu.memory_space<hbm>> -> memref<128xf32, #tpu.memory_space<hbm>>
      %dma_wait3A_70 = arith.constant 0 : i32
      %dma_wait3A_71 = tpu.memref_slice %arg11[%dma_wait3A, %dma_wait3A_70] : memref<6250x128xf32, #tpu.memory_space<hbm>> -> memref<1x128xf32, #tpu.memory_space<hbm>>
      %dma_wait3A_72 = tpu.memref_squeeze %dma_wait3A_71 : memref<1x128xf32, #tpu.memory_space<hbm>> -> memref<128xf32, #tpu.memory_space<hbm>>
      %dma_wait3A_73 = arith.constant 0 : i32
      %dma_wait3A_74 = tpu.memref_slice %arg19[%dma_wait3A_73] : memref<256xf32, #tpu.memory_space<vmem>> -> memref<128xf32, #tpu.memory_space<vmem>>
      tpu.wait_dma2 semaphore(%arg23 : memref<!tpu.dma_semaphore, #tpu.memory_space<semaphore_mem>>) src(%dma_wait3A_74 : memref<128xf32, #tpu.memory_space<vmem>>) dst(%dma_wait3A_72 : memref<128xf32, #tpu.memory_space<hbm>>)
    } else {
    }
    %ge3A_60 = arith.constant 2 : i32
    %ge3A_61 = arith.cmpi sge, %min3A_42, %ge3A_60 : i32
    %convert_element_type3A_62 = arith.extui %ge3A_61 : i1 to i32
    %cond3A_63 = arith.constant 0 : i32
    %cond3A_64 = arith.cmpi ne, %convert_element_type3A_62, %cond3A_63 : i32
    scf.if %cond3A_64 {
      %dma_wait3A = arith.constant 0 : i32
      %dma_wait3A_65 = arith.constant 0 : i32
      %dma_wait3A_66 = tpu.memref_slice %arg19[%dma_wait3A_65] : memref<256xf32, #tpu.memory_space<vmem>> -> memref<128xf32, #tpu.memory_space<vmem>>
      %dma_wait3A_67 = arith.constant 0 : i32
      %dma_wait3A_68 = tpu.memref_slice %arg11[%dma_wait3A, %dma_wait3A_67] : memref<6250x128xf32, #tpu.memory_space<hbm>> -> memref<1x128xf32, #tpu.memory_space<hbm>>
      %dma_wait3A_69 = tpu.memref_squeeze %dma_wait3A_68 : memref<1x128xf32, #tpu.memory_space<hbm>> -> memref<128xf32, #tpu.memory_space<hbm>>
      %dma_wait3A_70 = arith.constant 0 : i32
      %dma_wait3A_71 = tpu.memref_slice %arg11[%dma_wait3A, %dma_wait3A_70] : memref<6250x128xf32, #tpu.memory_space<hbm>> -> memref<1x128xf32, #tpu.memory_space<hbm>>
      %dma_wait3A_72 = tpu.memref_squeeze %dma_wait3A_71 : memref<1x128xf32, #tpu.memory_space<hbm>> -> memref<128xf32, #tpu.memory_space<hbm>>
      %dma_wait3A_73 = arith.constant 0 : i32
      %dma_wait3A_74 = tpu.memref_slice %arg19[%dma_wait3A_73] : memref<256xf32, #tpu.memory_space<vmem>> -> memref<128xf32, #tpu.memory_space<vmem>>
      tpu.wait_dma2 semaphore(%arg23 : memref<!tpu.dma_semaphore, #tpu.memory_space<semaphore_mem>>) src(%dma_wait3A_74 : memref<128xf32, #tpu.memory_space<vmem>>) dst(%dma_wait3A_72 : memref<128xf32, #tpu.memory_space<hbm>>)
    } else {
    }
    return
  }
}

module attributes {stable_mosaic.version = 14 : i64} {
  func.func @body(%arg0: i32, %arg1: memref<512x1xf32, #tpu.memory_space<vmem>>, %arg2: memref<512x1xf32, #tpu.memory_space<vmem>>, %arg3: memref<512x1xf32, #tpu.memory_space<vmem>>, %arg4: memref<16x128xf32, #tpu.memory_space<vmem>>, %arg5: memref<128x384xbf16, #tpu.memory_space<vmem>>, %arg6: memref<512x128xf32, #tpu.memory_space<vmem>>, %arg7: memref<512x128xf32, #tpu.memory_space<vmem>>, %arg8: memref<512x128xf32, #tpu.memory_space<vmem>>, %arg9: memref<512x1xf32, #tpu.memory_space<vmem>>, %arg10: memref<512x1xf32, #tpu.memory_space<vmem>>) attributes {dimension_semantics = [#tpu.dimension_semantics<arbitrary>], iteration_bounds = array<i64: 98>, scalar_prefetch = 0 : i64, scratch_operands = 0 : i64, tpu.core_type = #tpu.core_type<tc>, window_params = [{transform_indices = @transform_0, window_bounds = array<i64: 512, 1>}, {transform_indices = @transform_1, window_bounds = array<i64: 512, 1>}, {transform_indices = @transform_2, window_bounds = array<i64: 512, 1>}, {pipeline_mode = #tpu.pipeline_mode<synchronous>, transform_indices = @transform_3, window_bounds = array<i64: 16, 128>}, {pipeline_mode = #tpu.pipeline_mode<synchronous>, transform_indices = @transform_4, window_bounds = array<i64: 128, 384>}, {transform_indices = @transform_5, window_bounds = array<i64: 512, 128>}, {transform_indices = @transform_6, window_bounds = array<i64: 512, 128>}, {transform_indices = @transform_7, window_bounds = array<i64: 512, 128>}, {transform_indices = @transform_8, window_bounds = array<i64: 512, 1>}, {transform_indices = @transform_9, window_bounds = array<i64: 512, 1>}]} {
    %get3A = arith.constant 0 : index
    %get3A_0 = arith.constant 0 : index
    %get3A_1 = vector.load %arg1[%get3A, %get3A_0] : memref<512x1xf32, #tpu.memory_space<vmem>>, vector<512x1xf32>
    %get3A_2 = arith.constant 0 : index
    %get3A_3 = arith.constant 0 : index
    %get3A_4 = vector.load %arg2[%get3A_2, %get3A_3] : memref<512x1xf32, #tpu.memory_space<vmem>>, vector<512x1xf32>
    %add3A = arith.addf %get3A_1, %get3A_4 : vector<512x1xf32>
    %get3A_5 = arith.constant 0 : index
    %get3A_6 = arith.constant 0 : index
    %get3A_7 = vector.load %arg3[%get3A_5, %get3A_6] : memref<512x1xf32, #tpu.memory_space<vmem>>, vector<512x1xf32>
    %add3A_8 = arith.addf %add3A, %get3A_7 : vector<512x1xf32>
    %get3A_9 = arith.constant 0 : index
    %get3A_10 = arith.constant 0 : index
    %get3A_11 = vector.load %arg4[%get3A_9, %get3A_10] : memref<16x128xf32, #tpu.memory_space<vmem>>, vector<1x128xf32>
    %get3A_12 = arith.constant 1 : index
    %get3A_13 = arith.constant 0 : index
    %get3A_14 = vector.load %arg4[%get3A_12, %get3A_13] : memref<16x128xf32, #tpu.memory_space<vmem>>, vector<1x128xf32>
    %get3A_15 = arith.constant 3 : index
    %get3A_16 = arith.constant 0 : index
    %get3A_17 = vector.load %arg4[%get3A_15, %get3A_16] : memref<16x128xf32, #tpu.memory_space<vmem>>, vector<1x128xf32>
    %get3A_18 = arith.constant 4 : index
    %get3A_19 = arith.constant 0 : index
    %get3A_20 = vector.load %arg4[%get3A_18, %get3A_19] : memref<16x128xf32, #tpu.memory_space<vmem>>, vector<1x128xf32>
    %get3A_21 = arith.constant 5 : index
    %get3A_22 = arith.constant 0 : index
    %get3A_23 = vector.load %arg4[%get3A_21, %get3A_22] : memref<16x128xf32, #tpu.memory_space<vmem>>, vector<1x128xf32>
    %get3A_24 = arith.constant 6 : index
    %get3A_25 = arith.constant 0 : index
    %get3A_26 = vector.load %arg4[%get3A_24, %get3A_25] : memref<16x128xf32, #tpu.memory_space<vmem>>, vector<1x128xf32>
    %get3A_27 = arith.constant 7 : index
    %get3A_28 = arith.constant 0 : index
    %get3A_29 = vector.load %arg4[%get3A_27, %get3A_28] : memref<16x128xf32, #tpu.memory_space<vmem>>, vector<1x128xf32>
    %get3A_30 = arith.constant 8 : index
    %get3A_31 = arith.constant 0 : index
    %get3A_32 = vector.load %arg4[%get3A_30, %get3A_31] : memref<16x128xf32, #tpu.memory_space<vmem>>, vector<1x128xf32>
    %mul3A = vector.broadcast %add3A_8 : vector<512x1xf32> to vector<512x128xf32>
    %mul3A_33 = vector.broadcast %get3A_11 : vector<1x128xf32> to vector<512x128xf32>
    %mul3A_34 = arith.mulf %mul3A, %mul3A_33 : vector<512x128xf32>
    %add3A_35 = vector.broadcast %get3A_14 : vector<1x128xf32> to vector<512x128xf32>
    %add3A_36 = arith.addf %mul3A_34, %add3A_35 : vector<512x128xf32>
    %convert_element_type3A = arith.truncf %add3A_36 : vector<512x128xf32> to vector<512x128xbf16>
    %get3A_37 = arith.constant 0 : index
    %get3A_38 = arith.constant 0 : index
    %get3A_39 = vector.load %arg5[%get3A_37, %get3A_38] : memref<128x384xbf16, #tpu.memory_space<vmem>>, vector<128x384xbf16>
    %dot_general3A = arith.constant dense<0.000000e+00> : vector<512x384xf32>
    %dot_general3A_40 = tpu.matmul %convert_element_type3A, %get3A_39, %dot_general3A {dimension_numbers = #tpu.dot_dimension_numbers<[1], [0], [0], [1], [0, 0, 1, 1], [], []>, transpose_lhs_hint = false} : vector<512x128xbf16>, vector<128x384xbf16>, vector<512x384xf32> -> vector<512x384xf32>
    %slice3A = vector.extract_strided_slice %dot_general3A_40 {offsets = [0, 0], sizes = [512, 128], strides = [1, 1]} : vector<512x384xf32> to vector<512x128xf32>
    %add3A_41 = vector.broadcast %get3A_17 : vector<1x128xf32> to vector<512x128xf32>
    %add3A_42 = arith.addf %slice3A, %add3A_41 : vector<512x128xf32>
    %neg3A = arith.constant 0.000000e+00 : f32
    %neg3A_43 = vector.broadcast %neg3A : f32 to vector<512x128xf32>
    %neg3A_44 = arith.subf %neg3A_43, %add3A_42 : vector<512x128xf32>
    %exp3A = math.exp %neg3A_44 : vector<512x128xf32>
    %add3A_45 = arith.constant 1.000000e+00 : f32
    %add3A_46 = vector.broadcast %add3A_45 : f32 to vector<512x128xf32>
    %add3A_47 = arith.addf %add3A_46, %exp3A : vector<512x128xf32>
    %div3A = arith.constant 1.000000e+00 : f32
    %div3A_48 = vector.broadcast %div3A : f32 to vector<512x128xf32>
    %div3A_49 = arith.divf %div3A_48, %add3A_47 : vector<512x128xf32>
    %slice3A_50 = vector.extract_strided_slice %dot_general3A_40 {offsets = [0, 128], sizes = [512, 128], strides = [1, 1]} : vector<512x384xf32> to vector<512x128xf32>
    %add3A_51 = vector.broadcast %get3A_20 : vector<1x128xf32> to vector<512x128xf32>
    %add3A_52 = arith.addf %slice3A_50, %add3A_51 : vector<512x128xf32>
    %abs3A = math.absf %add3A_52 : vector<512x128xf32>
    %sign3A = tpu.bitcast %add3A_52 : vector<512x128xf32> -> vector<512x128xi32>
    %sign3A_53 = arith.constant -2147483648 : i32
    %sign3A_54 = vector.broadcast %sign3A_53 : i32 to vector<512x128xi32>
    %sign3A_55 = arith.andi %sign3A, %sign3A_54 : vector<512x128xi32>
    %sign3A_56 = arith.constant 1065353216 : i32
    %sign3A_57 = vector.broadcast %sign3A_56 : i32 to vector<512x128xi32>
    %sign3A_58 = arith.ori %sign3A_57, %sign3A_55 : vector<512x128xi32>
    %sign3A_59 = tpu.bitcast %sign3A_58 : vector<512x128xi32> -> vector<512x128xf32>
    %sign3A_60 = math.absf %add3A_52 : vector<512x128xf32>
    %sign3A_61 = arith.constant 0.000000e+00 : f32
    %sign3A_62 = vector.broadcast %sign3A_61 : f32 to vector<512x128xf32>
    %sign3A_63 = arith.cmpf ogt, %sign3A_60, %sign3A_62 : vector<512x128xf32>
    %sign3A_64 = arith.select %sign3A_63, %sign3A_59, %add3A_52 : vector<512x128xi1>, vector<512x128xf32>
    %mul3A_65 = arith.constant 2.000000e+00 : f32
    %mul3A_66 = vector.broadcast %mul3A_65 : f32 to vector<512x128xf32>
    %mul3A_67 = arith.mulf %mul3A_66, %abs3A : vector<512x128xf32>
    %exp3A_68 = math.exp %mul3A_67 : vector<512x128xf32>
    %add3A_69 = arith.constant 1.000000e+00 : f32
    %add3A_70 = vector.broadcast %add3A_69 : f32 to vector<512x128xf32>
    %add3A_71 = arith.addf %exp3A_68, %add3A_70 : vector<512x128xf32>
    %div3A_72 = arith.constant 2.000000e+00 : f32
    %div3A_73 = vector.broadcast %div3A_72 : f32 to vector<512x128xf32>
    %div3A_74 = arith.divf %div3A_73, %add3A_71 : vector<512x128xf32>
    %sub3A = arith.constant 1.000000e+00 : f32
    %sub3A_75 = vector.broadcast %sub3A : f32 to vector<512x128xf32>
    %sub3A_76 = arith.subf %sub3A_75, %div3A_74 : vector<512x128xf32>
    %mul3A_77 = arith.mulf %sign3A_64, %sub3A_76 : vector<512x128xf32>
    %slice3A_78 = vector.extract_strided_slice %dot_general3A_40 {offsets = [0, 256], sizes = [512, 128], strides = [1, 1]} : vector<512x384xf32> to vector<512x128xf32>
    %add3A_79 = vector.broadcast %get3A_23 : vector<1x128xf32> to vector<512x128xf32>
    %add3A_80 = arith.addf %slice3A_78, %add3A_79 : vector<512x128xf32>
    %neg3A_81 = arith.constant 0.000000e+00 : f32
    %neg3A_82 = vector.broadcast %neg3A_81 : f32 to vector<512x128xf32>
    %neg3A_83 = arith.subf %neg3A_82, %add3A_80 : vector<512x128xf32>
    %exp3A_84 = math.exp %neg3A_83 : vector<512x128xf32>
    %add3A_85 = arith.constant 1.000000e+00 : f32
    %add3A_86 = vector.broadcast %add3A_85 : f32 to vector<512x128xf32>
    %add3A_87 = arith.addf %add3A_86, %exp3A_84 : vector<512x128xf32>
    %div3A_88 = arith.constant 1.000000e+00 : f32
    %div3A_89 = vector.broadcast %div3A_88 : f32 to vector<512x128xf32>
    %div3A_90 = arith.divf %div3A_89, %add3A_87 : vector<512x128xf32>
    %mul3A_91 = arith.mulf %div3A_49, %mul3A_77 : vector<512x128xf32>
    %abs3A_92 = math.absf %mul3A_91 : vector<512x128xf32>
    %sign3A_93 = tpu.bitcast %mul3A_91 : vector<512x128xf32> -> vector<512x128xi32>
    %sign3A_94 = arith.constant -2147483648 : i32
    %sign3A_95 = vector.broadcast %sign3A_94 : i32 to vector<512x128xi32>
    %sign3A_96 = arith.andi %sign3A_93, %sign3A_95 : vector<512x128xi32>
    %sign3A_97 = arith.constant 1065353216 : i32
    %sign3A_98 = vector.broadcast %sign3A_97 : i32 to vector<512x128xi32>
    %sign3A_99 = arith.ori %sign3A_98, %sign3A_96 : vector<512x128xi32>
    %sign3A_100 = tpu.bitcast %sign3A_99 : vector<512x128xi32> -> vector<512x128xf32>
    %sign3A_101 = math.absf %mul3A_91 : vector<512x128xf32>
    %sign3A_102 = arith.constant 0.000000e+00 : f32
    %sign3A_103 = vector.broadcast %sign3A_102 : f32 to vector<512x128xf32>
    %sign3A_104 = arith.cmpf ogt, %sign3A_101, %sign3A_103 : vector<512x128xf32>
    %sign3A_105 = arith.select %sign3A_104, %sign3A_100, %mul3A_91 : vector<512x128xi1>, vector<512x128xf32>
    %mul3A_106 = arith.constant 2.000000e+00 : f32
    %mul3A_107 = vector.broadcast %mul3A_106 : f32 to vector<512x128xf32>
    %mul3A_108 = arith.mulf %mul3A_107, %abs3A_92 : vector<512x128xf32>
    %exp3A_109 = math.exp %mul3A_108 : vector<512x128xf32>
    %add3A_110 = arith.constant 1.000000e+00 : f32
    %add3A_111 = vector.broadcast %add3A_110 : f32 to vector<512x128xf32>
    %add3A_112 = arith.addf %exp3A_109, %add3A_111 : vector<512x128xf32>
    %div3A_113 = arith.constant 2.000000e+00 : f32
    %div3A_114 = vector.broadcast %div3A_113 : f32 to vector<512x128xf32>
    %div3A_115 = arith.divf %div3A_114, %add3A_112 : vector<512x128xf32>
    %sub3A_116 = arith.constant 1.000000e+00 : f32
    %sub3A_117 = vector.broadcast %sub3A_116 : f32 to vector<512x128xf32>
    %sub3A_118 = arith.subf %sub3A_117, %div3A_115 : vector<512x128xf32>
    %mul3A_119 = arith.mulf %sign3A_105, %sub3A_118 : vector<512x128xf32>
    %mul3A_120 = arith.mulf %div3A_90, %mul3A_119 : vector<512x128xf32>
    %swap3A = arith.constant 0 : index
    %swap3A_121 = arith.constant 0 : index
    %swap3A_122 = vector.load %arg6[%swap3A, %swap3A_121] : memref<512x128xf32, #tpu.memory_space<vmem>>, vector<512x128xf32>
    tpu.vector_store %arg6[%swap3A, %swap3A_121], %mul3A_120 {strides = array<i32>} : memref<512x128xf32, #tpu.memory_space<vmem>>, vector<512x128xf32>,
    %swap3A_123 = arith.constant 0 : index
    %swap3A_124 = arith.constant 0 : index
    %swap3A_125 = vector.load %arg7[%swap3A_123, %swap3A_124] : memref<512x128xf32, #tpu.memory_space<vmem>>, vector<512x128xf32>
    tpu.vector_store %arg7[%swap3A_123, %swap3A_124], %mul3A_91 {strides = array<i32>} : memref<512x128xf32, #tpu.memory_space<vmem>>, vector<512x128xf32>,
    %add3A_126 = vector.broadcast %get3A_32 : vector<1x128xf32> to vector<512x128xf32>
    %add3A_127 = arith.addf %mul3A_120, %add3A_126 : vector<512x128xf32>
    %swap3A_128 = arith.constant 0 : index
    %swap3A_129 = arith.constant 0 : index
    %swap3A_130 = vector.load %arg8[%swap3A_128, %swap3A_129] : memref<512x128xf32, #tpu.memory_space<vmem>>, vector<512x128xf32>
    tpu.vector_store %arg8[%swap3A_128, %swap3A_129], %add3A_127 {strides = array<i32>} : memref<512x128xf32, #tpu.memory_space<vmem>>, vector<512x128xf32>,
    %mul3A_131 = vector.broadcast %get3A_26 : vector<1x128xf32> to vector<512x128xf32>
    %mul3A_132 = arith.mulf %mul3A_120, %mul3A_131 : vector<512x128xf32>
    %reduce_sum3A = arith.constant dense<0.000000e+00> : vector<512xf32>
    %reduce_sum3A_133 = vector.multi_reduction <add>, %mul3A_132, %reduce_sum3A [1] : vector<512x128xf32> to vector<512xf32>
    %broadcast_in_dim3A = vector.shape_cast %reduce_sum3A_133 : vector<512xf32> to vector<512x1xf32>
    %swap3A_134 = arith.constant 0 : index
    %swap3A_135 = arith.constant 0 : index
    %swap3A_136 = vector.load %arg9[%swap3A_134, %swap3A_135] : memref<512x1xf32, #tpu.memory_space<vmem>>, vector<512x1xf32>
    tpu.vector_store %arg9[%swap3A_134, %swap3A_135], %broadcast_in_dim3A {strides = array<i32>} : memref<512x1xf32, #tpu.memory_space<vmem>>, vector<512x1xf32>,
    %mul3A_137 = vector.broadcast %get3A_29 : vector<1x128xf32> to vector<512x128xf32>
    %mul3A_138 = arith.mulf %mul3A_120, %mul3A_137 : vector<512x128xf32>
    %reduce_sum3A_139 = arith.constant dense<0.000000e+00> : vector<512xf32>
    %reduce_sum3A_140 = vector.multi_reduction <add>, %mul3A_138, %reduce_sum3A_139 [1] : vector<512x128xf32> to vector<512xf32>
    %broadcast_in_dim3A_141 = vector.shape_cast %reduce_sum3A_140 : vector<512xf32> to vector<512x1xf32>
    %swap3A_142 = arith.constant 0 : index
    %swap3A_143 = arith.constant 0 : index
    %swap3A_144 = vector.load %arg10[%swap3A_142, %swap3A_143] : memref<512x1xf32, #tpu.memory_space<vmem>>, vector<512x1xf32>
    tpu.vector_store %arg10[%swap3A_142, %swap3A_143], %broadcast_in_dim3A_141 {strides = array<i32>} : memref<512x1xf32, #tpu.memory_space<vmem>>, vector<512x1xf32>,
    return
  }
  func.func @transform_0(%arg0: i32) -> (i32, i32) {
    %c0_i32 = arith.constant 0 : i32
    %c0_i32_0 = arith.constant 0 : i32
    return %arg0, %c0_i32 : i32, i32
  }
  func.func @transform_1(%arg0: i32) -> (i32, i32) {
    %c0_i32 = arith.constant 0 : i32
    %c0_i32_0 = arith.constant 0 : i32
    return %arg0, %c0_i32 : i32, i32
  }
  func.func @transform_2(%arg0: i32) -> (i32, i32) {
    %c0_i32 = arith.constant 0 : i32
    %c0_i32_0 = arith.constant 0 : i32
    return %arg0, %c0_i32 : i32, i32
  }
  func.func @transform_3(%arg0: i32) -> (i32, i32) {
    %c0_i32 = arith.constant 0 : i32
    %c0_i32_0 = arith.constant 0 : i32
    %c0_i32_1 = arith.constant 0 : i32
    return %c0_i32, %c0_i32_0 : i32, i32
  }
  func.func @transform_4(%arg0: i32) -> (i32, i32) {
    %c0_i32 = arith.constant 0 : i32
    %c0_i32_0 = arith.constant 0 : i32
    %c0_i32_1 = arith.constant 0 : i32
    return %c0_i32, %c0_i32_0 : i32, i32
  }
  func.func @transform_5(%arg0: i32) -> (i32, i32) {
    %c0_i32 = arith.constant 0 : i32
    %c0_i32_0 = arith.constant 0 : i32
    return %arg0, %c0_i32 : i32, i32
  }
  func.func @transform_6(%arg0: i32) -> (i32, i32) {
    %c0_i32 = arith.constant 0 : i32
    %c0_i32_0 = arith.constant 0 : i32
    return %arg0, %c0_i32 : i32, i32
  }
  func.func @transform_7(%arg0: i32) -> (i32, i32) {
    %c0_i32 = arith.constant 0 : i32
    %c0_i32_0 = arith.constant 0 : i32
    return %arg0, %c0_i32 : i32, i32
  }
  func.func @transform_8(%arg0: i32) -> (i32, i32) {
    %c0_i32 = arith.constant 0 : i32
    %c0_i32_0 = arith.constant 0 : i32
    return %arg0, %c0_i32 : i32, i32
  }
  func.func @transform_9(%arg0: i32) -> (i32, i32) {
    %c0_i32 = arith.constant 0 : i32
    %c0_i32_0 = arith.constant 0 : i32
    return %arg0, %c0_i32 : i32, i32
  }
}

</mosaic_0001>

<sc_bundles>
// kernel: kernel.12.cloned.1.call-start
scs
__scs_entry_jumppad:
0x0: {  	(pc) =	sbr.rel $0x88, $3  }
0x1: {  	(tag) =	ssettag $0x0;
	lr =	simm.s32 $0x1  }
0x2: {  	[smem:$0x3F91] =	sst lr;
	_ =	strace $0xD0000000  }
0x3: {  	_ = 	snop  }
0x4: {  	_ = 	snop  }
0x5: {  	_ = 	snop  }
0x6: {  	_ = 	snop  }
0x7: {  	_ = 	snop  }
__scs_overlays_trampoline_lowered:
0x8: {  	[smem:$0x3FA0] =	sst s0  }
0x9: {  	[smem:$0x3FA1] =	sst s1  }
0xa: {  	[smem:$0x3FA2] =	sst s2  }
0xb: {  	[smem:$0x3FA3] =	sst s3  }
0xc: {  	[smem:$0x3FA4] =	sst s4  }
0xd: {  	[smem:$0x3FA5] =	sst s5  }
0xe: {  	[smem:$0x3FA6] =	sst s6  }
0xf: {  	[smem:$0x3FA7] =	sst s7  }
0x10: {  	[smem:$0x3FA8] =	sst s8  }
0x11: {  	[smem:$0x3FA9] =	sst s9;
	s0 =	simm.s32 @!p0 $0x0  }
0x12: {  	s1 =	sld [smem:$0x3F8F];
	s0 =	simm.s32 @p0 $0x1  }
0x13: {  	[smem:$0x3FAA] =	sst s0;
	s0 =	simm.s32 @!p1 $0x0  }
0x14: {  	s2 =	sld [smem:$0x3F8E];
	s0 =	simm.s32 @p1 $0x1  }
0x15: {  	[smem:$0x3FAB] =	sst s0;
	s0 =	simm.s32 @!p2 $0x0  }
0x16: {  	s3 =	sld [smem:$0x3FDB];
	s0 =	simm.s32 @p2 $0x1  }
0x17: {  	s4 =	simm.s32 $0x1BF5;
	[smem:$0x3FAD] =	sst s0  }
0x18: {  	s0 =	sld [smem:$0x3F90];
	_ =	swait.ge [sflag:s4], $0x0  }
0x19: {  	s7 =	sld [smem:$0x3F91]  }
0x1a: {  	s8 =	sadd.s32 $0xFFFFE003, lr  }
0x1b: {  	s9 =	sadd.s32 $0xFFFFFEF7, lr;
	s5 =	simm.s32 $0xFFFFFFFF;
	p2 =	slt.u32 s8, $0xFFFFF086  }
0x1c: {  	p1 =	slt.u32 s9, $0xF7A;
	s5 =	simm.s32 @!p2 $0x0  }
0x1d: {  	s5 =	simm.s32 @p1 $0x1;
	p0 =	seq.s32 s7, s2  }
0x1e: {  	s7 =	smul.u32 @!p0 $0xF7A, s2;
	p2 =	seq.s32 @!p0 s5, $0x0  }
0x1f: {  	s9 =	smul.u32 $0xF7A, s1;
	s8 =	simm.s32 @!p0 $0x1BF5;
	p2 =	por !p2, p0  }
0x20: {  	[sflag:s8] =	ssyncset.s32 @!p0 $0xFFFFF086;
	s6 =	sadd.s32 @!p0 s3, s7;
	s7 =	simm.s32 @!p0 $0x108  }
0x21: {  	s3 =	sadd.s32 s3, s9;
	s6 =	sadd.s32 @!p0 $0x88, s6;
	s7 =	simm.s32 @p2 $0x1082  }
0x22: {  	[simem:s7], [sflag:s8] =	dma.local @!p0 [hbm:s6], $0xF7A  }
0x23: {  	s9 =	sor.u32 $0xD0000000, s2;
	s6 =	simm.s32 $0x108;
	_ =	swait.ge @!p0 [sflag:s8], $0x0  }
0x24: {  	s3 =	sadd.s32 $0x88, s3;
	s6 =	simm.s32 @!p1 $0x1082;
	[sflag:s4] =	ssyncset.s32 $0xFFFFF086  }
0x25: {  	[simem:s6], [sflag:s4] =	dma.local [hbm:s3], $0xF7A  }
0x26: {  	[smem:$0x3F91] =	sst s1;
	(tag) =	ssettag s2;
	_ =	strace s9  }
0x27: {  	s1 =	sld [smem:$0x3FA1]  }
0x28: {  	s2 =	sld [smem:$0x3FA2]  }
0x29: {  	s4 =	sld [smem:$0x3FA4]  }
0x2a: {  	p0 =	seq.s32 s5, $0x0;
	s5 =	sld [smem:$0x3FA5]  }
0x2b: {  	s6 =	sld [smem:$0x3FA6]  }
0x2c: {  	s7 =	sld [smem:$0x3FA7]  }
0x2d: {  	s3 =	simm.s32 $0x108;
	s8 =	sld [smem:$0x3FA8]  }
0x2e: {  	s3 =	simm.s32 @!p0 $0x1082;
	s9 =	sld [smem:$0x3FA9]  }
0x2f: {  	lr =	sadd.s32 s0, s3;
	s0 =	sld [smem:$0x3FA0]  }
0x30: {  	s3 =	sld [smem:$0x3FA3]  }
0x31: {  	[smem:$0x3FAC] =	sst s10  }
0x32: {  	s10 =	sld [smem:$0x3FAA];
	_ =	sdelay $0x3  }
0x33: {  	p0 =	seq.s32 s10, $0x1;
	s10 =	sld [smem:$0x3FAC];
	_ =	sdelay $0x3  }
0x34: {  	[smem:$0x3FAC] =	sst s10  }
0x35: {  	s10 =	sld [smem:$0x3FAB];
	_ =	sdelay $0x3  }
0x36: {  	p1 =	seq.s32 s10, $0x1;
	s10 =	sld [smem:$0x3FAC];
	_ =	sdelay $0x3  }
0x37: {  	[smem:$0x3FAC] =	sst s10  }
0x38: {  	s10 =	sld [smem:$0x3FAD]  }
0x39: {  	_ = 	snop;
	(pc) =	sbr.ind lr, $3  }
0x3a: {  	_ = 	snop  }
0x3b: {  	_ = 	snop  }
0x3c: {  	p2 =	seq.s32 s10, $0x1;
	s10 =	sld [smem:$0x3FAC]  }
0x3d: {  	_ =	shalt  }
0x3e: {  	_ =	shalt  }
0x3f: {  	_ =	shalt  }
0x40: {  	_ =	shalt  }
0x41: {  	_ =	shalt  }
0x42: {  	_ =	shalt  }
0x43: {  	_ =	shalt  }
0x44: {  	_ =	shalt  }
0x45: {  	_ =	shalt  }
0x46: {  	_ =	shalt  }
0x47: {  	_ =	shalt  }
0x48: {  	_ =	shalt  }
0x49: {  	_ =	shalt  }
0x4a: {  	_ =	shalt  }
0x4b: {  	_ =	shalt  }
0x4c: {  	_ =	shalt  }
0x4d: {  	_ =	shalt  }
0x4e: {  	_ =	shalt  }
0x4f: {  	_ =	shalt  }
0x50: {  	_ =	shalt  }
0x51: {  	_ =	shalt  }
0x52: {  	_ =	shalt  }
0x53: {  	_ =	shalt  }
0x54: {  	_ =	shalt  }
0x55: {  	_ =	shalt  }
0x56: {  	_ =	shalt  }
0x57: {  	_ =	shalt  }
0x58: {  	_ =	shalt  }
0x59: {  	_ =	shalt  }
0x5a: {  	_ =	shalt  }
0x5b: {  	_ =	shalt  }
0x5c: {  	_ =	shalt  }
0x5d: {  	_ =	shalt  }
0x5e: {  	_ =	shalt  }
0x5f: {  	_ =	shalt  }
0x60: {  	_ =	shalt  }
0x61: {  	_ =	shalt  }
0x62: {  	_ =	shalt  }
0x63: {  	_ =	shalt  }
0x64: {  	_ =	shalt  }
0x65: {  	_ =	shalt  }
0x66: {  	_ =	shalt  }
0x67: {  	_ =	shalt  }
0x68: {  	_ =	shalt  }
0x69: {  	_ =	shalt  }
0x6a: {  	_ =	shalt  }
0x6b: {  	_ =	shalt  }
0x6c: {  	_ =	shalt  }
0x6d: {  	_ =	shalt  }
0x6e: {  	_ =	shalt  }
0x6f: {  	_ =	shalt  }
0x70: {  	_ =	shalt  }
0x71: {  	_ =	shalt  }
0x72: {  	_ =	shalt  }
0x73: {  	_ =	shalt  }
0x74: {  	_ =	shalt  }
0x75: {  	_ =	shalt  }
0x76: {  	_ =	shalt  }
0x77: {  	_ =	shalt  }
0x78: {  	_ =	shalt  }
0x79: {  	_ =	shalt  }
0x7a: {  	_ =	shalt  }
0x7b: {  	_ =	shalt  }
0x7c: {  	_ =	shalt  }
0x7d: {  	_ =	shalt  }
0x7e: {  	_ =	shalt  }
0x7f: {  	_ =	shalt  }
0x80: {  	_ =	shalt  }
0x81: {  	_ =	shalt  }
0x82: {  	_ =	shalt  }
0x83: {  	_ =	shalt  }
0x84: {  	_ =	shalt  }
0x85: {  	_ =	shalt  }
0x86: {  	_ =	shalt  }
0x87: {  	_ =	shalt  }
.Lfunc_end0:
.L_simem_size_0:
called_computation.2_lowered:
.L_overlay_start_0:
0x88: {  	s2 =	sld [smem:$0x3FD9]  }
0x89: {  	s3 =	sld [smem:$0x3FFE];
	_ =	sdelay $0x1  }
0x8a: {  	s1 =	srdreg.scid  }
0x8b: {  	s0 =	sand.u32 $0x1, s1  }
0x8c: {  	s14 =	sshll.u32 s0, $0xA;
	s2 =	sadd.s32 s3, s2  }
0x8d: {  	s2 =	sadd.s32 s2, s14  }
0x8e: {  	[smem:$0x3FB8] =	sst s2  }
0x8f: {  	_ = 	snop  }
0x90: {  	s2 =	sld [smem:$0x3FD0];
	_ =	sdelay $0x2  }
0x91: {  	s15 =	simm.s32 $0xA;
	s4 =	simm.s32 $0x10  }
0x92: {  	[smem:s4], [sflag:s15] =	dma.local [hbm:s2], $0x1  }
0x93: {  	_ =	swait.eq [sflag:s15], $0x1  }
0x94: {  	[sflag:s15] =	ssyncset.done $0x0  }
0x95: {  	[sflag:s15] =	ssyncadd.s32 $0xFFFFFFFF  }
0x96: {  	s16 =	sld [smem:$0x10];
	(tm) =	ssettm $0x1  }
0x97: {  	s17 =	sld [smem:$0x3FFB];
	_ =	sdelay $0x3  }
0x98: {  	_ =	strace s17  }
0x99: {  	s3 =	sld [smem:$0x3FFC];
	_ =	sdelay $0x3  }
0x9a: {  	_ =	strace s3  }
0x9b: {  	s3 =	sld [smem:$0x3FFD];
	_ =	sdelay $0x3  }
0x9c: {  	_ =	strace s3  }
0x9d: {  	_ =	strace $0x8FFFFFFF  }
0x9e: {  	s18 =	sld [smem:$0x3FDB];
	_ =	sdelay $0x1  }
0x9f: {  	s19 =	simm.s32 $_scs_section_size  }
0xa0: {  	s5 =	simm.s32 $_size__tile_overlayer_lowered;
	s6 =	simm.s32 $_tile_overlayer_lowered  }
0xa1: {  	s22 =	simm.s32 $0x1BFF;
	s21 =	sshll.u32 s6, $0x1;
	s3 =	sadd.s32 s19, s18  }
0xa2: {  	s7 =	simm.s32 $0x0;
	s20 =	sshll.u32 s5, $0x1;
	s5 =	sadd.s32 s21, s3  }
0xa3: {  	[timem:s7], [sflag:s22] =	dma.local [hbm:s5], s20  }
0xa4: {  	_ =	swait.ge [sflag:s22], s20  }
0xa5: {  	s4 =	ssub.s32 $0x0, s20;
	[sflag:s22] =	ssyncset.done $0x0  }
0xa6: {  	[sflag:s22] =	ssyncadd.s32 s4;
	_ =	sdelay $0x1  }
0xa7: {  	s23 =	simm.s32 $0x1B8B  }
0xa8: {  	_ =	swait.ge [sflag:s23], $0x1  }
0xa9: {  	[sflag:s23] =	ssyncset.done $0x0  }
0xaa: {  	s25 =	simm.s32 $0x1B8E;
	s24 =	sld [smem:$0x3FFE];
	[sflag:s23] =	ssyncadd.s32 $0xFFFFFFFF  }
0xab: {  	s26 =	simm.s32 $execute0_lowered;
	[smem:$0x3FD2] =	sst s25  }
0xac: {  	s5 =	sshll.u32 s26, $0x1;
	_ =	strace $0x8000004C;
	[dreg:$0x1] =	wrdreg $0xFFFFFFFF  }
0xad: {  	s28 =	simm.s32 $_size_execute0_lowered;
	s3 =	sadd.s32 s3, s5;
	[dreg:$0x0] =	wrdreg $0x0  }
0xae: {  	s5 =	sshll.u32 s28, $0x1;
	[dreg:$0x2] =	wrdreg s3  }
0xaf: {  	[dreg:$0x3] =	wrdreg s5  }
0xb0: {  	[dreg:$0x4] =	wrdreg $0xC0  }
0xb1: {  	_ =	task [dreg:s7], $0x5FFFF  }
0xb2: {  	[dreg:$0x1] =	wrdreg $0xFFFFFFFF  }
0xb3: {  	[dreg:$0x0] =	wrdreg $0x60  }
0xb4: {  	[dreg:$0x2] =	wrdreg s24  }
0xb5: {  	[dreg:$0x3] =	wrdreg s16  }
0xb6: {  	[dreg:$0x4] =	wrdreg $0x1CF000  }
0xb7: {  	[dreg:$0x5] =	wrdreg $0x1DB400  }
0xb8: {  	[dreg:$0x6] =	wrdreg $0x9  }
0xb9: {  	_ =	task.clear_ibuf [dreg:s7], $0x7FFFF;
	_ =	strace $0x9000004C  }
0xba: {  	s29 =	simm.s32 $0x9;
	_ =	strace $0x8000004E  }
0xbb: {  	_ =	swait.ge [sflag:s29], $0x1  }
0xbc: {  	[sflag:s29] =	ssyncadd.s32 $0xFFFFFFFF  }
0xbd: {  	_ =	strace $0x9000004E  }
0xbe: {  	_ =	sfence  }
0xbf: {  	s30 =	sld [smem:$0x0];
	_ =	sdelay $0x2  }
0xc0: {  	s31 =	sshll.u32 s1, $0xD;
	s1 =	sshrl.u32 s1, $0x2  }
0xc1: {  	s3 =	sand.u32 $0x4000, s31;
	s1 =	sadd.s32 s1, s30  }
0xc2: {  	s0 =	sor.u32 s3, s0;
	s1 =	sshll.u32 s1, $0x11  }
0xc3: {  	s0 =	sor.u32 s1, s0  }
0xc4: {  	s0 =	sadd.s32 $0x8F2B, s0  }
0xc5: {  	[sflag:s0] =	ssyncadd.remote.s32 $0x1  }
0xc6: {  	_ =	sfence.sel $0xFFFF  }
0xc7: {  	[dreg:$0x0] =	wrdreg $0xFFFFFFFF;
	(pc) =	sbr.abs _section_cstart, $3  }
0xc8: {  	[dreg:$0x1] =	wrdreg $0xFFFFFFFF  }
0xc9: {  	_ =	task.clear_ibuf [dreg:s7], $0x2FFFF;
	_ =	strace $0x9FFFFFFF  }
0xca: {  	(tm) =	ssettm $0x7FFFFFFF  }
0xcb: {  	_ =	shalt  }
tec
execute0_lowered:
.L_overlay_start_1:
0x0: {  	(tag) =	ssettag $0x1  }
0x1: {  	s0 =	rddreg [dreg:$0x0]  }
0x2: {  	s1 =	rddreg [dreg:$0x1]  }
0x3: {  	s10 =	rddreg [dreg:$0x2]  }
0x4: {  	s15 =	rddreg [dreg:$0x3]  }
0x5: {  	s4 =	simm.s32 $0x0;
	s5 =	stileid.u32;
	s3 =	srdreg.scid  }
0x6: {  	s28 =	simm.s32 $0x1A100;
	s29 =	simm.s32 $0xC400;
	[smem:$0x7FF] =	sst s4  }
0x7: {  	s2 =	smul.u32 $0xC40, s5;
	s21 =	sadd.s32 $0x34600, s0;
	s3 =	sand.u32 $0x1, s3  }
0x8: {  	s22 =	sadd.s32 $0x1B400, s0;
	s7 =	sadd.s32 $0x50A00, s0;
	s16 =	smul.u32 $0xFFFF9C00, s5  }
0x9: {  	_ =	strace $0x8000004D;
	s6 =	sshll.u32 s3, $0x4;
	s17 =	smul.u32 $0xFFF9C000, s3  }
0xa: {  	[dreg:$0x5] =	wrdreg s7;
	s19 =	ssub.s32 $0x2, s3;
	s3 =	smul.u32 $0x64000, s3  }
0xb: {  	s13 =	sshrl.u32 s2, $0x3;
	s8 =	sor.u32 s5, s6;
	s6 =	sadd.s32 $0x54000, s0  }
0xc: {  	s20 =	sshrl.u32 s19, $0x1;
	s10 =	sadd.s32 s2, s10;
	s14 =	smul.u32 $0xFFFF9C00, s8  }
0xd: {  	s12 =	sadd.s32 s13, s0;
	s0 =	ssub.s32 s19, s20;
	s18 =	smul.u32 $0xC80, s8  }
0xe: {  	s13 =	sadd.s32 s1, s13;
	s19 =	smul.u32 $0x6400, s5;
	s26 =	sadd.s32 s17, s16  }
0xf: {  	s23 =	sadd.s32 $0x50C00, s12;
	s24 =	sadd.s32 $0x3C00, s12;
	s9 =	sadd.s32 $0x2200, s12  }
0x10: {  	s11 =	sadd.s32 $0x52600, s12;
	s12 =	sadd.s32 $0x5600, s12;
	s1 =	sadd.s32 $0xC3500, s26  }
0x11: {  	s20 =	smax.u32 s0, $0x1;
	s26 =	simm.s32 $0x19480;
	[dreg:$0x6] =	wrdreg s23  }
0x12: {  	s0 =	simm.s32 $0x1;
	[dreg:$0x7] =	wrdreg s24;
	s14 =	sadd.s32 $0xC3500, s14  }
0x13: {  	s16 =	sadd.s32 s21, s18;
	s17 =	sadd.s32 s19, s3;
	s18 =	sadd.s32 s22, s18  }
0x14: {  	s1 =	sshrl.u32 s1, $0x7;
	s24 =	simm.s32 $0x2;
	s25 =	sshrl.u32 s14, $0x7  }
0x15: {  	s14 =	sadd.s32 s2, s15;
	s30 =	sor.u32 $0x80, s17;
	s19 =	smin.u32 s1, $0xC8  }
0x16: {  	s1 =	simm.s32 $0x0;
	s15 =	smin.u32 s25, $0xC8;
	s31 =	sshrl.u32 s30, $0x3  }
0x17: {  	s25 =	simm.s32 $0x18800;
	s23 =	sadd.s32 s31, s22;
	s3 =	sadd.s32 s31, s21  }
.LBB2_1:
0x18: {  	s2 =	rddreg [dreg:$0x5];
	s5 =	simm.s32 $0x1CE80  }
0x19: {  	[tilespmem:s5], [sflag:$0x2] =	stream.linear.gather [hbm4b:s2+s4], $0x80, $0x38;
	[tilespmem:$0x1E780] =	vst v63  }
0x1a: {  	_ =	swait.ge [sflag:s24], $0x80  }
0x1b: {  	[sflag:s24] =	ssyncset.done $0x0  }
0x1c: {  	s30 =	rddreg [dreg:$0x6];
	[sflag:s24] =	ssyncadd.s32 $0xFFFFFF80  }
0x1d: {  	v0 =	vld [tilespmem:$0x1CE80];
	[tilespmem:s25], [sflag:$0x2] =	stream.linear.gather [hbm4b:s30+s4], $0xC40, $0x38  }
0x1e: {  	_ =	swait.ge [sflag:s24], $0xC40  }
0x1f: {  	[sflag:s24] =	ssyncset.done $0x0  }
0x20: {  	s31 =	rddreg [dreg:$0x7];
	[sflag:s24] =	ssyncadd.s32 $0xFFFFF3C0  }
0x21: {  	[tilespmem:s26], [sflag:$0x2] =	stream.linear.gather [hbm4b:s31+s4], $0xC40, $0x38;
	[tilespmem:$0x1E780] =	vst v63  }
0x22: {  	_ =	swait.ge [sflag:s24], $0xC40  }
0x23: {  	[sflag:s24] =	ssyncset.done $0x0  }
0x24: {  	[sflag:s24] =	ssyncadd.s32 $0xFFFFF3C0  }
0x25: {  	[tilespmem:s28], [sflag:$0x2] =	stream.linear.gather [hbm4b:s9+s4], $0xC40, $0x38;
	[tilespmem:$0x1E780] =	vst v63  }
0x26: {  	_ =	swait.ge [sflag:s24], $0xC40  }
0x27: {  	[sflag:s24] =	ssyncset.done $0x0  }
0x28: {  	s2 =	simm.s32 $0x0;
	[sflag:s24] =	ssyncadd.s32 $0xFFFFF3C0  }
0x29: {  	s21 =	simm.s32 $0x40;
	v1 =	vbroadcast v0, $0x0;
	v2 =	vld [tilespmem:s2+$0x19480]  }
.LBB2_2:
0x2a: {  	p0 =	sne.s32 s21, $0x30C0;
	v3 =	vld [tilespmem:s2+$0x18800];
	_ =	sdelay $0x1  }
0x2b: {  	v4 =	vld [tilespmem:s2+$0x1A100];
	_ =	sdelay $0x2  }
0x2c: {  	v2 =	vadd.f32 v2, v3;
	_ =	sdelay $0x1  }
.Ltmp0:
0x2d: {  	v2 =	vadd.f32 v4, v2;
	(pc) =	sbr.rel @p0 .LBB2_2-.Ltmp0, $4  }
0x2e: {  	_ = 	snop  }
0x2f: {  	v3 =	vadd.f32 v2, v1  }
0x30: {  	s22 =	sshra.s32 s21, $0x2  }
0x31: {  	s21 =	sadd.s32 $0x40, s21;
	v2 =	vld [tilespmem:s22+$0x19480];
	[tilespmem:s2+$0x18800] =	vst v3;
	s2 =	smov.u32 s22  }
0x32: {  	v3 =	vld [tilespmem:s2+$0x18800];
	_ =	sdelay $0x1  }
0x33: {  	v4 =	vld [tilespmem:s2+$0x1A100];
	_ =	sdelay $0x2  }
0x34: {  	v2 =	vadd.f32 v2, v3;
	_ =	sdelay $0x1  }
0x35: {  	v2 =	vadd.f32 v4, v2;
	_ =	sdelay $0x1  }
0x36: {  	v1 =	vadd.f32 v2, v1;
	_ =	sdelay $0x1  }
0x37: {  	[tilespmem:s2+$0x18800] =	vst v1  }
0x38: {  	[spmem:s10] =	stream.linear.scatter [tilespmem:s25], [sflag:$0x2], $0xC40, $0x38;
	[tilespmem:$0x1E780] =	vst v63  }
0x39: {  	_ =	swait.ge [sflag:s24], $0xC40  }
0x3a: {  	[sflag:s24] =	ssyncset.done $0x0  }
0x3b: {  	s31 =	simm.s32 $0x0;
	[sflag:s24] =	ssyncadd.s32 $0xFFFFF3C0  }
0x3c: {  	[tilespmem:s25], [sflag:$0x2] =	stream.linear.gather [hbm4b:s11+s31], $0xC40, $0x38;
	[tilespmem:$0x1E780] =	vst v63  }
0x3d: {  	_ =	swait.ge [sflag:s24], $0xC40  }
0x3e: {  	[sflag:s24] =	ssyncset.done $0x0  }
0x3f: {  	[sflag:s24] =	ssyncadd.s32 $0xFFFFF3C0  }
0x40: {  	[tilespmem:s26], [sflag:$0x2] =	stream.linear.gather [hbm4b:s12+s31], $0xC40, $0x38;
	[tilespmem:$0x1E780] =	vst v63  }
0x41: {  	_ =	swait.ge [sflag:s24], $0xC40  }
0x42: {  	[sflag:s24] =	ssyncset.done $0x0  }
0x43: {  	[sflag:s24] =	ssyncadd.s32 $0xFFFFF3C0  }
0x44: {  	[tilespmem:s28], [sflag:$0x2] =	stream.linear.gather [hbm4b:s13+s31], $0xC40, $0x38;
	[tilespmem:$0x1E780] =	vst v63  }
0x45: {  	_ =	swait.ge [sflag:s24], $0xC40  }
0x46: {  	[sflag:s24] =	ssyncset.done $0x0  }
0x47: {  	s2 =	simm.s32 $0x0;
	[sflag:s24] =	ssyncadd.s32 $0xFFFFF3C0  }
0x48: {  	v0 =	vbroadcast v0, $0x1;
	s21 =	simm.s32 $0x40;
	v1 =	vld [tilespmem:s2+$0x19480]  }
.LBB2_4:
0x49: {  	p0 =	sne.s32 s21, $0x30C0;
	v2 =	vld [tilespmem:s2+$0x18800];
	_ =	sdelay $0x1  }
0x4a: {  	v3 =	vld [tilespmem:s2+$0x1A100];
	_ =	sdelay $0x2  }
0x4b: {  	v1 =	vadd.f32 v1, v2;
	_ =	sdelay $0x1  }
.Ltmp1:
0x4c: {  	v1 =	vadd.f32 v3, v1;
	(pc) =	sbr.rel @p0 .LBB2_4-.Ltmp1, $4  }
0x4d: {  	_ = 	snop  }
0x4e: {  	v2 =	vadd.f32 v1, v0  }
0x4f: {  	s22 =	sshra.s32 s21, $0x2  }
0x50: {  	s21 =	sadd.s32 $0x40, s21;
	v1 =	vld [tilespmem:s22+$0x19480];
	[tilespmem:s2+$0x18800] =	vst v2;
	s2 =	smov.u32 s22  }
0x51: {  	v2 =	vld [tilespmem:s2+$0x18800];
	_ =	sdelay $0x1  }
0x52: {  	v3 =	vld [tilespmem:s2+$0x1A100];
	_ =	sdelay $0x2  }
0x53: {  	v1 =	vadd.f32 v1, v2;
	_ =	sdelay $0x1  }
0x54: {  	v1 =	vadd.f32 v3, v1;
	_ =	sdelay $0x1  }
0x55: {  	v0 =	vadd.f32 v1, v0;
	_ =	sdelay $0x1  }
0x56: {  	[tilespmem:s2+$0x18800] =	vst v0  }
0x57: {  	[spmem:s14] =	stream.linear.scatter [tilespmem:s25], [sflag:$0x2], $0xC40, $0x38;
	[tilespmem:$0x1E780] =	vst v63  }
0x58: {  	_ =	swait.ge [sflag:s24], $0xC40  }
0x59: {  	[sflag:s24] =	ssyncset.done $0x0  }
0x5a: {  	[sflag:s24] =	ssyncadd.s32 $0xFFFFF3C0  }
0x5b: {  	[bflag:$0x0] =	sbarrier.arrive $0xFFFF  }
0x5c: {  	s30 =	simm.s32 $0x0;
	s8 =	rddreg [dreg:$0x2]  }
0x5d: {  	[tilespmem:s30], [sflag:$0x2] =	stream.linear.gather [spmem:s8], $0xC400, $0x38;
	[tilespmem:$0x1E780] =	vst v63  }
0x5e: {  	_ =	swait.ge [sflag:s24], $0xC400  }
0x5f: {  	[sflag:s24] =	ssyncset.done $0x0  }
0x60: {  	[sflag:s24] =	ssyncadd.s32 $0xFFFF3C00  }
0x61: {  	s21 =	rddreg [dreg:$0x3]  }
0x62: {  	[tilespmem:s29], [sflag:$0x2] =	stream.linear.gather [spmem:s21], $0xC400, $0x38;
	[tilespmem:$0x1E780] =	vst v63  }
0x63: {  	_ =	swait.ge [sflag:s24], $0xC400  }
0x64: {  	[sflag:s24] =	ssyncset.done $0x0  }
0x65: {  	s22 =	simm.s32 $0x1AD80;
	[sflag:s24] =	ssyncadd.s32 $0xFFFF3C00  }
0x66: {  	[tilespmem:s22], [sflag:$0x2] =	stream.linear.gather [hbm4b:s16+s30], $0x800, $0x38;
	[tilespmem:$0x1E780] =	vst v63  }
0x67: {  	_ =	swait.ge [sflag:s24], $0x800  }
0x68: {  	[sflag:s24] =	ssyncset.done $0x0  }
0x69: {  	s31 =	simm.s32 $0x1BD80;
	[sflag:s24] =	ssyncadd.s32 $0xFFFFF800  }
0x6a: {  	[tilespmem:s31], [sflag:$0x2] =	stream.linear.gather [hbm4b:s18+s30], $0x800, $0x38;
	[tilespmem:$0x1E780] =	vst v63  }
0x6b: {  	_ =	swait.ge [sflag:s24], $0x800  }
0x6c: {  	s2 =	simm.s32 $0x80;
	[sflag:s24] =	ssyncset.done $0x0  }
0x6d: {  	s21 =	smov.u32 s23;
	s22 =	smov.u32 s3;
	[sflag:s24] =	ssyncadd.s32 $0xFFFFF800  }
.LBB2_6:
0x6e: {  	s31 =	sadd.s32 $0x1, s30  }
0x6f: {  	p0 =	sge.u32 s31, s15;
	s5 =	sand.u32 $0xF, s31  }
0x70: {  	p1 =	sne.s32 @!p0 s5, $0x0  }
0x71: {  	p0 =	por p1, p0  }
0x72: {  	s5 =	sand.u32 @!p0 $0x800, s2  }
0x73: {  	s8 =	simm.s32 @!p0 $0x0;
	s7 =	sadd.s32 @!p0 $0x1AD80, s5  }
0x74: {  	[tilespmem:s7], [sflag:$0x2] =	stream.linear.gather @!p0 [hbm4b:s22+s8], $0x800, $0x38;
	[tilespmem:$0x1E780] =	vst v63  }
0x75: {  	s7 =	simm.s32 @!p0 $0x2  }
0x76: {  	_ =	swait.ge @!p0 [sflag:s7], $0x800  }
0x77: {  	[sflag:s7] =	ssyncset.done @!p0 $0x0  }
0x78: {  	s5 =	sadd.s32 @!p0 $0x1BD80, s5;
	[sflag:s7] =	ssyncadd.s32 @!p0 $0xFFFFF800  }
0x79: {  	[tilespmem:s5], [sflag:$0x2] =	stream.linear.gather @!p0 [hbm4b:s21+s8], $0x800, $0x38;
	[tilespmem:$0x1E780] =	vst v63  }
0x7a: {  	_ =	swait.ge @!p0 [sflag:s7], $0x800  }
0x7b: {  	p1 =	slt.u32 s30, $0x2;
	[sflag:s7] =	ssyncset.done @!p0 $0x0  }
0x7c: {  	s5 =	simm.s32 @!p1 $0x1;
	[sflag:s7] =	ssyncadd.s32 @!p0 $0xFFFFF800  }
0x7d: {  	_ =	swait.ge @!p1 [sflag:s5], $0x80  }
0x7e: {  	s7 =	sadd.s32 $0xFFFFFF80, s2;
	[sflag:s5] =	ssyncset.done @!p1 $0x0  }
0x7f: {  	[sflag:s5] =	ssyncadd.s32 @!p1 $0xFFFFFF80;
	s5 =	sand.u32 $0xF80, s7  }
0x80: {  	v0 =	vld [tilespmem:s5+$0x1AD80]  }
0x81: {  	v1 =	vld [tilespmem:s5+$0x1BD80];
	_ =	sdelay $0x6  }
0x82: {  	v0 =	vld.idx.msk [tilespmem:v0+s4+$0x0], $0xffff  }
0x83: {  	v1 =	vld.idx.msk [tilespmem:v1+s29+$0x0], $0xffff;
	_ =	sdelay $0x4  }
0x84: {  	v0 =	vadd.f32 v1, v0  }
0x85: {  	s8 =	sand.u32 $0x80, s7  }
0x86: {  	[tilespmem:s8+$0x1CD80] =	vst v0  }
0x87: {  	v0 =	vld [tilespmem:s5+$0x1AD90]  }
0x88: {  	v57 =	vld [tilespmem:s5+$0x1BD90];
	_ =	sdelay $0x6  }
0x89: {  	v0 =	vld.idx.msk [tilespmem:v0+s4+$0x0], $0xffff  }
0x8a: {  	v1 =	vld.idx.msk [tilespmem:v57+s29+$0x0], $0xffff;
	_ =	sdelay $0x4  }
0x8b: {  	v0 =	vadd.f32 v1, v0;
	_ =	sdelay $0x1  }
0x8c: {  	[tilespmem:s8+$0x1CD90] =	vst v0  }
0x8d: {  	v0 =	vld [tilespmem:s5+$0x1ADA0]  }
0x8e: {  	v58 =	vld [tilespmem:s5+$0x1BDA0];
	_ =	sdelay $0x6  }
0x8f: {  	v0 =	vld.idx.msk [tilespmem:v0+s4+$0x0], $0xffff  }
0x90: {  	v1 =	vld.idx.msk [tilespmem:v58+s29+$0x0], $0xffff;
	_ =	sdelay $0x4  }
0x91: {  	v0 =	vadd.f32 v1, v0;
	_ =	sdelay $0x1  }
0x92: {  	[tilespmem:s8+$0x1CDA0] =	vst v0  }
0x93: {  	v0 =	vld [tilespmem:s5+$0x1ADB0]  }
0x94: {  	v59 =	vld [tilespmem:s5+$0x1BDB0];
	_ =	sdelay $0x6  }
0x95: {  	v0 =	vld.idx.msk [tilespmem:v0+s4+$0x0], $0xffff  }
0x96: {  	v1 =	vld.idx.msk [tilespmem:v59+s29+$0x0], $0xffff;
	_ =	sdelay $0x4  }
0x97: {  	v0 =	vadd.f32 v1, v0;
	_ =	sdelay $0x1  }
0x98: {  	[tilespmem:s8+$0x1CDB0] =	vst v0  }
0x99: {  	v0 =	vld [tilespmem:s5+$0x1ADC0]  }
0x9a: {  	v60 =	vld [tilespmem:s5+$0x1BDC0];
	_ =	sdelay $0x6  }
0x9b: {  	v0 =	vld.idx.msk [tilespmem:v0+s4+$0x0], $0xffff  }
0x9c: {  	v1 =	vld.idx.msk [tilespmem:v60+s29+$0x0], $0xffff;
	_ =	sdelay $0x4  }
0x9d: {  	v0 =	vadd.f32 v1, v0;
	_ =	sdelay $0x1  }
0x9e: {  	[tilespmem:s8+$0x1CDC0] =	vst v0  }
0x9f: {  	v0 =	vld [tilespmem:s5+$0x1ADD0]  }
0xa0: {  	v61 =	vld [tilespmem:s5+$0x1BDD0];
	_ =	sdelay $0x6  }
0xa1: {  	v0 =	vld.idx.msk [tilespmem:v0+s4+$0x0], $0xffff  }
0xa2: {  	v1 =	vld.idx.msk [tilespmem:v61+s29+$0x0], $0xffff;
	_ =	sdelay $0x4  }
0xa3: {  	v0 =	vadd.f32 v1, v0;
	_ =	sdelay $0x1  }
0xa4: {  	[tilespmem:s8+$0x1CDD0] =	vst v0  }
0xa5: {  	v0 =	vld [tilespmem:s5+$0x1ADE0]  }
0xa6: {  	v62 =	vld [tilespmem:s5+$0x1BDE0];
	_ =	sdelay $0x6  }
0xa7: {  	v0 =	vld.idx.msk [tilespmem:v0+s4+$0x0], $0xffff  }
0xa8: {  	v1 =	vld.idx.msk [tilespmem:v62+s29+$0x0], $0xffff;
	_ =	sdelay $0x4  }
0xa9: {  	v0 =	vadd.f32 v1, v0;
	_ =	sdelay $0x1  }
0xaa: {  	[tilespmem:s8+$0x1CDE0] =	vst v0  }
0xab: {  	v0 =	vld [tilespmem:s5+$0x1ADF0]  }
0xac: {  	v63 =	vld [tilespmem:s5+$0x1BDF0];
	_ =	sdelay $0x6  }
0xad: {  	v0 =	vld.idx.msk [tilespmem:v0+s4+$0x0], $0xffff  }
0xae: {  	v1 =	vld.idx.msk [tilespmem:v63+s29+$0x0], $0xffff;
	_ =	sdelay $0x2  }
0xaf: {  	p0 =	sne.s32 s19, s31;
	s5 =	sadd.s32 s17, s7  }
.Ltmp2:
0xb0: {  	s7 =	sand.u32 $0x380, s7;
	s5 =	sand.u32 $0xFFFFFC00, s5;
	(pc) =	sbr.rel @p0 .LBB2_6-.Ltmp2, $4  }
0xb1: {  	s30 =	smov.u32 s31;
	s5 =	sor.u32 s7, s5;
	v0 =	vadd.f32 v1, v0  }
0xb2: {  	s22 =	sadd.s32 $0x10, s22;
	s21 =	sadd.s32 $0x10, s21;
	s5 =	sshrl.u32 s5, $0x3  }
0xb3: {  	s2 =	sadd.s32 $0x80, s2;
	s7 =	sadd.s32 $0x1CD80, s8;
	s5 =	sadd.s32 s6, s5;
	[tilespmem:s8+$0x1CDF0] =	vst v0  }
0xb4: {  	[hbm4b:s5+s4] =	stream.linear.scatter [tilespmem:s7], [sflag:$0x1], $0x80, $0x38;
	[tilespmem:$0x1E780] =	vst v63  }
0xb5: {  	s1 =	sadd.s32 $0x1, s1  }
0xb6: {  	_ =	swait.ge [sflag:s0], $0x80;
	p0 =	sne.s32 s1, s20  }
.Ltmp3:
0xb7: {  	[sflag:s0] =	ssyncset.done $0x0;
	(pc) =	sbr.rel @p0 .LBB2_1-.Ltmp3, $4  }
0xb8: {  	[sflag:s0] =	ssyncadd.s32 $0xFFFFFF80  }
0xb9: {  	_ =	swait.ge [sflag:s0], $0x80  }
0xba: {  	[sflag:s0] =	ssyncset.done $0x0  }
0xbb: {  	[sflag:s0] =	ssyncadd.s32 $0xFFFFFF80  }
0xbc: {  	_ =	sfence.sel $0x180000  }
0xbd: {  	[bflag:$0x0] =	sbarrier.arrive $0xFFFF  }
0xbe: {  	_ =	strace $0x9000004D  }
0xbf: {  	s0 =	stileid.u32;
	[bflag:$0x2] =	sbarrier.arrive $0xFFFF  }
0xc0: {  	p0 =	sne.s32 s0, $0x0;
	s0 =	rddreg [dreg:$0x4]  }
0xc1: {  	s0 =	sadd.s32 @!p0 $0x100000, s0  }
0xc2: {  	[sflag:s0] =	ssyncadd.tile.s32 @!p0 $0x1;
	_ =	shalt  }
.Lfunc_end2:
_tile_overlayer_lowered:
.L_overlay_start_2:
0xc3: {  	(tag) =	ssettag $0x2  }
0xc4: {  	s0 =	rddreg [dreg:$0x0];
	s2 =	stileid.u32  }
0xc5: {  	s1 =	rddreg [dreg:$0x1];
	p0 =	sne.s32 s2, $0x0  }
0xc6: {  	s3 =	rddreg [dreg:$0x2];
	[bflag:$0x3] =	sbarrier.arrive $0xFFFF;
	s2 =	simm.s32 @!p0 $0x1C02  }
0xc7: {  	[timem:s3], [sflag:s2] =	dma.local @!p0 [hbm:s0], s1  }
0xc8: {  	s0 =	simm.s32 @!p0 $0x2  }
0xc9: {  	_ =	swait.ge @!p0 [sflag:s0], s1  }
0xca: {  	s1 =	ssub.s32 @!p0 $0x0, s1;
	[sflag:s0] =	ssyncset.done @!p0 $0x0  }
0xcb: {  	[sflag:s0] =	ssyncadd.s32 @!p0 s1  }
0xcc: {  	[bflag:$0x3] =	sbarrier.arrive $0xFFFF  }
0xcd: {  	_ =	shalt  }

// kernel: kernel.6.cloned.1.call-start
scs
__scs_entry_jumppad:
0x0: {  	(pc) =	sbr.rel $0x88, $3  }
0x1: {  	(tag) =	ssettag $0x0;
	lr =	simm.s32 $0x1  }
0x2: {  	[smem:$0x3F91] =	sst lr;
	_ =	strace $0xD0000000  }
0x3: {  	_ = 	snop  }
0x4: {  	_ = 	snop  }
0x5: {  	_ = 	snop  }
0x6: {  	_ = 	snop  }
0x7: {  	_ = 	snop  }
__scs_overlays_trampoline_lowered:
0x8: {  	[smem:$0x3FA0] =	sst s0  }
0x9: {  	[smem:$0x3FA1] =	sst s1  }
0xa: {  	[smem:$0x3FA2] =	sst s2  }
0xb: {  	[smem:$0x3FA3] =	sst s3  }
0xc: {  	[smem:$0x3FA4] =	sst s4  }
0xd: {  	[smem:$0x3FA5] =	sst s5  }
0xe: {  	[smem:$0x3FA6] =	sst s6  }
0xf: {  	[smem:$0x3FA7] =	sst s7  }
0x10: {  	[smem:$0x3FA8] =	sst s8  }
0x11: {  	[smem:$0x3FA9] =	sst s9;
	s0 =	simm.s32 @!p0 $0x0  }
0x12: {  	s1 =	sld [smem:$0x3F8F];
	s0 =	simm.s32 @p0 $0x1  }
0x13: {  	[smem:$0x3FAA] =	sst s0;
	s0 =	simm.s32 @!p1 $0x0  }
0x14: {  	s2 =	sld [smem:$0x3F8E];
	s0 =	simm.s32 @p1 $0x1  }
0x15: {  	[smem:$0x3FAB] =	sst s0;
	s0 =	simm.s32 @!p2 $0x0  }
0x16: {  	s3 =	sld [smem:$0x3FDB];
	s0 =	simm.s32 @p2 $0x1  }
0x17: {  	s4 =	simm.s32 $0x1BF5;
	[smem:$0x3FAD] =	sst s0  }
0x18: {  	s0 =	sld [smem:$0x3F90];
	_ =	swait.ge [sflag:s4], $0x0  }
0x19: {  	s7 =	sld [smem:$0x3F91]  }
0x1a: {  	s8 =	sadd.s32 $0xFFFFE003, lr  }
0x1b: {  	s9 =	sadd.s32 $0xFFFFFEF7, lr;
	s5 =	simm.s32 $0xFFFFFFFF;
	p2 =	slt.u32 s8, $0xFFFFF086  }
0x1c: {  	p1 =	slt.u32 s9, $0xF7A;
	s5 =	simm.s32 @!p2 $0x0  }
0x1d: {  	s5 =	simm.s32 @p1 $0x1;
	p0 =	seq.s32 s7, s2  }
0x1e: {  	s7 =	smul.u32 @!p0 $0xF7A, s2;
	p2 =	seq.s32 @!p0 s5, $0x0  }
0x1f: {  	s9 =	smul.u32 $0xF7A, s1;
	s8 =	simm.s32 @!p0 $0x1BF5;
	p2 =	por !p2, p0  }
0x20: {  	[sflag:s8] =	ssyncset.s32 @!p0 $0xFFFFF086;
	s6 =	sadd.s32 @!p0 s3, s7;
	s7 =	simm.s32 @!p0 $0x108  }
0x21: {  	s3 =	sadd.s32 s3, s9;
	s6 =	sadd.s32 @!p0 $0x88, s6;
	s7 =	simm.s32 @p2 $0x1082  }
0x22: {  	[simem:s7], [sflag:s8] =	dma.local @!p0 [hbm:s6], $0xF7A  }
0x23: {  	s9 =	sor.u32 $0xD0000000, s2;
	s6 =	simm.s32 $0x108;
	_ =	swait.ge @!p0 [sflag:s8], $0x0  }
0x24: {  	s3 =	sadd.s32 $0x88, s3;
	s6 =	simm.s32 @!p1 $0x1082;
	[sflag:s4] =	ssyncset.s32 $0xFFFFF086  }
0x25: {  	[simem:s6], [sflag:s4] =	dma.local [hbm:s3], $0xF7A  }
0x26: {  	[smem:$0x3F91] =	sst s1;
	(tag) =	ssettag s2;
	_ =	strace s9  }
0x27: {  	s1 =	sld [smem:$0x3FA1]  }
0x28: {  	s2 =	sld [smem:$0x3FA2]  }
0x29: {  	s4 =	sld [smem:$0x3FA4]  }
0x2a: {  	p0 =	seq.s32 s5, $0x0;
	s5 =	sld [smem:$0x3FA5]  }
0x2b: {  	s6 =	sld [smem:$0x3FA6]  }
0x2c: {  	s7 =	sld [smem:$0x3FA7]  }
0x2d: {  	s3 =	simm.s32 $0x108;
	s8 =	sld [smem:$0x3FA8]  }
0x2e: {  	s3 =	simm.s32 @!p0 $0x1082;
	s9 =	sld [smem:$0x3FA9]  }
0x2f: {  	lr =	sadd.s32 s0, s3;
	s0 =	sld [smem:$0x3FA0]  }
0x30: {  	s3 =	sld [smem:$0x3FA3]  }
0x31: {  	[smem:$0x3FAC] =	sst s10  }
0x32: {  	s10 =	sld [smem:$0x3FAA];
	_ =	sdelay $0x3  }
0x33: {  	p0 =	seq.s32 s10, $0x1;
	s10 =	sld [smem:$0x3FAC];
	_ =	sdelay $0x3  }
0x34: {  	[smem:$0x3FAC] =	sst s10  }
0x35: {  	s10 =	sld [smem:$0x3FAB];
	_ =	sdelay $0x3  }
0x36: {  	p1 =	seq.s32 s10, $0x1;
	s10 =	sld [smem:$0x3FAC];
	_ =	sdelay $0x3  }
0x37: {  	[smem:$0x3FAC] =	sst s10  }
0x38: {  	s10 =	sld [smem:$0x3FAD]  }
0x39: {  	_ = 	snop;
	(pc) =	sbr.ind lr, $3  }
0x3a: {  	_ = 	snop  }
0x3b: {  	_ = 	snop  }
0x3c: {  	p2 =	seq.s32 s10, $0x1;
	s10 =	sld [smem:$0x3FAC]  }
0x3d: {  	_ =	shalt  }
0x3e: {  	_ =	shalt  }
0x3f: {  	_ =	shalt  }
0x40: {  	_ =	shalt  }
0x41: {  	_ =	shalt  }
0x42: {  	_ =	shalt  }
0x43: {  	_ =	shalt  }
0x44: {  	_ =	shalt  }
0x45: {  	_ =	shalt  }
0x46: {  	_ =	shalt  }
0x47: {  	_ =	shalt  }
0x48: {  	_ =	shalt  }
0x49: {  	_ =	shalt  }
0x4a: {  	_ =	shalt  }
0x4b: {  	_ =	shalt  }
0x4c: {  	_ =	shalt  }
0x4d: {  	_ =	shalt  }
0x4e: {  	_ =	shalt  }
0x4f: {  	_ =	shalt  }
0x50: {  	_ =	shalt  }
0x51: {  	_ =	shalt  }
0x52: {  	_ =	shalt  }
0x53: {  	_ =	shalt  }
0x54: {  	_ =	shalt  }
0x55: {  	_ =	shalt  }
0x56: {  	_ =	shalt  }
0x57: {  	_ =	shalt  }
0x58: {  	_ =	shalt  }
0x59: {  	_ =	shalt  }
0x5a: {  	_ =	shalt  }
0x5b: {  	_ =	shalt  }
0x5c: {  	_ =	shalt  }
0x5d: {  	_ =	shalt  }
0x5e: {  	_ =	shalt  }
0x5f: {  	_ =	shalt  }
0x60: {  	_ =	shalt  }
0x61: {  	_ =	shalt  }
0x62: {  	_ =	shalt  }
0x63: {  	_ =	shalt  }
0x64: {  	_ =	shalt  }
0x65: {  	_ =	shalt  }
0x66: {  	_ =	shalt  }
0x67: {  	_ =	shalt  }
0x68: {  	_ =	shalt  }
0x69: {  	_ =	shalt  }
0x6a: {  	_ =	shalt  }
0x6b: {  	_ =	shalt  }
0x6c: {  	_ =	shalt  }
0x6d: {  	_ =	shalt  }
0x6e: {  	_ =	shalt  }
0x6f: {  	_ =	shalt  }
0x70: {  	_ =	shalt  }
0x71: {  	_ =	shalt  }
0x72: {  	_ =	shalt  }
0x73: {  	_ =	shalt  }
0x74: {  	_ =	shalt  }
0x75: {  	_ =	shalt  }
0x76: {  	_ =	shalt  }
0x77: {  	_ =	shalt  }
0x78: {  	_ =	shalt  }
0x79: {  	_ =	shalt  }
0x7a: {  	_ =	shalt  }
0x7b: {  	_ =	shalt  }
0x7c: {  	_ =	shalt  }
0x7d: {  	_ =	shalt  }
0x7e: {  	_ =	shalt  }
0x7f: {  	_ =	shalt  }
0x80: {  	_ =	shalt  }
0x81: {  	_ =	shalt  }
0x82: {  	_ =	shalt  }
0x83: {  	_ =	shalt  }
0x84: {  	_ =	shalt  }
0x85: {  	_ =	shalt  }
0x86: {  	_ =	shalt  }
0x87: {  	_ =	shalt  }
.Lfunc_end0:
.L_simem_size_0:
called_computation_lowered:
.L_overlay_start_0:
0x88: {  	s2 =	sld [smem:$0x3FD9]  }
0x89: {  	s3 =	sld [smem:$0x3FFE];
	_ =	sdelay $0x1  }
0x8a: {  	s1 =	srdreg.scid  }
0x8b: {  	s0 =	sand.u32 $0x1, s1  }
0x8c: {  	s14 =	sshll.u32 s0, $0xA;
	s2 =	sadd.s32 s3, s2  }
0x8d: {  	s2 =	sadd.s32 s2, s14  }
0x8e: {  	[smem:$0x3FB8] =	sst s2  }
0x8f: {  	_ = 	snop  }
0x90: {  	s2 =	sld [smem:$0x3FD0];
	_ =	sdelay $0x2  }
0x91: {  	s15 =	simm.s32 $0xA;
	s4 =	simm.s32 $0x10  }
0x92: {  	[smem:s4], [sflag:s15] =	dma.local [hbm:s2], $0x1  }
0x93: {  	_ =	swait.eq [sflag:s15], $0x1  }
0x94: {  	s16 =	sld [smem:$0x10];
	[sflag:s15] =	ssyncset.done $0x0  }
0x95: {  	s17 =	sld [smem:$0x11];
	[sflag:s15] =	ssyncadd.s32 $0xFFFFFFFF  }
0x96: {  	s18 =	sld [smem:$0x12];
	(tm) =	ssettm $0x1  }
0x97: {  	s5 =	sld [smem:$0x3FFB];
	_ =	sdelay $0x3  }
0x98: {  	_ =	strace s5  }
0x99: {  	s5 =	sld [smem:$0x3FFC];
	_ =	sdelay $0x3  }
0x9a: {  	_ =	strace s5  }
0x9b: {  	s5 =	sld [smem:$0x3FFD];
	_ =	sdelay $0x3  }
0x9c: {  	_ =	strace s5  }
0x9d: {  	_ =	strace $0x8FFFFFFF  }
0x9e: {  	s19 =	sld [smem:$0x3FDB];
	_ =	sdelay $0x1  }
0x9f: {  	s6 =	simm.s32 $_scs_section_size  }
0xa0: {  	s7 =	simm.s32 $_size__tile_overlayer_lowered;
	s8 =	simm.s32 $_tile_overlayer_lowered  }
0xa1: {  	s22 =	simm.s32 $0x1BFF;
	s21 =	sshll.u32 s8, $0x1;
	s5 =	sadd.s32 s6, s19  }
0xa2: {  	s9 =	simm.s32 $0x0;
	s20 =	sshll.u32 s7, $0x1;
	s7 =	sadd.s32 s21, s5  }
0xa3: {  	[timem:s9], [sflag:s22] =	dma.local [hbm:s7], s20  }
0xa4: {  	_ =	swait.ge [sflag:s22], s20  }
0xa5: {  	s6 =	ssub.s32 $0x0, s20;
	[sflag:s22] =	ssyncset.done $0x0  }
0xa6: {  	[sflag:s22] =	ssyncadd.s32 s6;
	_ =	sdelay $0x1  }
0xa7: {  	s23 =	simm.s32 $0x1B8B  }
0xa8: {  	_ =	swait.ge [sflag:s23], $0x1  }
0xa9: {  	[sflag:s23] =	ssyncset.done $0x0  }
0xaa: {  	s25 =	simm.s32 $0x1B8E;
	s24 =	sld [smem:$0x3FFE];
	[sflag:s23] =	ssyncadd.s32 $0xFFFFFFFF  }
0xab: {  	s26 =	simm.s32 $execute0_lowered;
	[smem:$0x3FD2] =	sst s25  }
0xac: {  	s7 =	sshll.u32 s26, $0x1;
	_ =	strace $0x80000046;
	[dreg:$0x1] =	wrdreg $0xFFFFFFFF  }
0xad: {  	s28 =	simm.s32 $_size_execute0_lowered;
	s5 =	sadd.s32 s5, s7;
	[dreg:$0x0] =	wrdreg $0x0  }
0xae: {  	s7 =	sshll.u32 s28, $0x1;
	[dreg:$0x2] =	wrdreg s5  }
0xaf: {  	[dreg:$0x3] =	wrdreg s7  }
0xb0: {  	[dreg:$0x4] =	wrdreg $0xC0  }
0xb1: {  	_ =	task [dreg:s9], $0x5FFFF  }
0xb2: {  	[dreg:$0x1] =	wrdreg $0xFFFFFFFF  }
0xb3: {  	[dreg:$0x0] =	wrdreg $0x60  }
0xb4: {  	[dreg:$0x2] =	wrdreg s18  }
0xb5: {  	[dreg:$0x3] =	wrdreg s24  }
0xb6: {  	[dreg:$0x4] =	wrdreg s17  }
0xb7: {  	[dreg:$0x5] =	wrdreg s16  }
0xb8: {  	[dreg:$0x6] =	wrdreg $0x102000  }
0xb9: {  	[dreg:$0x7] =	wrdreg $0x9  }
0xba: {  	_ =	task.clear_ibuf [dreg:s9], $0x8FFFF;
	_ =	strace $0x90000046  }
0xbb: {  	s29 =	simm.s32 $0x9;
	_ =	strace $0x80000048  }
0xbc: {  	_ =	swait.ge [sflag:s29], $0x1  }
0xbd: {  	[sflag:s29] =	ssyncadd.s32 $0xFFFFFFFF  }
0xbe: {  	_ =	strace $0x90000048  }
0xbf: {  	_ =	sfence  }
0xc0: {  	s30 =	sld [smem:$0x0];
	_ =	sdelay $0x2  }
0xc1: {  	s31 =	sshll.u32 s1, $0xD;
	s1 =	sshrl.u32 s1, $0x2  }
0xc2: {  	s3 =	sand.u32 $0x4000, s31;
	s1 =	sadd.s32 s1, s30  }
0xc3: {  	s0 =	sor.u32 s3, s0;
	s1 =	sshll.u32 s1, $0x11  }
0xc4: {  	s0 =	sor.u32 s1, s0  }
0xc5: {  	s0 =	sadd.s32 $0x8F2B, s0  }
0xc6: {  	[sflag:s0] =	ssyncadd.remote.s32 $0x1  }
0xc7: {  	_ =	sfence.sel $0xFFFF  }
0xc8: {  	[dreg:$0x0] =	wrdreg $0xFFFFFFFF;
	(pc) =	sbr.abs _section_cstart, $3  }
0xc9: {  	[dreg:$0x1] =	wrdreg $0xFFFFFFFF  }
0xca: {  	_ =	task.clear_ibuf [dreg:s9], $0x2FFFF;
	_ =	strace $0x9FFFFFFF  }
0xcb: {  	(tm) =	ssettm $0x7FFFFFFF  }
tec
execute0_lowered:
.L_overlay_start_1:
0x0: {  	(tag) =	ssettag $0x1  }
0x1: {  	s1 =	rddreg [dreg:$0x1]  }
0x2: {  	s10 =	rddreg [dreg:$0x3];
	s4 =	srdreg.scid  }
0x3: {  	s3 =	rddreg [dreg:$0x4];
	s23 =	stileid.u32  }
0x4: {  	s19 =	simm.s32 $0xC400;
	s20 =	simm.s32 $0xD400;
	s21 =	simm.s32 $0xE400  }
0x5: {  	s22 =	simm.s32 $0x80;
	s24 =	simm.s32 $0x0;
	s5 =	sand.u32 $0x1, s4  }
0x6: {  	s4 =	simm.s32 $0x0;
	s7 =	smul.u32 $0x3100, s23;
	s15 =	sadd.s32 $0x34600, s1  }
0x7: {  	s14 =	sadd.s32 $0x1B400, s1;
	s12 =	smul.u32 $0xFFFF9C00, s23;
	s1 =	sadd.s32 $0x2200, s1  }
0x8: {  	s18 =	smul.u32 $0x6400, s23;
	p0 =	sne.s32 s23, $0x0;
	s11 =	sshll.u32 s5, $0x4  }
0x9: {  	[smem:$0x7FF] =	sst s4;
	s26 =	ssub.s32 $0x2, s5;
	s16 =	smul.u32 $0xFFF9C000, s5  }
0xa: {  	s17 =	smul.u32 $0x64000, s5;
	s6 =	sor.u32 s23, s11;
	_ =	strace $0x80000047  }
0xb: {  	s13 =	sshrl.u32 s26, $0x1;
	s29 =	sshrl.u32 s7, $0x2;
	s8 =	smul.u32 $0xFFFF9C00, s6  }
0xc: {  	s10 =	sadd.s32 s10, s11;
	s23 =	simm.s32 $0x1;
	s9 =	smul.u32 $0xC80, s6  }
0xd: {  	s13 =	ssub.s32 s26, s13;
	s5 =	sadd.s32 s29, s3;
	s12 =	sadd.s32 s16, s12  }
0xe: {  	s30 =	sadd.s32 s18, s17;
	s17 =	simm.s32 $0x2;
	s18 =	simm.s32 $0x10180  }
0xf: {  	s12 =	sadd.s32 $0xC3500, s12;
	s16 =	sor.u32 $0x80, s30;
	s28 =	sadd.s32 $0xC3500, s8  }
0x10: {  	s7 =	sadd.s32 s15, s9;
	s8 =	sadd.s32 s14, s9;
	s9 =	sadd.s32 s1, s9  }
0x11: {  	s31 =	sshrl.u32 s12, $0x7;
	s16 =	sshrl.u32 s16, $0x3;
	s12 =	smax.u32 s13, $0x1  }
0x12: {  	s6 =	sshrl.u32 s28, $0x7;
	s11 =	smin.u32 s31, $0xC8;
	s13 =	sadd.s32 s16, s1  }
0x13: {  	v0 =	vimm.f32 $0.0e+00;
	s14 =	sadd.s32 s16, s14;
	s15 =	sadd.s32 s16, s15;
	s6 =	smin.u32 s6, $0xC8  }
.LBB2_1:
0x14: {  	s1 =	simm.s32 $0x40;
	s25 =	simm.s32 $0x0  }
.LBB2_2:
0x15: {  	p1 =	sne.s32 s1, $0x30C0;
	[tilespmem:s25+$0xF500] =	vst v0;
	s25 =	smov.u32 s1;
	s1 =	sadd.s32 $0x40, s1  }
.Ltmp0:
0x16: {  	(pc) =	sbr.rel @p1 .LBB2_2-.Ltmp0, $2  }
0x17: {  	_ =	sdelay $0x2  }
0x18: {  	s25 =	sshra.s32 s25, $0x2  }
0x19: {  	[tilespmem:s25+$0xF500] =	vst v0;
	s0 =	simm.s32 $0xF500  }
0x1a: {  	[spmem:s5] =	stream.linear.scatter [tilespmem:s0], [sflag:$0x2], $0xC40, $0x38;
	[tilespmem:$0x10E40] =	vst v63  }
0x1b: {  	_ =	swait.ge [sflag:s17], $0xC40  }
0x1c: {  	[sflag:s17] =	ssyncset.done $0x0  }
0x1d: {  	[sflag:s17] =	ssyncadd.s32 $0xFFFFF3C0  }
0x1e: {  	s1 =	simm.s32 $0x0;
	s30 =	rddreg [dreg:$0x0]  }
0x1f: {  	[tilespmem:s1], [sflag:$0x2] =	stream.linear.gather [hbm4b:s30+s1], $0xC400, $0x38;
	[tilespmem:$0x10E40] =	vst v63  }
0x20: {  	_ =	swait.ge [sflag:s17], $0xC400  }
0x21: {  	[sflag:s17] =	ssyncset.done $0x0  }
0x22: {  	[sflag:s17] =	ssyncadd.s32 $0xFFFF3C00  }
0x23: {  	s31 =	rddreg [dreg:$0x2]  }
0x24: {  	[tilespmem:s18], [sflag:$0x2] =	stream.linear.gather [hbm4b:s31+s1], $0x80, $0x38;
	[tilespmem:$0x10E40] =	vst v63  }
0x25: {  	_ =	swait.ge [sflag:s17], $0x80  }
0x26: {  	[sflag:s17] =	ssyncset.done $0x0  }
0x27: {  	[sflag:s17] =	ssyncadd.s32 $0xFFFFFF80  }
0x28: {  	[bflag:$0x0] =	sbarrier.arrive $0xFFFF  }
0x29: {  	v2 =	vld [tilespmem:$0x10180];
	[tilespmem:s19], [sflag:$0x2] =	stream.linear.gather [hbm4b:s7+s1], $0x800, $0x38  }
0x2a: {  	_ =	swait.ge [sflag:s17], $0x800  }
0x2b: {  	[sflag:s17] =	ssyncset.done $0x0  }
0x2c: {  	[sflag:s17] =	ssyncadd.s32 $0xFFFFF800  }
0x2d: {  	[tilespmem:s20], [sflag:$0x2] =	stream.linear.gather [hbm4b:s8+s1], $0x800, $0x38;
	[tilespmem:$0x10E40] =	vst v63  }
0x2e: {  	_ =	swait.ge [sflag:s17], $0x800  }
0x2f: {  	[sflag:s17] =	ssyncset.done $0x0  }
0x30: {  	[sflag:s17] =	ssyncadd.s32 $0xFFFFF800  }
0x31: {  	[tilespmem:s21], [sflag:$0x2] =	stream.linear.gather [hbm4b:s9+s1], $0x800, $0x38;
	[tilespmem:$0x10E40] =	vst v63  }
0x32: {  	_ =	swait.ge [sflag:s17], $0x800  }
0x33: {  	s25 =	simm.s32 $0x80;
	s26 =	smov.u32 s15;
	[sflag:s17] =	ssyncset.done $0x0  }
0x34: {  	s28 =	smov.u32 s14;
	s29 =	smov.u32 s13;
	v1 =	vbroadcast v2, $0x0;
	v2 =	vbroadcast v2, $0x1;
	[sflag:s17] =	ssyncadd.s32 $0xFFFFF800  }
.LBB2_4:
0x35: {  	s30 =	sadd.s32 $0x1, s1  }
0x36: {  	p1 =	sge.u32 s30, s6;
	s31 =	sand.u32 $0xF, s30  }
0x37: {  	p2 =	sne.s32 @!p1 s31, $0x0  }
0x38: {  	p1 =	por p2, p1  }
0x39: {  	s31 =	sand.u32 @!p1 $0x800, s25  }
0x3a: {  	s2 =	simm.s32 @!p1 $0x0;
	s0 =	sor.u32 @!p1 $0xC400, s31  }
0x3b: {  	[tilespmem:s0], [sflag:$0x2] =	stream.linear.gather @!p1 [hbm4b:s26+s2], $0x800, $0x38;
	[tilespmem:$0x10E40] =	vst v63  }
0x3c: {  	s0 =	simm.s32 @!p1 $0x2  }
0x3d: {  	_ =	swait.ge @!p1 [sflag:s0], $0x800  }
0x3e: {  	[sflag:s0] =	ssyncset.done @!p1 $0x0  }
0x3f: {  	s16 =	sor.u32 @!p1 $0xD400, s31;
	[sflag:s0] =	ssyncadd.s32 @!p1 $0xFFFFF800  }
0x40: {  	[tilespmem:s16], [sflag:$0x2] =	stream.linear.gather @!p1 [hbm4b:s28+s2], $0x800, $0x38;
	[tilespmem:$0x10E40] =	vst v63  }
0x41: {  	_ =	swait.ge @!p1 [sflag:s0], $0x800  }
0x42: {  	[sflag:s0] =	ssyncset.done @!p1 $0x0  }
0x43: {  	s16 =	sor.u32 @!p1 $0xE400, s31;
	[sflag:s0] =	ssyncadd.s32 @!p1 $0xFFFFF800  }
0x44: {  	[tilespmem:s16], [sflag:$0x2] =	stream.linear.gather @!p1 [hbm4b:s29+s2], $0x800, $0x38;
	[tilespmem:$0x10E40] =	vst v63  }
0x45: {  	_ =	swait.ge @!p1 [sflag:s0], $0x800  }
0x46: {  	p2 =	slt.u32 s1, $0x2;
	[sflag:s0] =	ssyncset.done @!p1 $0x0  }
0x47: {  	[sflag:s0] =	ssyncadd.s32 @!p1 $0xFFFFF800;
	s0 =	simm.s32 @!p2 $0x1  }
0x48: {  	_ =	swait.ge @!p2 [sflag:s0], $0x80  }
0x49: {  	s31 =	sshll.u32 s1, $0x7;
	[sflag:s0] =	ssyncset.done @!p2 $0x0  }
0x4a: {  	s31 =	sand.u32 $0xF80, s31;
	[sflag:s0] =	ssyncadd.s32 @!p2 $0xFFFFFF80  }
0x4b: {  	v3 =	vld [tilespmem:s31+$0xC400]  }
0x4c: {  	v4 =	vld [tilespmem:s31+$0xE400];
	_ =	sdelay $0x4  }
0x4d: {  	v5 =	vshrl.u32 v4, $0x10  }
0x4e: {  	v5 =	vand.u32 $0x1, v5  }
0x4f: {  	v4 =	vadd.s32 v5, v4;
	v3 =	vld.idx.msk [tilespmem:v3+s4+$0x0], $0xffff  }
0x50: {  	v4 =	vadd.s32 $0x7FFF, v4  }
0x51: {  	v4 =	vand.u32 $0xFFFF0000, v4  }
0x52: {  	v4 =	vmul.f32 v4, v1;
	_ =	sdelay $0x1  }
0x53: {  	v3 =	vadd.f32 v4, v3;
	_ =	sdelay $0x1  }
0x54: {  	v3 =	vadd.f32 v3, v2  }
0x55: {  	s2 =	sadd.s32 $0xFFFFFF80, s25  }
0x56: {  	s16 =	sand.u32 $0x80, s2;
	v3 =	vmax.f32 v3, $0.0e+00  }
0x57: {  	[tilespmem:s16+$0xF400] =	vst v3  }
0x58: {  	v3 =	vld [tilespmem:s31+$0xC410]  }
0x59: {  	v50 =	vld [tilespmem:s31+$0xE410];
	_ =	sdelay $0x4  }
0x5a: {  	v51 =	vshrl.u32 v50, $0x10  }
0x5b: {  	v5 =	vand.u32 $0x1, v51  }
0x5c: {  	v4 =	vadd.s32 v5, v50;
	v3 =	vld.idx.msk [tilespmem:v3+s4+$0x0], $0xffff  }
0x5d: {  	v4 =	vadd.s32 $0x7FFF, v4  }
0x5e: {  	v4 =	vand.u32 $0xFFFF0000, v4  }
0x5f: {  	v4 =	vmul.f32 v4, v1;
	_ =	sdelay $0x1  }
0x60: {  	v3 =	vadd.f32 v4, v3;
	_ =	sdelay $0x1  }
0x61: {  	v3 =	vadd.f32 v3, v2;
	_ =	sdelay $0x1  }
0x62: {  	v3 =	vmax.f32 v3, $0.0e+00  }
0x63: {  	[tilespmem:s16+$0xF410] =	vst v3  }
0x64: {  	v3 =	vld [tilespmem:s31+$0xC420]  }
0x65: {  	v52 =	vld [tilespmem:s31+$0xE420];
	_ =	sdelay $0x4  }
0x66: {  	v53 =	vshrl.u32 v52, $0x10  }
0x67: {  	v5 =	vand.u32 $0x1, v53  }
0x68: {  	v4 =	vadd.s32 v5, v52;
	v3 =	vld.idx.msk [tilespmem:v3+s4+$0x0], $0xffff  }
0x69: {  	v4 =	vadd.s32 $0x7FFF, v4  }
0x6a: {  	v4 =	vand.u32 $0xFFFF0000, v4  }
0x6b: {  	v4 =	vmul.f32 v4, v1;
	_ =	sdelay $0x1  }
0x6c: {  	v3 =	vadd.f32 v4, v3;
	_ =	sdelay $0x1  }
0x6d: {  	v3 =	vadd.f32 v3, v2;
	_ =	sdelay $0x1  }
0x6e: {  	v3 =	vmax.f32 v3, $0.0e+00  }
0x6f: {  	[tilespmem:s16+$0xF420] =	vst v3  }
0x70: {  	v3 =	vld [tilespmem:s31+$0xC430]  }
0x71: {  	v54 =	vld [tilespmem:s31+$0xE430];
	_ =	sdelay $0x4  }
0x72: {  	v55 =	vshrl.u32 v54, $0x10  }
0x73: {  	v5 =	vand.u32 $0x1, v55  }
0x74: {  	v4 =	vadd.s32 v5, v54;
	v3 =	vld.idx.msk [tilespmem:v3+s4+$0x0], $0xffff  }
0x75: {  	v4 =	vadd.s32 $0x7FFF, v4  }
0x76: {  	v4 =	vand.u32 $0xFFFF0000, v4  }
0x77: {  	v4 =	vmul.f32 v4, v1;
	_ =	sdelay $0x1  }
0x78: {  	v3 =	vadd.f32 v4, v3;
	_ =	sdelay $0x1  }
0x79: {  	v3 =	vadd.f32 v3, v2;
	_ =	sdelay $0x1  }
0x7a: {  	v3 =	vmax.f32 v3, $0.0e+00  }
0x7b: {  	[tilespmem:s16+$0xF430] =	vst v3  }
0x7c: {  	v3 =	vld [tilespmem:s31+$0xC440]  }
0x7d: {  	v56 =	vld [tilespmem:s31+$0xE440];
	_ =	sdelay $0x4  }
0x7e: {  	v57 =	vshrl.u32 v56, $0x10  }
0x7f: {  	v5 =	vand.u32 $0x1, v57  }
0x80: {  	v4 =	vadd.s32 v5, v56;
	v3 =	vld.idx.msk [tilespmem:v3+s4+$0x0], $0xffff  }
0x81: {  	v4 =	vadd.s32 $0x7FFF, v4  }
0x82: {  	v4 =	vand.u32 $0xFFFF0000, v4  }
0x83: {  	v4 =	vmul.f32 v4, v1;
	_ =	sdelay $0x1  }
0x84: {  	v3 =	vadd.f32 v4, v3;
	_ =	sdelay $0x1  }
0x85: {  	v3 =	vadd.f32 v3, v2;
	_ =	sdelay $0x1  }
0x86: {  	v3 =	vmax.f32 v3, $0.0e+00  }
0x87: {  	[tilespmem:s16+$0xF440] =	vst v3  }
0x88: {  	v3 =	vld [tilespmem:s31+$0xC450]  }
0x89: {  	v58 =	vld [tilespmem:s31+$0xE450];
	_ =	sdelay $0x4  }
0x8a: {  	v59 =	vshrl.u32 v58, $0x10  }
0x8b: {  	v5 =	vand.u32 $0x1, v59  }
0x8c: {  	v4 =	vadd.s32 v5, v58;
	v3 =	vld.idx.msk [tilespmem:v3+s4+$0x0], $0xffff  }
0x8d: {  	v4 =	vadd.s32 $0x7FFF, v4  }
0x8e: {  	v4 =	vand.u32 $0xFFFF0000, v4  }
0x8f: {  	v4 =	vmul.f32 v4, v1;
	_ =	sdelay $0x1  }
0x90: {  	v3 =	vadd.f32 v4, v3;
	_ =	sdelay $0x1  }
0x91: {  	v3 =	vadd.f32 v3, v2;
	_ =	sdelay $0x1  }
0x92: {  	v3 =	vmax.f32 v3, $0.0e+00  }
0x93: {  	[tilespmem:s16+$0xF450] =	vst v3  }
0x94: {  	v3 =	vld [tilespmem:s31+$0xC460]  }
0x95: {  	v60 =	vld [tilespmem:s31+$0xE460];
	_ =	sdelay $0x4  }
0x96: {  	v61 =	vshrl.u32 v60, $0x10  }
0x97: {  	v5 =	vand.u32 $0x1, v61  }
0x98: {  	v4 =	vadd.s32 v5, v60;
	v3 =	vld.idx.msk [tilespmem:v3+s4+$0x0], $0xffff  }
0x99: {  	v4 =	vadd.s32 $0x7FFF, v4  }
0x9a: {  	v4 =	vand.u32 $0xFFFF0000, v4  }
0x9b: {  	v4 =	vmul.f32 v4, v1;
	_ =	sdelay $0x1  }
0x9c: {  	v3 =	vadd.f32 v4, v3;
	_ =	sdelay $0x1  }
0x9d: {  	v3 =	vadd.f32 v3, v2;
	_ =	sdelay $0x1  }
0x9e: {  	v3 =	vmax.f32 v3, $0.0e+00  }
0x9f: {  	[tilespmem:s16+$0xF460] =	vst v3  }
0xa0: {  	v3 =	vld [tilespmem:s31+$0xC470]  }
0xa1: {  	v62 =	vld [tilespmem:s31+$0xE470];
	_ =	sdelay $0x4  }
0xa2: {  	v63 =	vshrl.u32 v62, $0x10  }
0xa3: {  	v5 =	vand.u32 $0x1, v63  }
0xa4: {  	v4 =	vadd.s32 v5, v62;
	v3 =	vld.idx.msk [tilespmem:v3+s4+$0x0], $0xffff  }
0xa5: {  	v4 =	vadd.s32 $0x7FFF, v4  }
0xa6: {  	v4 =	vand.u32 $0xFFFF0000, v4  }
0xa7: {  	v4 =	vmul.f32 v4, v1;
	_ =	sdelay $0x1  }
0xa8: {  	v3 =	vadd.f32 v4, v3  }
0xa9: {  	p1 =	sne.s32 s11, s30  }
.Ltmp1:
0xaa: {  	v3 =	vadd.f32 v3, v2;
	(pc) =	sbr.rel @p1 .LBB2_4-.Ltmp1, $4  }
0xab: {  	s26 =	sadd.s32 $0x10, s26  }
0xac: {  	s28 =	sadd.s32 $0x10, s28;
	s1 =	smov.u32 s30;
	s25 =	sadd.s32 $0x80, s25;
	v3 =	vmax.f32 v3, $0.0e+00  }
0xad: {  	s29 =	sadd.s32 $0x10, s29;
	s0 =	sor.u32 $0xF400, s16;
	s31 =	sadd.s32 $0xD400, s31;
	[tilespmem:s16+$0xF470] =	vst v3  }
0xae: {  	[spmem:s3] =	stream.indirect.scatter.add.f32 [tilespmem:s0], [sflag:$0x1], $0x1, s31, s22, $0xb8;
	[tilespmem:$0x10E40] =	vst v63  }
0xaf: {  	_ =	swait.ge [sflag:s23], $0x80  }
0xb0: {  	[sflag:s23] =	ssyncset.done $0x0  }
0xb1: {  	[sflag:s23] =	ssyncadd.s32 $0xFFFFFF80  }
0xb2: {  	s0 =	sshrl.u32 @!p0 s3, $0x3;
	_ =	swait.ge [sflag:s23], $0x80  }
0xb3: {  	s1 =	simm.s32 @!p0 $0x1;
	s2 =	simm.s32 @!p0 $0x20;
	[sflag:s23] =	ssyncset.done $0x0  }
0xb4: {  	s16 =	simm.s32 @!p0 $0x10;
	s24 =	sadd.s32 $0x1, s24;
	[sflag:s23] =	ssyncadd.s32 $0xFFFFFF80  }
0xb5: {  	s25 =	simm.s32 @!p0 $0x1C02;
	p1 =	sne.s32 s24, s12;
	[bflag:$0x0] =	sbarrier.arrive $0xFFFF  }
0xb6: {  	[hbm:s10@s2], [sflag:s25] =	dma.strided @!p0 [spmem:s0@s16], $0x1880, s1, $0x10   }
.Ltmp2:
0xb7: {  	_ = 	snop;
	(pc) =	sbr.rel @p1 .LBB2_1-.Ltmp2, $4  }
0xb8: {  	s0 =	simm.s32 @!p0 $0x2  }
0xb9: {  	_ =	swait.ge @!p0 [sflag:s0], $0x1880  }
0xba: {  	[sflag:s0] =	ssyncset.done @!p0 $0x0  }
0xbb: {  	[sflag:s0] =	ssyncadd.s32 @!p0 $0xFFFFE780  }
0xbc: {  	_ =	sfence.sel $0x180000  }
0xbd: {  	[bflag:$0x0] =	sbarrier.arrive $0xFFFF  }
0xbe: {  	_ =	strace $0x90000047  }
0xbf: {  	[bflag:$0x2] =	sbarrier.arrive $0xFFFF  }
0xc0: {  	s0 =	rddreg [dreg:$0x5]  }
0xc1: {  	s0 =	sadd.s32 @!p0 $0x100000, s0  }
0xc2: {  	[sflag:s0] =	ssyncadd.tile.s32 @!p0 $0x1;
	_ =	shalt  }
.Lfunc_end2:
_tile_overlayer_lowered:
.L_overlay_start_2:
0xc3: {  	(tag) =	ssettag $0x2  }
0xc4: {  	s0 =	rddreg [dreg:$0x0];
	s2 =	stileid.u32  }
0xc5: {  	s1 =	rddreg [dreg:$0x1];
	p0 =	sne.s32 s2, $0x0  }
0xc6: {  	s3 =	rddreg [dreg:$0x2];
	[bflag:$0x3] =	sbarrier.arrive $0xFFFF;
	s2 =	simm.s32 @!p0 $0x1C02  }
0xc7: {  	[timem:s3], [sflag:s2] =	dma.local @!p0 [hbm:s0], s1  }
0xc8: {  	s0 =	simm.s32 @!p0 $0x2  }
0xc9: {  	_ =	swait.ge @!p0 [sflag:s0], s1  }
0xca: {  	s1 =	ssub.s32 @!p0 $0x0, s1;
	[sflag:s0] =	ssyncset.done @!p0 $0x0  }
0xcb: {  	[sflag:s0] =	ssyncadd.s32 @!p0 s1  }
0xcc: {  	[bflag:$0x3] =	sbarrier.arrive $0xFFFF  }
0xcd: {  	_ =	shalt  }

// kernel: kernel.9.cloned.1.call-start
scs
__scs_entry_jumppad:
0x0: {  	(pc) =	sbr.rel $0x88, $3  }
0x1: {  	(tag) =	ssettag $0x0;
	lr =	simm.s32 $0x1  }
0x2: {  	[smem:$0x3F91] =	sst lr;
	_ =	strace $0xD0000000  }
0x3: {  	_ = 	snop  }
0x4: {  	_ = 	snop  }
0x5: {  	_ = 	snop  }
0x6: {  	_ = 	snop  }
0x7: {  	_ = 	snop  }
__scs_overlays_trampoline_lowered:
0x8: {  	[smem:$0x3FA0] =	sst s0  }
0x9: {  	[smem:$0x3FA1] =	sst s1  }
0xa: {  	[smem:$0x3FA2] =	sst s2  }
0xb: {  	[smem:$0x3FA3] =	sst s3  }
0xc: {  	[smem:$0x3FA4] =	sst s4  }
0xd: {  	[smem:$0x3FA5] =	sst s5  }
0xe: {  	[smem:$0x3FA6] =	sst s6  }
0xf: {  	[smem:$0x3FA7] =	sst s7  }
0x10: {  	[smem:$0x3FA8] =	sst s8  }
0x11: {  	[smem:$0x3FA9] =	sst s9;
	s0 =	simm.s32 @!p0 $0x0  }
0x12: {  	s1 =	sld [smem:$0x3F8F];
	s0 =	simm.s32 @p0 $0x1  }
0x13: {  	[smem:$0x3FAA] =	sst s0;
	s0 =	simm.s32 @!p1 $0x0  }
0x14: {  	s2 =	sld [smem:$0x3F8E];
	s0 =	simm.s32 @p1 $0x1  }
0x15: {  	[smem:$0x3FAB] =	sst s0;
	s0 =	simm.s32 @!p2 $0x0  }
0x16: {  	s3 =	sld [smem:$0x3FDB];
	s0 =	simm.s32 @p2 $0x1  }
0x17: {  	s4 =	simm.s32 $0x1BF5;
	[smem:$0x3FAD] =	sst s0  }
0x18: {  	s0 =	sld [smem:$0x3F90];
	_ =	swait.ge [sflag:s4], $0x0  }
0x19: {  	s7 =	sld [smem:$0x3F91]  }
0x1a: {  	s8 =	sadd.s32 $0xFFFFE003, lr  }
0x1b: {  	s9 =	sadd.s32 $0xFFFFFEF7, lr;
	s5 =	simm.s32 $0xFFFFFFFF;
	p2 =	slt.u32 s8, $0xFFFFF086  }
0x1c: {  	p1 =	slt.u32 s9, $0xF7A;
	s5 =	simm.s32 @!p2 $0x0  }
0x1d: {  	s5 =	simm.s32 @p1 $0x1;
	p0 =	seq.s32 s7, s2  }
0x1e: {  	s7 =	smul.u32 @!p0 $0xF7A, s2;
	p2 =	seq.s32 @!p0 s5, $0x0  }
0x1f: {  	s9 =	smul.u32 $0xF7A, s1;
	s8 =	simm.s32 @!p0 $0x1BF5;
	p2 =	por !p2, p0  }
0x20: {  	[sflag:s8] =	ssyncset.s32 @!p0 $0xFFFFF086;
	s6 =	sadd.s32 @!p0 s3, s7;
	s7 =	simm.s32 @!p0 $0x108  }
0x21: {  	s3 =	sadd.s32 s3, s9;
	s6 =	sadd.s32 @!p0 $0x88, s6;
	s7 =	simm.s32 @p2 $0x1082  }
0x22: {  	[simem:s7], [sflag:s8] =	dma.local @!p0 [hbm:s6], $0xF7A  }
0x23: {  	s9 =	sor.u32 $0xD0000000, s2;
	s6 =	simm.s32 $0x108;
	_ =	swait.ge @!p0 [sflag:s8], $0x0  }
0x24: {  	s3 =	sadd.s32 $0x88, s3;
	s6 =	simm.s32 @!p1 $0x1082;
	[sflag:s4] =	ssyncset.s32 $0xFFFFF086  }
0x25: {  	[simem:s6], [sflag:s4] =	dma.local [hbm:s3], $0xF7A  }
0x26: {  	[smem:$0x3F91] =	sst s1;
	(tag) =	ssettag s2;
	_ =	strace s9  }
0x27: {  	s1 =	sld [smem:$0x3FA1]  }
0x28: {  	s2 =	sld [smem:$0x3FA2]  }
0x29: {  	s4 =	sld [smem:$0x3FA4]  }
0x2a: {  	p0 =	seq.s32 s5, $0x0;
	s5 =	sld [smem:$0x3FA5]  }
0x2b: {  	s6 =	sld [smem:$0x3FA6]  }
0x2c: {  	s7 =	sld [smem:$0x3FA7]  }
0x2d: {  	s3 =	simm.s32 $0x108;
	s8 =	sld [smem:$0x3FA8]  }
0x2e: {  	s3 =	simm.s32 @!p0 $0x1082;
	s9 =	sld [smem:$0x3FA9]  }
0x2f: {  	lr =	sadd.s32 s0, s3;
	s0 =	sld [smem:$0x3FA0]  }
0x30: {  	s3 =	sld [smem:$0x3FA3]  }
0x31: {  	[smem:$0x3FAC] =	sst s10  }
0x32: {  	s10 =	sld [smem:$0x3FAA];
	_ =	sdelay $0x3  }
0x33: {  	p0 =	seq.s32 s10, $0x1;
	s10 =	sld [smem:$0x3FAC];
	_ =	sdelay $0x3  }
0x34: {  	[smem:$0x3FAC] =	sst s10  }
0x35: {  	s10 =	sld [smem:$0x3FAB];
	_ =	sdelay $0x3  }
0x36: {  	p1 =	seq.s32 s10, $0x1;
	s10 =	sld [smem:$0x3FAC];
	_ =	sdelay $0x3  }
0x37: {  	[smem:$0x3FAC] =	sst s10  }
0x38: {  	s10 =	sld [smem:$0x3FAD]  }
0x39: {  	_ = 	snop;
	(pc) =	sbr.ind lr, $3  }
0x3a: {  	_ = 	snop  }
0x3b: {  	_ = 	snop  }
0x3c: {  	p2 =	seq.s32 s10, $0x1;
	s10 =	sld [smem:$0x3FAC]  }
0x3d: {  	_ =	shalt  }
0x3e: {  	_ =	shalt  }
0x3f: {  	_ =	shalt  }
0x40: {  	_ =	shalt  }
0x41: {  	_ =	shalt  }
0x42: {  	_ =	shalt  }
0x43: {  	_ =	shalt  }
0x44: {  	_ =	shalt  }
0x45: {  	_ =	shalt  }
0x46: {  	_ =	shalt  }
0x47: {  	_ =	shalt  }
0x48: {  	_ =	shalt  }
0x49: {  	_ =	shalt  }
0x4a: {  	_ =	shalt  }
0x4b: {  	_ =	shalt  }
0x4c: {  	_ =	shalt  }
0x4d: {  	_ =	shalt  }
0x4e: {  	_ =	shalt  }
0x4f: {  	_ =	shalt  }
0x50: {  	_ =	shalt  }
0x51: {  	_ =	shalt  }
0x52: {  	_ =	shalt  }
0x53: {  	_ =	shalt  }
0x54: {  	_ =	shalt  }
0x55: {  	_ =	shalt  }
0x56: {  	_ =	shalt  }
0x57: {  	_ =	shalt  }
0x58: {  	_ =	shalt  }
0x59: {  	_ =	shalt  }
0x5a: {  	_ =	shalt  }
0x5b: {  	_ =	shalt  }
0x5c: {  	_ =	shalt  }
0x5d: {  	_ =	shalt  }
0x5e: {  	_ =	shalt  }
0x5f: {  	_ =	shalt  }
0x60: {  	_ =	shalt  }
0x61: {  	_ =	shalt  }
0x62: {  	_ =	shalt  }
0x63: {  	_ =	shalt  }
0x64: {  	_ =	shalt  }
0x65: {  	_ =	shalt  }
0x66: {  	_ =	shalt  }
0x67: {  	_ =	shalt  }
0x68: {  	_ =	shalt  }
0x69: {  	_ =	shalt  }
0x6a: {  	_ =	shalt  }
0x6b: {  	_ =	shalt  }
0x6c: {  	_ =	shalt  }
0x6d: {  	_ =	shalt  }
0x6e: {  	_ =	shalt  }
0x6f: {  	_ =	shalt  }
0x70: {  	_ =	shalt  }
0x71: {  	_ =	shalt  }
0x72: {  	_ =	shalt  }
0x73: {  	_ =	shalt  }
0x74: {  	_ =	shalt  }
0x75: {  	_ =	shalt  }
0x76: {  	_ =	shalt  }
0x77: {  	_ =	shalt  }
0x78: {  	_ =	shalt  }
0x79: {  	_ =	shalt  }
0x7a: {  	_ =	shalt  }
0x7b: {  	_ =	shalt  }
0x7c: {  	_ =	shalt  }
0x7d: {  	_ =	shalt  }
0x7e: {  	_ =	shalt  }
0x7f: {  	_ =	shalt  }
0x80: {  	_ =	shalt  }
0x81: {  	_ =	shalt  }
0x82: {  	_ =	shalt  }
0x83: {  	_ =	shalt  }
0x84: {  	_ =	shalt  }
0x85: {  	_ =	shalt  }
0x86: {  	_ =	shalt  }
0x87: {  	_ =	shalt  }
.Lfunc_end0:
.L_simem_size_0:
called_computation.1_lowered:
.L_overlay_start_0:
0x88: {  	s2 =	sld [smem:$0x3FD9]  }
0x89: {  	s3 =	sld [smem:$0x3FFE];
	_ =	sdelay $0x1  }
0x8a: {  	s1 =	srdreg.scid  }
0x8b: {  	s0 =	sand.u32 $0x1, s1  }
0x8c: {  	s14 =	sshll.u32 s0, $0xA;
	s2 =	sadd.s32 s3, s2  }
0x8d: {  	s2 =	sadd.s32 s2, s14  }
0x8e: {  	[smem:$0x3FB8] =	sst s2  }
0x8f: {  	_ = 	snop  }
0x90: {  	s2 =	sld [smem:$0x3FD0];
	_ =	sdelay $0x2  }
0x91: {  	s15 =	simm.s32 $0xA;
	s4 =	simm.s32 $0x10  }
0x92: {  	[smem:s4], [sflag:s15] =	dma.local [hbm:s2], $0x1  }
0x93: {  	_ =	swait.eq [sflag:s15], $0x1  }
0x94: {  	[sflag:s15] =	ssyncset.done $0x0  }
0x95: {  	[sflag:s15] =	ssyncadd.s32 $0xFFFFFFFF  }
0x96: {  	s16 =	sld [smem:$0x10];
	(tm) =	ssettm $0x1  }
0x97: {  	s17 =	sld [smem:$0x3FFB];
	_ =	sdelay $0x3  }
0x98: {  	_ =	strace s17  }
0x99: {  	s3 =	sld [smem:$0x3FFC];
	_ =	sdelay $0x3  }
0x9a: {  	_ =	strace s3  }
0x9b: {  	s3 =	sld [smem:$0x3FFD];
	_ =	sdelay $0x3  }
0x9c: {  	_ =	strace s3  }
0x9d: {  	_ =	strace $0x8FFFFFFF  }
0x9e: {  	s18 =	sld [smem:$0x3FDB];
	_ =	sdelay $0x1  }
0x9f: {  	s19 =	simm.s32 $_scs_section_size  }
0xa0: {  	s5 =	simm.s32 $_size__tile_overlayer_lowered;
	s6 =	simm.s32 $_tile_overlayer_lowered  }
0xa1: {  	s22 =	simm.s32 $0x1BFF;
	s21 =	sshll.u32 s6, $0x1;
	s3 =	sadd.s32 s19, s18  }
0xa2: {  	s7 =	simm.s32 $0x0;
	s20 =	sshll.u32 s5, $0x1;
	s5 =	sadd.s32 s21, s3  }
0xa3: {  	[timem:s7], [sflag:s22] =	dma.local [hbm:s5], s20  }
0xa4: {  	_ =	swait.ge [sflag:s22], s20  }
0xa5: {  	s4 =	ssub.s32 $0x0, s20;
	[sflag:s22] =	ssyncset.done $0x0  }
0xa6: {  	[sflag:s22] =	ssyncadd.s32 s4;
	_ =	sdelay $0x1  }
0xa7: {  	s23 =	simm.s32 $0x1B8B  }
0xa8: {  	_ =	swait.ge [sflag:s23], $0x1  }
0xa9: {  	[sflag:s23] =	ssyncset.done $0x0  }
0xaa: {  	s25 =	simm.s32 $0x1B8E;
	s24 =	sld [smem:$0x3FFE];
	[sflag:s23] =	ssyncadd.s32 $0xFFFFFFFF  }
0xab: {  	s26 =	simm.s32 $execute0_lowered;
	[smem:$0x3FD2] =	sst s25  }
0xac: {  	s5 =	sshll.u32 s26, $0x1;
	_ =	strace $0x80000049;
	[dreg:$0x1] =	wrdreg $0xFFFFFFFF  }
0xad: {  	s28 =	simm.s32 $_size_execute0_lowered;
	s3 =	sadd.s32 s3, s5;
	[dreg:$0x0] =	wrdreg $0x0  }
0xae: {  	s5 =	sshll.u32 s28, $0x1;
	[dreg:$0x2] =	wrdreg s3  }
0xaf: {  	[dreg:$0x3] =	wrdreg s5  }
0xb0: {  	[dreg:$0x4] =	wrdreg $0xC0  }
0xb1: {  	_ =	task [dreg:s7], $0x5FFFF  }
0xb2: {  	[dreg:$0x1] =	wrdreg $0xFFFFFFFF  }
0xb3: {  	[dreg:$0x0] =	wrdreg $0x60  }
0xb4: {  	[dreg:$0x2] =	wrdreg s24  }
0xb5: {  	[dreg:$0x3] =	wrdreg s16  }
0xb6: {  	[dreg:$0x4] =	wrdreg $0x1BE800  }
0xb7: {  	[dreg:$0x5] =	wrdreg $0x1CAC00  }
0xb8: {  	[dreg:$0x6] =	wrdreg $0x9  }
0xb9: {  	_ =	task.clear_ibuf [dreg:s7], $0x7FFFF;
	_ =	strace $0x90000049  }
0xba: {  	s29 =	simm.s32 $0x9;
	_ =	strace $0x8000004B  }
0xbb: {  	_ =	swait.ge [sflag:s29], $0x1  }
0xbc: {  	[sflag:s29] =	ssyncadd.s32 $0xFFFFFFFF  }
0xbd: {  	_ =	strace $0x9000004B  }
0xbe: {  	_ =	sfence  }
0xbf: {  	s30 =	sld [smem:$0x0];
	_ =	sdelay $0x2  }
0xc0: {  	s31 =	sshll.u32 s1, $0xD;
	s1 =	sshrl.u32 s1, $0x2  }
0xc1: {  	s3 =	sand.u32 $0x4000, s31;
	s1 =	sadd.s32 s1, s30  }
0xc2: {  	s0 =	sor.u32 s3, s0;
	s1 =	sshll.u32 s1, $0x11  }
0xc3: {  	s0 =	sor.u32 s1, s0  }
0xc4: {  	s0 =	sadd.s32 $0x8F2B, s0  }
0xc5: {  	[sflag:s0] =	ssyncadd.remote.s32 $0x1  }
0xc6: {  	_ =	sfence.sel $0xFFFF  }
0xc7: {  	[dreg:$0x0] =	wrdreg $0xFFFFFFFF;
	(pc) =	sbr.abs _section_cstart, $3  }
0xc8: {  	[dreg:$0x1] =	wrdreg $0xFFFFFFFF  }
0xc9: {  	_ =	task.clear_ibuf [dreg:s7], $0x2FFFF;
	_ =	strace $0x9FFFFFFF  }
0xca: {  	(tm) =	ssettm $0x7FFFFFFF  }
0xcb: {  	_ =	shalt  }
tec
execute0_lowered:
.L_overlay_start_1:
0x0: {  	(tag) =	ssettag $0x1  }
0x1: {  	s0 =	rddreg [dreg:$0x0]  }
0x2: {  	s7 =	rddreg [dreg:$0x1]  }
0x3: {  	s1 =	rddreg [dreg:$0x2]  }
0x4: {  	s2 =	rddreg [dreg:$0x3]  }
0x5: {  	s3 =	simm.s32 $0x0;
	s6 =	srdreg.scid;
	s11 =	stileid.u32  }
0x6: {  	s28 =	simm.s32 $0xC000;
	s31 =	simm.s32 $0x80;
	s29 =	simm.s32 $0x0  }
0x7: {  	s30 =	simm.s32 $0x0;
	[smem:$0x7FF] =	sst s3;
	s4 =	sadd.s32 $0x423000, s0  }
0x8: {  	s5 =	sadd.s32 $0x34600, s0;
	s9 =	sand.u32 $0x1, s6;
	s8 =	sadd.s32 $0x112800, s0  }
0x9: {  	s6 =	sadd.s32 $0x1B400, s0;
	s12 =	smul.u32 $0xC40, s11;
	s13 =	sadd.s32 $0x111800, s0  }
0xa: {  	s14 =	sadd.s32 $0x112000, s0;
	_ =	strace $0x8000004A;
	[dreg:$0x5] =	wrdreg s8  }
0xb: {  	s18 =	smul.u32 $0xFFFF9C00, s11;
	p0 =	sne.s32 s11, $0x0;
	[dreg:$0x6] =	wrdreg s13  }
0xc: {  	v22 =	vlaneseq.u32;
	s10 =	sshll.u32 s9, $0x4;
	s8 =	sadd.s32 $0x2200, s0;
	[dreg:$0x7] =	wrdreg s14  }
0xd: {  	v0 =	vmul.u32 $0x80, v22;
	s23 =	ssub.s32 $0x2, s9;
	s9 =	smul.u32 $0xFFF9C000, s9;
	s17 =	sor.u32 s11, s10  }
0xe: {  	s0 =	sadd.s32 s10, s0;
	s15 =	sshrl.u32 s23, $0x1;
	s24 =	sadd.s32 s12, s1  }
0xf: {  	s12 =	sadd.s32 s12, s2;
	v2 =	vor.u32 $0x3800, v0;
	[tilespmem:$0x1FFE0] =	vst v0;
	s22 =	smul.u32 $0xFFFF9C00, s17;
	[dreg:$0x8] =	wrdreg s24  }
0x10: {  	s16 =	smul.u32 $0xC80, s17;
	s21 =	ssub.s32 s23, s15;
	[dreg:$0x9] =	wrdreg s12;
	[tilespmem:$0x1FF80] =	vst v2;
	v2 =	vor.u32 $0x3000, v0  }
0x11: {  	s9 =	sadd.s32 s9, s18;
	s17 =	smul.u32 $0x6400, s17;
	s18 =	sadd.s32 s7, s10;
	[tilespmem:$0x1FF90] =	vst v2;
	v2 =	vor.u32 $0x2800, v0  }
0x12: {  	s19 =	sadd.s32 $0x4D800, s0;
	s23 =	simm.s32 $0x3;
	s9 =	sadd.s32 $0xC3500, s9;
	[tilespmem:$0x1FFA0] =	vst v2;
	v2 =	vor.u32 $0x2000, v0  }
0x13: {  	s21 =	smax.u32 s21, $0x1;
	s13 =	sadd.s32 $0xC3500, s22;
	s25 =	sadd.s32 s5, s16;
	[tilespmem:$0x1FFB0] =	vst v2;
	v2 =	vor.u32 $0x1800, v0  }
0x14: {  	s15 =	sadd.s32 s6, s16;
	s16 =	sadd.s32 s8, s16;
	s26 =	sshrl.u32 s9, $0x7;
	[tilespmem:$0x1FFC0] =	vst v2;
	v2 =	vor.u32 $0x1000, v0  }
0x15: {  	s13 =	sshrl.u32 s13, $0x7;
	[dreg:$0xa] =	wrdreg s25;
	s20 =	smin.u32 s26, $0xC8;
	v0 =	vor.u32 $0x800, v0;
	[tilespmem:$0x1FFD0] =	vst v2  }
0x16: {  	v1 =	vimm.f32 $0.0e+00;
	s25 =	simm.s32 $0x1;
	s26 =	simm.s32 $0x2;
	s13 =	smin.u32 s13, $0xC8;
	[tilespmem:$0x1FFF0] =	vst v0  }
.LBB2_1:
0x17: {  	s0 =	simm.s32 $0x40;
	s7 =	simm.s32 $0x0  }
.LBB2_2:
0x18: {  	p1 =	sne.s32 s0, $0x30C0;
	[tilespmem:s7+$0x1B200] =	vst v1;
	s7 =	smov.u32 s0;
	s0 =	sadd.s32 $0x40, s0  }
.Ltmp0:
0x19: {  	(pc) =	sbr.rel @p1 .LBB2_2-.Ltmp0, $2  }
0x1a: {  	_ =	sdelay $0x2  }
0x1b: {  	s7 =	sshra.s32 s7, $0x2  }
0x1c: {  	[tilespmem:s7+$0x1B200] =	vst v1;
	s0 =	rddreg [dreg:$0x8];
	s10 =	simm.s32 $0x1B200  }
0x1d: {  	[spmem:s0] =	stream.linear.scatter [tilespmem:s10], [sflag:$0x3], $0xC40, $0x38;
	[tilespmem:$0x1D700] =	vst v63  }
0x1e: {  	_ =	swait.ge [sflag:s23], $0xC40  }
0x1f: {  	[sflag:s23] =	ssyncset.done $0x0  }
0x20: {  	s11 =	rddreg [dreg:$0x9];
	[sflag:s23] =	ssyncadd.s32 $0xFFFFF3C0  }
0x21: {  	[spmem:s11] =	stream.linear.scatter [tilespmem:s10], [sflag:$0x3], $0xC40, $0x38;
	[tilespmem:$0x1D700] =	vst v63  }
0x22: {  	_ =	swait.ge [sflag:s23], $0xC40  }
0x23: {  	[sflag:s23] =	ssyncset.done $0x0  }
0x24: {  	s14 =	simm.s32 $0xF200;
	s12 =	rddreg [dreg:$0x5];
	[sflag:s23] =	ssyncadd.s32 $0xFFFFF3C0  }
0x25: {  	[tilespmem:s14], [sflag:$0x3] =	stream.linear.gather [hbm4b:s12+s30], $0x4000, $0x38;
	[tilespmem:$0x1D700] =	vst v63  }
0x26: {  	_ =	swait.ge [sflag:s23], $0x4000  }
0x27: {  	[sflag:s23] =	ssyncset.done $0x0  }
0x28: {  	s24 =	simm.s32 $0x13200;
	s22 =	rddreg [dreg:$0x6];
	[sflag:s23] =	ssyncadd.s32 $0xFFFFC000  }
0x29: {  	[tilespmem:s24], [sflag:$0x3] =	stream.linear.gather [hbm4b:s22+s30], $0x4000, $0x38;
	[tilespmem:$0x1D700] =	vst v63  }
0x2a: {  	_ =	swait.ge [sflag:s23], $0x4000  }
0x2b: {  	[sflag:s23] =	ssyncset.done $0x0  }
0x2c: {  	s10 =	simm.s32 $0x17200;
	s9 =	rddreg [dreg:$0x7];
	[sflag:s23] =	ssyncadd.s32 $0xFFFFC000  }
0x2d: {  	[tilespmem:s10], [sflag:$0x3] =	stream.linear.gather [hbm4b:s9+s30], $0x4000, $0x38;
	[tilespmem:$0x1D700] =	vst v63  }
0x2e: {  	_ =	swait.ge [sflag:s23], $0x4000  }
0x2f: {  	[sflag:s23] =	ssyncset.done $0x0  }
0x30: {  	[sflag:s23] =	ssyncadd.s32 $0xFFFFC000  }
0x31: {  	[bflag:$0x0] =	sbarrier.arrive $0xFFFF  }
0x32: {  	s11 =	rddreg [dreg:$0xa]  }
0x33: {  	[tilespmem:s28], [sflag:$0x3] =	stream.linear.gather [hbm4b:s11+s30], $0x800, $0x38;
	[tilespmem:$0x1D700] =	vst v63  }
0x34: {  	_ =	swait.ge [sflag:s23], $0x800  }
0x35: {  	[sflag:s23] =	ssyncset.done $0x0  }
0x36: {  	s12 =	simm.s32 $0xD000;
	[sflag:s23] =	ssyncadd.s32 $0xFFFFF800  }
0x37: {  	[tilespmem:s12], [sflag:$0x3] =	stream.linear.gather [hbm4b:s15+s30], $0x800, $0x38;
	[tilespmem:$0x1D700] =	vst v63  }
0x38: {  	_ =	swait.ge [sflag:s23], $0x800  }
0x39: {  	[sflag:s23] =	ssyncset.done $0x0  }
0x3a: {  	s14 =	simm.s32 $0xE000;
	[sflag:s23] =	ssyncadd.s32 $0xFFFFF800  }
0x3b: {  	[tilespmem:s14], [sflag:$0x3] =	stream.linear.gather [hbm4b:s16+s30], $0x800, $0x38;
	[tilespmem:$0x1D700] =	vst v63  }
0x3c: {  	_ =	swait.ge [sflag:s23], $0x800  }
0x3d: {  	[sflag:s23] =	ssyncset.done $0x0  }
0x3e: {  	[sflag:s23] =	ssyncadd.s32 $0xFFFFF800  }
0x3f: {  	[tilespmem:s30], [sflag:$0x1] =	stream.indirect.gather [hbm4b:s4+s31], $0x80, s28, s31, $0xb8;
	[tilespmem:$0x1D700] =	vst v63  }
0x40: {  	s0 =	simm.s32 $0x0;
	s22 =	simm.s32 $0xC080;
	s24 =	simm.s32 $0x4000  }
0x41: {  	[tilespmem:s24], [sflag:$0x1] =	stream.indirect.gather [hbm4b:s4+s31], $0x80, s22, s31, $0xb8;
	[tilespmem:$0x1D700] =	vst v63  }
.LBB2_4:
0x42: {  	s7 =	sadd.s32 $0x2, s0  }
0x43: {  	p1 =	sge.u32 s7, s13;
	s9 =	sand.u32 $0xF, s7  }
0x44: {  	p2 =	sne.s32 @!p1 s9, $0x0  }
0x45: {  	p2 =	por p2, p1  }
0x46: {  	s9 =	sshll.u32 @!p2 s7, $0x7  }
0x47: {  	s10 =	sadd.s32 @!p2 s17, s9  }
0x48: {  	s9 =	sand.u32 @!p2 $0x800, s9;
	s10 =	sshrl.u32 @!p2 s10, $0x3  }
0x49: {  	s24 =	simm.s32 @!p2 $0x0;
	s11 =	sor.u32 @!p2 $0xC000, s9;
	s22 =	sadd.s32 @!p2 s5, s10  }
0x4a: {  	[tilespmem:s11], [sflag:$0x3] =	stream.linear.gather @!p2 [hbm4b:s22+s24], $0x800, $0x38;
	[tilespmem:$0x1D700] =	vst v63  }
0x4b: {  	s11 =	simm.s32 @!p2 $0x3  }
0x4c: {  	_ =	swait.ge @!p2 [sflag:s11], $0x800  }
0x4d: {  	[sflag:s11] =	ssyncset.done @!p2 $0x0  }
0x4e: {  	s12 =	sadd.s32 @!p2 s6, s10;
	s22 =	sor.u32 @!p2 $0xD000, s9;
	[sflag:s11] =	ssyncadd.s32 @!p2 $0xFFFFF800  }
0x4f: {  	[tilespmem:s22], [sflag:$0x3] =	stream.linear.gather @!p2 [hbm4b:s12+s24], $0x800, $0x38;
	[tilespmem:$0x1D700] =	vst v63  }
0x50: {  	_ =	swait.ge @!p2 [sflag:s11], $0x800  }
0x51: {  	s10 =	sadd.s32 @!p2 s8, s10;
	[sflag:s11] =	ssyncset.done @!p2 $0x0  }
0x52: {  	s9 =	sor.u32 @!p2 $0xE000, s9;
	s12 =	smulhi.u32 @!p1 $0xAAAAAAAB, s7;
	[sflag:s11] =	ssyncadd.s32 @!p2 $0xFFFFF800  }
0x53: {  	[tilespmem:s9], [sflag:$0x3] =	stream.linear.gather @!p2 [hbm4b:s10+s24], $0x800, $0x38;
	[tilespmem:$0x1D700] =	vst v63  }
0x54: {  	s9 =	sshrl.u32 @!p1 s12, $0x1  }
0x55: {  	_ =	swait.ge @!p2 [sflag:s11], $0x800;
	s9 =	smul.u32 @!p1 $0x3, s9  }
0x56: {  	s10 =	sshll.u32 @!p1 s7, $0x7;
	[sflag:s11] =	ssyncset.done @!p2 $0x0  }
0x57: {  	[sflag:s11] =	ssyncadd.s32 @!p2 $0xFFFFF800;
	s7 =	ssub.s32 @!p1 s7, s9;
	s9 =	sand.u32 @!p1 $0xF80, s10  }
0x58: {  	s10 =	simm.s32 @!p1 $0x80;
	s7 =	sshll.u32 @!p1 s7, $0xE;
	s9 =	sor.u32 @!p1 $0xC000, s9  }
0x59: {  	[tilespmem:s7], [sflag:$0x1] =	stream.indirect.gather @!p1 [hbm4b:s4+s10], $0x80, s9, s10, $0xb8;
	[tilespmem:$0x1D700] =	vst v63  }
0x5a: {  	p1 =	slt.u32 s0, $0x2  }
0x5b: {  	s7 =	simm.s32 @!p1 $0x2  }
0x5c: {  	_ =	swait.ge @!p1 [sflag:s7], $0x80  }
0x5d: {  	[sflag:s7] =	ssyncset.done @!p1 $0x0  }
0x5e: {  	[sflag:s7] =	ssyncadd.s32 @!p1 $0xFFFFFF80  }
0x5f: {  	_ =	swait.ge @!p1 [sflag:s7], $0x80  }
0x60: {  	[sflag:s7] =	ssyncset.done @!p1 $0x0  }
0x61: {  	[sflag:s7] =	ssyncadd.s32 @!p1 $0xFFFFFF80  }
0x62: {  	_ =	swait.ge [sflag:s25], $0x4000  }
0x63: {  	s7 =	sshll.u32 s0, $0x7;
	[sflag:s25] =	ssyncset.done $0x0  }
0x64: {  	s24 =	sand.u32 $0xF80, s7;
	v8 =	vld [tilespmem:$0x1FFC0];
	[sflag:s25] =	ssyncadd.s32 $0xFFFFC000  }
0x65: {  	s11 =	smulhi.u32 $0xAAAAAAAB, s0;
	v0 =	vld [tilespmem:s24+$0xE000]  }
0x66: {  	v1 =	vld [tilespmem:s24+$0xE010]  }
0x67: {  	s9 =	sshrl.u32 s11, $0x1;
	v12 =	vld [tilespmem:$0x1FFA0]  }
0x68: {  	s14 =	simm.s32 $0x2;
	s9 =	smul.u32 $0x3, s9;
	v6 =	vld [tilespmem:s24+$0xE040]  }
0x69: {  	v18 =	vadd.s32 s14, v22;
	s22 =	simm.s32 $0x1;
	v14 =	vld [tilespmem:$0x1FF90]  }
0x6a: {  	v18 =	vand.u32 $0x7F, v18;
	v20 =	vadd.s32 s22, v22;
	s9 =	ssub.s32 s0, s9;
	v15 =	vld [tilespmem:$0x1FF80];
	v4 =	vshrl.u32 v0, $0x10  }
0x6b: {  	v20 =	vand.u32 $0x7F, v20;
	s9 =	sshll.u32 s9, $0x7;
	v2 =	vld [tilespmem:s24+$0xE020];
	v5 =	vshrl.u32 v1, $0x10;
	v4 =	vand.u32 $0x1, v4  }
0x6c: {  	v7 =	vmov s9;
	v3 =	vld [tilespmem:s24+$0xE030];
	v5 =	vand.u32 $0x1, v5;
	v0 =	vadd.s32 v4, v0  }
0x6d: {  	v1 =	vadd.s32 v5, v1;
	v4 =	vshll.u32 v7, $0x7;
	v5 =	vshrl.u32 v6, $0x10  }
0x6e: {  	s9 =	simm.s32 $0xF300;
	v0 =	vadd.s32 $0x7FFF, v0;
	v1 =	vadd.s32 $0x7FFF, v1;
	v45 =	vor.u32 v8, v4  }
0x6f: {  	s12 =	simm.s32 $0x3;
	v9 =	vld [tilespmem:s9+$0x0];
	v55 =	vor.u32 v12, v4;
	v56 =	vor.u32 v14, v4;
	v57 =	vor.u32 v15, v4  }
0x70: {  	v15 =	vadd.s32 s12, v22;
	v21 =	vand.u32 $0xFFFF0000, v0;
	v23 =	vand.u32 $0xFFFF0000, v1  }
0x71: {  	v0 =	vshrl.u32 v2, $0x10;
	v1 =	vshrl.u32 v3, $0x10;
	v15 =	vand.u32 $0x7F, v15  }
0x72: {  	v30 =	vor.u32 v45, v18;
	v32 =	vor.u32 v55, v18;
	v33 =	vor.u32 v56, v18  }
0x73: {  	v12 =	vld [tilespmem:s9+$0xFFFFFF00];
	v60 =	vor.u32 v56, v20;
	v0 =	vand.u32 $0x1, v0;
	v1 =	vand.u32 $0x1, v1  }
0x74: {  	v19 =	vor.u32 v55, v15;
	v26 =	vor.u32 v56, v15;
	v44 =	vmul.f32 v21, v9  }
0x75: {  	v7 =	vld [tilespmem:s24+$0xE050];
	v46 =	vmul.f32 v23, v9;
	v0 =	vadd.s32 v0, v2;
	v2 =	vand.u32 $0x1, v5  }
0x76: {  	v1 =	vadd.s32 v1, v3;
	v3 =	vld [tilespmem:$0x1FFE0];
	v0 =	vadd.s32 $0x7FFF, v0;
	v2 =	vadd.s32 v2, v6  }
0x77: {  	v5 =	vld [tilespmem:$0x1FFF0];
	v24 =	vand.u32 $0xFFFF0000, v0;
	v0 =	vadd.s32 $0x7FFF, v1;
	v1 =	vadd.s32 $0x7FFF, v2  }
0x78: {  	v6 =	vld [tilespmem:$0x1FFD0];
	v47 =	vmul.f32 v21, v12;
	v50 =	vmul.f32 v23, v12;
	v25 =	vand.u32 $0xFFFF0000, v0  }
0x79: {  	v2 =	vld [tilespmem:s24+$0xE060];
	v53 =	vand.u32 $0xFFFF0000, v1;
	v0 =	vadd.s32 s30, v22;
	v49 =	vmul.f32 v24, v9  }
0x7a: {  	v1 =	vshrl.u32 v7, $0x10;
	v51 =	vmul.f32 v24, v12;
	v30 =	vld.idx.msk [tilespmem:v30+s3+$0x0], $0xffff;
	v52 =	vmul.f32 v25, v12  }
0x7b: {  	v32 =	vld.idx.msk [tilespmem:v32+s3+$0x0], $0xffff;
	v62 =	vmul.f32 v53, v12;
	v61 =	vmul.f32 v53, v9;
	v37 =	vor.u32 v3, v4  }
0x7c: {  	v33 =	vld.idx.msk [tilespmem:v33+s3+$0x0], $0xffff;
	v3 =	vand.u32 $0x7F, v0;
	v0 =	vand.u32 $0x1, v1;
	v40 =	vor.u32 v5, v4  }
0x7d: {  	v1 =	vld [tilespmem:s24+$0xE070];
	v5 =	vor.u32 v37, v3;
	v0 =	vadd.s32 v0, v7;
	v43 =	vor.u32 v6, v4  }
0x7e: {  	v19 =	vld.idx.msk [tilespmem:v19+s3+$0x0], $0xffff;
	v6 =	vor.u32 v40, v3;
	v10 =	vor.u32 v45, v3;
	v14 =	vor.u32 v55, v3  }
0x7f: {  	v7 =	vld [tilespmem:s9+$0x80];
	v27 =	vor.u32 v37, v18;
	v28 =	vor.u32 v40, v18;
	v11 =	vshrl.u32 v2, $0x10  }
0x80: {  	v26 =	vld.idx.msk [tilespmem:v26+s3+$0x0], $0xffff;
	v0 =	vadd.s32 $0x7FFF, v0;
	v8 =	vor.u32 v43, v3;
	v11 =	vand.u32 $0x1, v11  }
0x81: {  	v29 =	vor.u32 v43, v18;
	v54 =	vand.u32 $0xFFFF0000, v0;
	v0 =	vld [tilespmem:$0x1FFB0];
	v2 =	vadd.s32 v11, v2  }
0x82: {  	[tilespmem:$0x1FE80] =	vst v37;
	v63 =	vmul.f32 v54, v12;
	v16 =	vshrl.u32 v1, $0x10;
	v2 =	vadd.s32 $0x7FFF, v2;
	v5 =	vld.idx.msk [tilespmem:v5+s3+$0x0], $0xffff  }
0x83: {  	[tilespmem:$0x1FEA0] =	vst v43;
	v11 =	vand.u32 $0x1, v16;
	v10 =	vld.idx.msk [tilespmem:v10+s3+$0x0], $0xffff;
	v16 =	vor.u32 v37, v15;
	v58 =	vand.u32 $0xFFFF0000, v2  }
0x84: {  	v2 =	vld.idx.msk [tilespmem:v14+s3+$0x0], $0xffff;
	v14 =	vor.u32 v43, v15;
	v34 =	vmul.f32 v21, v7;
	v35 =	vmul.f32 v23, v7  }
0x85: {  	v36 =	vmul.f32 v24, v7;
	v37 =	vor.u32 v37, v20;
	v38 =	vmul.f32 v25, v7;
	v27 =	vld.idx.msk [tilespmem:v27+s3+$0x0], $0xffff  }
0x86: {  	v39 =	vmul.f32 v53, v7;
	v41 =	vmul.f32 v54, v7;
	v43 =	vor.u32 v43, v20;
	v28 =	vld.idx.msk [tilespmem:v28+s3+$0x0], $0xffff  }
0x87: {  	v8 =	vld.idx.msk [tilespmem:v8+s3+$0x0], $0xffff;
	v1 =	vadd.s32 v11, v1;
	v42 =	vmul.f32 v58, v7;
	v48 =	vor.u32 v0, v4  }
0x88: {  	[tilespmem:$0x1FEB0] =	vst v45;
	v4 =	vld.idx.msk [tilespmem:v6+s3+$0x0], $0xffff;
	v6 =	vor.u32 v56, v3;
	v1 =	vadd.s32 $0x7FFF, v1;
	v19 =	vadd.f32 v19, v41  }
0x89: {  	[tilespmem:$0x1FED0] =	vst v55;
	v29 =	vld.idx.msk [tilespmem:v29+s3+$0x0], $0xffff;
	v13 =	vor.u32 v48, v3;
	v3 =	vor.u32 v57, v3;
	v59 =	vand.u32 $0xFFFF0000, v1  }
0x8a: {  	[tilespmem:$0x1FEE0] =	vst v56;
	v0 =	vld [tilespmem:s9+$0xFFFFFF80];
	v17 =	vor.u32 v48, v15;
	v31 =	vor.u32 v48, v18;
	v18 =	vor.u32 v57, v18  }
0x8b: {  	[tilespmem:$0x1FEC0] =	vst v48;
	v48 =	vor.u32 v48, v20;
	v7 =	vmul.f32 v59, v7;
	v19 =	vmax.f32 v19, $0.0e+00;
	v16 =	vld.idx.msk [tilespmem:v16+s3+$0x0], $0xffff  }
0x8c: {  	v14 =	vld.idx.msk [tilespmem:v14+s3+$0x0], $0xffff;
	v5 =	vadd.f32 v5, v47;
	v47 =	vmul.f32 v25, v9;
	v10 =	vadd.f32 v10, v52  }
0x8d: {  	v52 =	vor.u32 v55, v20;
	v55 =	vmul.f32 v58, v12;
	v2 =	vadd.f32 v2, v63;
	v37 =	vld.idx.msk [tilespmem:v37+s3+$0x0], $0xffff  }
0x8e: {  	v12 =	vmul.f32 v59, v12;
	v28 =	vadd.f32 v28, v46;
	v8 =	vadd.f32 v8, v51;
	v1 =	vld.idx.msk [tilespmem:v6+s3+$0x0], $0xffff  }
0x8f: {  	v29 =	vadd.f32 v29, v49;
	v6 =	vor.u32 v45, v15;
	v45 =	vor.u32 v45, v20;
	v11 =	vld.idx.msk [tilespmem:v13+s3+$0x0], $0xffff  }
0x90: {  	v4 =	vadd.f32 v4, v50;
	v63 =	vmul.f32 v21, v0;
	v56 =	vmul.f32 v24, v0;
	v3 =	vld.idx.msk [tilespmem:v3+s3+$0x0], $0xffff  }
0x91: {  	[tilespmem:$0x1FF00] =	vst v21;
	v30 =	vadd.f32 v30, v47;
	v21 =	vimm.f32 $0.0e+00;
	v5 =	vmax.f32 v5, $0.0e+00;
	v17 =	vld.idx.msk [tilespmem:v17+s3+$0x0], $0xffff  }
0x92: {  	v10 =	vmax.f32 v10, $0.0e+00;
	v13 =	vor.u32 v40, v15;
	v15 =	vor.u32 v57, v15;
	v31 =	vld.idx.msk [tilespmem:v31+s3+$0x0], $0xffff  }
0x93: {  	[tilespmem:$0x1FE90] =	vst v40;
	v2 =	vmax.f32 v2, $0.0e+00;
	v40 =	vor.u32 v40, v20;
	v20 =	vor.u32 v57, v20;
	v18 =	vld.idx.msk [tilespmem:v18+s3+$0x0], $0xffff  }
0x94: {  	[tilespmem:$0x1FEF0] =	vst v57;
	v57 =	vld.idx.msk [tilespmem:v60+s3+$0x0], $0xffff;
	v60 =	vmul.f32 v25, v0;
	v8 =	vmax.f32 v8, $0.0e+00;
	v29 =	vmax.f32 v29, $0.0e+00  }
0x95: {  	[tilespmem:$0x1FF30] =	vst v25;
	v25 =	vimm.f32 $0.0e+00;
	v16 =	vadd.f32 v16, v34;
	v14 =	vadd.f32 v14, v36;
	v6 =	vld.idx.msk [tilespmem:v6+s3+$0x0], $0xffff  }
0x96: {  	v1 =	vadd.f32 v1, v55;
	v36 =	vld.idx.msk [tilespmem:v45+s3+$0x0], $0xffff;
	v55 =	vmul.f32 v23, v0;
	v11 =	vadd.f32 v11, v62  }
0x97: {  	v15 =	vld.idx.msk [tilespmem:v15+s3+$0x0], $0xffff;
	v3 =	vadd.f32 v3, v12;
	v12 =	vmul.f32 v54, v9;
	v62 =	vmul.f32 v58, v9  }
0x98: {  	v9 =	vmul.f32 v59, v9;
	v17 =	vadd.f32 v17, v39;
	v39 =	vadd.f32 v26, v42;
	v20 =	vld.idx.msk [tilespmem:v20+s3+$0x0], $0xffff  }
0x99: {  	v13 =	vld.idx.msk [tilespmem:v13+s3+$0x0], $0xffff;
	v31 =	vadd.f32 v31, v61;
	v61 =	vmul.f32 v53, v0;
	v12 =	vadd.f32 v32, v12  }
0x9a: {  	v34 =	vld.idx.msk [tilespmem:v40+s3+$0x0], $0xffff;
	v32 =	vadd.f32 v33, v62;
	v62 =	vmul.f32 v54, v0;
	v9 =	vadd.f32 v18, v9  }
0x9b: {  	v26 =	vld.idx.msk [tilespmem:v48+s3+$0x0], $0xffff;
	v18 =	vadd.f32 v37, v63;
	v63 =	vmul.f32 v58, v0;
	v0 =	vmul.f32 v59, v0  }
0x9c: {  	s11 =	simm.s32 $0x17300;
	v4 =	vmax.f32 v4, $0.0e+00;
	v7 =	vadd.f32 v15, v7;
	v15 =	vadd.f32 v27, v44;
	v27 =	vld.idx.msk [tilespmem:v52+s3+$0x0], $0xffff  }
0x9d: {  	v16 =	vmax.f32 v16, $0.0e+00;
	v14 =	vmax.f32 v14, $0.0e+00;
	v20 =	vadd.f32 v20, v0;
	v0 =	vld [tilespmem:s11+$0xFFFFFF00]  }
0x9e: {  	v40 =	vmax.f32 v1, $0.0e+00;
	v11 =	vmax.f32 v11, $0.0e+00;
	v3 =	vmax.f32 v3, $0.0e+00  }
0x9f: {  	s10 =	simm.s32 $0x13300;
	v17 =	vmax.f32 v17, $0.0e+00;
	v6 =	vadd.f32 v6, v38;
	v13 =	vadd.f32 v13, v35;
	v35 =	vld.idx.msk [tilespmem:v43+s3+$0x0], $0xffff  }
0xa0: {  	v39 =	vmax.f32 v39, $0.0e+00;
	v36 =	vadd.f32 v36, v60;
	v37 =	vadd.f32 v57, v63;
	v43 =	vld [tilespmem:s10+$0x80]  }
0xa1: {  	[tilespmem:$0x1FF50] =	vst v54;
	v63 =	vmax.f32 v30, $0.0e+00;
	v54 =	vmax.f32 v32, $0.0e+00;
	v34 =	vadd.f32 v34, v55;
	v44 =	vld [tilespmem:s11+$0x80]  }
0xa2: {  	v38 =	vadd.f32 v26, v61;
	v33 =	vadd.f32 v27, v62;
	v27 =	vld [tilespmem:s10+$0xFFFFFF00];
	v57 =	vmul.f32 v4, v0  }
0xa3: {  	[tilespmem:$0x1FF70] =	vst v59;
	v42 =	vmax.f32 v7, $0.0e+00;
	v7 =	vmul.f32 v10, v0;
	v59 =	vmul.f32 v11, v0  }
0xa4: {  	v13 =	vmax.f32 v13, $0.0e+00;
	v61 =	vmul.f32 v2, v0;
	v49 =	vmul.f32 v40, v0  }
0xa5: {  	v41 =	vmax.f32 v6, $0.0e+00;
	v48 =	vmul.f32 v3, v0;
	v30 =	vmul.f32 v13, v43  }
0xa6: {  	v15 =	vmax.f32 v15, $0.0e+00;
	v32 =	vmul.f32 v13, v44;
	v13 =	vmul.f32 v41, v44  }
0xa7: {  	v46 =	vld [tilespmem:s10+$0x0];
	v35 =	vadd.f32 v35, v56;
	v45 =	vmul.f32 v5, v27;
	v5 =	vmul.f32 v5, v0  }
0xa8: {  	v51 =	vld [tilespmem:s10+$0xFFFFFF80];
	v62 =	vmax.f32 v31, $0.0e+00;
	v55 =	vmul.f32 v4, v27;
	v1 =	vmul.f32 v8, v27  }
0xa9: {  	v52 =	vld [tilespmem:s11+$0xFFFFFF80];
	v56 =	vmax.f32 v12, $0.0e+00;
	v4 =	vmul.f32 v8, v0;
	v6 =	vmul.f32 v10, v27  }
0xaa: {  	[tilespmem:$0x1FF60] =	vst v58;
	v8 =	vmax.f32 v28, $0.0e+00;
	v58 =	vmul.f32 v11, v27;
	v60 =	vmul.f32 v2, v27  }
0xab: {  	[tilespmem:$0x1FF40] =	vst v53;
	v53 =	vmul.f32 v40, v27;
	v50 =	vmul.f32 v3, v27;
	v2 =	vmax.f32 v18, $0.0e+00  }
0xac: {  	v11 =	vadd.f32 v57, v21;
	v18 =	vmul.f32 v16, v44;
	v40 =	vmax.f32 v35, $0.0e+00  }
0xad: {  	v57 =	vmul.f32 v39, v43;
	v35 =	vimm.f32 $0.0e+00;
	v0 =	vmul.f32 v2, v51  }
0xae: {  	v47 =	vld [tilespmem:s11+$0x0];
	v2 =	vmul.f32 v2, v52;
	v12 =	vmul.f32 v8, v46;
	v3 =	vadd.f32 v45, v21  }
0xaf: {  	v5 =	vadd.f32 v5, v21;
	v45 =	vmax.f32 v9, $0.0e+00;
	v9 =	vmax.f32 v34, $0.0e+00  }
0xb0: {  	v10 =	vadd.f32 v55, v21;
	v0 =	vadd.f32 v0, v3;
	v3 =	vmul.f32 v9, v51  }
0xb1: {  	v55 =	vmul.f32 v39, v44;
	v34 =	vimm.f32 $0.0e+00;
	v9 =	vmul.f32 v9, v52  }
0xb2: {  	v2 =	vadd.f32 v2, v5;
	v3 =	vadd.f32 v3, v10;
	v10 =	vmul.f32 v15, v46  }
0xb3: {  	v5 =	vmul.f32 v16, v43;
	v9 =	vadd.f32 v9, v11;
	v11 =	vmul.f32 v15, v47  }
0xb4: {  	v16 =	vmax.f32 v36, $0.0e+00;
	v15 =	vmax.f32 v38, $0.0e+00;
	v0 =	vadd.f32 v10, v0  }
0xb5: {  	v28 =	vadd.f32 v11, v2;
	v10 =	vmul.f32 v14, v43;
	v11 =	vmul.f32 v14, v44  }
0xb6: {  	v2 =	vmul.f32 v8, v47;
	v31 =	vadd.f32 v12, v3;
	v12 =	vmul.f32 v41, v43  }
0xb7: {  	v8 =	vmul.f32 v17, v43;
	v3 =	vmul.f32 v19, v44;
	v14 =	vmax.f32 v33, $0.0e+00  }
0xb8: {  	v33 =	vimm.f32 $0.0e+00;
	v41 =	vadd.f32 v2, v9;
	v9 =	vmul.f32 v17, v44  }
0xb9: {  	[tilespmem:$0x1FF10] =	vst v23;
	v36 =	vadd.f32 v5, v0;
	v2 =	vmul.f32 v19, v43;
	v23 =	vadd.f32 v18, v28  }
0xba: {  	v0 =	vmax.f32 v37, $0.0e+00;
	v5 =	vmax.f32 v20, $0.0e+00;
	v17 =	vmul.f32 v29, v46  }
0xbb: {  	v27 =	vadd.f32 v30, v31;
	v18 =	vmul.f32 v29, v47;
	v19 =	vmul.f32 v40, v51  }
0xbc: {  	v20 =	vmul.f32 v40, v52;
	v40 =	vimm.f32 $0.0e+00;
	v31 =	vimm.f32 $0.0e+00  }
0xbd: {  	v30 =	vimm.f32 $0.0e+00;
	v29 =	vimm.f32 $0.0e+00;
	v28 =	vimm.f32 $0.0e+00  }
0xbe: {  	s22 =	simm.s32 $0x4;
	[tilespmem:$0x1FF20] =	vst v24;
	v24 =	vadd.f32 v32, v41;
	v41 =	vimm.f32 $0.0e+00;
	v32 =	vimm.f32 $0.0e+00  }
.LBB2_5:
0xbf: {  	_ =	sdelay $0x1  }
0xc0: {  	v1 =	vadd.f32 v1, v21  }
0xc1: {  	v4 =	vadd.f32 v4, v41;
	v26 =	vmul.f32 v16, v51;
	v6 =	vadd.f32 v6, v35  }
0xc2: {  	v7 =	vadd.f32 v7, v40;
	v16 =	vmul.f32 v16, v52;
	v1 =	vadd.f32 v19, v1  }
0xc3: {  	v4 =	vadd.f32 v20, v4;
	v19 =	vmul.f32 v63, v46;
	v6 =	vadd.f32 v26, v6  }
0xc4: {  	v7 =	vadd.f32 v16, v7;
	v16 =	vmul.f32 v63, v47;
	v1 =	vadd.f32 v17, v1  }
0xc5: {  	v4 =	vadd.f32 v18, v4;
	v6 =	vadd.f32 v19, v6  }
0xc6: {  	v7 =	vadd.f32 v16, v7;
	v1 =	vadd.f32 v10, v1  }
0xc7: {  	v16 =	vmul.f32 v62, v47;
	v41 =	vadd.f32 v11, v4;
	v4 =	vadd.f32 v12, v6  }
0xc8: {  	v40 =	vadd.f32 v13, v7;
	v6 =	vadd.f32 v59, v34;
	[tilespmem:$0x1FE40] =	vst v1;
	v1 =	vmul.f32 v15, v52  }
0xc9: {  	v18 =	vmul.f32 v15, v51;
	v11 =	vadd.f32 v61, v32;
	[tilespmem:$0x1FDA0] =	vst v4;
	v4 =	vadd.f32 v58, v33  }
0xca: {  	v37 =	vld [tilespmem:$0x1FEF0];
	v7 =	vmul.f32 v14, v51;
	v10 =	vadd.f32 v60, v31;
	v1 =	vadd.f32 v1, v6  }
0xcb: {  	v38 =	vld [tilespmem:$0x1FF60];
	v17 =	vmul.f32 v62, v46;
	v12 =	vmul.f32 v14, v52;
	v4 =	vadd.f32 v18, v4  }
0xcc: {  	v39 =	vld [tilespmem:$0x1FF70];
	[tilespmem:$0x1FDB0] =	vst v36;
	v7 =	vadd.f32 v7, v10;
	v6 =	vmul.f32 v56, v46;
	v1 =	vadd.f32 v16, v1  }
0xcd: {  	[tilespmem:$0x1FDC0] =	vst v23;
	v23 =	vld [tilespmem:$0x1FE90];
	v10 =	vadd.f32 v12, v11;
	v4 =	vadd.f32 v17, v4  }
0xce: {  	[tilespmem:$0x1FDF0] =	vst v24;
	v24 =	vld [tilespmem:$0x1FEA0];
	v11 =	vmul.f32 v56, v47;
	v6 =	vadd.f32 v6, v7;
	v1 =	vadd.f32 v9, v1  }
0xcf: {  	[tilespmem:$0x1FDD0] =	vst v27;
	v27 =	vld [tilespmem:$0x1FED0];
	v12 =	vmul.f32 v54, v46;
	v4 =	vadd.f32 v8, v4  }
0xd0: {  	v36 =	vld [tilespmem:$0x1FF50];
	v7 =	vadd.f32 v11, v10;
	v10 =	vmul.f32 v54, v47;
	[tilespmem:$0x1FE00] =	vst v1;
	v1 =	vadd.f32 v2, v6  }
0xd1: {  	v21 =	vld [tilespmem:$0x1FE80];
	v11 =	vmul.f32 v0, v51;
	v0 =	vmul.f32 v0, v52;
	[tilespmem:$0x1FDE0] =	vst v4;
	v2 =	vadd.f32 v49, v29  }
0xd2: {  	v35 =	vld [tilespmem:$0x1FF40];
	v4 =	vadd.f32 v50, v28;
	[tilespmem:$0x1FE10] =	vst v1;
	v1 =	vadd.f32 v3, v7;
	v3 =	vmul.f32 v5, v51  }
0xd3: {  	v26 =	vld [tilespmem:$0x1FEC0];
	v6 =	vadd.f32 v48, v25;
	v5 =	vmul.f32 v5, v52;
	v0 =	vadd.f32 v0, v2  }
0xd4: {  	v32 =	vld [tilespmem:$0x1FF10];
	v2 =	vmul.f32 v45, v46;
	[tilespmem:$0x1FE20] =	vst v1;
	v1 =	vadd.f32 v53, v30;
	v3 =	vadd.f32 v3, v4  }
0xd5: {  	v31 =	vld [tilespmem:$0x1FF00];
	v4 =	vadd.f32 v5, v6;
	v5 =	vmul.f32 v45, v47;
	v0 =	vadd.f32 v10, v0  }
0xd6: {  	v25 =	vld [tilespmem:$0x1FEB0];
	v6 =	vmul.f32 v42, v43;
	v1 =	vadd.f32 v11, v1;
	v2 =	vadd.f32 v2, v3  }
0xd7: {  	v34 =	vld [tilespmem:$0x1FF30];
	v3 =	vadd.f32 v5, v4;
	v5 =	vadd.s32 s22, v22;
	v0 =	vadd.f32 v55, v0  }
0xd8: {  	v33 =	vld [tilespmem:$0x1FF20];
	v5 =	vand.u32 $0x7F, v5;
	v1 =	vadd.f32 v12, v1  }
0xd9: {  	s9 =	sadd.s32 $0x200, s9;
	v28 =	vld [tilespmem:$0x1FEE0];
	v4 =	vmul.f32 v42, v44;
	[tilespmem:$0x1FE70] =	vst v0;
	v0 =	vadd.f32 v6, v2;
	v2 =	vor.u32 v21, v5  }
0xda: {  	v8 =	vld [tilespmem:s9+$0xFFFFFF00];
	v6 =	vor.u32 v24, v5;
	v1 =	vadd.f32 v57, v1  }
0xdb: {  	v7 =	vor.u32 v25, v5;
	[tilespmem:$0x1FE60] =	vst v0;
	v0 =	vadd.f32 v4, v3;
	v4 =	vld [tilespmem:s9+$0x80]  }
0xdc: {  	v9 =	vor.u32 v26, v5;
	[tilespmem:$0x1FE30] =	vst v1;
	v1 =	vld [tilespmem:s9+$0x0]  }
0xdd: {  	s14 =	sadd.s32 $0x1, s22;
	v10 =	vor.u32 v27, v5;
	[tilespmem:$0x1FE50] =	vst v0;
	v0 =	vld [tilespmem:s9+$0xFFFFFF80]  }
0xde: {  	s12 =	sadd.s32 $0x3, s22;
	v20 =	vadd.s32 s14, v22;
	v11 =	vor.u32 v28, v5;
	v2 =	vld.idx.msk [tilespmem:v2+s3+$0x0], $0xffff  }
0xdf: {  	v20 =	vand.u32 $0x7F, v20;
	v12 =	vadd.s32 s12, v22;
	v3 =	vor.u32 v23, v5;
	v6 =	vld.idx.msk [tilespmem:v6+s3+$0x0], $0xffff  }
0xe0: {  	v58 =	vor.u32 v24, v20;
	v12 =	vand.u32 $0x7F, v12;
	v5 =	vor.u32 v37, v5;
	v7 =	vld.idx.msk [tilespmem:v7+s3+$0x0], $0xffff  }
0xe1: {  	v52 =	vor.u32 v21, v20;
	v29 =	vmul.f32 v35, v8;
	v13 =	vor.u32 v21, v12;
	v9 =	vld.idx.msk [tilespmem:v9+s3+$0x0], $0xffff  }
0xe2: {  	v30 =	vmul.f32 v36, v8;
	v60 =	vor.u32 v25, v20;
	s12 =	sadd.s32 $0x2, s22;
	v14 =	vor.u32 v23, v12;
	v10 =	vld.idx.msk [tilespmem:v10+s3+$0x0], $0xffff  }
0xe3: {  	v55 =	vor.u32 v23, v20;
	v18 =	vadd.s32 s12, v22;
	v15 =	vor.u32 v24, v12;
	v11 =	vld.idx.msk [tilespmem:v11+s3+$0x0], $0xffff  }
0xe4: {  	v16 =	vor.u32 v25, v12;
	v17 =	vor.u32 v26, v12;
	v18 =	vand.u32 $0x7F, v18;
	v3 =	vld.idx.msk [tilespmem:v3+s3+$0x0], $0xffff  }
0xe5: {  	v19 =	vor.u32 v27, v12;
	v62 =	vor.u32 v28, v12;
	v63 =	vor.u32 v21, v18;
	v5 =	vld.idx.msk [tilespmem:v5+s3+$0x0], $0xffff  }
0xe6: {  	v44 =	vor.u32 v23, v18;
	v45 =	vor.u32 v24, v18;
	v46 =	vor.u32 v25, v18;
	v13 =	vld.idx.msk [tilespmem:v13+s3+$0x0], $0xffff  }
0xe7: {  	v48 =	vor.u32 v27, v18;
	v23 =	vmul.f32 v31, v8;
	v24 =	vmul.f32 v32, v8;
	v14 =	vld.idx.msk [tilespmem:v14+s3+$0x0], $0xffff  }
0xe8: {  	v25 =	vor.u32 v27, v20;
	v27 =	vmul.f32 v34, v8;
	v15 =	vld.idx.msk [tilespmem:v15+s3+$0x0], $0xffff;
	v50 =	vmul.f32 v31, v4  }
0xe9: {  	v12 =	vor.u32 v37, v12;
	v16 =	vld.idx.msk [tilespmem:v16+s3+$0x0], $0xffff;
	v51 =	vmul.f32 v32, v4;
	v53 =	vmul.f32 v33, v4  }
0xea: {  	v47 =	vor.u32 v26, v18;
	v17 =	vld.idx.msk [tilespmem:v17+s3+$0x0], $0xffff;
	v54 =	vmul.f32 v34, v4;
	v56 =	vmul.f32 v35, v4  }
0xeb: {  	v49 =	vor.u32 v28, v18;
	v19 =	vld.idx.msk [tilespmem:v19+s3+$0x0], $0xffff;
	v57 =	vmul.f32 v36, v4;
	v59 =	vmul.f32 v38, v4  }
0xec: {  	v4 =	vmul.f32 v39, v4;
	v43 =	vld.idx.msk [tilespmem:v63+s3+$0x0], $0xffff;
	v63 =	vor.u32 v26, v20;
	v26 =	vmul.f32 v33, v8  }
0xed: {  	v18 =	vor.u32 v37, v18;
	v42 =	vld.idx.msk [tilespmem:v62+s3+$0x0], $0xffff;
	v61 =	vmul.f32 v31, v1;
	v62 =	vmul.f32 v32, v1  }
0xee: {  	v28 =	vor.u32 v28, v20;
	v12 =	vld.idx.msk [tilespmem:v12+s3+$0x0], $0xffff;
	v21 =	vmul.f32 v33, v1;
	v22 =	vmul.f32 v34, v1  }
0xef: {  	v44 =	vld.idx.msk [tilespmem:v44+s3+$0x0], $0xffff;
	v20 =	vor.u32 v37, v20;
	v32 =	vmul.f32 v32, v0;
	v34 =	vmul.f32 v34, v0  }
0xf0: {  	v45 =	vld.idx.msk [tilespmem:v45+s3+$0x0], $0xffff;
	v37 =	vmul.f32 v36, v0;
	v2 =	vadd.f32 v2, v23;
	v23 =	vmul.f32 v38, v8  }
0xf1: {  	v46 =	vld.idx.msk [tilespmem:v46+s3+$0x0], $0xffff;
	v6 =	vadd.f32 v6, v26;
	v7 =	vadd.f32 v7, v27;
	v8 =	vmul.f32 v39, v8  }
0xf2: {  	v47 =	vld.idx.msk [tilespmem:v47+s3+$0x0], $0xffff;
	v9 =	vadd.f32 v9, v29;
	v10 =	vadd.f32 v10, v30;
	v27 =	vmul.f32 v35, v1  }
0xf3: {  	v29 =	vld.idx.msk [tilespmem:v58+s3+$0x0], $0xffff;
	v30 =	vmul.f32 v38, v1;
	v3 =	vadd.f32 v3, v24;
	v11 =	vadd.f32 v11, v23  }
0xf4: {  	v58 =	vld.idx.msk [tilespmem:v60+s3+$0x0], $0xffff;
	v60 =	vmul.f32 v31, v0;
	v5 =	vadd.f32 v5, v8;
	v13 =	vadd.f32 v13, v50  }
0xf5: {  	v48 =	vld.idx.msk [tilespmem:v48+s3+$0x0], $0xffff;
	v35 =	vmul.f32 v35, v0;
	v14 =	vadd.f32 v14, v51;
	v15 =	vadd.f32 v15, v53  }
0xf6: {  	v25 =	vld.idx.msk [tilespmem:v25+s3+$0x0], $0xffff;
	v23 =	vmul.f32 v36, v1;
	v16 =	vadd.f32 v16, v54;
	v17 =	vadd.f32 v17, v56  }
0xf7: {  	v18 =	vld.idx.msk [tilespmem:v18+s3+$0x0], $0xffff;
	v1 =	vmul.f32 v39, v1;
	v19 =	vadd.f32 v19, v57;
	v42 =	vadd.f32 v42, v59  }
0xf8: {  	v4 =	vadd.f32 v12, v4;
	v12 =	vmul.f32 v33, v0;
	v43 =	vadd.f32 v43, v61  }
0xf9: {  	v7 =	vmax.f32 v7, $0.0e+00;
	v44 =	vadd.f32 v44, v62;
	v21 =	vadd.f32 v45, v21  }
0xfa: {  	v26 =	vld.idx.msk [tilespmem:v52+s3+$0x0], $0xffff;
	v9 =	vmax.f32 v9, $0.0e+00;
	v22 =	vadd.f32 v46, v22;
	v27 =	vadd.f32 v47, v27  }
0xfb: {  	v28 =	vld.idx.msk [tilespmem:v28+s3+$0x0], $0xffff;
	v10 =	vmax.f32 v10, $0.0e+00;
	v25 =	vadd.f32 v25, v37;
	v23 =	vadd.f32 v48, v23  }
0xfc: {  	v24 =	vld.idx.msk [tilespmem:v49+s3+$0x0], $0xffff;
	v18 =	vadd.f32 v18, v1;
	v1 =	vmul.f32 v38, v0;
	v0 =	vmul.f32 v39, v0  }
0xfd: {  	s10 =	sadd.s32 $0x200, s10;
	v20 =	vld.idx.msk [tilespmem:v20+s3+$0x0], $0xffff;
	v11 =	vmax.f32 v11, $0.0e+00;
	v5 =	vmax.f32 v5, $0.0e+00;
	v13 =	vmax.f32 v13, $0.0e+00  }
0xfe: {  	v45 =	vld [tilespmem:s10+$0xFFFFFF00];
	v14 =	vmax.f32 v14, $0.0e+00;
	v15 =	vmax.f32 v15, $0.0e+00;
	v16 =	vmax.f32 v16, $0.0e+00  }
0xff: {  	v8 =	vld.idx.msk [tilespmem:v55+s3+$0x0], $0xffff;
	v17 =	vmax.f32 v17, $0.0e+00;
	v55 =	vmax.f32 v42, $0.0e+00;
	v26 =	vadd.f32 v26, v60  }
0x100: {  	s11 =	sadd.s32 $0x200, s11;
	v63 =	vld.idx.msk [tilespmem:v63+s3+$0x0], $0xffff;
	v42 =	vmax.f32 v4, $0.0e+00;
	v12 =	vadd.f32 v29, v12;
	v29 =	vadd.f32 v58, v34  }
0x101: {  	v36 =	vmax.f32 v44, $0.0e+00;
	v44 =	vld [tilespmem:s11+$0x80];
	v62 =	vmax.f32 v27, $0.0e+00;
	v28 =	vadd.f32 v28, v1  }
0x102: {  	v1 =	vmax.f32 v2, $0.0e+00;
	v2 =	vmax.f32 v3, $0.0e+00;
	v20 =	vadd.f32 v20, v0;
	v0 =	vld [tilespmem:s11+$0xFFFFFF00]  }
0x103: {  	v3 =	vmax.f32 v6, $0.0e+00;
	v56 =	vmax.f32 v23, $0.0e+00;
	v31 =	vmul.f32 v1, v45  }
0x104: {  	v24 =	vadd.f32 v24, v30;
	v33 =	vmul.f32 v2, v45;
	v6 =	vmul.f32 v7, v45  }
0x105: {  	v30 =	vadd.f32 v63, v35;
	v58 =	vmul.f32 v9, v45;
	v60 =	vmul.f32 v10, v45  }
0x106: {  	v35 =	vmax.f32 v43, $0.0e+00;
	v43 =	vld [tilespmem:s10+$0x80];
	v50 =	vmul.f32 v5, v45;
	v23 =	vmul.f32 v13, v44  }
0x107: {  	v52 =	vld [tilespmem:s11+$0xFFFFFF80];
	v8 =	vadd.f32 v8, v32;
	v32 =	vmul.f32 v1, v0;
	v34 =	vmul.f32 v2, v0  }
0x108: {  	v51 =	vld [tilespmem:s10+$0xFFFFFF80];
	v27 =	vmax.f32 v12, $0.0e+00;
	v4 =	vmul.f32 v3, v0;
	v7 =	vmul.f32 v7, v0  }
0x109: {  	v63 =	vmax.f32 v22, $0.0e+00;
	v59 =	vmul.f32 v9, v0;
	v61 =	vmul.f32 v10, v0  }
0x10a: {  	v54 =	vmax.f32 v24, $0.0e+00;
	v49 =	vmul.f32 v11, v0;
	v48 =	vmul.f32 v5, v0  }
0x10b: {  	v22 =	vmul.f32 v13, v43;
	v5 =	vmax.f32 v26, $0.0e+00;
	v24 =	vmul.f32 v14, v43  }
0x10c: {  	v46 =	vld [tilespmem:s10+$0x0];
	v26 =	vmul.f32 v14, v44;
	v14 =	vmax.f32 v25, $0.0e+00;
	v0 =	vmax.f32 v28, $0.0e+00  }
0x10d: {  	v25 =	vmul.f32 v5, v51;
	v28 =	vmul.f32 v5, v52;
	v5 =	vmax.f32 v20, $0.0e+00;
	v20 =	vld [tilespmem:$0x1FDB0]  }
0x10e: {  	v12 =	vmul.f32 v16, v43;
	v13 =	vmul.f32 v16, v44;
	v16 =	vmax.f32 v29, $0.0e+00;
	v29 =	vld [tilespmem:$0x1FDC0]  }
0x10f: {  	v19 =	vmax.f32 v19, $0.0e+00;
	v39 =	vld [tilespmem:$0x1FDF0];
	v53 =	vmul.f32 v11, v45;
	v1 =	vmul.f32 v3, v45  }
0x110: {  	v47 =	vld [tilespmem:s11+$0x0];
	v45 =	vmax.f32 v18, $0.0e+00;
	v10 =	vmul.f32 v15, v43;
	v11 =	vmul.f32 v15, v44  }
0x111: {  	v18 =	vmax.f32 v8, $0.0e+00;
	v8 =	vmul.f32 v17, v43;
	v9 =	vmul.f32 v17, v44  }
0x112: {  	v15 =	vmax.f32 v30, $0.0e+00;
	v2 =	vmul.f32 v19, v43;
	v20 =	vadd.f32 v31, v20;
	v31 =	vld [tilespmem:$0x1FDD0]  }
0x113: {  	v3 =	vmul.f32 v19, v44;
	v17 =	vmul.f32 v35, v46;
	v29 =	vadd.f32 v32, v29  }
0x114: {  	v30 =	vmul.f32 v18, v51;
	v18 =	vmul.f32 v18, v52;
	v32 =	vadd.f32 v34, v39  }
0x115: {  	v19 =	vmul.f32 v35, v47;
	v35 =	vld [tilespmem:$0x1FDA0];
	v20 =	vadd.f32 v25, v20;
	v25 =	vadd.f32 v28, v29  }
0x116: {  	v34 =	vld [tilespmem:$0x1FE00];
	v18 =	vadd.f32 v18, v32  }
0x117: {  	v32 =	vld [tilespmem:$0x1FE20];
	v25 =	vadd.f32 v19, v25;
	v31 =	vadd.f32 v33, v31  }
0x118: {  	v28 =	vmul.f32 v36, v46;
	v33 =	vld [tilespmem:$0x1FDE0]  }
0x119: {  	p1 =	slt.u32 s22, $0x7C;
	v23 =	vadd.f32 v23, v25;
	v25 =	vld [tilespmem:$0x1FE50];
	v29 =	vadd.f32 v30, v31;
	v30 =	vmul.f32 v36, v47  }
.Ltmp1:
0x11a: {  	v21 =	vmax.f32 v21, $0.0e+00;
	v57 =	vmul.f32 v55, v43;
	v20 =	vadd.f32 v17, v20;
	v31 =	vld [tilespmem:$0x1FE10];
	(pc) =	sbr.rel @p1 .LBB2_5-.Ltmp1, $4  }
0x11b: {  	v17 =	vmul.f32 v21, v46;
	v28 =	vadd.f32 v28, v29;
	v29 =	vadd.f32 v30, v18;
	v30 =	vld [tilespmem:$0x1FE30]  }
0x11c: {  	v19 =	vmul.f32 v27, v51;
	v18 =	vmul.f32 v21, v47;
	v21 =	vld [tilespmem:$0x1FE40]  }
0x11d: {  	v36 =	vadd.f32 v22, v20;
	v20 =	vmul.f32 v27, v52;
	v27 =	vadd.f32 v24, v28;
	v28 =	vld [tilespmem:$0x1FE60]  }
0x11e: {  	s22 =	sadd.s32 $0x4, s22;
	v55 =	vmul.f32 v55, v44;
	v22 =	vlaneseq.u32;
	v24 =	vadd.f32 v26, v29;
	v29 =	vld [tilespmem:$0x1FE70]  }
0x11f: {  	v4 =	vadd.f32 v4, v41  }
0x120: {  	v6 =	vadd.f32 v6, v35;
	v7 =	vadd.f32 v7, v40;
	v26 =	vmul.f32 v16, v52  }
0x121: {  	v35 =	vmul.f32 v63, v46;
	v37 =	vmul.f32 v63, v47;
	v58 =	vadd.f32 v58, v33  }
0x122: {  	v38 =	vmul.f32 v62, v46;
	v59 =	vadd.f32 v59, v34;
	v63 =	vadd.f32 v60, v31  }
0x123: {  	v39 =	vmul.f32 v62, v47;
	v1 =	vadd.f32 v1, v21;
	v4 =	vadd.f32 v20, v4  }
0x124: {  	v21 =	vmul.f32 v16, v51;
	v7 =	vadd.f32 v26, v7;
	v26 =	vadd.f32 v61, v32  }
0x125: {  	v31 =	vmul.f32 v14, v52;
	v50 =	vadd.f32 v50, v28;
	v1 =	vadd.f32 v19, v1  }
0x126: {  	v40 =	vmul.f32 v15, v51;
	v6 =	vadd.f32 v21, v6;
	v4 =	vadd.f32 v18, v4  }
0x127: {  	v62 =	vmul.f32 v14, v51;
	v7 =	vadd.f32 v37, v7;
	v14 =	vadd.f32 v31, v26  }
0x128: {  	v41 =	vmul.f32 v15, v52;
	v1 =	vadd.f32 v17, v1;
	v6 =	vadd.f32 v35, v6  }
0x129: {  	v33 =	vmul.f32 v56, v47;
	v4 =	vadd.f32 v11, v4;
	v7 =	vadd.f32 v13, v7  }
0x12a: {  	s7 =	sand.u32 $0x80, s7;
	v34 =	vmul.f32 v54, v46;
	v11 =	vadd.f32 v40, v58;
	v13 =	vadd.f32 v62, v63  }
0x12b: {  	[tilespmem:s7+$0xF000] =	vst v36;
	v32 =	vmul.f32 v56, v46;
	v35 =	vadd.f32 v33, v14;
	v1 =	vadd.f32 v10, v1  }
0x12c: {  	[tilespmem:s7+$0xF100] =	vst v23;
	v36 =	vmul.f32 v54, v47;
	v6 =	vadd.f32 v12, v6;
	v10 =	vadd.f32 v41, v59  }
0x12d: {  	[tilespmem:s7+$0xF010] =	vst v27;
	v54 =	vmul.f32 v45, v46;
	v11 =	vadd.f32 v38, v11;
	v12 =	vadd.f32 v32, v13  }
0x12e: {  	[tilespmem:s7+$0xF110] =	vst v24;
	v37 =	vmul.f32 v0, v51;
	v38 =	vadd.f32 v53, v30;
	v40 =	vadd.f32 v3, v35  }
0x12f: {  	v41 =	vadd.f32 v49, v29;
	[tilespmem:s7+$0xF120] =	vst v4;
	v49 =	vmul.f32 v5, v51;
	v51 =	vadd.f32 v48, v25  }
0x130: {  	v53 =	vmul.f32 v5, v52;
	[tilespmem:s7+$0xF130] =	vst v7;
	v10 =	vadd.f32 v39, v10;
	v8 =	vadd.f32 v8, v11  }
0x131: {  	v58 =	vmul.f32 v45, v47;
	v2 =	vadd.f32 v2, v12;
	[tilespmem:s7+$0xF020] =	vst v1;
	v4 =	vadd.f32 v49, v50  }
0x132: {  	v39 =	vmul.f32 v0, v52;
	[tilespmem:s7+$0xF030] =	vst v6;
	v5 =	vadd.f32 v53, v51;
	v9 =	vadd.f32 v9, v10  }
0x133: {  	v59 =	vmul.f32 v42, v43;
	[tilespmem:s7+$0xF150] =	vst v40;
	v10 =	vadd.f32 v37, v38;
	v3 =	vadd.f32 v54, v4  }
0x134: {  	v62 =	vmul.f32 v42, v44;
	v0 =	vadd.f32 v39, v41;
	[tilespmem:s7+$0xF040] =	vst v8;
	v61 =	vadd.f32 v58, v5  }
0x135: {  	[tilespmem:s7+$0xF050] =	vst v2;
	v56 =	vadd.f32 v34, v10;
	v63 =	vadd.f32 v59, v3  }
0x136: {  	v0 =	vadd.f32 v36, v0;
	[tilespmem:s7+$0xF140] =	vst v9;
	v2 =	vadd.f32 v62, v61  }
0x137: {  	s0 =	sadd.s32 $0x1, s0;
	v60 =	vadd.f32 v57, v56;
	[tilespmem:s7+$0xF070] =	vst v63  }
0x138: {  	p1 =	sne.s32 s0, s20;
	v0 =	vadd.f32 v55, v0;
	[tilespmem:s7+$0xF170] =	vst v2  }
.Ltmp2:
0x139: {  	[tilespmem:s7+$0xF060] =	vst v60;
	(pc) =	sbr.rel @p1 .LBB2_4-.Ltmp2, $4  }
0x13a: {  	s10 =	sor.u32 $0xD000, s24;
	s9 =	sor.u32 $0xF000, s7;
	[tilespmem:s7+$0xF160] =	vst v0  }
0x13b: {  	[spmem:s1] =	stream.indirect.scatter.add.f32 [tilespmem:s9], [sflag:$0x2], $0x1, s10, s31, $0xb8;
	[tilespmem:$0x1D700] =	vst v63  }
0x13c: {  	s7 =	sor.u32 $0xF100, s7  }
0x13d: {  	[spmem:s2] =	stream.indirect.scatter.add.f32 [tilespmem:s7], [sflag:$0x2], $0x1, s10, s31, $0xb8;
	[tilespmem:$0x1D700] =	vst v63  }
0x13e: {  	_ =	swait.ge [sflag:s26], $0x80  }
0x13f: {  	[sflag:s26] =	ssyncset.done $0x0  }
0x140: {  	[sflag:s26] =	ssyncadd.s32 $0xFFFFFF80  }
0x141: {  	_ =	swait.ge [sflag:s26], $0x80  }
0x142: {  	[sflag:s26] =	ssyncset.done $0x0  }
0x143: {  	[sflag:s26] =	ssyncadd.s32 $0xFFFFFF80  }
0x144: {  	_ =	swait.ge [sflag:s26], $0x80  }
0x145: {  	[sflag:s26] =	ssyncset.done $0x0  }
0x146: {  	[sflag:s26] =	ssyncadd.s32 $0xFFFFFF80  }
0x147: {  	_ =	swait.ge [sflag:s26], $0x80  }
0x148: {  	s0 =	sshrl.u32 @!p0 s1, $0x3;
	[sflag:s26] =	ssyncset.done $0x0  }
0x149: {  	s7 =	simm.s32 @!p0 $0x1;
	s9 =	simm.s32 @!p0 $0x20;
	[sflag:s26] =	ssyncadd.s32 $0xFFFFFF80  }
0x14a: {  	s10 =	simm.s32 @!p0 $0x10;
	s11 =	simm.s32 @!p0 $0x1C03;
	[bflag:$0x0] =	sbarrier.arrive $0xFFFF  }
0x14b: {  	[hbm:s18@s9], [sflag:s11] =	dma.strided @!p0 [spmem:s0@s10], $0x1880, s7, $0x10   }
0x14c: {  	s0 =	simm.s32 @!p0 $0x3  }
0x14d: {  	s29 =	sadd.s32 $0x1, s29;
	_ =	swait.ge @!p0 [sflag:s0], $0x1880  }
0x14e: {  	p1 =	sne.s32 s29, s21;
	[sflag:s0] =	ssyncset.done @!p0 $0x0  }
.Ltmp3:
0x14f: {  	s12 =	sshrl.u32 @!p0 s2, $0x3;
	[sflag:s0] =	ssyncadd.s32 @!p0 $0xFFFFE780;
	(pc) =	sbr.rel @p1 .LBB2_1-.Ltmp3, $4  }
0x150: {  	[hbm:s19@s9], [sflag:s11] =	dma.strided @!p0 [spmem:s12@s10], $0x1880, s7, $0x10   }
0x151: {  	_ =	swait.ge @!p0 [sflag:s0], $0x1880  }
0x152: {  	[sflag:s0] =	ssyncset.done @!p0 $0x0  }
0x153: {  	v1 =	vimm.f32 $0.0e+00;
	[sflag:s0] =	ssyncadd.s32 @!p0 $0xFFFFE780  }
0x154: {  	_ =	sfence.sel $0x180000  }
0x155: {  	[bflag:$0x0] =	sbarrier.arrive $0xFFFF  }
0x156: {  	_ =	strace $0x9000004A  }
0x157: {  	[bflag:$0x2] =	sbarrier.arrive $0xFFFF  }
0x158: {  	s0 =	rddreg [dreg:$0x4]  }
0x159: {  	s0 =	sadd.s32 @!p0 $0x100000, s0  }
0x15a: {  	[sflag:s0] =	ssyncadd.tile.s32 @!p0 $0x1;
	_ =	shalt  }
.Lfunc_end2:
_tile_overlayer_lowered:
.L_overlay_start_2:
0x15b: {  	(tag) =	ssettag $0x2  }
0x15c: {  	s0 =	rddreg [dreg:$0x0];
	s2 =	stileid.u32  }
0x15d: {  	s1 =	rddreg [dreg:$0x1];
	p0 =	sne.s32 s2, $0x0  }
0x15e: {  	s3 =	rddreg [dreg:$0x2];
	[bflag:$0x3] =	sbarrier.arrive $0xFFFF;
	s2 =	simm.s32 @!p0 $0x1C03  }
0x15f: {  	[timem:s3], [sflag:s2] =	dma.local @!p0 [hbm:s0], s1  }
0x160: {  	s0 =	simm.s32 @!p0 $0x3  }
0x161: {  	_ =	swait.ge @!p0 [sflag:s0], s1  }
0x162: {  	s1 =	ssub.s32 @!p0 $0x0, s1;
	[sflag:s0] =	ssyncset.done @!p0 $0x0  }
0x163: {  	[sflag:s0] =	ssyncadd.s32 @!p0 s1  }
0x164: {  	[bflag:$0x3] =	sbarrier.arrive $0xFFFF  }
0x165: {  	_ =	shalt  }

</sc_bundles>
